<compile_context>
chip_gen: v7x
topology: tpu7x:2x2x1
jax: 0.10.2.dev20260603
libtpu: 0.0.44.dev20260713+nightly
codegen_flags: <defaults>
</compile_context>

<pallas_src>
import jax
import jax.numpy as jnp
from jax import lax
from jax.experimental import pallas as pl
from jax.experimental.pallas import tpu as pltpu
from jax.experimental.pallas import tpu_sc as plsc

NC = 2
NS = 16
NW = NC * NS

R = 32


def _make_sc_body(B, P, D):
    n_chunks = P // R
    imgs_per_w = B // NW
    n_steps = n_chunks * imgs_per_w

    def body(x_hbm, t_hbm, o_hbm,
             buf0, buf1, tb0, tb1,
             st0, st1, si0, si1, so0, so1):
        bufs = (buf0, buf1)
        tbufs = (tb0, tb1)
        sts = (st0, st1)
        sin = (si0, si1)
        sout = (so0, so1)
        wid = lax.axis_index("s") * NC + lax.axis_index("c")

        def issue_t(ci, ts):
            pltpu.async_copy(t_hbm.at[pl.ds(ci * R, R)], tbufs[ts], sts[ts])

        def wait_t(ts):
            pltpu.make_async_copy(t_hbm.at[pl.ds(0, R)], tbufs[ts],
                                  sts[ts]).wait()

        def issue_in(b, ci, slot):
            pltpu.async_copy(x_hbm.at[b, pl.ds(ci * R, R)], bufs[slot],
                             sin[slot])

        def wait_in(slot):
            pltpu.make_async_copy(x_hbm.at[0, pl.ds(0, R)], bufs[slot],
                                  sin[slot]).wait()

        def issue_out(b, ci, slot):
            pltpu.async_copy(bufs[slot], o_hbm.at[b, pl.ds(ci * R, R)],
                             sout[slot])

        def wait_out(slot):
            pltpu.make_async_copy(bufs[slot], o_hbm.at[0, pl.ds(0, R)],
                                  sout[slot]).wait()

        issue_t(0, 0)
        issue_in(wid * imgs_per_w, 0, 0)

        def macro(m, carry):
            for u in range(4):
                s = m * 4 + u
                ci = 2 * m + (u // 2)
                slot = u % 2
                ts = u // 2
                b = wid * imgs_per_w + (u % 2)

                if u == 0:
                    issue_t(2 * m + 1, 1)
                    wait_t(0)
                if u == 2:
                    @pl.when(m < n_chunks // 2 - 1)
                    def _():
                        issue_t(2 * m + 2, 0)

                    wait_t(1)

                wait_in(slot)
                buf = bufs[slot]
                tbuf = tbufs[ts]

                def row(r, carry2):
                    for c in range(D // 16):
                        sl = pl.ds(c * 16, 16)
                        buf[r, sl] = buf[r, sl] + tbuf[r, sl]
                    return carry2

                lax.fori_loop(0, R, row, 0)
                issue_out(b, ci, slot)

                @pl.when(s + 1 < n_steps)
                def _():
                    @pl.when(s >= 1)
                    def _():
                        wait_out(1 - slot)

                    s1 = s + 1
                    ci1 = s1 // 2
                    b1 = wid * imgs_per_w + (s1 % 2)
                    issue_in(b1, ci1, 1 - slot)
            return carry

        lax.fori_loop(0, n_steps // 4, macro, 0)
        wait_out(0)
        wait_out(1)

    return body


def _sc_add(encoded_patches, position_embedding_table):
    B, P, D = encoded_patches.shape
    body = _make_sc_body(B, P, D)
    mesh = plsc.VectorSubcoreMesh(core_axis_name="c", subcore_axis_name="s")
    k = pl.kernel(
        body,
        out_type=jax.ShapeDtypeStruct((B, P, D), jnp.float32),
        mesh=mesh,
        scratch_types=(
            [pltpu.VMEM((R, D), jnp.float32) for _ in range(4)]
            + [pltpu.SemaphoreType.DMA] * 6
        ),
    )
    return k(encoded_patches, position_embedding_table)


def kernel(encoded_patches, position_embedding_table):
    return _sc_add(encoded_patches, position_embedding_table)

# --- scband reference (transcript-rebuilt; emitter-appended) ---
"""Pipeline reference for scband-patch-encoder-60833916781178 (READ-ONLY COPY).

The authoritative reference and input builder live on the scoring server;
editing this copy changes nothing except your own understanding.
"""

import jax, jax.numpy as jnp
import numpy as np

NUM_PATCHES = 576
PROJECTION_DIM = 768
BATCH = 64

def setup_inputs(seed: int = 0) -> dict:
    key = jax.random.key(seed)
    k1, k2 = jax.random.split(key)
    encoded_patches = jax.random.normal(k1, (BATCH, NUM_PATCHES, PROJECTION_DIM), dtype=jnp.float32)
    # learned position embedding table, sized per init_kwargs
    position_embedding_table = jax.random.normal(k2, (NUM_PATCHES, PROJECTION_DIM), dtype=jnp.float32) * 0.02
    return {"encoded_patches": encoded_patches, "position_embedding_table": position_embedding_table}

def reference(encoded_patches, position_embedding_table):
    positions = jnp.arange(NUM_PATCHES, dtype=jnp.int32)
    # embedding lookup: gather rows of the table by position index
    encoded_positions = jnp.take(position_embedding_table, positions, axis=0)
    # broadcast-add position embeddings over the batch dimension
    return encoded_patches + encoded_positions

if __name__ == "__main__":
    import jax
    _d = setup_inputs()
    print(jax.jit(kernel)(*tuple(_d.values())))

</pallas_src>

<mosaic_0001>
#map = affine_map<(d0, d1) -> (0, 0, 0)>
#map1 = affine_map<(d0, d1) -> (0, 0)>
module attributes {stable_mosaic.version = 14 : i64} {
  func.func @body(%arg0: i32, %arg1: i32, %arg2: memref<64x576x768xf32, #tpu.memory_space<hbm>>, %arg3: memref<576x768xf32, #tpu.memory_space<hbm>>, %arg4: memref<64x576x768xf32, #tpu.memory_space<hbm>>, %arg5: memref<32x768xf32, #tpu.memory_space<vmem>>, %arg6: memref<32x768xf32, #tpu.memory_space<vmem>>, %arg7: memref<32x768xf32, #tpu.memory_space<vmem>>, %arg8: memref<32x768xf32, #tpu.memory_space<vmem>>, %arg9: memref<!tpu.dma_semaphore, #tpu.memory_space<semaphore_mem>>, %arg10: memref<!tpu.dma_semaphore, #tpu.memory_space<semaphore_mem>>, %arg11: memref<!tpu.dma_semaphore, #tpu.memory_space<semaphore_mem>>, %arg12: memref<!tpu.dma_semaphore, #tpu.memory_space<semaphore_mem>>, %arg13: memref<!tpu.dma_semaphore, #tpu.memory_space<semaphore_mem>>, %arg14: memref<!tpu.dma_semaphore, #tpu.memory_space<semaphore_mem>>) attributes {dimension_semantics = [#tpu.dimension_semantics<core_parallel>, #tpu.dimension_semantics<subcore_parallel>], iteration_bounds = array<i64: 2, 16>, scalar_prefetch = 0 : i64, scratch_operands = 10 : i64, tpu.core_type = #tpu.core_type<sc_vector_subcore>, window_params = [{transform_indices = #map}, {transform_indices = #map1}, {transform_indices = #map}]} {
    %mul3A = arith.constant 2 : i32
    %mul3A_0 = arith.muli %arg1, %mul3A : i32
    %add3A = arith.addi %mul3A_0, %arg0 : i32
    %dma_start3A = arith.constant 0 : i32
    %dma_start3A_1 = arith.constant 0 : i32
    %dma_start3A_2 = tpu.memref_slice %arg3[%dma_start3A, %dma_start3A_1] : memref<576x768xf32, #tpu.memory_space<hbm>> -> memref<32x768xf32, #tpu.memory_space<hbm>>
    %dma_start3A_3 = arith.constant 0 : i32
    %dma_start3A_4 = arith.constant 0 : i32
    %dma_start3A_5 = tpu.memref_slice %arg3[%dma_start3A_3, %dma_start3A_4] : memref<576x768xf32, #tpu.memory_space<hbm>> -> memref<32x768xf32, #tpu.memory_space<hbm>>
    tpu.enqueue_dma source(%dma_start3A_5 : memref<32x768xf32, #tpu.memory_space<hbm>>) target(%arg7 : memref<32x768xf32, #tpu.memory_space<vmem>>) target_semaphore(%arg9 : memref<!tpu.dma_semaphore, #tpu.memory_space<semaphore_mem>>)
    %mul3A_6 = arith.constant 2 : i32
    %mul3A_7 = arith.muli %add3A, %mul3A_6 : i32
    %dma_start3A_8 = arith.constant 0 : i32
    %dma_start3A_9 = arith.constant 0 : i32
    %dma_start3A_10 = tpu.memref_slice %arg2[%mul3A_7, %dma_start3A_8, %dma_start3A_9] : memref<64x576x768xf32, #tpu.memory_space<hbm>> -> memref<1x32x768xf32, #tpu.memory_space<hbm>>
    %dma_start3A_11 = tpu.memref_squeeze %dma_start3A_10 : memref<1x32x768xf32, #tpu.memory_space<hbm>> -> memref<32x768xf32, #tpu.memory_space<hbm>>
    %dma_start3A_12 = arith.constant 0 : i32
    %dma_start3A_13 = arith.constant 0 : i32
    %dma_start3A_14 = tpu.memref_slice %arg2[%mul3A_7, %dma_start3A_12, %dma_start3A_13] : memref<64x576x768xf32, #tpu.memory_space<hbm>> -> memref<1x32x768xf32, #tpu.memory_space<hbm>>
    %dma_start3A_15 = tpu.memref_squeeze %dma_start3A_14 : memref<1x32x768xf32, #tpu.memory_space<hbm>> -> memref<32x768xf32, #tpu.memory_space<hbm>>
    tpu.enqueue_dma source(%dma_start3A_15 : memref<32x768xf32, #tpu.memory_space<hbm>>) target(%arg5 : memref<32x768xf32, #tpu.memory_space<vmem>>) target_semaphore(%arg11 : memref<!tpu.dma_semaphore, #tpu.memory_space<semaphore_mem>>)
    %scan3A = arith.constant 0 : i32
    %scan3A_16 = arith.constant 0 : i32
    %scan3A_17 = arith.constant 9 : i32
    %scan3A_18 = arith.addi %scan3A_16, %scan3A_17 : i32
    %scan3A_19 = arith.constant 1 : i32
    scf.for %scan3A_38 = %scan3A_16 to %scan3A_18 step %scan3A_19  : i32 {
      %mul3A_39 = arith.constant 4 : i32
      %mul3A_40 = arith.muli %scan3A_38, %mul3A_39 : i32
      %add3A_41 = arith.constant 0 : i32
      %add3A_42 = arith.addi %mul3A_40, %add3A_41 : i32
      %mul3A_43 = arith.constant 2 : i32
      %mul3A_44 = arith.muli %mul3A_43, %scan3A_38 : i32
      %add3A_45 = arith.constant 0 : i32
      %add3A_46 = arith.addi %mul3A_44, %add3A_45 : i32
      %mul3A_47 = arith.constant 2 : i32
      %mul3A_48 = arith.muli %add3A, %mul3A_47 : i32
      %add3A_49 = arith.constant 0 : i32
      %add3A_50 = arith.addi %mul3A_48, %add3A_49 : i32
      %mul3A_51 = arith.constant 2 : i32
      %mul3A_52 = arith.muli %mul3A_51, %scan3A_38 : i32
      %add3A_53 = arith.constant 1 : i32
      %add3A_54 = arith.addi %mul3A_52, %add3A_53 : i32
      %mul3A_55 = arith.constant 32 : i32
      %mul3A_56 = arith.muli %add3A_54, %mul3A_55 : i32
      %dma_start3A_57 = arith.constant 0 : i32
      %dma_start3A_58 = tpu.memref_slice %arg3[%mul3A_56, %dma_start3A_57] : memref<576x768xf32, #tpu.memory_space<hbm>> -> memref<32x768xf32, #tpu.memory_space<hbm>>
      %dma_start3A_59 = arith.constant 0 : i32
      %dma_start3A_60 = tpu.memref_slice %arg3[%mul3A_56, %dma_start3A_59] : memref<576x768xf32, #tpu.memory_space<hbm>> -> memref<32x768xf32, #tpu.memory_space<hbm>>
      tpu.enqueue_dma source(%dma_start3A_60 : memref<32x768xf32, #tpu.memory_space<hbm>>) target(%arg8 : memref<32x768xf32, #tpu.memory_space<vmem>>) target_semaphore(%arg10 : memref<!tpu.dma_semaphore, #tpu.memory_space<semaphore_mem>>)
      %dma_wait3A_61 = arith.constant 0 : i32
      %dma_wait3A_62 = arith.constant 0 : i32
      %dma_wait3A_63 = tpu.memref_slice %arg3[%dma_wait3A_61, %dma_wait3A_62] : memref<576x768xf32, #tpu.memory_space<hbm>> -> memref<32x768xf32, #tpu.memory_space<hbm>>
      %dma_wait3A_64 = arith.constant 0 : i32
      %dma_wait3A_65 = arith.constant 0 : i32
      %dma_wait3A_66 = tpu.memref_slice %arg3[%dma_wait3A_64, %dma_wait3A_65] : memref<576x768xf32, #tpu.memory_space<hbm>> -> memref<32x768xf32, #tpu.memory_space<hbm>>
      tpu.wait_dma2 semaphore(%arg9 : memref<!tpu.dma_semaphore, #tpu.memory_space<semaphore_mem>>) src(%dma_wait3A_66 : memref<32x768xf32, #tpu.memory_space<hbm>>) dst(%arg7 : memref<32x768xf32, #tpu.memory_space<vmem>>)
      %dma_wait3A_67 = arith.constant 0 : i32
      %dma_wait3A_68 = arith.constant 0 : i32
      %dma_wait3A_69 = arith.constant 0 : i32
      %dma_wait3A_70 = tpu.memref_slice %arg2[%dma_wait3A_67, %dma_wait3A_68, %dma_wait3A_69] : memref<64x576x768xf32, #tpu.memory_space<hbm>> -> memref<1x32x768xf32, #tpu.memory_space<hbm>>
      %dma_wait3A_71 = tpu.memref_squeeze %dma_wait3A_70 : memref<1x32x768xf32, #tpu.memory_space<hbm>> -> memref<32x768xf32, #tpu.memory_space<hbm>>
      %dma_wait3A_72 = arith.constant 0 : i32
      %dma_wait3A_73 = arith.constant 0 : i32
      %dma_wait3A_74 = tpu.memref_slice %arg2[%dma_wait3A_67, %dma_wait3A_72, %dma_wait3A_73] : memref<64x576x768xf32, #tpu.memory_space<hbm>> -> memref<1x32x768xf32, #tpu.memory_space<hbm>>
      %dma_wait3A_75 = tpu.memref_squeeze %dma_wait3A_74 : memref<1x32x768xf32, #tpu.memory_space<hbm>> -> memref<32x768xf32, #tpu.memory_space<hbm>>
      tpu.wait_dma2 semaphore(%arg11 : memref<!tpu.dma_semaphore, #tpu.memory_space<semaphore_mem>>) src(%dma_wait3A_75 : memref<32x768xf32, #tpu.memory_space<hbm>>) dst(%arg5 : memref<32x768xf32, #tpu.memory_space<vmem>>)
      %scan3A_76 = arith.constant 0 : i32
      %scan3A_77 = arith.constant 0 : i32
      %scan3A_78 = arith.constant 32 : i32
      %scan3A_79 = arith.addi %scan3A_77, %scan3A_78 : i32
      %scan3A_80 = arith.constant 1 : i32
      scf.for %scan3A_231 = %scan3A_77 to %scan3A_79 step %scan3A_80  : i32 {
        %get3A = arith.index_cast %scan3A_231 : i32 to index
        %get3A_232 = arith.constant 0 : index
        %get3A_233 = tpu.vector_load %arg5[%get3A, %get3A_232] {strides = array<i32>} : memref<32x768xf32, #tpu.memory_space<vmem>>, vector<1x16xf32>,
        %get3A_234 = vector.shape_cast %get3A_233 : vector<1x16xf32> to vector<16xf32>
        %get3A_235 = arith.index_cast %scan3A_231 : i32 to index
        %get3A_236 = arith.constant 0 : index
        %get3A_237 = tpu.vector_load %arg7[%get3A_235, %get3A_236] {strides = array<i32>} : memref<32x768xf32, #tpu.memory_space<vmem>>, vector<1x16xf32>,
        %get3A_238 = vector.shape_cast %get3A_237 : vector<1x16xf32> to vector<16xf32>
        %add3A_239 = arith.addf %get3A_234, %get3A_238 : vector<16xf32>
        %swap3A = arith.index_cast %scan3A_231 : i32 to index
        %swap3A_240 = arith.constant 0 : index
        %swap3A_241 = tpu.vector_load %arg5[%swap3A, %swap3A_240] {strides = array<i32>} : memref<32x768xf32, #tpu.memory_space<vmem>>, vector<1x16xf32>,
        %swap3A_242 = vector.shape_cast %swap3A_241 : vector<1x16xf32> to vector<16xf32>
        %swap3A_243 = vector.shape_cast %add3A_239 : vector<16xf32> to vector<1x16xf32>
        tpu.vector_store %arg5[%swap3A, %swap3A_240], %swap3A_243 {strides = array<i32>} : memref<32x768xf32, #tpu.memory_space<vmem>>, vector<1x16xf32>,
        %get3A_244 = arith.index_cast %scan3A_231 : i32 to index
        %get3A_245 = arith.constant 16 : index
        %get3A_246 = tpu.vector_load %arg5[%get3A_244, %get3A_245] {strides = array<i32>} : memref<32x768xf32, #tpu.memory_space<vmem>>, vector<1x16xf32>,
        %get3A_247 = vector.shape_cast %get3A_246 : vector<1x16xf32> to vector<16xf32>
        %get3A_248 = arith.index_cast %scan3A_231 : i32 to index
        %get3A_249 = arith.constant 16 : index
        %get3A_250 = tpu.vector_load %arg7[%get3A_248, %get3A_249] {strides = array<i32>} : memref<32x768xf32, #tpu.memory_space<vmem>>, vector<1x16xf32>,
        %get3A_251 = vector.shape_cast %get3A_250 : vector<1x16xf32> to vector<16xf32>
        %add3A_252 = arith.addf %get3A_247, %get3A_251 : vector<16xf32>
        %swap3A_253 = arith.index_cast %scan3A_231 : i32 to index
        %swap3A_254 = arith.constant 16 : index
        %swap3A_255 = tpu.vector_load %arg5[%swap3A_253, %swap3A_254] {strides = array<i32>} : memref<32x768xf32, #tpu.memory_space<vmem>>, vector<1x16xf32>,
        %swap3A_256 = vector.shape_cast %swap3A_255 : vector<1x16xf32> to vector<16xf32>
        %swap3A_257 = vector.shape_cast %add3A_252 : vector<16xf32> to vector<1x16xf32>
        tpu.vector_store %arg5[%swap3A_253, %swap3A_254], %swap3A_257 {strides = array<i32>} : memref<32x768xf32, #tpu.memory_space<vmem>>, vector<1x16xf32>,
        %get3A_258 = arith.index_cast %scan3A_231 : i32 to index
        %get3A_259 = arith.constant 32 : index
        %get3A_260 = tpu.vector_load %arg5[%get3A_258, %get3A_259] {strides = array<i32>} : memref<32x768xf32, #tpu.memory_space<vmem>>, vector<1x16xf32>,
        %get3A_261 = vector.shape_cast %get3A_260 : vector<1x16xf32> to vector<16xf32>
        %get3A_262 = arith.index_cast %scan3A_231 : i32 to index
        %get3A_263 = arith.constant 32 : index
        %get3A_264 = tpu.vector_load %arg7[%get3A_262, %get3A_263] {strides = array<i32>} : memref<32x768xf32, #tpu.memory_space<vmem>>, vector<1x16xf32>,
        %get3A_265 = vector.shape_cast %get3A_264 : vector<1x16xf32> to vector<16xf32>
        %add3A_266 = arith.addf %get3A_261, %get3A_265 : vector<16xf32>
        %swap3A_267 = arith.index_cast %scan3A_231 : i32 to index
        %swap3A_268 = arith.constant 32 : index
        %swap3A_269 = tpu.vector_load %arg5[%swap3A_267, %swap3A_268] {strides = array<i32>} : memref<32x768xf32, #tpu.memory_space<vmem>>, vector<1x16xf32>,
        %swap3A_270 = vector.shape_cast %swap3A_269 : vector<1x16xf32> to vector<16xf32>
        %swap3A_271 = vector.shape_cast %add3A_266 : vector<16xf32> to vector<1x16xf32>
        tpu.vector_store %arg5[%swap3A_267, %swap3A_268], %swap3A_271 {strides = array<i32>} : memref<32x768xf32, #tpu.memory_space<vmem>>, vector<1x16xf32>,
        %get3A_272 = arith.index_cast %scan3A_231 : i32 to index
        %get3A_273 = arith.constant 48 : index
        %get3A_274 = tpu.vector_load %arg5[%get3A_272, %get3A_273] {strides = array<i32>} : memref<32x768xf32, #tpu.memory_space<vmem>>, vector<1x16xf32>,
        %get3A_275 = vector.shape_cast %get3A_274 : vector<1x16xf32> to vector<16xf32>
        %get3A_276 = arith.index_cast %scan3A_231 : i32 to index
        %get3A_277 = arith.constant 48 : index
        %get3A_278 = tpu.vector_load %arg7[%get3A_276, %get3A_277] {strides = array<i32>} : memref<32x768xf32, #tpu.memory_space<vmem>>, vector<1x16xf32>,
        %get3A_279 = vector.shape_cast %get3A_278 : vector<1x16xf32> to vector<16xf32>
        %add3A_280 = arith.addf %get3A_275, %get3A_279 : vector<16xf32>
        %swap3A_281 = arith.index_cast %scan3A_231 : i32 to index
        %swap3A_282 = arith.constant 48 : index
        %swap3A_283 = tpu.vector_load %arg5[%swap3A_281, %swap3A_282] {strides = array<i32>} : memref<32x768xf32, #tpu.memory_space<vmem>>, vector<1x16xf32>,
        %swap3A_284 = vector.shape_cast %swap3A_283 : vector<1x16xf32> to vector<16xf32>
        %swap3A_285 = vector.shape_cast %add3A_280 : vector<16xf32> to vector<1x16xf32>
        tpu.vector_store %arg5[%swap3A_281, %swap3A_282], %swap3A_285 {strides = array<i32>} : memref<32x768xf32, #tpu.memory_space<vmem>>, vector<1x16xf32>,
        %get3A_286 = arith.index_cast %scan3A_231 : i32 to index
        %get3A_287 = arith.constant 64 : index
        %get3A_288 = tpu.vector_load %arg5[%get3A_286, %get3A_287] {strides = array<i32>} : memref<32x768xf32, #tpu.memory_space<vmem>>, vector<1x16xf32>,
        %get3A_289 = vector.shape_cast %get3A_288 : vector<1x16xf32> to vector<16xf32>
        %get3A_290 = arith.index_cast %scan3A_231 : i32 to index
        %get3A_291 = arith.constant 64 : index
        %get3A_292 = tpu.vector_load %arg7[%get3A_290, %get3A_291] {strides = array<i32>} : memref<32x768xf32, #tpu.memory_space<vmem>>, vector<1x16xf32>,
        %get3A_293 = vector.shape_cast %get3A_292 : vector<1x16xf32> to vector<16xf32>
        %add3A_294 = arith.addf %get3A_289, %get3A_293 : vector<16xf32>
        %swap3A_295 = arith.index_cast %scan3A_231 : i32 to index
        %swap3A_296 = arith.constant 64 : index
        %swap3A_297 = tpu.vector_load %arg5[%swap3A_295, %swap3A_296] {strides = array<i32>} : memref<32x768xf32, #tpu.memory_space<vmem>>, vector<1x16xf32>,
        %swap3A_298 = vector.shape_cast %swap3A_297 : vector<1x16xf32> to vector<16xf32>
        %swap3A_299 = vector.shape_cast %add3A_294 : vector<16xf32> to vector<1x16xf32>
        tpu.vector_store %arg5[%swap3A_295, %swap3A_296], %swap3A_299 {strides = array<i32>} : memref<32x768xf32, #tpu.memory_space<vmem>>, vector<1x16xf32>,
        %get3A_300 = arith.index_cast %scan3A_231 : i32 to index
        %get3A_301 = arith.constant 80 : index
        %get3A_302 = tpu.vector_load %arg5[%get3A_300, %get3A_301] {strides = array<i32>} : memref<32x768xf32, #tpu.memory_space<vmem>>, vector<1x16xf32>,
        %get3A_303 = vector.shape_cast %get3A_302 : vector<1x16xf32> to vector<16xf32>
        %get3A_304 = arith.index_cast %scan3A_231 : i32 to index
        %get3A_305 = arith.constant 80 : index
        %get3A_306 = tpu.vector_load %arg7[%get3A_304, %get3A_305] {strides = array<i32>} : memref<32x768xf32, #tpu.memory_space<vmem>>, vector<1x16xf32>,
        %get3A_307 = vector.shape_cast %get3A_306 : vector<1x16xf32> to vector<16xf32>
        %add3A_308 = arith.addf %get3A_303, %get3A_307 : vector<16xf32>
        %swap3A_309 = arith.index_cast %scan3A_231 : i32 to index
        %swap3A_310 = arith.constant 80 : index
        %swap3A_311 = tpu.vector_load %arg5[%swap3A_309, %swap3A_310] {strides = array<i32>} : memref<32x768xf32, #tpu.memory_space<vmem>>, vector<1x16xf32>,
        %swap3A_312 = vector.shape_cast %swap3A_311 : vector<1x16xf32> to vector<16xf32>
        %swap3A_313 = vector.shape_cast %add3A_308 : vector<16xf32> to vector<1x16xf32>
        tpu.vector_store %arg5[%swap3A_309, %swap3A_310], %swap3A_313 {strides = array<i32>} : memref<32x768xf32, #tpu.memory_space<vmem>>, vector<1x16xf32>,
        %get3A_314 = arith.index_cast %scan3A_231 : i32 to index
        %get3A_315 = arith.constant 96 : index
        %get3A_316 = tpu.vector_load %arg5[%get3A_314, %get3A_315] {strides = array<i32>} : memref<32x768xf32, #tpu.memory_space<vmem>>, vector<1x16xf32>,
        %get3A_317 = vector.shape_cast %get3A_316 : vector<1x16xf32> to vector<16xf32>
        %get3A_318 = arith.index_cast %scan3A_231 : i32 to index
        %get3A_319 = arith.constant 96 : index
        %get3A_320 = tpu.vector_load %arg7[%get3A_318, %get3A_319] {strides = array<i32>} : memref<32x768xf32, #tpu.memory_space<vmem>>, vector<1x16xf32>,
        %get3A_321 = vector.shape_cast %get3A_320 : vector<1x16xf32> to vector<16xf32>
        %add3A_322 = arith.addf %get3A_317, %get3A_321 : vector<16xf32>
        %swap3A_323 = arith.index_cast %scan3A_231 : i32 to index
        %swap3A_324 = arith.constant 96 : index
        %swap3A_325 = tpu.vector_load %arg5[%swap3A_323, %swap3A_324] {strides = array<i32>} : memref<32x768xf32, #tpu.memory_space<vmem>>, vector<1x16xf32>,
        %swap3A_326 = vector.shape_cast %swap3A_325 : vector<1x16xf32> to vector<16xf32>
        %swap3A_327 = vector.shape_cast %add3A_322 : vector<16xf32> to vector<1x16xf32>
        tpu.vector_store %arg5[%swap3A_323, %swap3A_324], %swap3A_327 {strides = array<i32>} : memref<32x768xf32, #tpu.memory_space<vmem>>, vector<1x16xf32>,
        %get3A_328 = arith.index_cast %scan3A_231 : i32 to index
        %get3A_329 = arith.constant 112 : index
        %get3A_330 = tpu.vector_load %arg5[%get3A_328, %get3A_329] {strides = array<i32>} : memref<32x768xf32, #tpu.memory_space<vmem>>, vector<1x16xf32>,
        %get3A_331 = vector.shape_cast %get3A_330 : vector<1x16xf32> to vector<16xf32>
        %get3A_332 = arith.index_cast %scan3A_231 : i32 to index
        %get3A_333 = arith.constant 112 : index
        %get3A_334 = tpu.vector_load %arg7[%get3A_332, %get3A_333] {strides = array<i32>} : memref<32x768xf32, #tpu.memory_space<vmem>>, vector<1x16xf32>,
        %get3A_335 = vector.shape_cast %get3A_334 : vector<1x16xf32> to vector<16xf32>
        %add3A_336 = arith.addf %get3A_331, %get3A_335 : vector<16xf32>
        %swap3A_337 = arith.index_cast %scan3A_231 : i32 to index
        %swap3A_338 = arith.constant 112 : index
        %swap3A_339 = tpu.vector_load %arg5[%swap3A_337, %swap3A_338] {strides = array<i32>} : memref<32x768xf32, #tpu.memory_space<vmem>>, vector<1x16xf32>,
        %swap3A_340 = vector.shape_cast %swap3A_339 : vector<1x16xf32> to vector<16xf32>
        %swap3A_341 = vector.shape_cast %add3A_336 : vector<16xf32> to vector<1x16xf32>
        tpu.vector_store %arg5[%swap3A_337, %swap3A_338], %swap3A_341 {strides = array<i32>} : memref<32x768xf32, #tpu.memory_space<vmem>>, vector<1x16xf32>,
        %get3A_342 = arith.index_cast %scan3A_231 : i32 to index
        %get3A_343 = arith.constant 128 : index
        %get3A_344 = tpu.vector_load %arg5[%get3A_342, %get3A_343] {strides = array<i32>} : memref<32x768xf32, #tpu.memory_space<vmem>>, vector<1x16xf32>,
        %get3A_345 = vector.shape_cast %get3A_344 : vector<1x16xf32> to vector<16xf32>
        %get3A_346 = arith.index_cast %scan3A_231 : i32 to index
        %get3A_347 = arith.constant 128 : index
        %get3A_348 = tpu.vector_load %arg7[%get3A_346, %get3A_347] {strides = array<i32>} : memref<32x768xf32, #tpu.memory_space<vmem>>, vector<1x16xf32>,
        %get3A_349 = vector.shape_cast %get3A_348 : vector<1x16xf32> to vector<16xf32>
        %add3A_350 = arith.addf %get3A_345, %get3A_349 : vector<16xf32>
        %swap3A_351 = arith.index_cast %scan3A_231 : i32 to index
        %swap3A_352 = arith.constant 128 : index
        %swap3A_353 = tpu.vector_load %arg5[%swap3A_351, %swap3A_352] {strides = array<i32>} : memref<32x768xf32, #tpu.memory_space<vmem>>, vector<1x16xf32>,
        %swap3A_354 = vector.shape_cast %swap3A_353 : vector<1x16xf32> to vector<16xf32>
        %swap3A_355 = vector.shape_cast %add3A_350 : vector<16xf32> to vector<1x16xf32>
        tpu.vector_store %arg5[%swap3A_351, %swap3A_352], %swap3A_355 {strides = array<i32>} : memref<32x768xf32, #tpu.memory_space<vmem>>, vector<1x16xf32>,
        %get3A_356 = arith.index_cast %scan3A_231 : i32 to index
        %get3A_357 = arith.constant 144 : index
        %get3A_358 = tpu.vector_load %arg5[%get3A_356, %get3A_357] {strides = array<i32>} : memref<32x768xf32, #tpu.memory_space<vmem>>, vector<1x16xf32>,
        %get3A_359 = vector.shape_cast %get3A_358 : vector<1x16xf32> to vector<16xf32>
        %get3A_360 = arith.index_cast %scan3A_231 : i32 to index
        %get3A_361 = arith.constant 144 : index
        %get3A_362 = tpu.vector_load %arg7[%get3A_360, %get3A_361] {strides = array<i32>} : memref<32x768xf32, #tpu.memory_space<vmem>>, vector<1x16xf32>,
        %get3A_363 = vector.shape_cast %get3A_362 : vector<1x16xf32> to vector<16xf32>
        %add3A_364 = arith.addf %get3A_359, %get3A_363 : vector<16xf32>
        %swap3A_365 = arith.index_cast %scan3A_231 : i32 to index
        %swap3A_366 = arith.constant 144 : index
        %swap3A_367 = tpu.vector_load %arg5[%swap3A_365, %swap3A_366] {strides = array<i32>} : memref<32x768xf32, #tpu.memory_space<vmem>>, vector<1x16xf32>,
        %swap3A_368 = vector.shape_cast %swap3A_367 : vector<1x16xf32> to vector<16xf32>
        %swap3A_369 = vector.shape_cast %add3A_364 : vector<16xf32> to vector<1x16xf32>
        tpu.vector_store %arg5[%swap3A_365, %swap3A_366], %swap3A_369 {strides = array<i32>} : memref<32x768xf32, #tpu.memory_space<vmem>>, vector<1x16xf32>,
        %get3A_370 = arith.index_cast %scan3A_231 : i32 to index
        %get3A_371 = arith.constant 160 : index
        %get3A_372 = tpu.vector_load %arg5[%get3A_370, %get3A_371] {strides = array<i32>} : memref<32x768xf32, #tpu.memory_space<vmem>>, vector<1x16xf32>,
        %get3A_373 = vector.shape_cast %get3A_372 : vector<1x16xf32> to vector<16xf32>
        %get3A_374 = arith.index_cast %scan3A_231 : i32 to index
        %get3A_375 = arith.constant 160 : index
        %get3A_376 = tpu.vector_load %arg7[%get3A_374, %get3A_375] {strides = array<i32>} : memref<32x768xf32, #tpu.memory_space<vmem>>, vector<1x16xf32>,
        %get3A_377 = vector.shape_cast %get3A_376 : vector<1x16xf32> to vector<16xf32>
        %add3A_378 = arith.addf %get3A_373, %get3A_377 : vector<16xf32>
        %swap3A_379 = arith.index_cast %scan3A_231 : i32 to index
        %swap3A_380 = arith.constant 160 : index
        %swap3A_381 = tpu.vector_load %arg5[%swap3A_379, %swap3A_380] {strides = array<i32>} : memref<32x768xf32, #tpu.memory_space<vmem>>, vector<1x16xf32>,
        %swap3A_382 = vector.shape_cast %swap3A_381 : vector<1x16xf32> to vector<16xf32>
        %swap3A_383 = vector.shape_cast %add3A_378 : vector<16xf32> to vector<1x16xf32>
        tpu.vector_store %arg5[%swap3A_379, %swap3A_380], %swap3A_383 {strides = array<i32>} : memref<32x768xf32, #tpu.memory_space<vmem>>, vector<1x16xf32>,
        %get3A_384 = arith.index_cast %scan3A_231 : i32 to index
        %get3A_385 = arith.constant 176 : index
        %get3A_386 = tpu.vector_load %arg5[%get3A_384, %get3A_385] {strides = array<i32>} : memref<32x768xf32, #tpu.memory_space<vmem>>, vector<1x16xf32>,
        %get3A_387 = vector.shape_cast %get3A_386 : vector<1x16xf32> to vector<16xf32>
        %get3A_388 = arith.index_cast %scan3A_231 : i32 to index
        %get3A_389 = arith.constant 176 : index
        %get3A_390 = tpu.vector_load %arg7[%get3A_388, %get3A_389] {strides = array<i32>} : memref<32x768xf32, #tpu.memory_space<vmem>>, vector<1x16xf32>,
        %get3A_391 = vector.shape_cast %get3A_390 : vector<1x16xf32> to vector<16xf32>
        %add3A_392 = arith.addf %get3A_387, %get3A_391 : vector<16xf32>
        %swap3A_393 = arith.index_cast %scan3A_231 : i32 to index
        %swap3A_394 = arith.constant 176 : index
        %swap3A_395 = tpu.vector_load %arg5[%swap3A_393, %swap3A_394] {strides = array<i32>} : memref<32x768xf32, #tpu.memory_space<vmem>>, vector<1x16xf32>,
        %swap3A_396 = vector.shape_cast %swap3A_395 : vector<1x16xf32> to vector<16xf32>
        %swap3A_397 = vector.shape_cast %add3A_392 : vector<16xf32> to vector<1x16xf32>
        tpu.vector_store %arg5[%swap3A_393, %swap3A_394], %swap3A_397 {strides = array<i32>} : memref<32x768xf32, #tpu.memory_space<vmem>>, vector<1x16xf32>,
        %get3A_398 = arith.index_cast %scan3A_231 : i32 to index
        %get3A_399 = arith.constant 192 : index
        %get3A_400 = tpu.vector_load %arg5[%get3A_398, %get3A_399] {strides = array<i32>} : memref<32x768xf32, #tpu.memory_space<vmem>>, vector<1x16xf32>,
        %get3A_401 = vector.shape_cast %get3A_400 : vector<1x16xf32> to vector<16xf32>
        %get3A_402 = arith.index_cast %scan3A_231 : i32 to index
        %get3A_403 = arith.constant 192 : index
        %get3A_404 = tpu.vector_load %arg7[%get3A_402, %get3A_403] {strides = array<i32>} : memref<32x768xf32, #tpu.memory_space<vmem>>, vector<1x16xf32>,
        %get3A_405 = vector.shape_cast %get3A_404 : vector<1x16xf32> to vector<16xf32>
        %add3A_406 = arith.addf %get3A_401, %get3A_405 : vector<16xf32>
        %swap3A_407 = arith.index_cast %scan3A_231 : i32 to index
        %swap3A_408 = arith.constant 192 : index
        %swap3A_409 = tpu.vector_load %arg5[%swap3A_407, %swap3A_408] {strides = array<i32>} : memref<32x768xf32, #tpu.memory_space<vmem>>, vector<1x16xf32>,
        %swap3A_410 = vector.shape_cast %swap3A_409 : vector<1x16xf32> to vector<16xf32>
        %swap3A_411 = vector.shape_cast %add3A_406 : vector<16xf32> to vector<1x16xf32>
        tpu.vector_store %arg5[%swap3A_407, %swap3A_408], %swap3A_411 {strides = array<i32>} : memref<32x768xf32, #tpu.memory_space<vmem>>, vector<1x16xf32>,
        %get3A_412 = arith.index_cast %scan3A_231 : i32 to index
        %get3A_413 = arith.constant 208 : index
        %get3A_414 = tpu.vector_load %arg5[%get3A_412, %get3A_413] {strides = array<i32>} : memref<32x768xf32, #tpu.memory_space<vmem>>, vector<1x16xf32>,
        %get3A_415 = vector.shape_cast %get3A_414 : vector<1x16xf32> to vector<16xf32>
        %get3A_416 = arith.index_cast %scan3A_231 : i32 to index
        %get3A_417 = arith.constant 208 : index
        %get3A_418 = tpu.vector_load %arg7[%get3A_416, %get3A_417] {strides = array<i32>} : memref<32x768xf32, #tpu.memory_space<vmem>>, vector<1x16xf32>,
        %get3A_419 = vector.shape_cast %get3A_418 : vector<1x16xf32> to vector<16xf32>
        %add3A_420 = arith.addf %get3A_415, %get3A_419 : vector<16xf32>
        %swap3A_421 = arith.index_cast %scan3A_231 : i32 to index
        %swap3A_422 = arith.constant 208 : index
        %swap3A_423 = tpu.vector_load %arg5[%swap3A_421, %swap3A_422] {strides = array<i32>} : memref<32x768xf32, #tpu.memory_space<vmem>>, vector<1x16xf32>,
        %swap3A_424 = vector.shape_cast %swap3A_423 : vector<1x16xf32> to vector<16xf32>
        %swap3A_425 = vector.shape_cast %add3A_420 : vector<16xf32> to vector<1x16xf32>
        tpu.vector_store %arg5[%swap3A_421, %swap3A_422], %swap3A_425 {strides = array<i32>} : memref<32x768xf32, #tpu.memory_space<vmem>>, vector<1x16xf32>,
        %get3A_426 = arith.index_cast %scan3A_231 : i32 to index
        %get3A_427 = arith.constant 224 : index
        %get3A_428 = tpu.vector_load %arg5[%get3A_426, %get3A_427] {strides = array<i32>} : memref<32x768xf32, #tpu.memory_space<vmem>>, vector<1x16xf32>,
        %get3A_429 = vector.shape_cast %get3A_428 : vector<1x16xf32> to vector<16xf32>
        %get3A_430 = arith.index_cast %scan3A_231 : i32 to index
        %get3A_431 = arith.constant 224 : index
        %get3A_432 = tpu.vector_load %arg7[%get3A_430, %get3A_431] {strides = array<i32>} : memref<32x768xf32, #tpu.memory_space<vmem>>, vector<1x16xf32>,
        %get3A_433 = vector.shape_cast %get3A_432 : vector<1x16xf32> to vector<16xf32>
        %add3A_434 = arith.addf %get3A_429, %get3A_433 : vector<16xf32>
        %swap3A_435 = arith.index_cast %scan3A_231 : i32 to index
        %swap3A_436 = arith.constant 224 : index
        %swap3A_437 = tpu.vector_load %arg5[%swap3A_435, %swap3A_436] {strides = array<i32>} : memref<32x768xf32, #tpu.memory_space<vmem>>, vector<1x16xf32>,
        %swap3A_438 = vector.shape_cast %swap3A_437 : vector<1x16xf32> to vector<16xf32>
        %swap3A_439 = vector.shape_cast %add3A_434 : vector<16xf32> to vector<1x16xf32>
        tpu.vector_store %arg5[%swap3A_435, %swap3A_436], %swap3A_439 {strides = array<i32>} : memref<32x768xf32, #tpu.memory_space<vmem>>, vector<1x16xf32>,
        %get3A_440 = arith.index_cast %scan3A_231 : i32 to index
        %get3A_441 = arith.constant 240 : index
        %get3A_442 = tpu.vector_load %arg5[%get3A_440, %get3A_441] {strides = array<i32>} : memref<32x768xf32, #tpu.memory_space<vmem>>, vector<1x16xf32>,
        %get3A_443 = vector.shape_cast %get3A_442 : vector<1x16xf32> to vector<16xf32>
        %get3A_444 = arith.index_cast %scan3A_231 : i32 to index
        %get3A_445 = arith.constant 240 : index
        %get3A_446 = tpu.vector_load %arg7[%get3A_444, %get3A_445] {strides = array<i32>} : memref<32x768xf32, #tpu.memory_space<vmem>>, vector<1x16xf32>,
        %get3A_447 = vector.shape_cast %get3A_446 : vector<1x16xf32> to vector<16xf32>
        %add3A_448 = arith.addf %get3A_443, %get3A_447 : vector<16xf32>
        %swap3A_449 = arith.index_cast %scan3A_231 : i32 to index
        %swap3A_450 = arith.constant 240 : index
        %swap3A_451 = tpu.vector_load %arg5[%swap3A_449, %swap3A_450] {strides = array<i32>} : memref<32x768xf32, #tpu.memory_space<vmem>>, vector<1x16xf32>,
        %swap3A_452 = vector.shape_cast %swap3A_451 : vector<1x16xf32> to vector<16xf32>
        %swap3A_453 = vector.shape_cast %add3A_448 : vector<16xf32> to vector<1x16xf32>
        tpu.vector_store %arg5[%swap3A_449, %swap3A_450], %swap3A_453 {strides = array<i32>} : memref<32x768xf32, #tpu.memory_space<vmem>>, vector<1x16xf32>,
        %get3A_454 = arith.index_cast %scan3A_231 : i32 to index
        %get3A_455 = arith.constant 256 : index
        %get3A_456 = tpu.vector_load %arg5[%get3A_454, %get3A_455] {strides = array<i32>} : memref<32x768xf32, #tpu.memory_space<vmem>>, vector<1x16xf32>,
        %get3A_457 = vector.shape_cast %get3A_456 : vector<1x16xf32> to vector<16xf32>
        %get3A_458 = arith.index_cast %scan3A_231 : i32 to index
        %get3A_459 = arith.constant 256 : index
        %get3A_460 = tpu.vector_load %arg7[%get3A_458, %get3A_459] {strides = array<i32>} : memref<32x768xf32, #tpu.memory_space<vmem>>, vector<1x16xf32>,
        %get3A_461 = vector.shape_cast %get3A_460 : vector<1x16xf32> to vector<16xf32>
        %add3A_462 = arith.addf %get3A_457, %get3A_461 : vector<16xf32>
        %swap3A_463 = arith.index_cast %scan3A_231 : i32 to index
        %swap3A_464 = arith.constant 256 : index
        %swap3A_465 = tpu.vector_load %arg5[%swap3A_463, %swap3A_464] {strides = array<i32>} : memref<32x768xf32, #tpu.memory_space<vmem>>, vector<1x16xf32>,
        %swap3A_466 = vector.shape_cast %swap3A_465 : vector<1x16xf32> to vector<16xf32>
        %swap3A_467 = vector.shape_cast %add3A_462 : vector<16xf32> to vector<1x16xf32>
        tpu.vector_store %arg5[%swap3A_463, %swap3A_464], %swap3A_467 {strides = array<i32>} : memref<32x768xf32, #tpu.memory_space<vmem>>, vector<1x16xf32>,
        %get3A_468 = arith.index_cast %scan3A_231 : i32 to index
        %get3A_469 = arith.constant 272 : index
        %get3A_470 = tpu.vector_load %arg5[%get3A_468, %get3A_469] {strides = array<i32>} : memref<32x768xf32, #tpu.memory_space<vmem>>, vector<1x16xf32>,
        %get3A_471 = vector.shape_cast %get3A_470 : vector<1x16xf32> to vector<16xf32>
        %get3A_472 = arith.index_cast %scan3A_231 : i32 to index
        %get3A_473 = arith.constant 272 : index
        %get3A_474 = tpu.vector_load %arg7[%get3A_472, %get3A_473] {strides = array<i32>} : memref<32x768xf32, #tpu.memory_space<vmem>>, vector<1x16xf32>,
        %get3A_475 = vector.shape_cast %get3A_474 : vector<1x16xf32> to vector<16xf32>
        %add3A_476 = arith.addf %get3A_471, %get3A_475 : vector<16xf32>
        %swap3A_477 = arith.index_cast %scan3A_231 : i32 to index
        %swap3A_478 = arith.constant 272 : index
        %swap3A_479 = tpu.vector_load %arg5[%swap3A_477, %swap3A_478] {strides = array<i32>} : memref<32x768xf32, #tpu.memory_space<vmem>>, vector<1x16xf32>,
        %swap3A_480 = vector.shape_cast %swap3A_479 : vector<1x16xf32> to vector<16xf32>
        %swap3A_481 = vector.shape_cast %add3A_476 : vector<16xf32> to vector<1x16xf32>
        tpu.vector_store %arg5[%swap3A_477, %swap3A_478], %swap3A_481 {strides = array<i32>} : memref<32x768xf32, #tpu.memory_space<vmem>>, vector<1x16xf32>,
        %get3A_482 = arith.index_cast %scan3A_231 : i32 to index
        %get3A_483 = arith.constant 288 : index
        %get3A_484 = tpu.vector_load %arg5[%get3A_482, %get3A_483] {strides = array<i32>} : memref<32x768xf32, #tpu.memory_space<vmem>>, vector<1x16xf32>,
        %get3A_485 = vector.shape_cast %get3A_484 : vector<1x16xf32> to vector<16xf32>
        %get3A_486 = arith.index_cast %scan3A_231 : i32 to index
        %get3A_487 = arith.constant 288 : index
        %get3A_488 = tpu.vector_load %arg7[%get3A_486, %get3A_487] {strides = array<i32>} : memref<32x768xf32, #tpu.memory_space<vmem>>, vector<1x16xf32>,
        %get3A_489 = vector.shape_cast %get3A_488 : vector<1x16xf32> to vector<16xf32>
        %add3A_490 = arith.addf %get3A_485, %get3A_489 : vector<16xf32>
        %swap3A_491 = arith.index_cast %scan3A_231 : i32 to index
        %swap3A_492 = arith.constant 288 : index
        %swap3A_493 = tpu.vector_load %arg5[%swap3A_491, %swap3A_492] {strides = array<i32>} : memref<32x768xf32, #tpu.memory_space<vmem>>, vector<1x16xf32>,
        %swap3A_494 = vector.shape_cast %swap3A_493 : vector<1x16xf32> to vector<16xf32>
        %swap3A_495 = vector.shape_cast %add3A_490 : vector<16xf32> to vector<1x16xf32>
        tpu.vector_store %arg5[%swap3A_491, %swap3A_492], %swap3A_495 {strides = array<i32>} : memref<32x768xf32, #tpu.memory_space<vmem>>, vector<1x16xf32>,
        %get3A_496 = arith.index_cast %scan3A_231 : i32 to index
        %get3A_497 = arith.constant 304 : index
        %get3A_498 = tpu.vector_load %arg5[%get3A_496, %get3A_497] {strides = array<i32>} : memref<32x768xf32, #tpu.memory_space<vmem>>, vector<1x16xf32>,
        %get3A_499 = vector.shape_cast %get3A_498 : vector<1x16xf32> to vector<16xf32>
        %get3A_500 = arith.index_cast %scan3A_231 : i32 to index
        %get3A_501 = arith.constant 304 : index
        %get3A_502 = tpu.vector_load %arg7[%get3A_500, %get3A_501] {strides = array<i32>} : memref<32x768xf32, #tpu.memory_space<vmem>>, vector<1x16xf32>,
        %get3A_503 = vector.shape_cast %get3A_502 : vector<1x16xf32> to vector<16xf32>
        %add3A_504 = arith.addf %get3A_499, %get3A_503 : vector<16xf32>
        %swap3A_505 = arith.index_cast %scan3A_231 : i32 to index
        %swap3A_506 = arith.constant 304 : index
        %swap3A_507 = tpu.vector_load %arg5[%swap3A_505, %swap3A_506] {strides = array<i32>} : memref<32x768xf32, #tpu.memory_space<vmem>>, vector<1x16xf32>,
        %swap3A_508 = vector.shape_cast %swap3A_507 : vector<1x16xf32> to vector<16xf32>
        %swap3A_509 = vector.shape_cast %add3A_504 : vector<16xf32> to vector<1x16xf32>
        tpu.vector_store %arg5[%swap3A_505, %swap3A_506], %swap3A_509 {strides = array<i32>} : memref<32x768xf32, #tpu.memory_space<vmem>>, vector<1x16xf32>,
        %get3A_510 = arith.index_cast %scan3A_231 : i32 to index
        %get3A_511 = arith.constant 320 : index
        %get3A_512 = tpu.vector_load %arg5[%get3A_510, %get3A_511] {strides = array<i32>} : memref<32x768xf32, #tpu.memory_space<vmem>>, vector<1x16xf32>,
        %get3A_513 = vector.shape_cast %get3A_512 : vector<1x16xf32> to vector<16xf32>
        %get3A_514 = arith.index_cast %scan3A_231 : i32 to index
        %get3A_515 = arith.constant 320 : index
        %get3A_516 = tpu.vector_load %arg7[%get3A_514, %get3A_515] {strides = array<i32>} : memref<32x768xf32, #tpu.memory_space<vmem>>, vector<1x16xf32>,
        %get3A_517 = vector.shape_cast %get3A_516 : vector<1x16xf32> to vector<16xf32>
        %add3A_518 = arith.addf %get3A_513, %get3A_517 : vector<16xf32>
        %swap3A_519 = arith.index_cast %scan3A_231 : i32 to index
        %swap3A_520 = arith.constant 320 : index
        %swap3A_521 = tpu.vector_load %arg5[%swap3A_519, %swap3A_520] {strides = array<i32>} : memref<32x768xf32, #tpu.memory_space<vmem>>, vector<1x16xf32>,
        %swap3A_522 = vector.shape_cast %swap3A_521 : vector<1x16xf32> to vector<16xf32>
        %swap3A_523 = vector.shape_cast %add3A_518 : vector<16xf32> to vector<1x16xf32>
        tpu.vector_store %arg5[%swap3A_519, %swap3A_520], %swap3A_523 {strides = array<i32>} : memref<32x768xf32, #tpu.memory_space<vmem>>, vector<1x16xf32>,
        %get3A_524 = arith.index_cast %scan3A_231 : i32 to index
        %get3A_525 = arith.constant 336 : index
        %get3A_526 = tpu.vector_load %arg5[%get3A_524, %get3A_525] {strides = array<i32>} : memref<32x768xf32, #tpu.memory_space<vmem>>, vector<1x16xf32>,
        %get3A_527 = vector.shape_cast %get3A_526 : vector<1x16xf32> to vector<16xf32>
        %get3A_528 = arith.index_cast %scan3A_231 : i32 to index
        %get3A_529 = arith.constant 336 : index
        %get3A_530 = tpu.vector_load %arg7[%get3A_528, %get3A_529] {strides = array<i32>} : memref<32x768xf32, #tpu.memory_space<vmem>>, vector<1x16xf32>,
        %get3A_531 = vector.shape_cast %get3A_530 : vector<1x16xf32> to vector<16xf32>
        %add3A_532 = arith.addf %get3A_527, %get3A_531 : vector<16xf32>
        %swap3A_533 = arith.index_cast %scan3A_231 : i32 to index
        %swap3A_534 = arith.constant 336 : index
        %swap3A_535 = tpu.vector_load %arg5[%swap3A_533, %swap3A_534] {strides = array<i32>} : memref<32x768xf32, #tpu.memory_space<vmem>>, vector<1x16xf32>,
        %swap3A_536 = vector.shape_cast %swap3A_535 : vector<1x16xf32> to vector<16xf32>
        %swap3A_537 = vector.shape_cast %add3A_532 : vector<16xf32> to vector<1x16xf32>
        tpu.vector_store %arg5[%swap3A_533, %swap3A_534], %swap3A_537 {strides = array<i32>} : memref<32x768xf32, #tpu.memory_space<vmem>>, vector<1x16xf32>,
        %get3A_538 = arith.index_cast %scan3A_231 : i32 to index
        %get3A_539 = arith.constant 352 : index
        %get3A_540 = tpu.vector_load %arg5[%get3A_538, %get3A_539] {strides = array<i32>} : memref<32x768xf32, #tpu.memory_space<vmem>>, vector<1x16xf32>,
        %get3A_541 = vector.shape_cast %get3A_540 : vector<1x16xf32> to vector<16xf32>
        %get3A_542 = arith.index_cast %scan3A_231 : i32 to index
        %get3A_543 = arith.constant 352 : index
        %get3A_544 = tpu.vector_load %arg7[%get3A_542, %get3A_543] {strides = array<i32>} : memref<32x768xf32, #tpu.memory_space<vmem>>, vector<1x16xf32>,
        %get3A_545 = vector.shape_cast %get3A_544 : vector<1x16xf32> to vector<16xf32>
        %add3A_546 = arith.addf %get3A_541, %get3A_545 : vector<16xf32>
        %swap3A_547 = arith.index_cast %scan3A_231 : i32 to index
        %swap3A_548 = arith.constant 352 : index
        %swap3A_549 = tpu.vector_load %arg5[%swap3A_547, %swap3A_548] {strides = array<i32>} : memref<32x768xf32, #tpu.memory_space<vmem>>, vector<1x16xf32>,
        %swap3A_550 = vector.shape_cast %swap3A_549 : vector<1x16xf32> to vector<16xf32>
        %swap3A_551 = vector.shape_cast %add3A_546 : vector<16xf32> to vector<1x16xf32>
        tpu.vector_store %arg5[%swap3A_547, %swap3A_548], %swap3A_551 {strides = array<i32>} : memref<32x768xf32, #tpu.memory_space<vmem>>, vector<1x16xf32>,
        %get3A_552 = arith.index_cast %scan3A_231 : i32 to index
        %get3A_553 = arith.constant 368 : index
        %get3A_554 = tpu.vector_load %arg5[%get3A_552, %get3A_553] {strides = array<i32>} : memref<32x768xf32, #tpu.memory_space<vmem>>, vector<1x16xf32>,
        %get3A_555 = vector.shape_cast %get3A_554 : vector<1x16xf32> to vector<16xf32>
        %get3A_556 = arith.index_cast %scan3A_231 : i32 to index
        %get3A_557 = arith.constant 368 : index
        %get3A_558 = tpu.vector_load %arg7[%get3A_556, %get3A_557] {strides = array<i32>} : memref<32x768xf32, #tpu.memory_space<vmem>>, vector<1x16xf32>,
        %get3A_559 = vector.shape_cast %get3A_558 : vector<1x16xf32> to vector<16xf32>
        %add3A_560 = arith.addf %get3A_555, %get3A_559 : vector<16xf32>
        %swap3A_561 = arith.index_cast %scan3A_231 : i32 to index
        %swap3A_562 = arith.constant 368 : index
        %swap3A_563 = tpu.vector_load %arg5[%swap3A_561, %swap3A_562] {strides = array<i32>} : memref<32x768xf32, #tpu.memory_space<vmem>>, vector<1x16xf32>,
        %swap3A_564 = vector.shape_cast %swap3A_563 : vector<1x16xf32> to vector<16xf32>
        %swap3A_565 = vector.shape_cast %add3A_560 : vector<16xf32> to vector<1x16xf32>
        tpu.vector_store %arg5[%swap3A_561, %swap3A_562], %swap3A_565 {strides = array<i32>} : memref<32x768xf32, #tpu.memory_space<vmem>>, vector<1x16xf32>,
        %get3A_566 = arith.index_cast %scan3A_231 : i32 to index
        %get3A_567 = arith.constant 384 : index
        %get3A_568 = tpu.vector_load %arg5[%get3A_566, %get3A_567] {strides = array<i32>} : memref<32x768xf32, #tpu.memory_space<vmem>>, vector<1x16xf32>,
        %get3A_569 = vector.shape_cast %get3A_568 : vector<1x16xf32> to vector<16xf32>
        %get3A_570 = arith.index_cast %scan3A_231 : i32 to index
        %get3A_571 = arith.constant 384 : index
        %get3A_572 = tpu.vector_load %arg7[%get3A_570, %get3A_571] {strides = array<i32>} : memref<32x768xf32, #tpu.memory_space<vmem>>, vector<1x16xf32>,
        %get3A_573 = vector.shape_cast %get3A_572 : vector<1x16xf32> to vector<16xf32>
        %add3A_574 = arith.addf %get3A_569, %get3A_573 : vector<16xf32>
        %swap3A_575 = arith.index_cast %scan3A_231 : i32 to index
        %swap3A_576 = arith.constant 384 : index
        %swap3A_577 = tpu.vector_load %arg5[%swap3A_575, %swap3A_576] {strides = array<i32>} : memref<32x768xf32, #tpu.memory_space<vmem>>, vector<1x16xf32>,
        %swap3A_578 = vector.shape_cast %swap3A_577 : vector<1x16xf32> to vector<16xf32>
        %swap3A_579 = vector.shape_cast %add3A_574 : vector<16xf32> to vector<1x16xf32>
        tpu.vector_store %arg5[%swap3A_575, %swap3A_576], %swap3A_579 {strides = array<i32>} : memref<32x768xf32, #tpu.memory_space<vmem>>, vector<1x16xf32>,
        %get3A_580 = arith.index_cast %scan3A_231 : i32 to index
        %get3A_581 = arith.constant 400 : index
        %get3A_582 = tpu.vector_load %arg5[%get3A_580, %get3A_581] {strides = array<i32>} : memref<32x768xf32, #tpu.memory_space<vmem>>, vector<1x16xf32>,
        %get3A_583 = vector.shape_cast %get3A_582 : vector<1x16xf32> to vector<16xf32>
        %get3A_584 = arith.index_cast %scan3A_231 : i32 to index
        %get3A_585 = arith.constant 400 : index
        %get3A_586 = tpu.vector_load %arg7[%get3A_584, %get3A_585] {strides = array<i32>} : memref<32x768xf32, #tpu.memory_space<vmem>>, vector<1x16xf32>,
        %get3A_587 = vector.shape_cast %get3A_586 : vector<1x16xf32> to vector<16xf32>
        %add3A_588 = arith.addf %get3A_583, %get3A_587 : vector<16xf32>
        %swap3A_589 = arith.index_cast %scan3A_231 : i32 to index
        %swap3A_590 = arith.constant 400 : index
        %swap3A_591 = tpu.vector_load %arg5[%swap3A_589, %swap3A_590] {strides = array<i32>} : memref<32x768xf32, #tpu.memory_space<vmem>>, vector<1x16xf32>,
        %swap3A_592 = vector.shape_cast %swap3A_591 : vector<1x16xf32> to vector<16xf32>
        %swap3A_593 = vector.shape_cast %add3A_588 : vector<16xf32> to vector<1x16xf32>
        tpu.vector_store %arg5[%swap3A_589, %swap3A_590], %swap3A_593 {strides = array<i32>} : memref<32x768xf32, #tpu.memory_space<vmem>>, vector<1x16xf32>,
        %get3A_594 = arith.index_cast %scan3A_231 : i32 to index
        %get3A_595 = arith.constant 416 : index
        %get3A_596 = tpu.vector_load %arg5[%get3A_594, %get3A_595] {strides = array<i32>} : memref<32x768xf32, #tpu.memory_space<vmem>>, vector<1x16xf32>,
        %get3A_597 = vector.shape_cast %get3A_596 : vector<1x16xf32> to vector<16xf32>
        %get3A_598 = arith.index_cast %scan3A_231 : i32 to index
        %get3A_599 = arith.constant 416 : index
        %get3A_600 = tpu.vector_load %arg7[%get3A_598, %get3A_599] {strides = array<i32>} : memref<32x768xf32, #tpu.memory_space<vmem>>, vector<1x16xf32>,
        %get3A_601 = vector.shape_cast %get3A_600 : vector<1x16xf32> to vector<16xf32>
        %add3A_602 = arith.addf %get3A_597, %get3A_601 : vector<16xf32>
        %swap3A_603 = arith.index_cast %scan3A_231 : i32 to index
        %swap3A_604 = arith.constant 416 : index
        %swap3A_605 = tpu.vector_load %arg5[%swap3A_603, %swap3A_604] {strides = array<i32>} : memref<32x768xf32, #tpu.memory_space<vmem>>, vector<1x16xf32>,
        %swap3A_606 = vector.shape_cast %swap3A_605 : vector<1x16xf32> to vector<16xf32>
        %swap3A_607 = vector.shape_cast %add3A_602 : vector<16xf32> to vector<1x16xf32>
        tpu.vector_store %arg5[%swap3A_603, %swap3A_604], %swap3A_607 {strides = array<i32>} : memref<32x768xf32, #tpu.memory_space<vmem>>, vector<1x16xf32>,
        %get3A_608 = arith.index_cast %scan3A_231 : i32 to index
        %get3A_609 = arith.constant 432 : index
        %get3A_610 = tpu.vector_load %arg5[%get3A_608, %get3A_609] {strides = array<i32>} : memref<32x768xf32, #tpu.memory_space<vmem>>, vector<1x16xf32>,
        %get3A_611 = vector.shape_cast %get3A_610 : vector<1x16xf32> to vector<16xf32>
        %get3A_612 = arith.index_cast %scan3A_231 : i32 to index
        %get3A_613 = arith.constant 432 : index
        %get3A_614 = tpu.vector_load %arg7[%get3A_612, %get3A_613] {strides = array<i32>} : memref<32x768xf32, #tpu.memory_space<vmem>>, vector<1x16xf32>,
        %get3A_615 = vector.shape_cast %get3A_614 : vector<1x16xf32> to vector<16xf32>
        %add3A_616 = arith.addf %get3A_611, %get3A_615 : vector<16xf32>
        %swap3A_617 = arith.index_cast %scan3A_231 : i32 to index
        %swap3A_618 = arith.constant 432 : index
        %swap3A_619 = tpu.vector_load %arg5[%swap3A_617, %swap3A_618] {strides = array<i32>} : memref<32x768xf32, #tpu.memory_space<vmem>>, vector<1x16xf32>,
        %swap3A_620 = vector.shape_cast %swap3A_619 : vector<1x16xf32> to vector<16xf32>
        %swap3A_621 = vector.shape_cast %add3A_616 : vector<16xf32> to vector<1x16xf32>
        tpu.vector_store %arg5[%swap3A_617, %swap3A_618], %swap3A_621 {strides = array<i32>} : memref<32x768xf32, #tpu.memory_space<vmem>>, vector<1x16xf32>,
        %get3A_622 = arith.index_cast %scan3A_231 : i32 to index
        %get3A_623 = arith.constant 448 : index
        %get3A_624 = tpu.vector_load %arg5[%get3A_622, %get3A_623] {strides = array<i32>} : memref<32x768xf32, #tpu.memory_space<vmem>>, vector<1x16xf32>,
        %get3A_625 = vector.shape_cast %get3A_624 : vector<1x16xf32> to vector<16xf32>
        %get3A_626 = arith.index_cast %scan3A_231 : i32 to index
        %get3A_627 = arith.constant 448 : index
        %get3A_628 = tpu.vector_load %arg7[%get3A_626, %get3A_627] {strides = array<i32>} : memref<32x768xf32, #tpu.memory_space<vmem>>, vector<1x16xf32>,
        %get3A_629 = vector.shape_cast %get3A_628 : vector<1x16xf32> to vector<16xf32>
        %add3A_630 = arith.addf %get3A_625, %get3A_629 : vector<16xf32>
        %swap3A_631 = arith.index_cast %scan3A_231 : i32 to index
        %swap3A_632 = arith.constant 448 : index
        %swap3A_633 = tpu.vector_load %arg5[%swap3A_631, %swap3A_632] {strides = array<i32>} : memref<32x768xf32, #tpu.memory_space<vmem>>, vector<1x16xf32>,
        %swap3A_634 = vector.shape_cast %swap3A_633 : vector<1x16xf32> to vector<16xf32>
        %swap3A_635 = vector.shape_cast %add3A_630 : vector<16xf32> to vector<1x16xf32>
        tpu.vector_store %arg5[%swap3A_631, %swap3A_632], %swap3A_635 {strides = array<i32>} : memref<32x768xf32, #tpu.memory_space<vmem>>, vector<1x16xf32>,
        %get3A_636 = arith.index_cast %scan3A_231 : i32 to index
        %get3A_637 = arith.constant 464 : index
        %get3A_638 = tpu.vector_load %arg5[%get3A_636, %get3A_637] {strides = array<i32>} : memref<32x768xf32, #tpu.memory_space<vmem>>, vector<1x16xf32>,
        %get3A_639 = vector.shape_cast %get3A_638 : vector<1x16xf32> to vector<16xf32>
        %get3A_640 = arith.index_cast %scan3A_231 : i32 to index
        %get3A_641 = arith.constant 464 : index
        %get3A_642 = tpu.vector_load %arg7[%get3A_640, %get3A_641] {strides = array<i32>} : memref<32x768xf32, #tpu.memory_space<vmem>>, vector<1x16xf32>,
        %get3A_643 = vector.shape_cast %get3A_642 : vector<1x16xf32> to vector<16xf32>
        %add3A_644 = arith.addf %get3A_639, %get3A_643 : vector<16xf32>
        %swap3A_645 = arith.index_cast %scan3A_231 : i32 to index
        %swap3A_646 = arith.constant 464 : index
        %swap3A_647 = tpu.vector_load %arg5[%swap3A_645, %swap3A_646] {strides = array<i32>} : memref<32x768xf32, #tpu.memory_space<vmem>>, vector<1x16xf32>,
        %swap3A_648 = vector.shape_cast %swap3A_647 : vector<1x16xf32> to vector<16xf32>
        %swap3A_649 = vector.shape_cast %add3A_644 : vector<16xf32> to vector<1x16xf32>
        tpu.vector_store %arg5[%swap3A_645, %swap3A_646], %swap3A_649 {strides = array<i32>} : memref<32x768xf32, #tpu.memory_space<vmem>>, vector<1x16xf32>,
        %get3A_650 = arith.index_cast %scan3A_231 : i32 to index
        %get3A_651 = arith.constant 480 : index
        %get3A_652 = tpu.vector_load %arg5[%get3A_650, %get3A_651] {strides = array<i32>} : memref<32x768xf32, #tpu.memory_space<vmem>>, vector<1x16xf32>,
        %get3A_653 = vector.shape_cast %get3A_652 : vector<1x16xf32> to vector<16xf32>
        %get3A_654 = arith.index_cast %scan3A_231 : i32 to index
        %get3A_655 = arith.constant 480 : index
        %get3A_656 = tpu.vector_load %arg7[%get3A_654, %get3A_655] {strides = array<i32>} : memref<32x768xf32, #tpu.memory_space<vmem>>, vector<1x16xf32>,
        %get3A_657 = vector.shape_cast %get3A_656 : vector<1x16xf32> to vector<16xf32>
        %add3A_658 = arith.addf %get3A_653, %get3A_657 : vector<16xf32>
        %swap3A_659 = arith.index_cast %scan3A_231 : i32 to index
        %swap3A_660 = arith.constant 480 : index
        %swap3A_661 = tpu.vector_load %arg5[%swap3A_659, %swap3A_660] {strides = array<i32>} : memref<32x768xf32, #tpu.memory_space<vmem>>, vector<1x16xf32>,
        %swap3A_662 = vector.shape_cast %swap3A_661 : vector<1x16xf32> to vector<16xf32>
        %swap3A_663 = vector.shape_cast %add3A_658 : vector<16xf32> to vector<1x16xf32>
        tpu.vector_store %arg5[%swap3A_659, %swap3A_660], %swap3A_663 {strides = array<i32>} : memref<32x768xf32, #tpu.memory_space<vmem>>, vector<1x16xf32>,
        %get3A_664 = arith.index_cast %scan3A_231 : i32 to index
        %get3A_665 = arith.constant 496 : index
        %get3A_666 = tpu.vector_load %arg5[%get3A_664, %get3A_665] {strides = array<i32>} : memref<32x768xf32, #tpu.memory_space<vmem>>, vector<1x16xf32>,
        %get3A_667 = vector.shape_cast %get3A_666 : vector<1x16xf32> to vector<16xf32>
        %get3A_668 = arith.index_cast %scan3A_231 : i32 to index
        %get3A_669 = arith.constant 496 : index
        %get3A_670 = tpu.vector_load %arg7[%get3A_668, %get3A_669] {strides = array<i32>} : memref<32x768xf32, #tpu.memory_space<vmem>>, vector<1x16xf32>,
        %get3A_671 = vector.shape_cast %get3A_670 : vector<1x16xf32> to vector<16xf32>
        %add3A_672 = arith.addf %get3A_667, %get3A_671 : vector<16xf32>
        %swap3A_673 = arith.index_cast %scan3A_231 : i32 to index
        %swap3A_674 = arith.constant 496 : index
        %swap3A_675 = tpu.vector_load %arg5[%swap3A_673, %swap3A_674] {strides = array<i32>} : memref<32x768xf32, #tpu.memory_space<vmem>>, vector<1x16xf32>,
        %swap3A_676 = vector.shape_cast %swap3A_675 : vector<1x16xf32> to vector<16xf32>
        %swap3A_677 = vector.shape_cast %add3A_672 : vector<16xf32> to vector<1x16xf32>
        tpu.vector_store %arg5[%swap3A_673, %swap3A_674], %swap3A_677 {strides = array<i32>} : memref<32x768xf32, #tpu.memory_space<vmem>>, vector<1x16xf32>,
        %get3A_678 = arith.index_cast %scan3A_231 : i32 to index
        %get3A_679 = arith.constant 512 : index
        %get3A_680 = tpu.vector_load %arg5[%get3A_678, %get3A_679] {strides = array<i32>} : memref<32x768xf32, #tpu.memory_space<vmem>>, vector<1x16xf32>,
        %get3A_681 = vector.shape_cast %get3A_680 : vector<1x16xf32> to vector<16xf32>
        %get3A_682 = arith.index_cast %scan3A_231 : i32 to index
        %get3A_683 = arith.constant 512 : index
        %get3A_684 = tpu.vector_load %arg7[%get3A_682, %get3A_683] {strides = array<i32>} : memref<32x768xf32, #tpu.memory_space<vmem>>, vector<1x16xf32>,
        %get3A_685 = vector.shape_cast %get3A_684 : vector<1x16xf32> to vector<16xf32>
        %add3A_686 = arith.addf %get3A_681, %get3A_685 : vector<16xf32>
        %swap3A_687 = arith.index_cast %scan3A_231 : i32 to index
        %swap3A_688 = arith.constant 512 : index
        %swap3A_689 = tpu.vector_load %arg5[%swap3A_687, %swap3A_688] {strides = array<i32>} : memref<32x768xf32, #tpu.memory_space<vmem>>, vector<1x16xf32>,
        %swap3A_690 = vector.shape_cast %swap3A_689 : vector<1x16xf32> to vector<16xf32>
        %swap3A_691 = vector.shape_cast %add3A_686 : vector<16xf32> to vector<1x16xf32>
        tpu.vector_store %arg5[%swap3A_687, %swap3A_688], %swap3A_691 {strides = array<i32>} : memref<32x768xf32, #tpu.memory_space<vmem>>, vector<1x16xf32>,
        %get3A_692 = arith.index_cast %scan3A_231 : i32 to index
        %get3A_693 = arith.constant 528 : index
        %get3A_694 = tpu.vector_load %arg5[%get3A_692, %get3A_693] {strides = array<i32>} : memref<32x768xf32, #tpu.memory_space<vmem>>, vector<1x16xf32>,
        %get3A_695 = vector.shape_cast %get3A_694 : vector<1x16xf32> to vector<16xf32>
        %get3A_696 = arith.index_cast %scan3A_231 : i32 to index
        %get3A_697 = arith.constant 528 : index
        %get3A_698 = tpu.vector_load %arg7[%get3A_696, %get3A_697] {strides = array<i32>} : memref<32x768xf32, #tpu.memory_space<vmem>>, vector<1x16xf32>,
        %get3A_699 = vector.shape_cast %get3A_698 : vector<1x16xf32> to vector<16xf32>
        %add3A_700 = arith.addf %get3A_695, %get3A_699 : vector<16xf32>
        %swap3A_701 = arith.index_cast %scan3A_231 : i32 to index
        %swap3A_702 = arith.constant 528 : index
        %swap3A_703 = tpu.vector_load %arg5[%swap3A_701, %swap3A_702] {strides = array<i32>} : memref<32x768xf32, #tpu.memory_space<vmem>>, vector<1x16xf32>,
        %swap3A_704 = vector.shape_cast %swap3A_703 : vector<1x16xf32> to vector<16xf32>
        %swap3A_705 = vector.shape_cast %add3A_700 : vector<16xf32> to vector<1x16xf32>
        tpu.vector_store %arg5[%swap3A_701, %swap3A_702], %swap3A_705 {strides = array<i32>} : memref<32x768xf32, #tpu.memory_space<vmem>>, vector<1x16xf32>,
        %get3A_706 = arith.index_cast %scan3A_231 : i32 to index
        %get3A_707 = arith.constant 544 : index
        %get3A_708 = tpu.vector_load %arg5[%get3A_706, %get3A_707] {strides = array<i32>} : memref<32x768xf32, #tpu.memory_space<vmem>>, vector<1x16xf32>,
        %get3A_709 = vector.shape_cast %get3A_708 : vector<1x16xf32> to vector<16xf32>
        %get3A_710 = arith.index_cast %scan3A_231 : i32 to index
        %get3A_711 = arith.constant 544 : index
        %get3A_712 = tpu.vector_load %arg7[%get3A_710, %get3A_711] {strides = array<i32>} : memref<32x768xf32, #tpu.memory_space<vmem>>, vector<1x16xf32>,
        %get3A_713 = vector.shape_cast %get3A_712 : vector<1x16xf32> to vector<16xf32>
        %add3A_714 = arith.addf %get3A_709, %get3A_713 : vector<16xf32>
        %swap3A_715 = arith.index_cast %scan3A_231 : i32 to index
        %swap3A_716 = arith.constant 544 : index
        %swap3A_717 = tpu.vector_load %arg5[%swap3A_715, %swap3A_716] {strides = array<i32>} : memref<32x768xf32, #tpu.memory_space<vmem>>, vector<1x16xf32>,
        %swap3A_718 = vector.shape_cast %swap3A_717 : vector<1x16xf32> to vector<16xf32>
        %swap3A_719 = vector.shape_cast %add3A_714 : vector<16xf32> to vector<1x16xf32>
        tpu.vector_store %arg5[%swap3A_715, %swap3A_716], %swap3A_719 {strides = array<i32>} : memref<32x768xf32, #tpu.memory_space<vmem>>, vector<1x16xf32>,
        %get3A_720 = arith.index_cast %scan3A_231 : i32 to index
        %get3A_721 = arith.constant 560 : index
        %get3A_722 = tpu.vector_load %arg5[%get3A_720, %get3A_721] {strides = array<i32>} : memref<32x768xf32, #tpu.memory_space<vmem>>, vector<1x16xf32>,
        %get3A_723 = vector.shape_cast %get3A_722 : vector<1x16xf32> to vector<16xf32>
        %get3A_724 = arith.index_cast %scan3A_231 : i32 to index
        %get3A_725 = arith.constant 560 : index
        %get3A_726 = tpu.vector_load %arg7[%get3A_724, %get3A_725] {strides = array<i32>} : memref<32x768xf32, #tpu.memory_space<vmem>>, vector<1x16xf32>,
        %get3A_727 = vector.shape_cast %get3A_726 : vector<1x16xf32> to vector<16xf32>
        %add3A_728 = arith.addf %get3A_723, %get3A_727 : vector<16xf32>
        %swap3A_729 = arith.index_cast %scan3A_231 : i32 to index
        %swap3A_730 = arith.constant 560 : index
        %swap3A_731 = tpu.vector_load %arg5[%swap3A_729, %swap3A_730] {strides = array<i32>} : memref<32x768xf32, #tpu.memory_space<vmem>>, vector<1x16xf32>,
        %swap3A_732 = vector.shape_cast %swap3A_731 : vector<1x16xf32> to vector<16xf32>
        %swap3A_733 = vector.shape_cast %add3A_728 : vector<16xf32> to vector<1x16xf32>
        tpu.vector_store %arg5[%swap3A_729, %swap3A_730], %swap3A_733 {strides = array<i32>} : memref<32x768xf32, #tpu.memory_space<vmem>>, vector<1x16xf32>,
        %get3A_734 = arith.index_cast %scan3A_231 : i32 to index
        %get3A_735 = arith.constant 576 : index
        %get3A_736 = tpu.vector_load %arg5[%get3A_734, %get3A_735] {strides = array<i32>} : memref<32x768xf32, #tpu.memory_space<vmem>>, vector<1x16xf32>,
        %get3A_737 = vector.shape_cast %get3A_736 : vector<1x16xf32> to vector<16xf32>
        %get3A_738 = arith.index_cast %scan3A_231 : i32 to index
        %get3A_739 = arith.constant 576 : index
        %get3A_740 = tpu.vector_load %arg7[%get3A_738, %get3A_739] {strides = array<i32>} : memref<32x768xf32, #tpu.memory_space<vmem>>, vector<1x16xf32>,
        %get3A_741 = vector.shape_cast %get3A_740 : vector<1x16xf32> to vector<16xf32>
        %add3A_742 = arith.addf %get3A_737, %get3A_741 : vector<16xf32>
        %swap3A_743 = arith.index_cast %scan3A_231 : i32 to index
        %swap3A_744 = arith.constant 576 : index
        %swap3A_745 = tpu.vector_load %arg5[%swap3A_743, %swap3A_744] {strides = array<i32>} : memref<32x768xf32, #tpu.memory_space<vmem>>, vector<1x16xf32>,
        %swap3A_746 = vector.shape_cast %swap3A_745 : vector<1x16xf32> to vector<16xf32>
        %swap3A_747 = vector.shape_cast %add3A_742 : vector<16xf32> to vector<1x16xf32>
        tpu.vector_store %arg5[%swap3A_743, %swap3A_744], %swap3A_747 {strides = array<i32>} : memref<32x768xf32, #tpu.memory_space<vmem>>, vector<1x16xf32>,
        %get3A_748 = arith.index_cast %scan3A_231 : i32 to index
        %get3A_749 = arith.constant 592 : index
        %get3A_750 = tpu.vector_load %arg5[%get3A_748, %get3A_749] {strides = array<i32>} : memref<32x768xf32, #tpu.memory_space<vmem>>, vector<1x16xf32>,
        %get3A_751 = vector.shape_cast %get3A_750 : vector<1x16xf32> to vector<16xf32>
        %get3A_752 = arith.index_cast %scan3A_231 : i32 to index
        %get3A_753 = arith.constant 592 : index
        %get3A_754 = tpu.vector_load %arg7[%get3A_752, %get3A_753] {strides = array<i32>} : memref<32x768xf32, #tpu.memory_space<vmem>>, vector<1x16xf32>,
        %get3A_755 = vector.shape_cast %get3A_754 : vector<1x16xf32> to vector<16xf32>
        %add3A_756 = arith.addf %get3A_751, %get3A_755 : vector<16xf32>
        %swap3A_757 = arith.index_cast %scan3A_231 : i32 to index
        %swap3A_758 = arith.constant 592 : index
        %swap3A_759 = tpu.vector_load %arg5[%swap3A_757, %swap3A_758] {strides = array<i32>} : memref<32x768xf32, #tpu.memory_space<vmem>>, vector<1x16xf32>,
        %swap3A_760 = vector.shape_cast %swap3A_759 : vector<1x16xf32> to vector<16xf32>
        %swap3A_761 = vector.shape_cast %add3A_756 : vector<16xf32> to vector<1x16xf32>
        tpu.vector_store %arg5[%swap3A_757, %swap3A_758], %swap3A_761 {strides = array<i32>} : memref<32x768xf32, #tpu.memory_space<vmem>>, vector<1x16xf32>,
        %get3A_762 = arith.index_cast %scan3A_231 : i32 to index
        %get3A_763 = arith.constant 608 : index
        %get3A_764 = tpu.vector_load %arg5[%get3A_762, %get3A_763] {strides = array<i32>} : memref<32x768xf32, #tpu.memory_space<vmem>>, vector<1x16xf32>,
        %get3A_765 = vector.shape_cast %get3A_764 : vector<1x16xf32> to vector<16xf32>
        %get3A_766 = arith.index_cast %scan3A_231 : i32 to index
        %get3A_767 = arith.constant 608 : index
        %get3A_768 = tpu.vector_load %arg7[%get3A_766, %get3A_767] {strides = array<i32>} : memref<32x768xf32, #tpu.memory_space<vmem>>, vector<1x16xf32>,
        %get3A_769 = vector.shape_cast %get3A_768 : vector<1x16xf32> to vector<16xf32>
        %add3A_770 = arith.addf %get3A_765, %get3A_769 : vector<16xf32>
        %swap3A_771 = arith.index_cast %scan3A_231 : i32 to index
        %swap3A_772 = arith.constant 608 : index
        %swap3A_773 = tpu.vector_load %arg5[%swap3A_771, %swap3A_772] {strides = array<i32>} : memref<32x768xf32, #tpu.memory_space<vmem>>, vector<1x16xf32>,
        %swap3A_774 = vector.shape_cast %swap3A_773 : vector<1x16xf32> to vector<16xf32>
        %swap3A_775 = vector.shape_cast %add3A_770 : vector<16xf32> to vector<1x16xf32>
        tpu.vector_store %arg5[%swap3A_771, %swap3A_772], %swap3A_775 {strides = array<i32>} : memref<32x768xf32, #tpu.memory_space<vmem>>, vector<1x16xf32>,
        %get3A_776 = arith.index_cast %scan3A_231 : i32 to index
        %get3A_777 = arith.constant 624 : index
        %get3A_778 = tpu.vector_load %arg5[%get3A_776, %get3A_777] {strides = array<i32>} : memref<32x768xf32, #tpu.memory_space<vmem>>, vector<1x16xf32>,
        %get3A_779 = vector.shape_cast %get3A_778 : vector<1x16xf32> to vector<16xf32>
        %get3A_780 = arith.index_cast %scan3A_231 : i32 to index
        %get3A_781 = arith.constant 624 : index
        %get3A_782 = tpu.vector_load %arg7[%get3A_780, %get3A_781] {strides = array<i32>} : memref<32x768xf32, #tpu.memory_space<vmem>>, vector<1x16xf32>,
        %get3A_783 = vector.shape_cast %get3A_782 : vector<1x16xf32> to vector<16xf32>
        %add3A_784 = arith.addf %get3A_779, %get3A_783 : vector<16xf32>
        %swap3A_785 = arith.index_cast %scan3A_231 : i32 to index
        %swap3A_786 = arith.constant 624 : index
        %swap3A_787 = tpu.vector_load %arg5[%swap3A_785, %swap3A_786] {strides = array<i32>} : memref<32x768xf32, #tpu.memory_space<vmem>>, vector<1x16xf32>,
        %swap3A_788 = vector.shape_cast %swap3A_787 : vector<1x16xf32> to vector<16xf32>
        %swap3A_789 = vector.shape_cast %add3A_784 : vector<16xf32> to vector<1x16xf32>
        tpu.vector_store %arg5[%swap3A_785, %swap3A_786], %swap3A_789 {strides = array<i32>} : memref<32x768xf32, #tpu.memory_space<vmem>>, vector<1x16xf32>,
        %get3A_790 = arith.index_cast %scan3A_231 : i32 to index
        %get3A_791 = arith.constant 640 : index
        %get3A_792 = tpu.vector_load %arg5[%get3A_790, %get3A_791] {strides = array<i32>} : memref<32x768xf32, #tpu.memory_space<vmem>>, vector<1x16xf32>,
        %get3A_793 = vector.shape_cast %get3A_792 : vector<1x16xf32> to vector<16xf32>
        %get3A_794 = arith.index_cast %scan3A_231 : i32 to index
        %get3A_795 = arith.constant 640 : index
        %get3A_796 = tpu.vector_load %arg7[%get3A_794, %get3A_795] {strides = array<i32>} : memref<32x768xf32, #tpu.memory_space<vmem>>, vector<1x16xf32>,
        %get3A_797 = vector.shape_cast %get3A_796 : vector<1x16xf32> to vector<16xf32>
        %add3A_798 = arith.addf %get3A_793, %get3A_797 : vector<16xf32>
        %swap3A_799 = arith.index_cast %scan3A_231 : i32 to index
        %swap3A_800 = arith.constant 640 : index
        %swap3A_801 = tpu.vector_load %arg5[%swap3A_799, %swap3A_800] {strides = array<i32>} : memref<32x768xf32, #tpu.memory_space<vmem>>, vector<1x16xf32>,
        %swap3A_802 = vector.shape_cast %swap3A_801 : vector<1x16xf32> to vector<16xf32>
        %swap3A_803 = vector.shape_cast %add3A_798 : vector<16xf32> to vector<1x16xf32>
        tpu.vector_store %arg5[%swap3A_799, %swap3A_800], %swap3A_803 {strides = array<i32>} : memref<32x768xf32, #tpu.memory_space<vmem>>, vector<1x16xf32>,
        %get3A_804 = arith.index_cast %scan3A_231 : i32 to index
        %get3A_805 = arith.constant 656 : index
        %get3A_806 = tpu.vector_load %arg5[%get3A_804, %get3A_805] {strides = array<i32>} : memref<32x768xf32, #tpu.memory_space<vmem>>, vector<1x16xf32>,
        %get3A_807 = vector.shape_cast %get3A_806 : vector<1x16xf32> to vector<16xf32>
        %get3A_808 = arith.index_cast %scan3A_231 : i32 to index
        %get3A_809 = arith.constant 656 : index
        %get3A_810 = tpu.vector_load %arg7[%get3A_808, %get3A_809] {strides = array<i32>} : memref<32x768xf32, #tpu.memory_space<vmem>>, vector<1x16xf32>,
        %get3A_811 = vector.shape_cast %get3A_810 : vector<1x16xf32> to vector<16xf32>
        %add3A_812 = arith.addf %get3A_807, %get3A_811 : vector<16xf32>
        %swap3A_813 = arith.index_cast %scan3A_231 : i32 to index
        %swap3A_814 = arith.constant 656 : index
        %swap3A_815 = tpu.vector_load %arg5[%swap3A_813, %swap3A_814] {strides = array<i32>} : memref<32x768xf32, #tpu.memory_space<vmem>>, vector<1x16xf32>,
        %swap3A_816 = vector.shape_cast %swap3A_815 : vector<1x16xf32> to vector<16xf32>
        %swap3A_817 = vector.shape_cast %add3A_812 : vector<16xf32> to vector<1x16xf32>
        tpu.vector_store %arg5[%swap3A_813, %swap3A_814], %swap3A_817 {strides = array<i32>} : memref<32x768xf32, #tpu.memory_space<vmem>>, vector<1x16xf32>,
        %get3A_818 = arith.index_cast %scan3A_231 : i32 to index
        %get3A_819 = arith.constant 672 : index
        %get3A_820 = tpu.vector_load %arg5[%get3A_818, %get3A_819] {strides = array<i32>} : memref<32x768xf32, #tpu.memory_space<vmem>>, vector<1x16xf32>,
        %get3A_821 = vector.shape_cast %get3A_820 : vector<1x16xf32> to vector<16xf32>
        %get3A_822 = arith.index_cast %scan3A_231 : i32 to index
        %get3A_823 = arith.constant 672 : index
        %get3A_824 = tpu.vector_load %arg7[%get3A_822, %get3A_823] {strides = array<i32>} : memref<32x768xf32, #tpu.memory_space<vmem>>, vector<1x16xf32>,
        %get3A_825 = vector.shape_cast %get3A_824 : vector<1x16xf32> to vector<16xf32>
        %add3A_826 = arith.addf %get3A_821, %get3A_825 : vector<16xf32>
        %swap3A_827 = arith.index_cast %scan3A_231 : i32 to index
        %swap3A_828 = arith.constant 672 : index
        %swap3A_829 = tpu.vector_load %arg5[%swap3A_827, %swap3A_828] {strides = array<i32>} : memref<32x768xf32, #tpu.memory_space<vmem>>, vector<1x16xf32>,
        %swap3A_830 = vector.shape_cast %swap3A_829 : vector<1x16xf32> to vector<16xf32>
        %swap3A_831 = vector.shape_cast %add3A_826 : vector<16xf32> to vector<1x16xf32>
        tpu.vector_store %arg5[%swap3A_827, %swap3A_828], %swap3A_831 {strides = array<i32>} : memref<32x768xf32, #tpu.memory_space<vmem>>, vector<1x16xf32>,
        %get3A_832 = arith.index_cast %scan3A_231 : i32 to index
        %get3A_833 = arith.constant 688 : index
        %get3A_834 = tpu.vector_load %arg5[%get3A_832, %get3A_833] {strides = array<i32>} : memref<32x768xf32, #tpu.memory_space<vmem>>, vector<1x16xf32>,
        %get3A_835 = vector.shape_cast %get3A_834 : vector<1x16xf32> to vector<16xf32>
        %get3A_836 = arith.index_cast %scan3A_231 : i32 to index
        %get3A_837 = arith.constant 688 : index
        %get3A_838 = tpu.vector_load %arg7[%get3A_836, %get3A_837] {strides = array<i32>} : memref<32x768xf32, #tpu.memory_space<vmem>>, vector<1x16xf32>,
        %get3A_839 = vector.shape_cast %get3A_838 : vector<1x16xf32> to vector<16xf32>
        %add3A_840 = arith.addf %get3A_835, %get3A_839 : vector<16xf32>
        %swap3A_841 = arith.index_cast %scan3A_231 : i32 to index
        %swap3A_842 = arith.constant 688 : index
        %swap3A_843 = tpu.vector_load %arg5[%swap3A_841, %swap3A_842] {strides = array<i32>} : memref<32x768xf32, #tpu.memory_space<vmem>>, vector<1x16xf32>,
        %swap3A_844 = vector.shape_cast %swap3A_843 : vector<1x16xf32> to vector<16xf32>
        %swap3A_845 = vector.shape_cast %add3A_840 : vector<16xf32> to vector<1x16xf32>
        tpu.vector_store %arg5[%swap3A_841, %swap3A_842], %swap3A_845 {strides = array<i32>} : memref<32x768xf32, #tpu.memory_space<vmem>>, vector<1x16xf32>,
        %get3A_846 = arith.index_cast %scan3A_231 : i32 to index
        %get3A_847 = arith.constant 704 : index
        %get3A_848 = tpu.vector_load %arg5[%get3A_846, %get3A_847] {strides = array<i32>} : memref<32x768xf32, #tpu.memory_space<vmem>>, vector<1x16xf32>,
        %get3A_849 = vector.shape_cast %get3A_848 : vector<1x16xf32> to vector<16xf32>
        %get3A_850 = arith.index_cast %scan3A_231 : i32 to index
        %get3A_851 = arith.constant 704 : index
        %get3A_852 = tpu.vector_load %arg7[%get3A_850, %get3A_851] {strides = array<i32>} : memref<32x768xf32, #tpu.memory_space<vmem>>, vector<1x16xf32>,
        %get3A_853 = vector.shape_cast %get3A_852 : vector<1x16xf32> to vector<16xf32>
        %add3A_854 = arith.addf %get3A_849, %get3A_853 : vector<16xf32>
        %swap3A_855 = arith.index_cast %scan3A_231 : i32 to index
        %swap3A_856 = arith.constant 704 : index
        %swap3A_857 = tpu.vector_load %arg5[%swap3A_855, %swap3A_856] {strides = array<i32>} : memref<32x768xf32, #tpu.memory_space<vmem>>, vector<1x16xf32>,
        %swap3A_858 = vector.shape_cast %swap3A_857 : vector<1x16xf32> to vector<16xf32>
        %swap3A_859 = vector.shape_cast %add3A_854 : vector<16xf32> to vector<1x16xf32>
        tpu.vector_store %arg5[%swap3A_855, %swap3A_856], %swap3A_859 {strides = array<i32>} : memref<32x768xf32, #tpu.memory_space<vmem>>, vector<1x16xf32>,
        %get3A_860 = arith.index_cast %scan3A_231 : i32 to index
        %get3A_861 = arith.constant 720 : index
        %get3A_862 = tpu.vector_load %arg5[%get3A_860, %get3A_861] {strides = array<i32>} : memref<32x768xf32, #tpu.memory_space<vmem>>, vector<1x16xf32>,
        %get3A_863 = vector.shape_cast %get3A_862 : vector<1x16xf32> to vector<16xf32>
        %get3A_864 = arith.index_cast %scan3A_231 : i32 to index
        %get3A_865 = arith.constant 720 : index
        %get3A_866 = tpu.vector_load %arg7[%get3A_864, %get3A_865] {strides = array<i32>} : memref<32x768xf32, #tpu.memory_space<vmem>>, vector<1x16xf32>,
        %get3A_867 = vector.shape_cast %get3A_866 : vector<1x16xf32> to vector<16xf32>
        %add3A_868 = arith.addf %get3A_863, %get3A_867 : vector<16xf32>
        %swap3A_869 = arith.index_cast %scan3A_231 : i32 to index
        %swap3A_870 = arith.constant 720 : index
        %swap3A_871 = tpu.vector_load %arg5[%swap3A_869, %swap3A_870] {strides = array<i32>} : memref<32x768xf32, #tpu.memory_space<vmem>>, vector<1x16xf32>,
        %swap3A_872 = vector.shape_cast %swap3A_871 : vector<1x16xf32> to vector<16xf32>
        %swap3A_873 = vector.shape_cast %add3A_868 : vector<16xf32> to vector<1x16xf32>
        tpu.vector_store %arg5[%swap3A_869, %swap3A_870], %swap3A_873 {strides = array<i32>} : memref<32x768xf32, #tpu.memory_space<vmem>>, vector<1x16xf32>,
        %get3A_874 = arith.index_cast %scan3A_231 : i32 to index
        %get3A_875 = arith.constant 736 : index
        %get3A_876 = tpu.vector_load %arg5[%get3A_874, %get3A_875] {strides = array<i32>} : memref<32x768xf32, #tpu.memory_space<vmem>>, vector<1x16xf32>,
        %get3A_877 = vector.shape_cast %get3A_876 : vector<1x16xf32> to vector<16xf32>
        %get3A_878 = arith.index_cast %scan3A_231 : i32 to index
        %get3A_879 = arith.constant 736 : index
        %get3A_880 = tpu.vector_load %arg7[%get3A_878, %get3A_879] {strides = array<i32>} : memref<32x768xf32, #tpu.memory_space<vmem>>, vector<1x16xf32>,
        %get3A_881 = vector.shape_cast %get3A_880 : vector<1x16xf32> to vector<16xf32>
        %add3A_882 = arith.addf %get3A_877, %get3A_881 : vector<16xf32>
        %swap3A_883 = arith.index_cast %scan3A_231 : i32 to index
        %swap3A_884 = arith.constant 736 : index
        %swap3A_885 = tpu.vector_load %arg5[%swap3A_883, %swap3A_884] {strides = array<i32>} : memref<32x768xf32, #tpu.memory_space<vmem>>, vector<1x16xf32>,
        %swap3A_886 = vector.shape_cast %swap3A_885 : vector<1x16xf32> to vector<16xf32>
        %swap3A_887 = vector.shape_cast %add3A_882 : vector<16xf32> to vector<1x16xf32>
        tpu.vector_store %arg5[%swap3A_883, %swap3A_884], %swap3A_887 {strides = array<i32>} : memref<32x768xf32, #tpu.memory_space<vmem>>, vector<1x16xf32>,
        %get3A_888 = arith.index_cast %scan3A_231 : i32 to index
        %get3A_889 = arith.constant 752 : index
        %get3A_890 = tpu.vector_load %arg5[%get3A_888, %get3A_889] {strides = array<i32>} : memref<32x768xf32, #tpu.memory_space<vmem>>, vector<1x16xf32>,
        %get3A_891 = vector.shape_cast %get3A_890 : vector<1x16xf32> to vector<16xf32>
        %get3A_892 = arith.index_cast %scan3A_231 : i32 to index
        %get3A_893 = arith.constant 752 : index
        %get3A_894 = tpu.vector_load %arg7[%get3A_892, %get3A_893] {strides = array<i32>} : memref<32x768xf32, #tpu.memory_space<vmem>>, vector<1x16xf32>,
        %get3A_895 = vector.shape_cast %get3A_894 : vector<1x16xf32> to vector<16xf32>
        %add3A_896 = arith.addf %get3A_891, %get3A_895 : vector<16xf32>
        %swap3A_897 = arith.index_cast %scan3A_231 : i32 to index
        %swap3A_898 = arith.constant 752 : index
        %swap3A_899 = tpu.vector_load %arg5[%swap3A_897, %swap3A_898] {strides = array<i32>} : memref<32x768xf32, #tpu.memory_space<vmem>>, vector<1x16xf32>,
        %swap3A_900 = vector.shape_cast %swap3A_899 : vector<1x16xf32> to vector<16xf32>
        %swap3A_901 = vector.shape_cast %add3A_896 : vector<16xf32> to vector<1x16xf32>
        tpu.vector_store %arg5[%swap3A_897, %swap3A_898], %swap3A_901 {strides = array<i32>} : memref<32x768xf32, #tpu.memory_space<vmem>>, vector<1x16xf32>,
      }
      %scan3A_81 = arith.constant 32 : i32
      %mul3A_82 = arith.constant 32 : i32
      %mul3A_83 = arith.muli %add3A_46, %mul3A_82 : i32
      %dma_start3A_84 = arith.constant 0 : i32
      %dma_start3A_85 = tpu.memref_slice %arg4[%add3A_50, %mul3A_83, %dma_start3A_84] : memref<64x576x768xf32, #tpu.memory_space<hbm>> -> memref<1x32x768xf32, #tpu.memory_space<hbm>>
      %dma_start3A_86 = tpu.memref_squeeze %dma_start3A_85 : memref<1x32x768xf32, #tpu.memory_space<hbm>> -> memref<32x768xf32, #tpu.memory_space<hbm>>
      %dma_start3A_87 = arith.constant 0 : i32
      %dma_start3A_88 = tpu.memref_slice %arg4[%add3A_50, %mul3A_83, %dma_start3A_87] : memref<64x576x768xf32, #tpu.memory_space<hbm>> -> memref<1x32x768xf32, #tpu.memory_space<hbm>>
      %dma_start3A_89 = tpu.memref_squeeze %dma_start3A_88 : memref<1x32x768xf32, #tpu.memory_space<hbm>> -> memref<32x768xf32, #tpu.memory_space<hbm>>
      tpu.enqueue_dma source(%arg5 : memref<32x768xf32, #tpu.memory_space<vmem>>) target(%dma_start3A_89 : memref<32x768xf32, #tpu.memory_space<hbm>>) target_semaphore(%arg13 : memref<!tpu.dma_semaphore, #tpu.memory_space<semaphore_mem>>)
      %add3A_90 = arith.constant 1 : i32
      %add3A_91 = arith.addi %add3A_42, %add3A_90 : i32
      %lt3A = arith.constant 36 : i32
      %lt3A_92 = arith.cmpi slt, %add3A_91, %lt3A : i32
      %convert_element_type3A = arith.extui %lt3A_92 : i1 to i32
      %cond3A = arith.constant 0 : i32
      %cond3A_93 = arith.cmpi ne, %convert_element_type3A, %cond3A : i32
      scf.if %cond3A_93 {
        %ge3A = arith.constant 1 : i32
        %ge3A_231 = arith.cmpi sge, %add3A_42, %ge3A : i32
        %convert_element_type3A_232 = arith.extui %ge3A_231 : i1 to i32
        %cond3A_233 = arith.constant 0 : i32
        %cond3A_234 = arith.cmpi ne, %convert_element_type3A_232, %cond3A_233 : i32
        scf.if %cond3A_234 {
          %dma_wait3A_279 = arith.constant 0 : i32
          %dma_wait3A_280 = arith.constant 0 : i32
          %dma_wait3A_281 = arith.constant 0 : i32
          %dma_wait3A_282 = tpu.memref_slice %arg4[%dma_wait3A_279, %dma_wait3A_280, %dma_wait3A_281] : memref<64x576x768xf32, #tpu.memory_space<hbm>> -> memref<1x32x768xf32, #tpu.memory_space<hbm>>
          %dma_wait3A_283 = tpu.memref_squeeze %dma_wait3A_282 : memref<1x32x768xf32, #tpu.memory_space<hbm>> -> memref<32x768xf32, #tpu.memory_space<hbm>>
          %dma_wait3A_284 = arith.constant 0 : i32
          %dma_wait3A_285 = arith.constant 0 : i32
          %dma_wait3A_286 = tpu.memref_slice %arg4[%dma_wait3A_279, %dma_wait3A_284, %dma_wait3A_285] : memref<64x576x768xf32, #tpu.memory_space<hbm>> -> memref<1x32x768xf32, #tpu.memory_space<hbm>>
          %dma_wait3A_287 = tpu.memref_squeeze %dma_wait3A_286 : memref<1x32x768xf32, #tpu.memory_space<hbm>> -> memref<32x768xf32, #tpu.memory_space<hbm>>
          tpu.wait_dma2 semaphore(%arg14 : memref<!tpu.dma_semaphore, #tpu.memory_space<semaphore_mem>>) src(%arg6 : memref<32x768xf32, #tpu.memory_space<vmem>>) dst(%dma_wait3A_287 : memref<32x768xf32, #tpu.memory_space<hbm>>)
        } else {
        }
        %add3A_235 = arith.constant 1 : i32
        %add3A_236 = arith.addi %add3A_42, %add3A_235 : i32
        %jit3A = arith.constant 2 : i32
        %div3A = arith.divsi %add3A_236, %jit3A : i32
        %sign3A = arith.constant 0 : i32
        %sign3A_237 = arith.cmpi sgt, %add3A_236, %sign3A : i32
        %sign3A_238 = arith.extui %sign3A_237 : i1 to i32
        %sign3A_239 = arith.constant 0 : i32
        %sign3A_240 = arith.cmpi slt, %add3A_236, %sign3A_239 : i32
        %sign3A_241 = arith.extui %sign3A_240 : i1 to i32
        %sign3A_242 = arith.subi %sign3A_238, %sign3A_241 : i32
        %sign3A_243 = arith.constant 0 : i32
        %sign3A_244 = arith.cmpi sgt, %jit3A, %sign3A_243 : i32
        %sign3A_245 = arith.extui %sign3A_244 : i1 to i32
        %sign3A_246 = arith.constant 0 : i32
        %sign3A_247 = arith.cmpi slt, %jit3A, %sign3A_246 : i32
        %sign3A_248 = arith.extui %sign3A_247 : i1 to i32
        %sign3A_249 = arith.subi %sign3A_245, %sign3A_248 : i32
        %ne3A = arith.cmpi ne, %sign3A_242, %sign3A_249 : i32
        %rem3A = arith.remsi %add3A_236, %jit3A : i32
        %ne3A_250 = arith.constant 0 : i32
        %ne3A_251 = arith.cmpi ne, %rem3A, %ne3A_250 : i32
        %and3A = arith.andi %ne3A, %ne3A_251 : i1
        %sub3A = arith.constant 1 : i32
        %sub3A_252 = arith.subi %div3A, %sub3A : i32
        %select_n3A = arith.select %and3A, %sub3A_252, %div3A : i32
        %mul3A_253 = arith.constant 2 : i32
        %mul3A_254 = arith.muli %add3A, %mul3A_253 : i32
        %jit3A_255 = arith.constant 2 : i32
        %eq3A = arith.constant 0 : i32
        %eq3A_256 = arith.cmpi eq, %jit3A_255, %eq3A : i32
        %jit3A_257 = arith.constant 1 : i32
        %select_n3A_258 = arith.select %eq3A_256, %jit3A_257, %jit3A_255 : i32
        %rem3A_259 = arith.remsi %add3A_236, %select_n3A_258 : i32
        %ne3A_260 = arith.constant 0 : i32
        %ne3A_261 = arith.cmpi ne, %rem3A_259, %ne3A_260 : i32
        %lt3A_262 = arith.constant 0 : i32
        %lt3A_263 = arith.cmpi slt, %rem3A_259, %lt3A_262 : i32
        %lt3A_264 = arith.constant 0 : i32
        %lt3A_265 = arith.cmpi slt, %select_n3A_258, %lt3A_264 : i32
        %ne3A_266 = arith.xori %lt3A_263, %lt3A_265 : i1
        %and3A_267 = arith.andi %ne3A_266, %ne3A_261 : i1
        %add3A_268 = arith.addi %rem3A_259, %select_n3A_258 : i32
        %select_n3A_269 = arith.select %and3A_267, %add3A_268, %rem3A_259 : i32
        %add3A_270 = arith.addi %mul3A_254, %select_n3A_269 : i32
        %mul3A_271 = arith.constant 32 : i32
        %mul3A_272 = arith.muli %select_n3A, %mul3A_271 : i32
        %dma_start3A_273 = arith.constant 0 : i32
        %dma_start3A_274 = tpu.memref_slice %arg2[%add3A_270, %mul3A_272, %dma_start3A_273] : memref<64x576x768xf32, #tpu.memory_space<hbm>> -> memref<1x32x768xf32, #tpu.memory_space<hbm>>
        %dma_start3A_275 = tpu.memref_squeeze %dma_start3A_274 : memref<1x32x768xf32, #tpu.memory_space<hbm>> -> memref<32x768xf32, #tpu.memory_space<hbm>>
        %dma_start3A_276 = arith.constant 0 : i32
        %dma_start3A_277 = tpu.memref_slice %arg2[%add3A_270, %mul3A_272, %dma_start3A_276] : memref<64x576x768xf32, #tpu.memory_space<hbm>> -> memref<1x32x768xf32, #tpu.memory_space<hbm>>
        %dma_start3A_278 = tpu.memref_squeeze %dma_start3A_277 : memref<1x32x768xf32, #tpu.memory_space<hbm>> -> memref<32x768xf32, #tpu.memory_space<hbm>>
        tpu.enqueue_dma source(%dma_start3A_278 : memref<32x768xf32, #tpu.memory_space<hbm>>) target(%arg6 : memref<32x768xf32, #tpu.memory_space<vmem>>) target_semaphore(%arg12 : memref<!tpu.dma_semaphore, #tpu.memory_space<semaphore_mem>>)
      } else {
      }
      %mul3A_94 = arith.constant 4 : i32
      %mul3A_95 = arith.muli %scan3A_38, %mul3A_94 : i32
      %add3A_96 = arith.constant 1 : i32
      %add3A_97 = arith.addi %mul3A_95, %add3A_96 : i32
      %mul3A_98 = arith.constant 2 : i32
      %mul3A_99 = arith.muli %mul3A_98, %scan3A_38 : i32
      %add3A_100 = arith.constant 0 : i32
      %add3A_101 = arith.addi %mul3A_99, %add3A_100 : i32
      %mul3A_102 = arith.constant 2 : i32
      %mul3A_103 = arith.muli %add3A, %mul3A_102 : i32
      %add3A_104 = arith.constant 1 : i32
      %add3A_105 = arith.addi %mul3A_103, %add3A_104 : i32
      %dma_wait3A_106 = arith.constant 0 : i32
      %dma_wait3A_107 = arith.constant 0 : i32
      %dma_wait3A_108 = arith.constant 0 : i32
      %dma_wait3A_109 = tpu.memref_slice %arg2[%dma_wait3A_106, %dma_wait3A_107, %dma_wait3A_108] : memref<64x576x768xf32, #tpu.memory_space<hbm>> -> memref<1x32x768xf32, #tpu.memory_space<hbm>>
      %dma_wait3A_110 = tpu.memref_squeeze %dma_wait3A_109 : memref<1x32x768xf32, #tpu.memory_space<hbm>> -> memref<32x768xf32, #tpu.memory_space<hbm>>
      %dma_wait3A_111 = arith.constant 0 : i32
      %dma_wait3A_112 = arith.constant 0 : i32
      %dma_wait3A_113 = tpu.memref_slice %arg2[%dma_wait3A_106, %dma_wait3A_111, %dma_wait3A_112] : memref<64x576x768xf32, #tpu.memory_space<hbm>> -> memref<1x32x768xf32, #tpu.memory_space<hbm>>
      %dma_wait3A_114 = tpu.memref_squeeze %dma_wait3A_113 : memref<1x32x768xf32, #tpu.memory_space<hbm>> -> memref<32x768xf32, #tpu.memory_space<hbm>>
      tpu.wait_dma2 semaphore(%arg12 : memref<!tpu.dma_semaphore, #tpu.memory_space<semaphore_mem>>) src(%dma_wait3A_114 : memref<32x768xf32, #tpu.memory_space<hbm>>) dst(%arg6 : memref<32x768xf32, #tpu.memory_space<vmem>>)
      %scan3A_115 = arith.constant 0 : i32
      %scan3A_116 = arith.constant 0 : i32
      %scan3A_117 = arith.constant 32 : i32
      %scan3A_118 = arith.addi %scan3A_116, %scan3A_117 : i32
      %scan3A_119 = arith.constant 1 : i32
      scf.for %scan3A_231 = %scan3A_116 to %scan3A_118 step %scan3A_119  : i32 {
        %get3A = arith.index_cast %scan3A_231 : i32 to index
        %get3A_232 = arith.constant 0 : index
        %get3A_233 = tpu.vector_load %arg6[%get3A, %get3A_232] {strides = array<i32>} : memref<32x768xf32, #tpu.memory_space<vmem>>, vector<1x16xf32>,
        %get3A_234 = vector.shape_cast %get3A_233 : vector<1x16xf32> to vector<16xf32>
        %get3A_235 = arith.index_cast %scan3A_231 : i32 to index
        %get3A_236 = arith.constant 0 : index
        %get3A_237 = tpu.vector_load %arg7[%get3A_235, %get3A_236] {strides = array<i32>} : memref<32x768xf32, #tpu.memory_space<vmem>>, vector<1x16xf32>,
        %get3A_238 = vector.shape_cast %get3A_237 : vector<1x16xf32> to vector<16xf32>
        %add3A_239 = arith.addf %get3A_234, %get3A_238 : vector<16xf32>
        %swap3A = arith.index_cast %scan3A_231 : i32 to index
        %swap3A_240 = arith.constant 0 : index
        %swap3A_241 = tpu.vector_load %arg6[%swap3A, %swap3A_240] {strides = array<i32>} : memref<32x768xf32, #tpu.memory_space<vmem>>, vector<1x16xf32>,
        %swap3A_242 = vector.shape_cast %swap3A_241 : vector<1x16xf32> to vector<16xf32>
        %swap3A_243 = vector.shape_cast %add3A_239 : vector<16xf32> to vector<1x16xf32>
        tpu.vector_store %arg6[%swap3A, %swap3A_240], %swap3A_243 {strides = array<i32>} : memref<32x768xf32, #tpu.memory_space<vmem>>, vector<1x16xf32>,
        %get3A_244 = arith.index_cast %scan3A_231 : i32 to index
        %get3A_245 = arith.constant 16 : index
        %get3A_246 = tpu.vector_load %arg6[%get3A_244, %get3A_245] {strides = array<i32>} : memref<32x768xf32, #tpu.memory_space<vmem>>, vector<1x16xf32>,
        %get3A_247 = vector.shape_cast %get3A_246 : vector<1x16xf32> to vector<16xf32>
        %get3A_248 = arith.index_cast %scan3A_231 : i32 to index
        %get3A_249 = arith.constant 16 : index
        %get3A_250 = tpu.vector_load %arg7[%get3A_248, %get3A_249] {strides = array<i32>} : memref<32x768xf32, #tpu.memory_space<vmem>>, vector<1x16xf32>,
        %get3A_251 = vector.shape_cast %get3A_250 : vector<1x16xf32> to vector<16xf32>
        %add3A_252 = arith.addf %get3A_247, %get3A_251 : vector<16xf32>
        %swap3A_253 = arith.index_cast %scan3A_231 : i32 to index
        %swap3A_254 = arith.constant 16 : index
        %swap3A_255 = tpu.vector_load %arg6[%swap3A_253, %swap3A_254] {strides = array<i32>} : memref<32x768xf32, #tpu.memory_space<vmem>>, vector<1x16xf32>,
        %swap3A_256 = vector.shape_cast %swap3A_255 : vector<1x16xf32> to vector<16xf32>
        %swap3A_257 = vector.shape_cast %add3A_252 : vector<16xf32> to vector<1x16xf32>
        tpu.vector_store %arg6[%swap3A_253, %swap3A_254], %swap3A_257 {strides = array<i32>} : memref<32x768xf32, #tpu.memory_space<vmem>>, vector<1x16xf32>,
        %get3A_258 = arith.index_cast %scan3A_231 : i32 to index
        %get3A_259 = arith.constant 32 : index
        %get3A_260 = tpu.vector_load %arg6[%get3A_258, %get3A_259] {strides = array<i32>} : memref<32x768xf32, #tpu.memory_space<vmem>>, vector<1x16xf32>,
        %get3A_261 = vector.shape_cast %get3A_260 : vector<1x16xf32> to vector<16xf32>
        %get3A_262 = arith.index_cast %scan3A_231 : i32 to index
        %get3A_263 = arith.constant 32 : index
        %get3A_264 = tpu.vector_load %arg7[%get3A_262, %get3A_263] {strides = array<i32>} : memref<32x768xf32, #tpu.memory_space<vmem>>, vector<1x16xf32>,
        %get3A_265 = vector.shape_cast %get3A_264 : vector<1x16xf32> to vector<16xf32>
        %add3A_266 = arith.addf %get3A_261, %get3A_265 : vector<16xf32>
        %swap3A_267 = arith.index_cast %scan3A_231 : i32 to index
        %swap3A_268 = arith.constant 32 : index
        %swap3A_269 = tpu.vector_load %arg6[%swap3A_267, %swap3A_268] {strides = array<i32>} : memref<32x768xf32, #tpu.memory_space<vmem>>, vector<1x16xf32>,
        %swap3A_270 = vector.shape_cast %swap3A_269 : vector<1x16xf32> to vector<16xf32>
        %swap3A_271 = vector.shape_cast %add3A_266 : vector<16xf32> to vector<1x16xf32>
        tpu.vector_store %arg6[%swap3A_267, %swap3A_268], %swap3A_271 {strides = array<i32>} : memref<32x768xf32, #tpu.memory_space<vmem>>, vector<1x16xf32>,
        %get3A_272 = arith.index_cast %scan3A_231 : i32 to index
        %get3A_273 = arith.constant 48 : index
        %get3A_274 = tpu.vector_load %arg6[%get3A_272, %get3A_273] {strides = array<i32>} : memref<32x768xf32, #tpu.memory_space<vmem>>, vector<1x16xf32>,
        %get3A_275 = vector.shape_cast %get3A_274 : vector<1x16xf32> to vector<16xf32>
        %get3A_276 = arith.index_cast %scan3A_231 : i32 to index
        %get3A_277 = arith.constant 48 : index
        %get3A_278 = tpu.vector_load %arg7[%get3A_276, %get3A_277] {strides = array<i32>} : memref<32x768xf32, #tpu.memory_space<vmem>>, vector<1x16xf32>,
        %get3A_279 = vector.shape_cast %get3A_278 : vector<1x16xf32> to vector<16xf32>
        %add3A_280 = arith.addf %get3A_275, %get3A_279 : vector<16xf32>
        %swap3A_281 = arith.index_cast %scan3A_231 : i32 to index
        %swap3A_282 = arith.constant 48 : index
        %swap3A_283 = tpu.vector_load %arg6[%swap3A_281, %swap3A_282] {strides = array<i32>} : memref<32x768xf32, #tpu.memory_space<vmem>>, vector<1x16xf32>,
        %swap3A_284 = vector.shape_cast %swap3A_283 : vector<1x16xf32> to vector<16xf32>
        %swap3A_285 = vector.shape_cast %add3A_280 : vector<16xf32> to vector<1x16xf32>
        tpu.vector_store %arg6[%swap3A_281, %swap3A_282], %swap3A_285 {strides = array<i32>} : memref<32x768xf32, #tpu.memory_space<vmem>>, vector<1x16xf32>,
        %get3A_286 = arith.index_cast %scan3A_231 : i32 to index
        %get3A_287 = arith.constant 64 : index
        %get3A_288 = tpu.vector_load %arg6[%get3A_286, %get3A_287] {strides = array<i32>} : memref<32x768xf32, #tpu.memory_space<vmem>>, vector<1x16xf32>,
        %get3A_289 = vector.shape_cast %get3A_288 : vector<1x16xf32> to vector<16xf32>
        %get3A_290 = arith.index_cast %scan3A_231 : i32 to index
        %get3A_291 = arith.constant 64 : index
        %get3A_292 = tpu.vector_load %arg7[%get3A_290, %get3A_291] {strides = array<i32>} : memref<32x768xf32, #tpu.memory_space<vmem>>, vector<1x16xf32>,
        %get3A_293 = vector.shape_cast %get3A_292 : vector<1x16xf32> to vector<16xf32>
        %add3A_294 = arith.addf %get3A_289, %get3A_293 : vector<16xf32>
        %swap3A_295 = arith.index_cast %scan3A_231 : i32 to index
        %swap3A_296 = arith.constant 64 : index
        %swap3A_297 = tpu.vector_load %arg6[%swap3A_295, %swap3A_296] {strides = array<i32>} : memref<32x768xf32, #tpu.memory_space<vmem>>, vector<1x16xf32>,
        %swap3A_298 = vector.shape_cast %swap3A_297 : vector<1x16xf32> to vector<16xf32>
        %swap3A_299 = vector.shape_cast %add3A_294 : vector<16xf32> to vector<1x16xf32>
        tpu.vector_store %arg6[%swap3A_295, %swap3A_296], %swap3A_299 {strides = array<i32>} : memref<32x768xf32, #tpu.memory_space<vmem>>, vector<1x16xf32>,
        %get3A_300 = arith.index_cast %scan3A_231 : i32 to index
        %get3A_301 = arith.constant 80 : index
        %get3A_302 = tpu.vector_load %arg6[%get3A_300, %get3A_301] {strides = array<i32>} : memref<32x768xf32, #tpu.memory_space<vmem>>, vector<1x16xf32>,
        %get3A_303 = vector.shape_cast %get3A_302 : vector<1x16xf32> to vector<16xf32>
        %get3A_304 = arith.index_cast %scan3A_231 : i32 to index
        %get3A_305 = arith.constant 80 : index
        %get3A_306 = tpu.vector_load %arg7[%get3A_304, %get3A_305] {strides = array<i32>} : memref<32x768xf32, #tpu.memory_space<vmem>>, vector<1x16xf32>,
        %get3A_307 = vector.shape_cast %get3A_306 : vector<1x16xf32> to vector<16xf32>
        %add3A_308 = arith.addf %get3A_303, %get3A_307 : vector<16xf32>
        %swap3A_309 = arith.index_cast %scan3A_231 : i32 to index
        %swap3A_310 = arith.constant 80 : index
        %swap3A_311 = tpu.vector_load %arg6[%swap3A_309, %swap3A_310] {strides = array<i32>} : memref<32x768xf32, #tpu.memory_space<vmem>>, vector<1x16xf32>,
        %swap3A_312 = vector.shape_cast %swap3A_311 : vector<1x16xf32> to vector<16xf32>
        %swap3A_313 = vector.shape_cast %add3A_308 : vector<16xf32> to vector<1x16xf32>
        tpu.vector_store %arg6[%swap3A_309, %swap3A_310], %swap3A_313 {strides = array<i32>} : memref<32x768xf32, #tpu.memory_space<vmem>>, vector<1x16xf32>,
        %get3A_314 = arith.index_cast %scan3A_231 : i32 to index
        %get3A_315 = arith.constant 96 : index
        %get3A_316 = tpu.vector_load %arg6[%get3A_314, %get3A_315] {strides = array<i32>} : memref<32x768xf32, #tpu.memory_space<vmem>>, vector<1x16xf32>,
        %get3A_317 = vector.shape_cast %get3A_316 : vector<1x16xf32> to vector<16xf32>
        %get3A_318 = arith.index_cast %scan3A_231 : i32 to index
        %get3A_319 = arith.constant 96 : index
        %get3A_320 = tpu.vector_load %arg7[%get3A_318, %get3A_319] {strides = array<i32>} : memref<32x768xf32, #tpu.memory_space<vmem>>, vector<1x16xf32>,
        %get3A_321 = vector.shape_cast %get3A_320 : vector<1x16xf32> to vector<16xf32>
        %add3A_322 = arith.addf %get3A_317, %get3A_321 : vector<16xf32>
        %swap3A_323 = arith.index_cast %scan3A_231 : i32 to index
        %swap3A_324 = arith.constant 96 : index
        %swap3A_325 = tpu.vector_load %arg6[%swap3A_323, %swap3A_324] {strides = array<i32>} : memref<32x768xf32, #tpu.memory_space<vmem>>, vector<1x16xf32>,
        %swap3A_326 = vector.shape_cast %swap3A_325 : vector<1x16xf32> to vector<16xf32>
        %swap3A_327 = vector.shape_cast %add3A_322 : vector<16xf32> to vector<1x16xf32>
        tpu.vector_store %arg6[%swap3A_323, %swap3A_324], %swap3A_327 {strides = array<i32>} : memref<32x768xf32, #tpu.memory_space<vmem>>, vector<1x16xf32>,
        %get3A_328 = arith.index_cast %scan3A_231 : i32 to index
        %get3A_329 = arith.constant 112 : index
        %get3A_330 = tpu.vector_load %arg6[%get3A_328, %get3A_329] {strides = array<i32>} : memref<32x768xf32, #tpu.memory_space<vmem>>, vector<1x16xf32>,
        %get3A_331 = vector.shape_cast %get3A_330 : vector<1x16xf32> to vector<16xf32>
        %get3A_332 = arith.index_cast %scan3A_231 : i32 to index
        %get3A_333 = arith.constant 112 : index
        %get3A_334 = tpu.vector_load %arg7[%get3A_332, %get3A_333] {strides = array<i32>} : memref<32x768xf32, #tpu.memory_space<vmem>>, vector<1x16xf32>,
        %get3A_335 = vector.shape_cast %get3A_334 : vector<1x16xf32> to vector<16xf32>
        %add3A_336 = arith.addf %get3A_331, %get3A_335 : vector<16xf32>
        %swap3A_337 = arith.index_cast %scan3A_231 : i32 to index
        %swap3A_338 = arith.constant 112 : index
        %swap3A_339 = tpu.vector_load %arg6[%swap3A_337, %swap3A_338] {strides = array<i32>} : memref<32x768xf32, #tpu.memory_space<vmem>>, vector<1x16xf32>,
        %swap3A_340 = vector.shape_cast %swap3A_339 : vector<1x16xf32> to vector<16xf32>
        %swap3A_341 = vector.shape_cast %add3A_336 : vector<16xf32> to vector<1x16xf32>
        tpu.vector_store %arg6[%swap3A_337, %swap3A_338], %swap3A_341 {strides = array<i32>} : memref<32x768xf32, #tpu.memory_space<vmem>>, vector<1x16xf32>,
        %get3A_342 = arith.index_cast %scan3A_231 : i32 to index
        %get3A_343 = arith.constant 128 : index
        %get3A_344 = tpu.vector_load %arg6[%get3A_342, %get3A_343] {strides = array<i32>} : memref<32x768xf32, #tpu.memory_space<vmem>>, vector<1x16xf32>,
        %get3A_345 = vector.shape_cast %get3A_344 : vector<1x16xf32> to vector<16xf32>
        %get3A_346 = arith.index_cast %scan3A_231 : i32 to index
        %get3A_347 = arith.constant 128 : index
        %get3A_348 = tpu.vector_load %arg7[%get3A_346, %get3A_347] {strides = array<i32>} : memref<32x768xf32, #tpu.memory_space<vmem>>, vector<1x16xf32>,
        %get3A_349 = vector.shape_cast %get3A_348 : vector<1x16xf32> to vector<16xf32>
        %add3A_350 = arith.addf %get3A_345, %get3A_349 : vector<16xf32>
        %swap3A_351 = arith.index_cast %scan3A_231 : i32 to index
        %swap3A_352 = arith.constant 128 : index
        %swap3A_353 = tpu.vector_load %arg6[%swap3A_351, %swap3A_352] {strides = array<i32>} : memref<32x768xf32, #tpu.memory_space<vmem>>, vector<1x16xf32>,
        %swap3A_354 = vector.shape_cast %swap3A_353 : vector<1x16xf32> to vector<16xf32>
        %swap3A_355 = vector.shape_cast %add3A_350 : vector<16xf32> to vector<1x16xf32>
        tpu.vector_store %arg6[%swap3A_351, %swap3A_352], %swap3A_355 {strides = array<i32>} : memref<32x768xf32, #tpu.memory_space<vmem>>, vector<1x16xf32>,
        %get3A_356 = arith.index_cast %scan3A_231 : i32 to index
        %get3A_357 = arith.constant 144 : index
        %get3A_358 = tpu.vector_load %arg6[%get3A_356, %get3A_357] {strides = array<i32>} : memref<32x768xf32, #tpu.memory_space<vmem>>, vector<1x16xf32>,
        %get3A_359 = vector.shape_cast %get3A_358 : vector<1x16xf32> to vector<16xf32>
        %get3A_360 = arith.index_cast %scan3A_231 : i32 to index
        %get3A_361 = arith.constant 144 : index
        %get3A_362 = tpu.vector_load %arg7[%get3A_360, %get3A_361] {strides = array<i32>} : memref<32x768xf32, #tpu.memory_space<vmem>>, vector<1x16xf32>,
        %get3A_363 = vector.shape_cast %get3A_362 : vector<1x16xf32> to vector<16xf32>
        %add3A_364 = arith.addf %get3A_359, %get3A_363 : vector<16xf32>
        %swap3A_365 = arith.index_cast %scan3A_231 : i32 to index
        %swap3A_366 = arith.constant 144 : index
        %swap3A_367 = tpu.vector_load %arg6[%swap3A_365, %swap3A_366] {strides = array<i32>} : memref<32x768xf32, #tpu.memory_space<vmem>>, vector<1x16xf32>,
        %swap3A_368 = vector.shape_cast %swap3A_367 : vector<1x16xf32> to vector<16xf32>
        %swap3A_369 = vector.shape_cast %add3A_364 : vector<16xf32> to vector<1x16xf32>
        tpu.vector_store %arg6[%swap3A_365, %swap3A_366], %swap3A_369 {strides = array<i32>} : memref<32x768xf32, #tpu.memory_space<vmem>>, vector<1x16xf32>,
        %get3A_370 = arith.index_cast %scan3A_231 : i32 to index
        %get3A_371 = arith.constant 160 : index
        %get3A_372 = tpu.vector_load %arg6[%get3A_370, %get3A_371] {strides = array<i32>} : memref<32x768xf32, #tpu.memory_space<vmem>>, vector<1x16xf32>,
        %get3A_373 = vector.shape_cast %get3A_372 : vector<1x16xf32> to vector<16xf32>
        %get3A_374 = arith.index_cast %scan3A_231 : i32 to index
        %get3A_375 = arith.constant 160 : index
        %get3A_376 = tpu.vector_load %arg7[%get3A_374, %get3A_375] {strides = array<i32>} : memref<32x768xf32, #tpu.memory_space<vmem>>, vector<1x16xf32>,
        %get3A_377 = vector.shape_cast %get3A_376 : vector<1x16xf32> to vector<16xf32>
        %add3A_378 = arith.addf %get3A_373, %get3A_377 : vector<16xf32>
        %swap3A_379 = arith.index_cast %scan3A_231 : i32 to index
        %swap3A_380 = arith.constant 160 : index
        %swap3A_381 = tpu.vector_load %arg6[%swap3A_379, %swap3A_380] {strides = array<i32>} : memref<32x768xf32, #tpu.memory_space<vmem>>, vector<1x16xf32>,
        %swap3A_382 = vector.shape_cast %swap3A_381 : vector<1x16xf32> to vector<16xf32>
        %swap3A_383 = vector.shape_cast %add3A_378 : vector<16xf32> to vector<1x16xf32>
        tpu.vector_store %arg6[%swap3A_379, %swap3A_380], %swap3A_383 {strides = array<i32>} : memref<32x768xf32, #tpu.memory_space<vmem>>, vector<1x16xf32>,
        %get3A_384 = arith.index_cast %scan3A_231 : i32 to index
        %get3A_385 = arith.constant 176 : index
        %get3A_386 = tpu.vector_load %arg6[%get3A_384, %get3A_385] {strides = array<i32>} : memref<32x768xf32, #tpu.memory_space<vmem>>, vector<1x16xf32>,
        %get3A_387 = vector.shape_cast %get3A_386 : vector<1x16xf32> to vector<16xf32>
        %get3A_388 = arith.index_cast %scan3A_231 : i32 to index
        %get3A_389 = arith.constant 176 : index
        %get3A_390 = tpu.vector_load %arg7[%get3A_388, %get3A_389] {strides = array<i32>} : memref<32x768xf32, #tpu.memory_space<vmem>>, vector<1x16xf32>,
        %get3A_391 = vector.shape_cast %get3A_390 : vector<1x16xf32> to vector<16xf32>
        %add3A_392 = arith.addf %get3A_387, %get3A_391 : vector<16xf32>
        %swap3A_393 = arith.index_cast %scan3A_231 : i32 to index
        %swap3A_394 = arith.constant 176 : index
        %swap3A_395 = tpu.vector_load %arg6[%swap3A_393, %swap3A_394] {strides = array<i32>} : memref<32x768xf32, #tpu.memory_space<vmem>>, vector<1x16xf32>,
        %swap3A_396 = vector.shape_cast %swap3A_395 : vector<1x16xf32> to vector<16xf32>
        %swap3A_397 = vector.shape_cast %add3A_392 : vector<16xf32> to vector<1x16xf32>
        tpu.vector_store %arg6[%swap3A_393, %swap3A_394], %swap3A_397 {strides = array<i32>} : memref<32x768xf32, #tpu.memory_space<vmem>>, vector<1x16xf32>,
        %get3A_398 = arith.index_cast %scan3A_231 : i32 to index
        %get3A_399 = arith.constant 192 : index
        %get3A_400 = tpu.vector_load %arg6[%get3A_398, %get3A_399] {strides = array<i32>} : memref<32x768xf32, #tpu.memory_space<vmem>>, vector<1x16xf32>,
        %get3A_401 = vector.shape_cast %get3A_400 : vector<1x16xf32> to vector<16xf32>
        %get3A_402 = arith.index_cast %scan3A_231 : i32 to index
        %get3A_403 = arith.constant 192 : index
        %get3A_404 = tpu.vector_load %arg7[%get3A_402, %get3A_403] {strides = array<i32>} : memref<32x768xf32, #tpu.memory_space<vmem>>, vector<1x16xf32>,
        %get3A_405 = vector.shape_cast %get3A_404 : vector<1x16xf32> to vector<16xf32>
        %add3A_406 = arith.addf %get3A_401, %get3A_405 : vector<16xf32>
        %swap3A_407 = arith.index_cast %scan3A_231 : i32 to index
        %swap3A_408 = arith.constant 192 : index
        %swap3A_409 = tpu.vector_load %arg6[%swap3A_407, %swap3A_408] {strides = array<i32>} : memref<32x768xf32, #tpu.memory_space<vmem>>, vector<1x16xf32>,
        %swap3A_410 = vector.shape_cast %swap3A_409 : vector<1x16xf32> to vector<16xf32>
        %swap3A_411 = vector.shape_cast %add3A_406 : vector<16xf32> to vector<1x16xf32>
        tpu.vector_store %arg6[%swap3A_407, %swap3A_408], %swap3A_411 {strides = array<i32>} : memref<32x768xf32, #tpu.memory_space<vmem>>, vector<1x16xf32>,
        %get3A_412 = arith.index_cast %scan3A_231 : i32 to index
        %get3A_413 = arith.constant 208 : index
        %get3A_414 = tpu.vector_load %arg6[%get3A_412, %get3A_413] {strides = array<i32>} : memref<32x768xf32, #tpu.memory_space<vmem>>, vector<1x16xf32>,
        %get3A_415 = vector.shape_cast %get3A_414 : vector<1x16xf32> to vector<16xf32>
        %get3A_416 = arith.index_cast %scan3A_231 : i32 to index
        %get3A_417 = arith.constant 208 : index
        %get3A_418 = tpu.vector_load %arg7[%get3A_416, %get3A_417] {strides = array<i32>} : memref<32x768xf32, #tpu.memory_space<vmem>>, vector<1x16xf32>,
        %get3A_419 = vector.shape_cast %get3A_418 : vector<1x16xf32> to vector<16xf32>
        %add3A_420 = arith.addf %get3A_415, %get3A_419 : vector<16xf32>
        %swap3A_421 = arith.index_cast %scan3A_231 : i32 to index
        %swap3A_422 = arith.constant 208 : index
        %swap3A_423 = tpu.vector_load %arg6[%swap3A_421, %swap3A_422] {strides = array<i32>} : memref<32x768xf32, #tpu.memory_space<vmem>>, vector<1x16xf32>,
        %swap3A_424 = vector.shape_cast %swap3A_423 : vector<1x16xf32> to vector<16xf32>
        %swap3A_425 = vector.shape_cast %add3A_420 : vector<16xf32> to vector<1x16xf32>
        tpu.vector_store %arg6[%swap3A_421, %swap3A_422], %swap3A_425 {strides = array<i32>} : memref<32x768xf32, #tpu.memory_space<vmem>>, vector<1x16xf32>,
        %get3A_426 = arith.index_cast %scan3A_231 : i32 to index
        %get3A_427 = arith.constant 224 : index
        %get3A_428 = tpu.vector_load %arg6[%get3A_426, %get3A_427] {strides = array<i32>} : memref<32x768xf32, #tpu.memory_space<vmem>>, vector<1x16xf32>,
        %get3A_429 = vector.shape_cast %get3A_428 : vector<1x16xf32> to vector<16xf32>
        %get3A_430 = arith.index_cast %scan3A_231 : i32 to index
        %get3A_431 = arith.constant 224 : index
        %get3A_432 = tpu.vector_load %arg7[%get3A_430, %get3A_431] {strides = array<i32>} : memref<32x768xf32, #tpu.memory_space<vmem>>, vector<1x16xf32>,
        %get3A_433 = vector.shape_cast %get3A_432 : vector<1x16xf32> to vector<16xf32>
        %add3A_434 = arith.addf %get3A_429, %get3A_433 : vector<16xf32>
        %swap3A_435 = arith.index_cast %scan3A_231 : i32 to index
        %swap3A_436 = arith.constant 224 : index
        %swap3A_437 = tpu.vector_load %arg6[%swap3A_435, %swap3A_436] {strides = array<i32>} : memref<32x768xf32, #tpu.memory_space<vmem>>, vector<1x16xf32>,
        %swap3A_438 = vector.shape_cast %swap3A_437 : vector<1x16xf32> to vector<16xf32>
        %swap3A_439 = vector.shape_cast %add3A_434 : vector<16xf32> to vector<1x16xf32>
        tpu.vector_store %arg6[%swap3A_435, %swap3A_436], %swap3A_439 {strides = array<i32>} : memref<32x768xf32, #tpu.memory_space<vmem>>, vector<1x16xf32>,
        %get3A_440 = arith.index_cast %scan3A_231 : i32 to index
        %get3A_441 = arith.constant 240 : index
        %get3A_442 = tpu.vector_load %arg6[%get3A_440, %get3A_441] {strides = array<i32>} : memref<32x768xf32, #tpu.memory_space<vmem>>, vector<1x16xf32>,
        %get3A_443 = vector.shape_cast %get3A_442 : vector<1x16xf32> to vector<16xf32>
        %get3A_444 = arith.index_cast %scan3A_231 : i32 to index
        %get3A_445 = arith.constant 240 : index
        %get3A_446 = tpu.vector_load %arg7[%get3A_444, %get3A_445] {strides = array<i32>} : memref<32x768xf32, #tpu.memory_space<vmem>>, vector<1x16xf32>,
        %get3A_447 = vector.shape_cast %get3A_446 : vector<1x16xf32> to vector<16xf32>
        %add3A_448 = arith.addf %get3A_443, %get3A_447 : vector<16xf32>
        %swap3A_449 = arith.index_cast %scan3A_231 : i32 to index
        %swap3A_450 = arith.constant 240 : index
        %swap3A_451 = tpu.vector_load %arg6[%swap3A_449, %swap3A_450] {strides = array<i32>} : memref<32x768xf32, #tpu.memory_space<vmem>>, vector<1x16xf32>,
        %swap3A_452 = vector.shape_cast %swap3A_451 : vector<1x16xf32> to vector<16xf32>
        %swap3A_453 = vector.shape_cast %add3A_448 : vector<16xf32> to vector<1x16xf32>
        tpu.vector_store %arg6[%swap3A_449, %swap3A_450], %swap3A_453 {strides = array<i32>} : memref<32x768xf32, #tpu.memory_space<vmem>>, vector<1x16xf32>,
        %get3A_454 = arith.index_cast %scan3A_231 : i32 to index
        %get3A_455 = arith.constant 256 : index
        %get3A_456 = tpu.vector_load %arg6[%get3A_454, %get3A_455] {strides = array<i32>} : memref<32x768xf32, #tpu.memory_space<vmem>>, vector<1x16xf32>,
        %get3A_457 = vector.shape_cast %get3A_456 : vector<1x16xf32> to vector<16xf32>
        %get3A_458 = arith.index_cast %scan3A_231 : i32 to index
        %get3A_459 = arith.constant 256 : index
        %get3A_460 = tpu.vector_load %arg7[%get3A_458, %get3A_459] {strides = array<i32>} : memref<32x768xf32, #tpu.memory_space<vmem>>, vector<1x16xf32>,
        %get3A_461 = vector.shape_cast %get3A_460 : vector<1x16xf32> to vector<16xf32>
        %add3A_462 = arith.addf %get3A_457, %get3A_461 : vector<16xf32>
        %swap3A_463 = arith.index_cast %scan3A_231 : i32 to index
        %swap3A_464 = arith.constant 256 : index
        %swap3A_465 = tpu.vector_load %arg6[%swap3A_463, %swap3A_464] {strides = array<i32>} : memref<32x768xf32, #tpu.memory_space<vmem>>, vector<1x16xf32>,
        %swap3A_466 = vector.shape_cast %swap3A_465 : vector<1x16xf32> to vector<16xf32>
        %swap3A_467 = vector.shape_cast %add3A_462 : vector<16xf32> to vector<1x16xf32>
        tpu.vector_store %arg6[%swap3A_463, %swap3A_464], %swap3A_467 {strides = array<i32>} : memref<32x768xf32, #tpu.memory_space<vmem>>, vector<1x16xf32>,
        %get3A_468 = arith.index_cast %scan3A_231 : i32 to index
        %get3A_469 = arith.constant 272 : index
        %get3A_470 = tpu.vector_load %arg6[%get3A_468, %get3A_469] {strides = array<i32>} : memref<32x768xf32, #tpu.memory_space<vmem>>, vector<1x16xf32>,
        %get3A_471 = vector.shape_cast %get3A_470 : vector<1x16xf32> to vector<16xf32>
        %get3A_472 = arith.index_cast %scan3A_231 : i32 to index
        %get3A_473 = arith.constant 272 : index
        %get3A_474 = tpu.vector_load %arg7[%get3A_472, %get3A_473] {strides = array<i32>} : memref<32x768xf32, #tpu.memory_space<vmem>>, vector<1x16xf32>,
        %get3A_475 = vector.shape_cast %get3A_474 : vector<1x16xf32> to vector<16xf32>
        %add3A_476 = arith.addf %get3A_471, %get3A_475 : vector<16xf32>
        %swap3A_477 = arith.index_cast %scan3A_231 : i32 to index
        %swap3A_478 = arith.constant 272 : index
        %swap3A_479 = tpu.vector_load %arg6[%swap3A_477, %swap3A_478] {strides = array<i32>} : memref<32x768xf32, #tpu.memory_space<vmem>>, vector<1x16xf32>,
        %swap3A_480 = vector.shape_cast %swap3A_479 : vector<1x16xf32> to vector<16xf32>
        %swap3A_481 = vector.shape_cast %add3A_476 : vector<16xf32> to vector<1x16xf32>
        tpu.vector_store %arg6[%swap3A_477, %swap3A_478], %swap3A_481 {strides = array<i32>} : memref<32x768xf32, #tpu.memory_space<vmem>>, vector<1x16xf32>,
        %get3A_482 = arith.index_cast %scan3A_231 : i32 to index
        %get3A_483 = arith.constant 288 : index
        %get3A_484 = tpu.vector_load %arg6[%get3A_482, %get3A_483] {strides = array<i32>} : memref<32x768xf32, #tpu.memory_space<vmem>>, vector<1x16xf32>,
        %get3A_485 = vector.shape_cast %get3A_484 : vector<1x16xf32> to vector<16xf32>
        %get3A_486 = arith.index_cast %scan3A_231 : i32 to index
        %get3A_487 = arith.constant 288 : index
        %get3A_488 = tpu.vector_load %arg7[%get3A_486, %get3A_487] {strides = array<i32>} : memref<32x768xf32, #tpu.memory_space<vmem>>, vector<1x16xf32>,
        %get3A_489 = vector.shape_cast %get3A_488 : vector<1x16xf32> to vector<16xf32>
        %add3A_490 = arith.addf %get3A_485, %get3A_489 : vector<16xf32>
        %swap3A_491 = arith.index_cast %scan3A_231 : i32 to index
        %swap3A_492 = arith.constant 288 : index
        %swap3A_493 = tpu.vector_load %arg6[%swap3A_491, %swap3A_492] {strides = array<i32>} : memref<32x768xf32, #tpu.memory_space<vmem>>, vector<1x16xf32>,
        %swap3A_494 = vector.shape_cast %swap3A_493 : vector<1x16xf32> to vector<16xf32>
        %swap3A_495 = vector.shape_cast %add3A_490 : vector<16xf32> to vector<1x16xf32>
        tpu.vector_store %arg6[%swap3A_491, %swap3A_492], %swap3A_495 {strides = array<i32>} : memref<32x768xf32, #tpu.memory_space<vmem>>, vector<1x16xf32>,
        %get3A_496 = arith.index_cast %scan3A_231 : i32 to index
        %get3A_497 = arith.constant 304 : index
        %get3A_498 = tpu.vector_load %arg6[%get3A_496, %get3A_497] {strides = array<i32>} : memref<32x768xf32, #tpu.memory_space<vmem>>, vector<1x16xf32>,
        %get3A_499 = vector.shape_cast %get3A_498 : vector<1x16xf32> to vector<16xf32>
        %get3A_500 = arith.index_cast %scan3A_231 : i32 to index
        %get3A_501 = arith.constant 304 : index
        %get3A_502 = tpu.vector_load %arg7[%get3A_500, %get3A_501] {strides = array<i32>} : memref<32x768xf32, #tpu.memory_space<vmem>>, vector<1x16xf32>,
        %get3A_503 = vector.shape_cast %get3A_502 : vector<1x16xf32> to vector<16xf32>
        %add3A_504 = arith.addf %get3A_499, %get3A_503 : vector<16xf32>
        %swap3A_505 = arith.index_cast %scan3A_231 : i32 to index
        %swap3A_506 = arith.constant 304 : index
        %swap3A_507 = tpu.vector_load %arg6[%swap3A_505, %swap3A_506] {strides = array<i32>} : memref<32x768xf32, #tpu.memory_space<vmem>>, vector<1x16xf32>,
        %swap3A_508 = vector.shape_cast %swap3A_507 : vector<1x16xf32> to vector<16xf32>
        %swap3A_509 = vector.shape_cast %add3A_504 : vector<16xf32> to vector<1x16xf32>
        tpu.vector_store %arg6[%swap3A_505, %swap3A_506], %swap3A_509 {strides = array<i32>} : memref<32x768xf32, #tpu.memory_space<vmem>>, vector<1x16xf32>,
        %get3A_510 = arith.index_cast %scan3A_231 : i32 to index
        %get3A_511 = arith.constant 320 : index
        %get3A_512 = tpu.vector_load %arg6[%get3A_510, %get3A_511] {strides = array<i32>} : memref<32x768xf32, #tpu.memory_space<vmem>>, vector<1x16xf32>,
        %get3A_513 = vector.shape_cast %get3A_512 : vector<1x16xf32> to vector<16xf32>
        %get3A_514 = arith.index_cast %scan3A_231 : i32 to index
        %get3A_515 = arith.constant 320 : index
        %get3A_516 = tpu.vector_load %arg7[%get3A_514, %get3A_515] {strides = array<i32>} : memref<32x768xf32, #tpu.memory_space<vmem>>, vector<1x16xf32>,
        %get3A_517 = vector.shape_cast %get3A_516 : vector<1x16xf32> to vector<16xf32>
        %add3A_518 = arith.addf %get3A_513, %get3A_517 : vector<16xf32>
        %swap3A_519 = arith.index_cast %scan3A_231 : i32 to index
        %swap3A_520 = arith.constant 320 : index
        %swap3A_521 = tpu.vector_load %arg6[%swap3A_519, %swap3A_520] {strides = array<i32>} : memref<32x768xf32, #tpu.memory_space<vmem>>, vector<1x16xf32>,
        %swap3A_522 = vector.shape_cast %swap3A_521 : vector<1x16xf32> to vector<16xf32>
        %swap3A_523 = vector.shape_cast %add3A_518 : vector<16xf32> to vector<1x16xf32>
        tpu.vector_store %arg6[%swap3A_519, %swap3A_520], %swap3A_523 {strides = array<i32>} : memref<32x768xf32, #tpu.memory_space<vmem>>, vector<1x16xf32>,
        %get3A_524 = arith.index_cast %scan3A_231 : i32 to index
        %get3A_525 = arith.constant 336 : index
        %get3A_526 = tpu.vector_load %arg6[%get3A_524, %get3A_525] {strides = array<i32>} : memref<32x768xf32, #tpu.memory_space<vmem>>, vector<1x16xf32>,
        %get3A_527 = vector.shape_cast %get3A_526 : vector<1x16xf32> to vector<16xf32>
        %get3A_528 = arith.index_cast %scan3A_231 : i32 to index
        %get3A_529 = arith.constant 336 : index
        %get3A_530 = tpu.vector_load %arg7[%get3A_528, %get3A_529] {strides = array<i32>} : memref<32x768xf32, #tpu.memory_space<vmem>>, vector<1x16xf32>,
        %get3A_531 = vector.shape_cast %get3A_530 : vector<1x16xf32> to vector<16xf32>
        %add3A_532 = arith.addf %get3A_527, %get3A_531 : vector<16xf32>
        %swap3A_533 = arith.index_cast %scan3A_231 : i32 to index
        %swap3A_534 = arith.constant 336 : index
        %swap3A_535 = tpu.vector_load %arg6[%swap3A_533, %swap3A_534] {strides = array<i32>} : memref<32x768xf32, #tpu.memory_space<vmem>>, vector<1x16xf32>,
        %swap3A_536 = vector.shape_cast %swap3A_535 : vector<1x16xf32> to vector<16xf32>
        %swap3A_537 = vector.shape_cast %add3A_532 : vector<16xf32> to vector<1x16xf32>
        tpu.vector_store %arg6[%swap3A_533, %swap3A_534], %swap3A_537 {strides = array<i32>} : memref<32x768xf32, #tpu.memory_space<vmem>>, vector<1x16xf32>,
        %get3A_538 = arith.index_cast %scan3A_231 : i32 to index
        %get3A_539 = arith.constant 352 : index
        %get3A_540 = tpu.vector_load %arg6[%get3A_538, %get3A_539] {strides = array<i32>} : memref<32x768xf32, #tpu.memory_space<vmem>>, vector<1x16xf32>,
        %get3A_541 = vector.shape_cast %get3A_540 : vector<1x16xf32> to vector<16xf32>
        %get3A_542 = arith.index_cast %scan3A_231 : i32 to index
        %get3A_543 = arith.constant 352 : index
        %get3A_544 = tpu.vector_load %arg7[%get3A_542, %get3A_543] {strides = array<i32>} : memref<32x768xf32, #tpu.memory_space<vmem>>, vector<1x16xf32>,
        %get3A_545 = vector.shape_cast %get3A_544 : vector<1x16xf32> to vector<16xf32>
        %add3A_546 = arith.addf %get3A_541, %get3A_545 : vector<16xf32>
        %swap3A_547 = arith.index_cast %scan3A_231 : i32 to index
        %swap3A_548 = arith.constant 352 : index
        %swap3A_549 = tpu.vector_load %arg6[%swap3A_547, %swap3A_548] {strides = array<i32>} : memref<32x768xf32, #tpu.memory_space<vmem>>, vector<1x16xf32>,
        %swap3A_550 = vector.shape_cast %swap3A_549 : vector<1x16xf32> to vector<16xf32>
        %swap3A_551 = vector.shape_cast %add3A_546 : vector<16xf32> to vector<1x16xf32>
        tpu.vector_store %arg6[%swap3A_547, %swap3A_548], %swap3A_551 {strides = array<i32>} : memref<32x768xf32, #tpu.memory_space<vmem>>, vector<1x16xf32>,
        %get3A_552 = arith.index_cast %scan3A_231 : i32 to index
        %get3A_553 = arith.constant 368 : index
        %get3A_554 = tpu.vector_load %arg6[%get3A_552, %get3A_553] {strides = array<i32>} : memref<32x768xf32, #tpu.memory_space<vmem>>, vector<1x16xf32>,
        %get3A_555 = vector.shape_cast %get3A_554 : vector<1x16xf32> to vector<16xf32>
        %get3A_556 = arith.index_cast %scan3A_231 : i32 to index
        %get3A_557 = arith.constant 368 : index
        %get3A_558 = tpu.vector_load %arg7[%get3A_556, %get3A_557] {strides = array<i32>} : memref<32x768xf32, #tpu.memory_space<vmem>>, vector<1x16xf32>,
        %get3A_559 = vector.shape_cast %get3A_558 : vector<1x16xf32> to vector<16xf32>
        %add3A_560 = arith.addf %get3A_555, %get3A_559 : vector<16xf32>
        %swap3A_561 = arith.index_cast %scan3A_231 : i32 to index
        %swap3A_562 = arith.constant 368 : index
        %swap3A_563 = tpu.vector_load %arg6[%swap3A_561, %swap3A_562] {strides = array<i32>} : memref<32x768xf32, #tpu.memory_space<vmem>>, vector<1x16xf32>,
        %swap3A_564 = vector.shape_cast %swap3A_563 : vector<1x16xf32> to vector<16xf32>
        %swap3A_565 = vector.shape_cast %add3A_560 : vector<16xf32> to vector<1x16xf32>
        tpu.vector_store %arg6[%swap3A_561, %swap3A_562], %swap3A_565 {strides = array<i32>} : memref<32x768xf32, #tpu.memory_space<vmem>>, vector<1x16xf32>,
        %get3A_566 = arith.index_cast %scan3A_231 : i32 to index
        %get3A_567 = arith.constant 384 : index
        %get3A_568 = tpu.vector_load %arg6[%get3A_566, %get3A_567] {strides = array<i32>} : memref<32x768xf32, #tpu.memory_space<vmem>>, vector<1x16xf32>,
        %get3A_569 = vector.shape_cast %get3A_568 : vector<1x16xf32> to vector<16xf32>
        %get3A_570 = arith.index_cast %scan3A_231 : i32 to index
        %get3A_571 = arith.constant 384 : index
        %get3A_572 = tpu.vector_load %arg7[%get3A_570, %get3A_571] {strides = array<i32>} : memref<32x768xf32, #tpu.memory_space<vmem>>, vector<1x16xf32>,
        %get3A_573 = vector.shape_cast %get3A_572 : vector<1x16xf32> to vector<16xf32>
        %add3A_574 = arith.addf %get3A_569, %get3A_573 : vector<16xf32>
        %swap3A_575 = arith.index_cast %scan3A_231 : i32 to index
        %swap3A_576 = arith.constant 384 : index
        %swap3A_577 = tpu.vector_load %arg6[%swap3A_575, %swap3A_576] {strides = array<i32>} : memref<32x768xf32, #tpu.memory_space<vmem>>, vector<1x16xf32>,
        %swap3A_578 = vector.shape_cast %swap3A_577 : vector<1x16xf32> to vector<16xf32>
        %swap3A_579 = vector.shape_cast %add3A_574 : vector<16xf32> to vector<1x16xf32>
        tpu.vector_store %arg6[%swap3A_575, %swap3A_576], %swap3A_579 {strides = array<i32>} : memref<32x768xf32, #tpu.memory_space<vmem>>, vector<1x16xf32>,
        %get3A_580 = arith.index_cast %scan3A_231 : i32 to index
        %get3A_581 = arith.constant 400 : index
        %get3A_582 = tpu.vector_load %arg6[%get3A_580, %get3A_581] {strides = array<i32>} : memref<32x768xf32, #tpu.memory_space<vmem>>, vector<1x16xf32>,
        %get3A_583 = vector.shape_cast %get3A_582 : vector<1x16xf32> to vector<16xf32>
        %get3A_584 = arith.index_cast %scan3A_231 : i32 to index
        %get3A_585 = arith.constant 400 : index
        %get3A_586 = tpu.vector_load %arg7[%get3A_584, %get3A_585] {strides = array<i32>} : memref<32x768xf32, #tpu.memory_space<vmem>>, vector<1x16xf32>,
        %get3A_587 = vector.shape_cast %get3A_586 : vector<1x16xf32> to vector<16xf32>
        %add3A_588 = arith.addf %get3A_583, %get3A_587 : vector<16xf32>
        %swap3A_589 = arith.index_cast %scan3A_231 : i32 to index
        %swap3A_590 = arith.constant 400 : index
        %swap3A_591 = tpu.vector_load %arg6[%swap3A_589, %swap3A_590] {strides = array<i32>} : memref<32x768xf32, #tpu.memory_space<vmem>>, vector<1x16xf32>,
        %swap3A_592 = vector.shape_cast %swap3A_591 : vector<1x16xf32> to vector<16xf32>
        %swap3A_593 = vector.shape_cast %add3A_588 : vector<16xf32> to vector<1x16xf32>
        tpu.vector_store %arg6[%swap3A_589, %swap3A_590], %swap3A_593 {strides = array<i32>} : memref<32x768xf32, #tpu.memory_space<vmem>>, vector<1x16xf32>,
        %get3A_594 = arith.index_cast %scan3A_231 : i32 to index
        %get3A_595 = arith.constant 416 : index
        %get3A_596 = tpu.vector_load %arg6[%get3A_594, %get3A_595] {strides = array<i32>} : memref<32x768xf32, #tpu.memory_space<vmem>>, vector<1x16xf32>,
        %get3A_597 = vector.shape_cast %get3A_596 : vector<1x16xf32> to vector<16xf32>
        %get3A_598 = arith.index_cast %scan3A_231 : i32 to index
        %get3A_599 = arith.constant 416 : index
        %get3A_600 = tpu.vector_load %arg7[%get3A_598, %get3A_599] {strides = array<i32>} : memref<32x768xf32, #tpu.memory_space<vmem>>, vector<1x16xf32>,
        %get3A_601 = vector.shape_cast %get3A_600 : vector<1x16xf32> to vector<16xf32>
        %add3A_602 = arith.addf %get3A_597, %get3A_601 : vector<16xf32>
        %swap3A_603 = arith.index_cast %scan3A_231 : i32 to index
        %swap3A_604 = arith.constant 416 : index
        %swap3A_605 = tpu.vector_load %arg6[%swap3A_603, %swap3A_604] {strides = array<i32>} : memref<32x768xf32, #tpu.memory_space<vmem>>, vector<1x16xf32>,
        %swap3A_606 = vector.shape_cast %swap3A_605 : vector<1x16xf32> to vector<16xf32>
        %swap3A_607 = vector.shape_cast %add3A_602 : vector<16xf32> to vector<1x16xf32>
        tpu.vector_store %arg6[%swap3A_603, %swap3A_604], %swap3A_607 {strides = array<i32>} : memref<32x768xf32, #tpu.memory_space<vmem>>, vector<1x16xf32>,
        %get3A_608 = arith.index_cast %scan3A_231 : i32 to index
        %get3A_609 = arith.constant 432 : index
        %get3A_610 = tpu.vector_load %arg6[%get3A_608, %get3A_609] {strides = array<i32>} : memref<32x768xf32, #tpu.memory_space<vmem>>, vector<1x16xf32>,
        %get3A_611 = vector.shape_cast %get3A_610 : vector<1x16xf32> to vector<16xf32>
        %get3A_612 = arith.index_cast %scan3A_231 : i32 to index
        %get3A_613 = arith.constant 432 : index
        %get3A_614 = tpu.vector_load %arg7[%get3A_612, %get3A_613] {strides = array<i32>} : memref<32x768xf32, #tpu.memory_space<vmem>>, vector<1x16xf32>,
        %get3A_615 = vector.shape_cast %get3A_614 : vector<1x16xf32> to vector<16xf32>
        %add3A_616 = arith.addf %get3A_611, %get3A_615 : vector<16xf32>
        %swap3A_617 = arith.index_cast %scan3A_231 : i32 to index
        %swap3A_618 = arith.constant 432 : index
        %swap3A_619 = tpu.vector_load %arg6[%swap3A_617, %swap3A_618] {strides = array<i32>} : memref<32x768xf32, #tpu.memory_space<vmem>>, vector<1x16xf32>,
        %swap3A_620 = vector.shape_cast %swap3A_619 : vector<1x16xf32> to vector<16xf32>
        %swap3A_621 = vector.shape_cast %add3A_616 : vector<16xf32> to vector<1x16xf32>
        tpu.vector_store %arg6[%swap3A_617, %swap3A_618], %swap3A_621 {strides = array<i32>} : memref<32x768xf32, #tpu.memory_space<vmem>>, vector<1x16xf32>,
        %get3A_622 = arith.index_cast %scan3A_231 : i32 to index
        %get3A_623 = arith.constant 448 : index
        %get3A_624 = tpu.vector_load %arg6[%get3A_622, %get3A_623] {strides = array<i32>} : memref<32x768xf32, #tpu.memory_space<vmem>>, vector<1x16xf32>,
        %get3A_625 = vector.shape_cast %get3A_624 : vector<1x16xf32> to vector<16xf32>
        %get3A_626 = arith.index_cast %scan3A_231 : i32 to index
        %get3A_627 = arith.constant 448 : index
        %get3A_628 = tpu.vector_load %arg7[%get3A_626, %get3A_627] {strides = array<i32>} : memref<32x768xf32, #tpu.memory_space<vmem>>, vector<1x16xf32>,
        %get3A_629 = vector.shape_cast %get3A_628 : vector<1x16xf32> to vector<16xf32>
        %add3A_630 = arith.addf %get3A_625, %get3A_629 : vector<16xf32>
        %swap3A_631 = arith.index_cast %scan3A_231 : i32 to index
        %swap3A_632 = arith.constant 448 : index
        %swap3A_633 = tpu.vector_load %arg6[%swap3A_631, %swap3A_632] {strides = array<i32>} : memref<32x768xf32, #tpu.memory_space<vmem>>, vector<1x16xf32>,
        %swap3A_634 = vector.shape_cast %swap3A_633 : vector<1x16xf32> to vector<16xf32>
        %swap3A_635 = vector.shape_cast %add3A_630 : vector<16xf32> to vector<1x16xf32>
        tpu.vector_store %arg6[%swap3A_631, %swap3A_632], %swap3A_635 {strides = array<i32>} : memref<32x768xf32, #tpu.memory_space<vmem>>, vector<1x16xf32>,
        %get3A_636 = arith.index_cast %scan3A_231 : i32 to index
        %get3A_637 = arith.constant 464 : index
        %get3A_638 = tpu.vector_load %arg6[%get3A_636, %get3A_637] {strides = array<i32>} : memref<32x768xf32, #tpu.memory_space<vmem>>, vector<1x16xf32>,
        %get3A_639 = vector.shape_cast %get3A_638 : vector<1x16xf32> to vector<16xf32>
        %get3A_640 = arith.index_cast %scan3A_231 : i32 to index
        %get3A_641 = arith.constant 464 : index
        %get3A_642 = tpu.vector_load %arg7[%get3A_640, %get3A_641] {strides = array<i32>} : memref<32x768xf32, #tpu.memory_space<vmem>>, vector<1x16xf32>,
        %get3A_643 = vector.shape_cast %get3A_642 : vector<1x16xf32> to vector<16xf32>
        %add3A_644 = arith.addf %get3A_639, %get3A_643 : vector<16xf32>
        %swap3A_645 = arith.index_cast %scan3A_231 : i32 to index
        %swap3A_646 = arith.constant 464 : index
        %swap3A_647 = tpu.vector_load %arg6[%swap3A_645, %swap3A_646] {strides = array<i32>} : memref<32x768xf32, #tpu.memory_space<vmem>>, vector<1x16xf32>,
        %swap3A_648 = vector.shape_cast %swap3A_647 : vector<1x16xf32> to vector<16xf32>
        %swap3A_649 = vector.shape_cast %add3A_644 : vector<16xf32> to vector<1x16xf32>
        tpu.vector_store %arg6[%swap3A_645, %swap3A_646], %swap3A_649 {strides = array<i32>} : memref<32x768xf32, #tpu.memory_space<vmem>>, vector<1x16xf32>,
        %get3A_650 = arith.index_cast %scan3A_231 : i32 to index
        %get3A_651 = arith.constant 480 : index
        %get3A_652 = tpu.vector_load %arg6[%get3A_650, %get3A_651] {strides = array<i32>} : memref<32x768xf32, #tpu.memory_space<vmem>>, vector<1x16xf32>,
        %get3A_653 = vector.shape_cast %get3A_652 : vector<1x16xf32> to vector<16xf32>
        %get3A_654 = arith.index_cast %scan3A_231 : i32 to index
        %get3A_655 = arith.constant 480 : index
        %get3A_656 = tpu.vector_load %arg7[%get3A_654, %get3A_655] {strides = array<i32>} : memref<32x768xf32, #tpu.memory_space<vmem>>, vector<1x16xf32>,
        %get3A_657 = vector.shape_cast %get3A_656 : vector<1x16xf32> to vector<16xf32>
        %add3A_658 = arith.addf %get3A_653, %get3A_657 : vector<16xf32>
        %swap3A_659 = arith.index_cast %scan3A_231 : i32 to index
        %swap3A_660 = arith.constant 480 : index
        %swap3A_661 = tpu.vector_load %arg6[%swap3A_659, %swap3A_660] {strides = array<i32>} : memref<32x768xf32, #tpu.memory_space<vmem>>, vector<1x16xf32>,
        %swap3A_662 = vector.shape_cast %swap3A_661 : vector<1x16xf32> to vector<16xf32>
        %swap3A_663 = vector.shape_cast %add3A_658 : vector<16xf32> to vector<1x16xf32>
        tpu.vector_store %arg6[%swap3A_659, %swap3A_660], %swap3A_663 {strides = array<i32>} : memref<32x768xf32, #tpu.memory_space<vmem>>, vector<1x16xf32>,
        %get3A_664 = arith.index_cast %scan3A_231 : i32 to index
        %get3A_665 = arith.constant 496 : index
        %get3A_666 = tpu.vector_load %arg6[%get3A_664, %get3A_665] {strides = array<i32>} : memref<32x768xf32, #tpu.memory_space<vmem>>, vector<1x16xf32>,
        %get3A_667 = vector.shape_cast %get3A_666 : vector<1x16xf32> to vector<16xf32>
        %get3A_668 = arith.index_cast %scan3A_231 : i32 to index
        %get3A_669 = arith.constant 496 : index
        %get3A_670 = tpu.vector_load %arg7[%get3A_668, %get3A_669] {strides = array<i32>} : memref<32x768xf32, #tpu.memory_space<vmem>>, vector<1x16xf32>,
        %get3A_671 = vector.shape_cast %get3A_670 : vector<1x16xf32> to vector<16xf32>
        %add3A_672 = arith.addf %get3A_667, %get3A_671 : vector<16xf32>
        %swap3A_673 = arith.index_cast %scan3A_231 : i32 to index
        %swap3A_674 = arith.constant 496 : index
        %swap3A_675 = tpu.vector_load %arg6[%swap3A_673, %swap3A_674] {strides = array<i32>} : memref<32x768xf32, #tpu.memory_space<vmem>>, vector<1x16xf32>,
        %swap3A_676 = vector.shape_cast %swap3A_675 : vector<1x16xf32> to vector<16xf32>
        %swap3A_677 = vector.shape_cast %add3A_672 : vector<16xf32> to vector<1x16xf32>
        tpu.vector_store %arg6[%swap3A_673, %swap3A_674], %swap3A_677 {strides = array<i32>} : memref<32x768xf32, #tpu.memory_space<vmem>>, vector<1x16xf32>,
        %get3A_678 = arith.index_cast %scan3A_231 : i32 to index
        %get3A_679 = arith.constant 512 : index
        %get3A_680 = tpu.vector_load %arg6[%get3A_678, %get3A_679] {strides = array<i32>} : memref<32x768xf32, #tpu.memory_space<vmem>>, vector<1x16xf32>,
        %get3A_681 = vector.shape_cast %get3A_680 : vector<1x16xf32> to vector<16xf32>
        %get3A_682 = arith.index_cast %scan3A_231 : i32 to index
        %get3A_683 = arith.constant 512 : index
        %get3A_684 = tpu.vector_load %arg7[%get3A_682, %get3A_683] {strides = array<i32>} : memref<32x768xf32, #tpu.memory_space<vmem>>, vector<1x16xf32>,
        %get3A_685 = vector.shape_cast %get3A_684 : vector<1x16xf32> to vector<16xf32>
        %add3A_686 = arith.addf %get3A_681, %get3A_685 : vector<16xf32>
        %swap3A_687 = arith.index_cast %scan3A_231 : i32 to index
        %swap3A_688 = arith.constant 512 : index
        %swap3A_689 = tpu.vector_load %arg6[%swap3A_687, %swap3A_688] {strides = array<i32>} : memref<32x768xf32, #tpu.memory_space<vmem>>, vector<1x16xf32>,
        %swap3A_690 = vector.shape_cast %swap3A_689 : vector<1x16xf32> to vector<16xf32>
        %swap3A_691 = vector.shape_cast %add3A_686 : vector<16xf32> to vector<1x16xf32>
        tpu.vector_store %arg6[%swap3A_687, %swap3A_688], %swap3A_691 {strides = array<i32>} : memref<32x768xf32, #tpu.memory_space<vmem>>, vector<1x16xf32>,
        %get3A_692 = arith.index_cast %scan3A_231 : i32 to index
        %get3A_693 = arith.constant 528 : index
        %get3A_694 = tpu.vector_load %arg6[%get3A_692, %get3A_693] {strides = array<i32>} : memref<32x768xf32, #tpu.memory_space<vmem>>, vector<1x16xf32>,
        %get3A_695 = vector.shape_cast %get3A_694 : vector<1x16xf32> to vector<16xf32>
        %get3A_696 = arith.index_cast %scan3A_231 : i32 to index
        %get3A_697 = arith.constant 528 : index
        %get3A_698 = tpu.vector_load %arg7[%get3A_696, %get3A_697] {strides = array<i32>} : memref<32x768xf32, #tpu.memory_space<vmem>>, vector<1x16xf32>,
        %get3A_699 = vector.shape_cast %get3A_698 : vector<1x16xf32> to vector<16xf32>
        %add3A_700 = arith.addf %get3A_695, %get3A_699 : vector<16xf32>
        %swap3A_701 = arith.index_cast %scan3A_231 : i32 to index
        %swap3A_702 = arith.constant 528 : index
        %swap3A_703 = tpu.vector_load %arg6[%swap3A_701, %swap3A_702] {strides = array<i32>} : memref<32x768xf32, #tpu.memory_space<vmem>>, vector<1x16xf32>,
        %swap3A_704 = vector.shape_cast %swap3A_703 : vector<1x16xf32> to vector<16xf32>
        %swap3A_705 = vector.shape_cast %add3A_700 : vector<16xf32> to vector<1x16xf32>
        tpu.vector_store %arg6[%swap3A_701, %swap3A_702], %swap3A_705 {strides = array<i32>} : memref<32x768xf32, #tpu.memory_space<vmem>>, vector<1x16xf32>,
        %get3A_706 = arith.index_cast %scan3A_231 : i32 to index
        %get3A_707 = arith.constant 544 : index
        %get3A_708 = tpu.vector_load %arg6[%get3A_706, %get3A_707] {strides = array<i32>} : memref<32x768xf32, #tpu.memory_space<vmem>>, vector<1x16xf32>,
        %get3A_709 = vector.shape_cast %get3A_708 : vector<1x16xf32> to vector<16xf32>
        %get3A_710 = arith.index_cast %scan3A_231 : i32 to index
        %get3A_711 = arith.constant 544 : index
        %get3A_712 = tpu.vector_load %arg7[%get3A_710, %get3A_711] {strides = array<i32>} : memref<32x768xf32, #tpu.memory_space<vmem>>, vector<1x16xf32>,
        %get3A_713 = vector.shape_cast %get3A_712 : vector<1x16xf32> to vector<16xf32>
        %add3A_714 = arith.addf %get3A_709, %get3A_713 : vector<16xf32>
        %swap3A_715 = arith.index_cast %scan3A_231 : i32 to index
        %swap3A_716 = arith.constant 544 : index
        %swap3A_717 = tpu.vector_load %arg6[%swap3A_715, %swap3A_716] {strides = array<i32>} : memref<32x768xf32, #tpu.memory_space<vmem>>, vector<1x16xf32>,
        %swap3A_718 = vector.shape_cast %swap3A_717 : vector<1x16xf32> to vector<16xf32>
        %swap3A_719 = vector.shape_cast %add3A_714 : vector<16xf32> to vector<1x16xf32>
        tpu.vector_store %arg6[%swap3A_715, %swap3A_716], %swap3A_719 {strides = array<i32>} : memref<32x768xf32, #tpu.memory_space<vmem>>, vector<1x16xf32>,
        %get3A_720 = arith.index_cast %scan3A_231 : i32 to index
        %get3A_721 = arith.constant 560 : index
        %get3A_722 = tpu.vector_load %arg6[%get3A_720, %get3A_721] {strides = array<i32>} : memref<32x768xf32, #tpu.memory_space<vmem>>, vector<1x16xf32>,
        %get3A_723 = vector.shape_cast %get3A_722 : vector<1x16xf32> to vector<16xf32>
        %get3A_724 = arith.index_cast %scan3A_231 : i32 to index
        %get3A_725 = arith.constant 560 : index
        %get3A_726 = tpu.vector_load %arg7[%get3A_724, %get3A_725] {strides = array<i32>} : memref<32x768xf32, #tpu.memory_space<vmem>>, vector<1x16xf32>,
        %get3A_727 = vector.shape_cast %get3A_726 : vector<1x16xf32> to vector<16xf32>
        %add3A_728 = arith.addf %get3A_723, %get3A_727 : vector<16xf32>
        %swap3A_729 = arith.index_cast %scan3A_231 : i32 to index
        %swap3A_730 = arith.constant 560 : index
        %swap3A_731 = tpu.vector_load %arg6[%swap3A_729, %swap3A_730] {strides = array<i32>} : memref<32x768xf32, #tpu.memory_space<vmem>>, vector<1x16xf32>,
        %swap3A_732 = vector.shape_cast %swap3A_731 : vector<1x16xf32> to vector<16xf32>
        %swap3A_733 = vector.shape_cast %add3A_728 : vector<16xf32> to vector<1x16xf32>
        tpu.vector_store %arg6[%swap3A_729, %swap3A_730], %swap3A_733 {strides = array<i32>} : memref<32x768xf32, #tpu.memory_space<vmem>>, vector<1x16xf32>,
        %get3A_734 = arith.index_cast %scan3A_231 : i32 to index
        %get3A_735 = arith.constant 576 : index
        %get3A_736 = tpu.vector_load %arg6[%get3A_734, %get3A_735] {strides = array<i32>} : memref<32x768xf32, #tpu.memory_space<vmem>>, vector<1x16xf32>,
        %get3A_737 = vector.shape_cast %get3A_736 : vector<1x16xf32> to vector<16xf32>
        %get3A_738 = arith.index_cast %scan3A_231 : i32 to index
        %get3A_739 = arith.constant 576 : index
        %get3A_740 = tpu.vector_load %arg7[%get3A_738, %get3A_739] {strides = array<i32>} : memref<32x768xf32, #tpu.memory_space<vmem>>, vector<1x16xf32>,
        %get3A_741 = vector.shape_cast %get3A_740 : vector<1x16xf32> to vector<16xf32>
        %add3A_742 = arith.addf %get3A_737, %get3A_741 : vector<16xf32>
        %swap3A_743 = arith.index_cast %scan3A_231 : i32 to index
        %swap3A_744 = arith.constant 576 : index
        %swap3A_745 = tpu.vector_load %arg6[%swap3A_743, %swap3A_744] {strides = array<i32>} : memref<32x768xf32, #tpu.memory_space<vmem>>, vector<1x16xf32>,
        %swap3A_746 = vector.shape_cast %swap3A_745 : vector<1x16xf32> to vector<16xf32>
        %swap3A_747 = vector.shape_cast %add3A_742 : vector<16xf32> to vector<1x16xf32>
        tpu.vector_store %arg6[%swap3A_743, %swap3A_744], %swap3A_747 {strides = array<i32>} : memref<32x768xf32, #tpu.memory_space<vmem>>, vector<1x16xf32>,
        %get3A_748 = arith.index_cast %scan3A_231 : i32 to index
        %get3A_749 = arith.constant 592 : index
        %get3A_750 = tpu.vector_load %arg6[%get3A_748, %get3A_749] {strides = array<i32>} : memref<32x768xf32, #tpu.memory_space<vmem>>, vector<1x16xf32>,
        %get3A_751 = vector.shape_cast %get3A_750 : vector<1x16xf32> to vector<16xf32>
        %get3A_752 = arith.index_cast %scan3A_231 : i32 to index
        %get3A_753 = arith.constant 592 : index
        %get3A_754 = tpu.vector_load %arg7[%get3A_752, %get3A_753] {strides = array<i32>} : memref<32x768xf32, #tpu.memory_space<vmem>>, vector<1x16xf32>,
        %get3A_755 = vector.shape_cast %get3A_754 : vector<1x16xf32> to vector<16xf32>
        %add3A_756 = arith.addf %get3A_751, %get3A_755 : vector<16xf32>
        %swap3A_757 = arith.index_cast %scan3A_231 : i32 to index
        %swap3A_758 = arith.constant 592 : index
        %swap3A_759 = tpu.vector_load %arg6[%swap3A_757, %swap3A_758] {strides = array<i32>} : memref<32x768xf32, #tpu.memory_space<vmem>>, vector<1x16xf32>,
        %swap3A_760 = vector.shape_cast %swap3A_759 : vector<1x16xf32> to vector<16xf32>
        %swap3A_761 = vector.shape_cast %add3A_756 : vector<16xf32> to vector<1x16xf32>
        tpu.vector_store %arg6[%swap3A_757, %swap3A_758], %swap3A_761 {strides = array<i32>} : memref<32x768xf32, #tpu.memory_space<vmem>>, vector<1x16xf32>,
        %get3A_762 = arith.index_cast %scan3A_231 : i32 to index
        %get3A_763 = arith.constant 608 : index
        %get3A_764 = tpu.vector_load %arg6[%get3A_762, %get3A_763] {strides = array<i32>} : memref<32x768xf32, #tpu.memory_space<vmem>>, vector<1x16xf32>,
        %get3A_765 = vector.shape_cast %get3A_764 : vector<1x16xf32> to vector<16xf32>
        %get3A_766 = arith.index_cast %scan3A_231 : i32 to index
        %get3A_767 = arith.constant 608 : index
        %get3A_768 = tpu.vector_load %arg7[%get3A_766, %get3A_767] {strides = array<i32>} : memref<32x768xf32, #tpu.memory_space<vmem>>, vector<1x16xf32>,
        %get3A_769 = vector.shape_cast %get3A_768 : vector<1x16xf32> to vector<16xf32>
        %add3A_770 = arith.addf %get3A_765, %get3A_769 : vector<16xf32>
        %swap3A_771 = arith.index_cast %scan3A_231 : i32 to index
        %swap3A_772 = arith.constant 608 : index
        %swap3A_773 = tpu.vector_load %arg6[%swap3A_771, %swap3A_772] {strides = array<i32>} : memref<32x768xf32, #tpu.memory_space<vmem>>, vector<1x16xf32>,
        %swap3A_774 = vector.shape_cast %swap3A_773 : vector<1x16xf32> to vector<16xf32>
        %swap3A_775 = vector.shape_cast %add3A_770 : vector<16xf32> to vector<1x16xf32>
        tpu.vector_store %arg6[%swap3A_771, %swap3A_772], %swap3A_775 {strides = array<i32>} : memref<32x768xf32, #tpu.memory_space<vmem>>, vector<1x16xf32>,
        %get3A_776 = arith.index_cast %scan3A_231 : i32 to index
        %get3A_777 = arith.constant 624 : index
        %get3A_778 = tpu.vector_load %arg6[%get3A_776, %get3A_777] {strides = array<i32>} : memref<32x768xf32, #tpu.memory_space<vmem>>, vector<1x16xf32>,
        %get3A_779 = vector.shape_cast %get3A_778 : vector<1x16xf32> to vector<16xf32>
        %get3A_780 = arith.index_cast %scan3A_231 : i32 to index
        %get3A_781 = arith.constant 624 : index
        %get3A_782 = tpu.vector_load %arg7[%get3A_780, %get3A_781] {strides = array<i32>} : memref<32x768xf32, #tpu.memory_space<vmem>>, vector<1x16xf32>,
        %get3A_783 = vector.shape_cast %get3A_782 : vector<1x16xf32> to vector<16xf32>
        %add3A_784 = arith.addf %get3A_779, %get3A_783 : vector<16xf32>
        %swap3A_785 = arith.index_cast %scan3A_231 : i32 to index
        %swap3A_786 = arith.constant 624 : index
        %swap3A_787 = tpu.vector_load %arg6[%swap3A_785, %swap3A_786] {strides = array<i32>} : memref<32x768xf32, #tpu.memory_space<vmem>>, vector<1x16xf32>,
        %swap3A_788 = vector.shape_cast %swap3A_787 : vector<1x16xf32> to vector<16xf32>
        %swap3A_789 = vector.shape_cast %add3A_784 : vector<16xf32> to vector<1x16xf32>
        tpu.vector_store %arg6[%swap3A_785, %swap3A_786], %swap3A_789 {strides = array<i32>} : memref<32x768xf32, #tpu.memory_space<vmem>>, vector<1x16xf32>,
        %get3A_790 = arith.index_cast %scan3A_231 : i32 to index
        %get3A_791 = arith.constant 640 : index
        %get3A_792 = tpu.vector_load %arg6[%get3A_790, %get3A_791] {strides = array<i32>} : memref<32x768xf32, #tpu.memory_space<vmem>>, vector<1x16xf32>,
        %get3A_793 = vector.shape_cast %get3A_792 : vector<1x16xf32> to vector<16xf32>
        %get3A_794 = arith.index_cast %scan3A_231 : i32 to index
        %get3A_795 = arith.constant 640 : index
        %get3A_796 = tpu.vector_load %arg7[%get3A_794, %get3A_795] {strides = array<i32>} : memref<32x768xf32, #tpu.memory_space<vmem>>, vector<1x16xf32>,
        %get3A_797 = vector.shape_cast %get3A_796 : vector<1x16xf32> to vector<16xf32>
        %add3A_798 = arith.addf %get3A_793, %get3A_797 : vector<16xf32>
        %swap3A_799 = arith.index_cast %scan3A_231 : i32 to index
        %swap3A_800 = arith.constant 640 : index
        %swap3A_801 = tpu.vector_load %arg6[%swap3A_799, %swap3A_800] {strides = array<i32>} : memref<32x768xf32, #tpu.memory_space<vmem>>, vector<1x16xf32>,
        %swap3A_802 = vector.shape_cast %swap3A_801 : vector<1x16xf32> to vector<16xf32>
        %swap3A_803 = vector.shape_cast %add3A_798 : vector<16xf32> to vector<1x16xf32>
        tpu.vector_store %arg6[%swap3A_799, %swap3A_800], %swap3A_803 {strides = array<i32>} : memref<32x768xf32, #tpu.memory_space<vmem>>, vector<1x16xf32>,
        %get3A_804 = arith.index_cast %scan3A_231 : i32 to index
        %get3A_805 = arith.constant 656 : index
        %get3A_806 = tpu.vector_load %arg6[%get3A_804, %get3A_805] {strides = array<i32>} : memref<32x768xf32, #tpu.memory_space<vmem>>, vector<1x16xf32>,
        %get3A_807 = vector.shape_cast %get3A_806 : vector<1x16xf32> to vector<16xf32>
        %get3A_808 = arith.index_cast %scan3A_231 : i32 to index
        %get3A_809 = arith.constant 656 : index
        %get3A_810 = tpu.vector_load %arg7[%get3A_808, %get3A_809] {strides = array<i32>} : memref<32x768xf32, #tpu.memory_space<vmem>>, vector<1x16xf32>,
        %get3A_811 = vector.shape_cast %get3A_810 : vector<1x16xf32> to vector<16xf32>
        %add3A_812 = arith.addf %get3A_807, %get3A_811 : vector<16xf32>
        %swap3A_813 = arith.index_cast %scan3A_231 : i32 to index
        %swap3A_814 = arith.constant 656 : index
        %swap3A_815 = tpu.vector_load %arg6[%swap3A_813, %swap3A_814] {strides = array<i32>} : memref<32x768xf32, #tpu.memory_space<vmem>>, vector<1x16xf32>,
        %swap3A_816 = vector.shape_cast %swap3A_815 : vector<1x16xf32> to vector<16xf32>
        %swap3A_817 = vector.shape_cast %add3A_812 : vector<16xf32> to vector<1x16xf32>
        tpu.vector_store %arg6[%swap3A_813, %swap3A_814], %swap3A_817 {strides = array<i32>} : memref<32x768xf32, #tpu.memory_space<vmem>>, vector<1x16xf32>,
        %get3A_818 = arith.index_cast %scan3A_231 : i32 to index
        %get3A_819 = arith.constant 672 : index
        %get3A_820 = tpu.vector_load %arg6[%get3A_818, %get3A_819] {strides = array<i32>} : memref<32x768xf32, #tpu.memory_space<vmem>>, vector<1x16xf32>,
        %get3A_821 = vector.shape_cast %get3A_820 : vector<1x16xf32> to vector<16xf32>
        %get3A_822 = arith.index_cast %scan3A_231 : i32 to index
        %get3A_823 = arith.constant 672 : index
        %get3A_824 = tpu.vector_load %arg7[%get3A_822, %get3A_823] {strides = array<i32>} : memref<32x768xf32, #tpu.memory_space<vmem>>, vector<1x16xf32>,
        %get3A_825 = vector.shape_cast %get3A_824 : vector<1x16xf32> to vector<16xf32>
        %add3A_826 = arith.addf %get3A_821, %get3A_825 : vector<16xf32>
        %swap3A_827 = arith.index_cast %scan3A_231 : i32 to index
        %swap3A_828 = arith.constant 672 : index
        %swap3A_829 = tpu.vector_load %arg6[%swap3A_827, %swap3A_828] {strides = array<i32>} : memref<32x768xf32, #tpu.memory_space<vmem>>, vector<1x16xf32>,
        %swap3A_830 = vector.shape_cast %swap3A_829 : vector<1x16xf32> to vector<16xf32>
        %swap3A_831 = vector.shape_cast %add3A_826 : vector<16xf32> to vector<1x16xf32>
        tpu.vector_store %arg6[%swap3A_827, %swap3A_828], %swap3A_831 {strides = array<i32>} : memref<32x768xf32, #tpu.memory_space<vmem>>, vector<1x16xf32>,
        %get3A_832 = arith.index_cast %scan3A_231 : i32 to index
        %get3A_833 = arith.constant 688 : index
        %get3A_834 = tpu.vector_load %arg6[%get3A_832, %get3A_833] {strides = array<i32>} : memref<32x768xf32, #tpu.memory_space<vmem>>, vector<1x16xf32>,
        %get3A_835 = vector.shape_cast %get3A_834 : vector<1x16xf32> to vector<16xf32>
        %get3A_836 = arith.index_cast %scan3A_231 : i32 to index
        %get3A_837 = arith.constant 688 : index
        %get3A_838 = tpu.vector_load %arg7[%get3A_836, %get3A_837] {strides = array<i32>} : memref<32x768xf32, #tpu.memory_space<vmem>>, vector<1x16xf32>,
        %get3A_839 = vector.shape_cast %get3A_838 : vector<1x16xf32> to vector<16xf32>
        %add3A_840 = arith.addf %get3A_835, %get3A_839 : vector<16xf32>
        %swap3A_841 = arith.index_cast %scan3A_231 : i32 to index
        %swap3A_842 = arith.constant 688 : index
        %swap3A_843 = tpu.vector_load %arg6[%swap3A_841, %swap3A_842] {strides = array<i32>} : memref<32x768xf32, #tpu.memory_space<vmem>>, vector<1x16xf32>,
        %swap3A_844 = vector.shape_cast %swap3A_843 : vector<1x16xf32> to vector<16xf32>
        %swap3A_845 = vector.shape_cast %add3A_840 : vector<16xf32> to vector<1x16xf32>
        tpu.vector_store %arg6[%swap3A_841, %swap3A_842], %swap3A_845 {strides = array<i32>} : memref<32x768xf32, #tpu.memory_space<vmem>>, vector<1x16xf32>,
        %get3A_846 = arith.index_cast %scan3A_231 : i32 to index
        %get3A_847 = arith.constant 704 : index
        %get3A_848 = tpu.vector_load %arg6[%get3A_846, %get3A_847] {strides = array<i32>} : memref<32x768xf32, #tpu.memory_space<vmem>>, vector<1x16xf32>,
        %get3A_849 = vector.shape_cast %get3A_848 : vector<1x16xf32> to vector<16xf32>
        %get3A_850 = arith.index_cast %scan3A_231 : i32 to index
        %get3A_851 = arith.constant 704 : index
        %get3A_852 = tpu.vector_load %arg7[%get3A_850, %get3A_851] {strides = array<i32>} : memref<32x768xf32, #tpu.memory_space<vmem>>, vector<1x16xf32>,
        %get3A_853 = vector.shape_cast %get3A_852 : vector<1x16xf32> to vector<16xf32>
        %add3A_854 = arith.addf %get3A_849, %get3A_853 : vector<16xf32>
        %swap3A_855 = arith.index_cast %scan3A_231 : i32 to index
        %swap3A_856 = arith.constant 704 : index
        %swap3A_857 = tpu.vector_load %arg6[%swap3A_855, %swap3A_856] {strides = array<i32>} : memref<32x768xf32, #tpu.memory_space<vmem>>, vector<1x16xf32>,
        %swap3A_858 = vector.shape_cast %swap3A_857 : vector<1x16xf32> to vector<16xf32>
        %swap3A_859 = vector.shape_cast %add3A_854 : vector<16xf32> to vector<1x16xf32>
        tpu.vector_store %arg6[%swap3A_855, %swap3A_856], %swap3A_859 {strides = array<i32>} : memref<32x768xf32, #tpu.memory_space<vmem>>, vector<1x16xf32>,
        %get3A_860 = arith.index_cast %scan3A_231 : i32 to index
        %get3A_861 = arith.constant 720 : index
        %get3A_862 = tpu.vector_load %arg6[%get3A_860, %get3A_861] {strides = array<i32>} : memref<32x768xf32, #tpu.memory_space<vmem>>, vector<1x16xf32>,
        %get3A_863 = vector.shape_cast %get3A_862 : vector<1x16xf32> to vector<16xf32>
        %get3A_864 = arith.index_cast %scan3A_231 : i32 to index
        %get3A_865 = arith.constant 720 : index
        %get3A_866 = tpu.vector_load %arg7[%get3A_864, %get3A_865] {strides = array<i32>} : memref<32x768xf32, #tpu.memory_space<vmem>>, vector<1x16xf32>,
        %get3A_867 = vector.shape_cast %get3A_866 : vector<1x16xf32> to vector<16xf32>
        %add3A_868 = arith.addf %get3A_863, %get3A_867 : vector<16xf32>
        %swap3A_869 = arith.index_cast %scan3A_231 : i32 to index
        %swap3A_870 = arith.constant 720 : index
        %swap3A_871 = tpu.vector_load %arg6[%swap3A_869, %swap3A_870] {strides = array<i32>} : memref<32x768xf32, #tpu.memory_space<vmem>>, vector<1x16xf32>,
        %swap3A_872 = vector.shape_cast %swap3A_871 : vector<1x16xf32> to vector<16xf32>
        %swap3A_873 = vector.shape_cast %add3A_868 : vector<16xf32> to vector<1x16xf32>
        tpu.vector_store %arg6[%swap3A_869, %swap3A_870], %swap3A_873 {strides = array<i32>} : memref<32x768xf32, #tpu.memory_space<vmem>>, vector<1x16xf32>,
        %get3A_874 = arith.index_cast %scan3A_231 : i32 to index
        %get3A_875 = arith.constant 736 : index
        %get3A_876 = tpu.vector_load %arg6[%get3A_874, %get3A_875] {strides = array<i32>} : memref<32x768xf32, #tpu.memory_space<vmem>>, vector<1x16xf32>,
        %get3A_877 = vector.shape_cast %get3A_876 : vector<1x16xf32> to vector<16xf32>
        %get3A_878 = arith.index_cast %scan3A_231 : i32 to index
        %get3A_879 = arith.constant 736 : index
        %get3A_880 = tpu.vector_load %arg7[%get3A_878, %get3A_879] {strides = array<i32>} : memref<32x768xf32, #tpu.memory_space<vmem>>, vector<1x16xf32>,
        %get3A_881 = vector.shape_cast %get3A_880 : vector<1x16xf32> to vector<16xf32>
        %add3A_882 = arith.addf %get3A_877, %get3A_881 : vector<16xf32>
        %swap3A_883 = arith.index_cast %scan3A_231 : i32 to index
        %swap3A_884 = arith.constant 736 : index
        %swap3A_885 = tpu.vector_load %arg6[%swap3A_883, %swap3A_884] {strides = array<i32>} : memref<32x768xf32, #tpu.memory_space<vmem>>, vector<1x16xf32>,
        %swap3A_886 = vector.shape_cast %swap3A_885 : vector<1x16xf32> to vector<16xf32>
        %swap3A_887 = vector.shape_cast %add3A_882 : vector<16xf32> to vector<1x16xf32>
        tpu.vector_store %arg6[%swap3A_883, %swap3A_884], %swap3A_887 {strides = array<i32>} : memref<32x768xf32, #tpu.memory_space<vmem>>, vector<1x16xf32>,
        %get3A_888 = arith.index_cast %scan3A_231 : i32 to index
        %get3A_889 = arith.constant 752 : index
        %get3A_890 = tpu.vector_load %arg6[%get3A_888, %get3A_889] {strides = array<i32>} : memref<32x768xf32, #tpu.memory_space<vmem>>, vector<1x16xf32>,
        %get3A_891 = vector.shape_cast %get3A_890 : vector<1x16xf32> to vector<16xf32>
        %get3A_892 = arith.index_cast %scan3A_231 : i32 to index
        %get3A_893 = arith.constant 752 : index
        %get3A_894 = tpu.vector_load %arg7[%get3A_892, %get3A_893] {strides = array<i32>} : memref<32x768xf32, #tpu.memory_space<vmem>>, vector<1x16xf32>,
        %get3A_895 = vector.shape_cast %get3A_894 : vector<1x16xf32> to vector<16xf32>
        %add3A_896 = arith.addf %get3A_891, %get3A_895 : vector<16xf32>
        %swap3A_897 = arith.index_cast %scan3A_231 : i32 to index
        %swap3A_898 = arith.constant 752 : index
        %swap3A_899 = tpu.vector_load %arg6[%swap3A_897, %swap3A_898] {strides = array<i32>} : memref<32x768xf32, #tpu.memory_space<vmem>>, vector<1x16xf32>,
        %swap3A_900 = vector.shape_cast %swap3A_899 : vector<1x16xf32> to vector<16xf32>
        %swap3A_901 = vector.shape_cast %add3A_896 : vector<16xf32> to vector<1x16xf32>
        tpu.vector_store %arg6[%swap3A_897, %swap3A_898], %swap3A_901 {strides = array<i32>} : memref<32x768xf32, #tpu.memory_space<vmem>>, vector<1x16xf32>,
      }
      %scan3A_120 = arith.constant 32 : i32
      %mul3A_121 = arith.constant 32 : i32
      %mul3A_122 = arith.muli %add3A_101, %mul3A_121 : i32
      %dma_start3A_123 = arith.constant 0 : i32
      %dma_start3A_124 = tpu.memref_slice %arg4[%add3A_105, %mul3A_122, %dma_start3A_123] : memref<64x576x768xf32, #tpu.memory_space<hbm>> -> memref<1x32x768xf32, #tpu.memory_space<hbm>>
      %dma_start3A_125 = tpu.memref_squeeze %dma_start3A_124 : memref<1x32x768xf32, #tpu.memory_space<hbm>> -> memref<32x768xf32, #tpu.memory_space<hbm>>
      %dma_start3A_126 = arith.constant 0 : i32
      %dma_start3A_127 = tpu.memref_slice %arg4[%add3A_105, %mul3A_122, %dma_start3A_126] : memref<64x576x768xf32, #tpu.memory_space<hbm>> -> memref<1x32x768xf32, #tpu.memory_space<hbm>>
      %dma_start3A_128 = tpu.memref_squeeze %dma_start3A_127 : memref<1x32x768xf32, #tpu.memory_space<hbm>> -> memref<32x768xf32, #tpu.memory_space<hbm>>
      tpu.enqueue_dma source(%arg6 : memref<32x768xf32, #tpu.memory_space<vmem>>) target(%dma_start3A_128 : memref<32x768xf32, #tpu.memory_space<hbm>>) target_semaphore(%arg14 : memref<!tpu.dma_semaphore, #tpu.memory_space<semaphore_mem>>)
      %add3A_129 = arith.constant 1 : i32
      %add3A_130 = arith.addi %add3A_97, %add3A_129 : i32
      %lt3A_131 = arith.constant 36 : i32
      %lt3A_132 = arith.cmpi slt, %add3A_130, %lt3A_131 : i32
      %convert_element_type3A_133 = arith.extui %lt3A_132 : i1 to i32
      %cond3A_134 = arith.constant 0 : i32
      %cond3A_135 = arith.cmpi ne, %convert_element_type3A_133, %cond3A_134 : i32
      scf.if %cond3A_135 {
        %ge3A = arith.constant 1 : i32
        %ge3A_231 = arith.cmpi sge, %add3A_97, %ge3A : i32
        %convert_element_type3A_232 = arith.extui %ge3A_231 : i1 to i32
        %cond3A_233 = arith.constant 0 : i32
        %cond3A_234 = arith.cmpi ne, %convert_element_type3A_232, %cond3A_233 : i32
        scf.if %cond3A_234 {
          %dma_wait3A_279 = arith.constant 0 : i32
          %dma_wait3A_280 = arith.constant 0 : i32
          %dma_wait3A_281 = arith.constant 0 : i32
          %dma_wait3A_282 = tpu.memref_slice %arg4[%dma_wait3A_279, %dma_wait3A_280, %dma_wait3A_281] : memref<64x576x768xf32, #tpu.memory_space<hbm>> -> memref<1x32x768xf32, #tpu.memory_space<hbm>>
          %dma_wait3A_283 = tpu.memref_squeeze %dma_wait3A_282 : memref<1x32x768xf32, #tpu.memory_space<hbm>> -> memref<32x768xf32, #tpu.memory_space<hbm>>
          %dma_wait3A_284 = arith.constant 0 : i32
          %dma_wait3A_285 = arith.constant 0 : i32
          %dma_wait3A_286 = tpu.memref_slice %arg4[%dma_wait3A_279, %dma_wait3A_284, %dma_wait3A_285] : memref<64x576x768xf32, #tpu.memory_space<hbm>> -> memref<1x32x768xf32, #tpu.memory_space<hbm>>
          %dma_wait3A_287 = tpu.memref_squeeze %dma_wait3A_286 : memref<1x32x768xf32, #tpu.memory_space<hbm>> -> memref<32x768xf32, #tpu.memory_space<hbm>>
          tpu.wait_dma2 semaphore(%arg13 : memref<!tpu.dma_semaphore, #tpu.memory_space<semaphore_mem>>) src(%arg5 : memref<32x768xf32, #tpu.memory_space<vmem>>) dst(%dma_wait3A_287 : memref<32x768xf32, #tpu.memory_space<hbm>>)
        } else {
        }
        %add3A_235 = arith.constant 1 : i32
        %add3A_236 = arith.addi %add3A_97, %add3A_235 : i32
        %jit3A = arith.constant 2 : i32
        %div3A = arith.divsi %add3A_236, %jit3A : i32
        %sign3A = arith.constant 0 : i32
        %sign3A_237 = arith.cmpi sgt, %add3A_236, %sign3A : i32
        %sign3A_238 = arith.extui %sign3A_237 : i1 to i32
        %sign3A_239 = arith.constant 0 : i32
        %sign3A_240 = arith.cmpi slt, %add3A_236, %sign3A_239 : i32
        %sign3A_241 = arith.extui %sign3A_240 : i1 to i32
        %sign3A_242 = arith.subi %sign3A_238, %sign3A_241 : i32
        %sign3A_243 = arith.constant 0 : i32
        %sign3A_244 = arith.cmpi sgt, %jit3A, %sign3A_243 : i32
        %sign3A_245 = arith.extui %sign3A_244 : i1 to i32
        %sign3A_246 = arith.constant 0 : i32
        %sign3A_247 = arith.cmpi slt, %jit3A, %sign3A_246 : i32
        %sign3A_248 = arith.extui %sign3A_247 : i1 to i32
        %sign3A_249 = arith.subi %sign3A_245, %sign3A_248 : i32
        %ne3A = arith.cmpi ne, %sign3A_242, %sign3A_249 : i32
        %rem3A = arith.remsi %add3A_236, %jit3A : i32
        %ne3A_250 = arith.constant 0 : i32
        %ne3A_251 = arith.cmpi ne, %rem3A, %ne3A_250 : i32
        %and3A = arith.andi %ne3A, %ne3A_251 : i1
        %sub3A = arith.constant 1 : i32
        %sub3A_252 = arith.subi %div3A, %sub3A : i32
        %select_n3A = arith.select %and3A, %sub3A_252, %div3A : i32
        %mul3A_253 = arith.constant 2 : i32
        %mul3A_254 = arith.muli %add3A, %mul3A_253 : i32
        %jit3A_255 = arith.constant 2 : i32
        %eq3A = arith.constant 0 : i32
        %eq3A_256 = arith.cmpi eq, %jit3A_255, %eq3A : i32
        %jit3A_257 = arith.constant 1 : i32
        %select_n3A_258 = arith.select %eq3A_256, %jit3A_257, %jit3A_255 : i32
        %rem3A_259 = arith.remsi %add3A_236, %select_n3A_258 : i32
        %ne3A_260 = arith.constant 0 : i32
        %ne3A_261 = arith.cmpi ne, %rem3A_259, %ne3A_260 : i32
        %lt3A_262 = arith.constant 0 : i32
        %lt3A_263 = arith.cmpi slt, %rem3A_259, %lt3A_262 : i32
        %lt3A_264 = arith.constant 0 : i32
        %lt3A_265 = arith.cmpi slt, %select_n3A_258, %lt3A_264 : i32
        %ne3A_266 = arith.xori %lt3A_263, %lt3A_265 : i1
        %and3A_267 = arith.andi %ne3A_266, %ne3A_261 : i1
        %add3A_268 = arith.addi %rem3A_259, %select_n3A_258 : i32
        %select_n3A_269 = arith.select %and3A_267, %add3A_268, %rem3A_259 : i32
        %add3A_270 = arith.addi %mul3A_254, %select_n3A_269 : i32
        %mul3A_271 = arith.constant 32 : i32
        %mul3A_272 = arith.muli %select_n3A, %mul3A_271 : i32
        %dma_start3A_273 = arith.constant 0 : i32
        %dma_start3A_274 = tpu.memref_slice %arg2[%add3A_270, %mul3A_272, %dma_start3A_273] : memref<64x576x768xf32, #tpu.memory_space<hbm>> -> memref<1x32x768xf32, #tpu.memory_space<hbm>>
        %dma_start3A_275 = tpu.memref_squeeze %dma_start3A_274 : memref<1x32x768xf32, #tpu.memory_space<hbm>> -> memref<32x768xf32, #tpu.memory_space<hbm>>
        %dma_start3A_276 = arith.constant 0 : i32
        %dma_start3A_277 = tpu.memref_slice %arg2[%add3A_270, %mul3A_272, %dma_start3A_276] : memref<64x576x768xf32, #tpu.memory_space<hbm>> -> memref<1x32x768xf32, #tpu.memory_space<hbm>>
        %dma_start3A_278 = tpu.memref_squeeze %dma_start3A_277 : memref<1x32x768xf32, #tpu.memory_space<hbm>> -> memref<32x768xf32, #tpu.memory_space<hbm>>
        tpu.enqueue_dma source(%dma_start3A_278 : memref<32x768xf32, #tpu.memory_space<hbm>>) target(%arg5 : memref<32x768xf32, #tpu.memory_space<vmem>>) target_semaphore(%arg11 : memref<!tpu.dma_semaphore, #tpu.memory_space<semaphore_mem>>)
      } else {
      }
      %mul3A_136 = arith.constant 4 : i32
      %mul3A_137 = arith.muli %scan3A_38, %mul3A_136 : i32
      %add3A_138 = arith.constant 2 : i32
      %add3A_139 = arith.addi %mul3A_137, %add3A_138 : i32
      %mul3A_140 = arith.constant 2 : i32
      %mul3A_141 = arith.muli %mul3A_140, %scan3A_38 : i32
      %add3A_142 = arith.constant 1 : i32
      %add3A_143 = arith.addi %mul3A_141, %add3A_142 : i32
      %mul3A_144 = arith.constant 2 : i32
      %mul3A_145 = arith.muli %add3A, %mul3A_144 : i32
      %add3A_146 = arith.constant 0 : i32
      %add3A_147 = arith.addi %mul3A_145, %add3A_146 : i32
      %lt3A_148 = arith.constant 8 : i32
      %lt3A_149 = arith.cmpi slt, %scan3A_38, %lt3A_148 : i32
      %convert_element_type3A_150 = arith.extui %lt3A_149 : i1 to i32
      %cond3A_151 = arith.constant 0 : i32
      %cond3A_152 = arith.cmpi ne, %convert_element_type3A_150, %cond3A_151 : i32
      scf.if %cond3A_152 {
        %mul3A_231 = arith.constant 2 : i32
        %mul3A_232 = arith.muli %mul3A_231, %scan3A_38 : i32
        %add3A_233 = arith.constant 2 : i32
        %add3A_234 = arith.addi %mul3A_232, %add3A_233 : i32
        %mul3A_235 = arith.constant 32 : i32
        %mul3A_236 = arith.muli %add3A_234, %mul3A_235 : i32
        %dma_start3A_237 = arith.constant 0 : i32
        %dma_start3A_238 = tpu.memref_slice %arg3[%mul3A_236, %dma_start3A_237] : memref<576x768xf32, #tpu.memory_space<hbm>> -> memref<32x768xf32, #tpu.memory_space<hbm>>
        %dma_start3A_239 = arith.constant 0 : i32
        %dma_start3A_240 = tpu.memref_slice %arg3[%mul3A_236, %dma_start3A_239] : memref<576x768xf32, #tpu.memory_space<hbm>> -> memref<32x768xf32, #tpu.memory_space<hbm>>
        tpu.enqueue_dma source(%dma_start3A_240 : memref<32x768xf32, #tpu.memory_space<hbm>>) target(%arg7 : memref<32x768xf32, #tpu.memory_space<vmem>>) target_semaphore(%arg9 : memref<!tpu.dma_semaphore, #tpu.memory_space<semaphore_mem>>)
      } else {
      }
      %dma_wait3A_153 = arith.constant 0 : i32
      %dma_wait3A_154 = arith.constant 0 : i32
      %dma_wait3A_155 = tpu.memref_slice %arg3[%dma_wait3A_153, %dma_wait3A_154] : memref<576x768xf32, #tpu.memory_space<hbm>> -> memref<32x768xf32, #tpu.memory_space<hbm>>
      %dma_wait3A_156 = arith.constant 0 : i32
      %dma_wait3A_157 = arith.constant 0 : i32
      %dma_wait3A_158 = tpu.memref_slice %arg3[%dma_wait3A_156, %dma_wait3A_157] : memref<576x768xf32, #tpu.memory_space<hbm>> -> memref<32x768xf32, #tpu.memory_space<hbm>>
      tpu.wait_dma2 semaphore(%arg10 : memref<!tpu.dma_semaphore, #tpu.memory_space<semaphore_mem>>) src(%dma_wait3A_158 : memref<32x768xf32, #tpu.memory_space<hbm>>) dst(%arg8 : memref<32x768xf32, #tpu.memory_space<vmem>>)
      %dma_wait3A_159 = arith.constant 0 : i32
      %dma_wait3A_160 = arith.constant 0 : i32
      %dma_wait3A_161 = arith.constant 0 : i32
      %dma_wait3A_162 = tpu.memref_slice %arg2[%dma_wait3A_159, %dma_wait3A_160, %dma_wait3A_161] : memref<64x576x768xf32, #tpu.memory_space<hbm>> -> memref<1x32x768xf32, #tpu.memory_space<hbm>>
      %dma_wait3A_163 = tpu.memref_squeeze %dma_wait3A_162 : memref<1x32x768xf32, #tpu.memory_space<hbm>> -> memref<32x768xf32, #tpu.memory_space<hbm>>
      %dma_wait3A_164 = arith.constant 0 : i32
      %dma_wait3A_165 = arith.constant 0 : i32
      %dma_wait3A_166 = tpu.memref_slice %arg2[%dma_wait3A_159, %dma_wait3A_164, %dma_wait3A_165] : memref<64x576x768xf32, #tpu.memory_space<hbm>> -> memref<1x32x768xf32, #tpu.memory_space<hbm>>
      %dma_wait3A_167 = tpu.memref_squeeze %dma_wait3A_166 : memref<1x32x768xf32, #tpu.memory_space<hbm>> -> memref<32x768xf32, #tpu.memory_space<hbm>>
      tpu.wait_dma2 semaphore(%arg11 : memref<!tpu.dma_semaphore, #tpu.memory_space<semaphore_mem>>) src(%dma_wait3A_167 : memref<32x768xf32, #tpu.memory_space<hbm>>) dst(%arg5 : memref<32x768xf32, #tpu.memory_space<vmem>>)
      %scan3A_168 = arith.constant 0 : i32
      %scan3A_169 = arith.constant 0 : i32
      %scan3A_170 = arith.constant 32 : i32
      %scan3A_171 = arith.addi %scan3A_169, %scan3A_170 : i32
      %scan3A_172 = arith.constant 1 : i32
      scf.for %scan3A_231 = %scan3A_169 to %scan3A_171 step %scan3A_172  : i32 {
        %get3A = arith.index_cast %scan3A_231 : i32 to index
        %get3A_232 = arith.constant 0 : index
        %get3A_233 = tpu.vector_load %arg5[%get3A, %get3A_232] {strides = array<i32>} : memref<32x768xf32, #tpu.memory_space<vmem>>, vector<1x16xf32>,
        %get3A_234 = vector.shape_cast %get3A_233 : vector<1x16xf32> to vector<16xf32>
        %get3A_235 = arith.index_cast %scan3A_231 : i32 to index
        %get3A_236 = arith.constant 0 : index
        %get3A_237 = tpu.vector_load %arg8[%get3A_235, %get3A_236] {strides = array<i32>} : memref<32x768xf32, #tpu.memory_space<vmem>>, vector<1x16xf32>,
        %get3A_238 = vector.shape_cast %get3A_237 : vector<1x16xf32> to vector<16xf32>
        %add3A_239 = arith.addf %get3A_234, %get3A_238 : vector<16xf32>
        %swap3A = arith.index_cast %scan3A_231 : i32 to index
        %swap3A_240 = arith.constant 0 : index
        %swap3A_241 = tpu.vector_load %arg5[%swap3A, %swap3A_240] {strides = array<i32>} : memref<32x768xf32, #tpu.memory_space<vmem>>, vector<1x16xf32>,
        %swap3A_242 = vector.shape_cast %swap3A_241 : vector<1x16xf32> to vector<16xf32>
        %swap3A_243 = vector.shape_cast %add3A_239 : vector<16xf32> to vector<1x16xf32>
        tpu.vector_store %arg5[%swap3A, %swap3A_240], %swap3A_243 {strides = array<i32>} : memref<32x768xf32, #tpu.memory_space<vmem>>, vector<1x16xf32>,
        %get3A_244 = arith.index_cast %scan3A_231 : i32 to index
        %get3A_245 = arith.constant 16 : index
        %get3A_246 = tpu.vector_load %arg5[%get3A_244, %get3A_245] {strides = array<i32>} : memref<32x768xf32, #tpu.memory_space<vmem>>, vector<1x16xf32>,
        %get3A_247 = vector.shape_cast %get3A_246 : vector<1x16xf32> to vector<16xf32>
        %get3A_248 = arith.index_cast %scan3A_231 : i32 to index
        %get3A_249 = arith.constant 16 : index
        %get3A_250 = tpu.vector_load %arg8[%get3A_248, %get3A_249] {strides = array<i32>} : memref<32x768xf32, #tpu.memory_space<vmem>>, vector<1x16xf32>,
        %get3A_251 = vector.shape_cast %get3A_250 : vector<1x16xf32> to vector<16xf32>
        %add3A_252 = arith.addf %get3A_247, %get3A_251 : vector<16xf32>
        %swap3A_253 = arith.index_cast %scan3A_231 : i32 to index
        %swap3A_254 = arith.constant 16 : index
        %swap3A_255 = tpu.vector_load %arg5[%swap3A_253, %swap3A_254] {strides = array<i32>} : memref<32x768xf32, #tpu.memory_space<vmem>>, vector<1x16xf32>,
        %swap3A_256 = vector.shape_cast %swap3A_255 : vector<1x16xf32> to vector<16xf32>
        %swap3A_257 = vector.shape_cast %add3A_252 : vector<16xf32> to vector<1x16xf32>
        tpu.vector_store %arg5[%swap3A_253, %swap3A_254], %swap3A_257 {strides = array<i32>} : memref<32x768xf32, #tpu.memory_space<vmem>>, vector<1x16xf32>,
        %get3A_258 = arith.index_cast %scan3A_231 : i32 to index
        %get3A_259 = arith.constant 32 : index
        %get3A_260 = tpu.vector_load %arg5[%get3A_258, %get3A_259] {strides = array<i32>} : memref<32x768xf32, #tpu.memory_space<vmem>>, vector<1x16xf32>,
        %get3A_261 = vector.shape_cast %get3A_260 : vector<1x16xf32> to vector<16xf32>
        %get3A_262 = arith.index_cast %scan3A_231 : i32 to index
        %get3A_263 = arith.constant 32 : index
        %get3A_264 = tpu.vector_load %arg8[%get3A_262, %get3A_263] {strides = array<i32>} : memref<32x768xf32, #tpu.memory_space<vmem>>, vector<1x16xf32>,
        %get3A_265 = vector.shape_cast %get3A_264 : vector<1x16xf32> to vector<16xf32>
        %add3A_266 = arith.addf %get3A_261, %get3A_265 : vector<16xf32>
        %swap3A_267 = arith.index_cast %scan3A_231 : i32 to index
        %swap3A_268 = arith.constant 32 : index
        %swap3A_269 = tpu.vector_load %arg5[%swap3A_267, %swap3A_268] {strides = array<i32>} : memref<32x768xf32, #tpu.memory_space<vmem>>, vector<1x16xf32>,
        %swap3A_270 = vector.shape_cast %swap3A_269 : vector<1x16xf32> to vector<16xf32>
        %swap3A_271 = vector.shape_cast %add3A_266 : vector<16xf32> to vector<1x16xf32>
        tpu.vector_store %arg5[%swap3A_267, %swap3A_268], %swap3A_271 {strides = array<i32>} : memref<32x768xf32, #tpu.memory_space<vmem>>, vector<1x16xf32>,
        %get3A_272 = arith.index_cast %scan3A_231 : i32 to index
        %get3A_273 = arith.constant 48 : index
        %get3A_274 = tpu.vector_load %arg5[%get3A_272, %get3A_273] {strides = array<i32>} : memref<32x768xf32, #tpu.memory_space<vmem>>, vector<1x16xf32>,
        %get3A_275 = vector.shape_cast %get3A_274 : vector<1x16xf32> to vector<16xf32>
        %get3A_276 = arith.index_cast %scan3A_231 : i32 to index
        %get3A_277 = arith.constant 48 : index
        %get3A_278 = tpu.vector_load %arg8[%get3A_276, %get3A_277] {strides = array<i32>} : memref<32x768xf32, #tpu.memory_space<vmem>>, vector<1x16xf32>,
        %get3A_279 = vector.shape_cast %get3A_278 : vector<1x16xf32> to vector<16xf32>
        %add3A_280 = arith.addf %get3A_275, %get3A_279 : vector<16xf32>
        %swap3A_281 = arith.index_cast %scan3A_231 : i32 to index
        %swap3A_282 = arith.constant 48 : index
        %swap3A_283 = tpu.vector_load %arg5[%swap3A_281, %swap3A_282] {strides = array<i32>} : memref<32x768xf32, #tpu.memory_space<vmem>>, vector<1x16xf32>,
        %swap3A_284 = vector.shape_cast %swap3A_283 : vector<1x16xf32> to vector<16xf32>
        %swap3A_285 = vector.shape_cast %add3A_280 : vector<16xf32> to vector<1x16xf32>
        tpu.vector_store %arg5[%swap3A_281, %swap3A_282], %swap3A_285 {strides = array<i32>} : memref<32x768xf32, #tpu.memory_space<vmem>>, vector<1x16xf32>,
        %get3A_286 = arith.index_cast %scan3A_231 : i32 to index
        %get3A_287 = arith.constant 64 : index
        %get3A_288 = tpu.vector_load %arg5[%get3A_286, %get3A_287] {strides = array<i32>} : memref<32x768xf32, #tpu.memory_space<vmem>>, vector<1x16xf32>,
        %get3A_289 = vector.shape_cast %get3A_288 : vector<1x16xf32> to vector<16xf32>
        %get3A_290 = arith.index_cast %scan3A_231 : i32 to index
        %get3A_291 = arith.constant 64 : index
        %get3A_292 = tpu.vector_load %arg8[%get3A_290, %get3A_291] {strides = array<i32>} : memref<32x768xf32, #tpu.memory_space<vmem>>, vector<1x16xf32>,
        %get3A_293 = vector.shape_cast %get3A_292 : vector<1x16xf32> to vector<16xf32>
        %add3A_294 = arith.addf %get3A_289, %get3A_293 : vector<16xf32>
        %swap3A_295 = arith.index_cast %scan3A_231 : i32 to index
        %swap3A_296 = arith.constant 64 : index
        %swap3A_297 = tpu.vector_load %arg5[%swap3A_295, %swap3A_296] {strides = array<i32>} : memref<32x768xf32, #tpu.memory_space<vmem>>, vector<1x16xf32>,
        %swap3A_298 = vector.shape_cast %swap3A_297 : vector<1x16xf32> to vector<16xf32>
        %swap3A_299 = vector.shape_cast %add3A_294 : vector<16xf32> to vector<1x16xf32>
        tpu.vector_store %arg5[%swap3A_295, %swap3A_296], %swap3A_299 {strides = array<i32>} : memref<32x768xf32, #tpu.memory_space<vmem>>, vector<1x16xf32>,
        %get3A_300 = arith.index_cast %scan3A_231 : i32 to index
        %get3A_301 = arith.constant 80 : index
        %get3A_302 = tpu.vector_load %arg5[%get3A_300, %get3A_301] {strides = array<i32>} : memref<32x768xf32, #tpu.memory_space<vmem>>, vector<1x16xf32>,
        %get3A_303 = vector.shape_cast %get3A_302 : vector<1x16xf32> to vector<16xf32>
        %get3A_304 = arith.index_cast %scan3A_231 : i32 to index
        %get3A_305 = arith.constant 80 : index
        %get3A_306 = tpu.vector_load %arg8[%get3A_304, %get3A_305] {strides = array<i32>} : memref<32x768xf32, #tpu.memory_space<vmem>>, vector<1x16xf32>,
        %get3A_307 = vector.shape_cast %get3A_306 : vector<1x16xf32> to vector<16xf32>
        %add3A_308 = arith.addf %get3A_303, %get3A_307 : vector<16xf32>
        %swap3A_309 = arith.index_cast %scan3A_231 : i32 to index
        %swap3A_310 = arith.constant 80 : index
        %swap3A_311 = tpu.vector_load %arg5[%swap3A_309, %swap3A_310] {strides = array<i32>} : memref<32x768xf32, #tpu.memory_space<vmem>>, vector<1x16xf32>,
        %swap3A_312 = vector.shape_cast %swap3A_311 : vector<1x16xf32> to vector<16xf32>
        %swap3A_313 = vector.shape_cast %add3A_308 : vector<16xf32> to vector<1x16xf32>
        tpu.vector_store %arg5[%swap3A_309, %swap3A_310], %swap3A_313 {strides = array<i32>} : memref<32x768xf32, #tpu.memory_space<vmem>>, vector<1x16xf32>,
        %get3A_314 = arith.index_cast %scan3A_231 : i32 to index
        %get3A_315 = arith.constant 96 : index
        %get3A_316 = tpu.vector_load %arg5[%get3A_314, %get3A_315] {strides = array<i32>} : memref<32x768xf32, #tpu.memory_space<vmem>>, vector<1x16xf32>,
        %get3A_317 = vector.shape_cast %get3A_316 : vector<1x16xf32> to vector<16xf32>
        %get3A_318 = arith.index_cast %scan3A_231 : i32 to index
        %get3A_319 = arith.constant 96 : index
        %get3A_320 = tpu.vector_load %arg8[%get3A_318, %get3A_319] {strides = array<i32>} : memref<32x768xf32, #tpu.memory_space<vmem>>, vector<1x16xf32>,
        %get3A_321 = vector.shape_cast %get3A_320 : vector<1x16xf32> to vector<16xf32>
        %add3A_322 = arith.addf %get3A_317, %get3A_321 : vector<16xf32>
        %swap3A_323 = arith.index_cast %scan3A_231 : i32 to index
        %swap3A_324 = arith.constant 96 : index
        %swap3A_325 = tpu.vector_load %arg5[%swap3A_323, %swap3A_324] {strides = array<i32>} : memref<32x768xf32, #tpu.memory_space<vmem>>, vector<1x16xf32>,
        %swap3A_326 = vector.shape_cast %swap3A_325 : vector<1x16xf32> to vector<16xf32>
        %swap3A_327 = vector.shape_cast %add3A_322 : vector<16xf32> to vector<1x16xf32>
        tpu.vector_store %arg5[%swap3A_323, %swap3A_324], %swap3A_327 {strides = array<i32>} : memref<32x768xf32, #tpu.memory_space<vmem>>, vector<1x16xf32>,
        %get3A_328 = arith.index_cast %scan3A_231 : i32 to index
        %get3A_329 = arith.constant 112 : index
        %get3A_330 = tpu.vector_load %arg5[%get3A_328, %get3A_329] {strides = array<i32>} : memref<32x768xf32, #tpu.memory_space<vmem>>, vector<1x16xf32>,
        %get3A_331 = vector.shape_cast %get3A_330 : vector<1x16xf32> to vector<16xf32>
        %get3A_332 = arith.index_cast %scan3A_231 : i32 to index
        %get3A_333 = arith.constant 112 : index
        %get3A_334 = tpu.vector_load %arg8[%get3A_332, %get3A_333] {strides = array<i32>} : memref<32x768xf32, #tpu.memory_space<vmem>>, vector<1x16xf32>,
        %get3A_335 = vector.shape_cast %get3A_334 : vector<1x16xf32> to vector<16xf32>
        %add3A_336 = arith.addf %get3A_331, %get3A_335 : vector<16xf32>
        %swap3A_337 = arith.index_cast %scan3A_231 : i32 to index
        %swap3A_338 = arith.constant 112 : index
        %swap3A_339 = tpu.vector_load %arg5[%swap3A_337, %swap3A_338] {strides = array<i32>} : memref<32x768xf32, #tpu.memory_space<vmem>>, vector<1x16xf32>,
        %swap3A_340 = vector.shape_cast %swap3A_339 : vector<1x16xf32> to vector<16xf32>
        %swap3A_341 = vector.shape_cast %add3A_336 : vector<16xf32> to vector<1x16xf32>
        tpu.vector_store %arg5[%swap3A_337, %swap3A_338], %swap3A_341 {strides = array<i32>} : memref<32x768xf32, #tpu.memory_space<vmem>>, vector<1x16xf32>,
        %get3A_342 = arith.index_cast %scan3A_231 : i32 to index
        %get3A_343 = arith.constant 128 : index
        %get3A_344 = tpu.vector_load %arg5[%get3A_342, %get3A_343] {strides = array<i32>} : memref<32x768xf32, #tpu.memory_space<vmem>>, vector<1x16xf32>,
        %get3A_345 = vector.shape_cast %get3A_344 : vector<1x16xf32> to vector<16xf32>
        %get3A_346 = arith.index_cast %scan3A_231 : i32 to index
        %get3A_347 = arith.constant 128 : index
        %get3A_348 = tpu.vector_load %arg8[%get3A_346, %get3A_347] {strides = array<i32>} : memref<32x768xf32, #tpu.memory_space<vmem>>, vector<1x16xf32>,
        %get3A_349 = vector.shape_cast %get3A_348 : vector<1x16xf32> to vector<16xf32>
        %add3A_350 = arith.addf %get3A_345, %get3A_349 : vector<16xf32>
        %swap3A_351 = arith.index_cast %scan3A_231 : i32 to index
        %swap3A_352 = arith.constant 128 : index
        %swap3A_353 = tpu.vector_load %arg5[%swap3A_351, %swap3A_352] {strides = array<i32>} : memref<32x768xf32, #tpu.memory_space<vmem>>, vector<1x16xf32>,
        %swap3A_354 = vector.shape_cast %swap3A_353 : vector<1x16xf32> to vector<16xf32>
        %swap3A_355 = vector.shape_cast %add3A_350 : vector<16xf32> to vector<1x16xf32>
        tpu.vector_store %arg5[%swap3A_351, %swap3A_352], %swap3A_355 {strides = array<i32>} : memref<32x768xf32, #tpu.memory_space<vmem>>, vector<1x16xf32>,
        %get3A_356 = arith.index_cast %scan3A_231 : i32 to index
        %get3A_357 = arith.constant 144 : index
        %get3A_358 = tpu.vector_load %arg5[%get3A_356, %get3A_357] {strides = array<i32>} : memref<32x768xf32, #tpu.memory_space<vmem>>, vector<1x16xf32>,
        %get3A_359 = vector.shape_cast %get3A_358 : vector<1x16xf32> to vector<16xf32>
        %get3A_360 = arith.index_cast %scan3A_231 : i32 to index
        %get3A_361 = arith.constant 144 : index
        %get3A_362 = tpu.vector_load %arg8[%get3A_360, %get3A_361] {strides = array<i32>} : memref<32x768xf32, #tpu.memory_space<vmem>>, vector<1x16xf32>,
        %get3A_363 = vector.shape_cast %get3A_362 : vector<1x16xf32> to vector<16xf32>
        %add3A_364 = arith.addf %get3A_359, %get3A_363 : vector<16xf32>
        %swap3A_365 = arith.index_cast %scan3A_231 : i32 to index
        %swap3A_366 = arith.constant 144 : index
        %swap3A_367 = tpu.vector_load %arg5[%swap3A_365, %swap3A_366] {strides = array<i32>} : memref<32x768xf32, #tpu.memory_space<vmem>>, vector<1x16xf32>,
        %swap3A_368 = vector.shape_cast %swap3A_367 : vector<1x16xf32> to vector<16xf32>
        %swap3A_369 = vector.shape_cast %add3A_364 : vector<16xf32> to vector<1x16xf32>
        tpu.vector_store %arg5[%swap3A_365, %swap3A_366], %swap3A_369 {strides = array<i32>} : memref<32x768xf32, #tpu.memory_space<vmem>>, vector<1x16xf32>,
        %get3A_370 = arith.index_cast %scan3A_231 : i32 to index
        %get3A_371 = arith.constant 160 : index
        %get3A_372 = tpu.vector_load %arg5[%get3A_370, %get3A_371] {strides = array<i32>} : memref<32x768xf32, #tpu.memory_space<vmem>>, vector<1x16xf32>,
        %get3A_373 = vector.shape_cast %get3A_372 : vector<1x16xf32> to vector<16xf32>
        %get3A_374 = arith.index_cast %scan3A_231 : i32 to index
        %get3A_375 = arith.constant 160 : index
        %get3A_376 = tpu.vector_load %arg8[%get3A_374, %get3A_375] {strides = array<i32>} : memref<32x768xf32, #tpu.memory_space<vmem>>, vector<1x16xf32>,
        %get3A_377 = vector.shape_cast %get3A_376 : vector<1x16xf32> to vector<16xf32>
        %add3A_378 = arith.addf %get3A_373, %get3A_377 : vector<16xf32>
        %swap3A_379 = arith.index_cast %scan3A_231 : i32 to index
        %swap3A_380 = arith.constant 160 : index
        %swap3A_381 = tpu.vector_load %arg5[%swap3A_379, %swap3A_380] {strides = array<i32>} : memref<32x768xf32, #tpu.memory_space<vmem>>, vector<1x16xf32>,
        %swap3A_382 = vector.shape_cast %swap3A_381 : vector<1x16xf32> to vector<16xf32>
        %swap3A_383 = vector.shape_cast %add3A_378 : vector<16xf32> to vector<1x16xf32>
        tpu.vector_store %arg5[%swap3A_379, %swap3A_380], %swap3A_383 {strides = array<i32>} : memref<32x768xf32, #tpu.memory_space<vmem>>, vector<1x16xf32>,
        %get3A_384 = arith.index_cast %scan3A_231 : i32 to index
        %get3A_385 = arith.constant 176 : index
        %get3A_386 = tpu.vector_load %arg5[%get3A_384, %get3A_385] {strides = array<i32>} : memref<32x768xf32, #tpu.memory_space<vmem>>, vector<1x16xf32>,
        %get3A_387 = vector.shape_cast %get3A_386 : vector<1x16xf32> to vector<16xf32>
        %get3A_388 = arith.index_cast %scan3A_231 : i32 to index
        %get3A_389 = arith.constant 176 : index
        %get3A_390 = tpu.vector_load %arg8[%get3A_388, %get3A_389] {strides = array<i32>} : memref<32x768xf32, #tpu.memory_space<vmem>>, vector<1x16xf32>,
        %get3A_391 = vector.shape_cast %get3A_390 : vector<1x16xf32> to vector<16xf32>
        %add3A_392 = arith.addf %get3A_387, %get3A_391 : vector<16xf32>
        %swap3A_393 = arith.index_cast %scan3A_231 : i32 to index
        %swap3A_394 = arith.constant 176 : index
        %swap3A_395 = tpu.vector_load %arg5[%swap3A_393, %swap3A_394] {strides = array<i32>} : memref<32x768xf32, #tpu.memory_space<vmem>>, vector<1x16xf32>,
        %swap3A_396 = vector.shape_cast %swap3A_395 : vector<1x16xf32> to vector<16xf32>
        %swap3A_397 = vector.shape_cast %add3A_392 : vector<16xf32> to vector<1x16xf32>
        tpu.vector_store %arg5[%swap3A_393, %swap3A_394], %swap3A_397 {strides = array<i32>} : memref<32x768xf32, #tpu.memory_space<vmem>>, vector<1x16xf32>,
        %get3A_398 = arith.index_cast %scan3A_231 : i32 to index
        %get3A_399 = arith.constant 192 : index
        %get3A_400 = tpu.vector_load %arg5[%get3A_398, %get3A_399] {strides = array<i32>} : memref<32x768xf32, #tpu.memory_space<vmem>>, vector<1x16xf32>,
        %get3A_401 = vector.shape_cast %get3A_400 : vector<1x16xf32> to vector<16xf32>
        %get3A_402 = arith.index_cast %scan3A_231 : i32 to index
        %get3A_403 = arith.constant 192 : index
        %get3A_404 = tpu.vector_load %arg8[%get3A_402, %get3A_403] {strides = array<i32>} : memref<32x768xf32, #tpu.memory_space<vmem>>, vector<1x16xf32>,
        %get3A_405 = vector.shape_cast %get3A_404 : vector<1x16xf32> to vector<16xf32>
        %add3A_406 = arith.addf %get3A_401, %get3A_405 : vector<16xf32>
        %swap3A_407 = arith.index_cast %scan3A_231 : i32 to index
        %swap3A_408 = arith.constant 192 : index
        %swap3A_409 = tpu.vector_load %arg5[%swap3A_407, %swap3A_408] {strides = array<i32>} : memref<32x768xf32, #tpu.memory_space<vmem>>, vector<1x16xf32>,
        %swap3A_410 = vector.shape_cast %swap3A_409 : vector<1x16xf32> to vector<16xf32>
        %swap3A_411 = vector.shape_cast %add3A_406 : vector<16xf32> to vector<1x16xf32>
        tpu.vector_store %arg5[%swap3A_407, %swap3A_408], %swap3A_411 {strides = array<i32>} : memref<32x768xf32, #tpu.memory_space<vmem>>, vector<1x16xf32>,
        %get3A_412 = arith.index_cast %scan3A_231 : i32 to index
        %get3A_413 = arith.constant 208 : index
        %get3A_414 = tpu.vector_load %arg5[%get3A_412, %get3A_413] {strides = array<i32>} : memref<32x768xf32, #tpu.memory_space<vmem>>, vector<1x16xf32>,
        %get3A_415 = vector.shape_cast %get3A_414 : vector<1x16xf32> to vector<16xf32>
        %get3A_416 = arith.index_cast %scan3A_231 : i32 to index
        %get3A_417 = arith.constant 208 : index
        %get3A_418 = tpu.vector_load %arg8[%get3A_416, %get3A_417] {strides = array<i32>} : memref<32x768xf32, #tpu.memory_space<vmem>>, vector<1x16xf32>,
        %get3A_419 = vector.shape_cast %get3A_418 : vector<1x16xf32> to vector<16xf32>
        %add3A_420 = arith.addf %get3A_415, %get3A_419 : vector<16xf32>
        %swap3A_421 = arith.index_cast %scan3A_231 : i32 to index
        %swap3A_422 = arith.constant 208 : index
        %swap3A_423 = tpu.vector_load %arg5[%swap3A_421, %swap3A_422] {strides = array<i32>} : memref<32x768xf32, #tpu.memory_space<vmem>>, vector<1x16xf32>,
        %swap3A_424 = vector.shape_cast %swap3A_423 : vector<1x16xf32> to vector<16xf32>
        %swap3A_425 = vector.shape_cast %add3A_420 : vector<16xf32> to vector<1x16xf32>
        tpu.vector_store %arg5[%swap3A_421, %swap3A_422], %swap3A_425 {strides = array<i32>} : memref<32x768xf32, #tpu.memory_space<vmem>>, vector<1x16xf32>,
        %get3A_426 = arith.index_cast %scan3A_231 : i32 to index
        %get3A_427 = arith.constant 224 : index
        %get3A_428 = tpu.vector_load %arg5[%get3A_426, %get3A_427] {strides = array<i32>} : memref<32x768xf32, #tpu.memory_space<vmem>>, vector<1x16xf32>,
        %get3A_429 = vector.shape_cast %get3A_428 : vector<1x16xf32> to vector<16xf32>
        %get3A_430 = arith.index_cast %scan3A_231 : i32 to index
        %get3A_431 = arith.constant 224 : index
        %get3A_432 = tpu.vector_load %arg8[%get3A_430, %get3A_431] {strides = array<i32>} : memref<32x768xf32, #tpu.memory_space<vmem>>, vector<1x16xf32>,
        %get3A_433 = vector.shape_cast %get3A_432 : vector<1x16xf32> to vector<16xf32>
        %add3A_434 = arith.addf %get3A_429, %get3A_433 : vector<16xf32>
        %swap3A_435 = arith.index_cast %scan3A_231 : i32 to index
        %swap3A_436 = arith.constant 224 : index
        %swap3A_437 = tpu.vector_load %arg5[%swap3A_435, %swap3A_436] {strides = array<i32>} : memref<32x768xf32, #tpu.memory_space<vmem>>, vector<1x16xf32>,
        %swap3A_438 = vector.shape_cast %swap3A_437 : vector<1x16xf32> to vector<16xf32>
        %swap3A_439 = vector.shape_cast %add3A_434 : vector<16xf32> to vector<1x16xf32>
        tpu.vector_store %arg5[%swap3A_435, %swap3A_436], %swap3A_439 {strides = array<i32>} : memref<32x768xf32, #tpu.memory_space<vmem>>, vector<1x16xf32>,
        %get3A_440 = arith.index_cast %scan3A_231 : i32 to index
        %get3A_441 = arith.constant 240 : index
        %get3A_442 = tpu.vector_load %arg5[%get3A_440, %get3A_441] {strides = array<i32>} : memref<32x768xf32, #tpu.memory_space<vmem>>, vector<1x16xf32>,
        %get3A_443 = vector.shape_cast %get3A_442 : vector<1x16xf32> to vector<16xf32>
        %get3A_444 = arith.index_cast %scan3A_231 : i32 to index
        %get3A_445 = arith.constant 240 : index
        %get3A_446 = tpu.vector_load %arg8[%get3A_444, %get3A_445] {strides = array<i32>} : memref<32x768xf32, #tpu.memory_space<vmem>>, vector<1x16xf32>,
        %get3A_447 = vector.shape_cast %get3A_446 : vector<1x16xf32> to vector<16xf32>
        %add3A_448 = arith.addf %get3A_443, %get3A_447 : vector<16xf32>
        %swap3A_449 = arith.index_cast %scan3A_231 : i32 to index
        %swap3A_450 = arith.constant 240 : index
        %swap3A_451 = tpu.vector_load %arg5[%swap3A_449, %swap3A_450] {strides = array<i32>} : memref<32x768xf32, #tpu.memory_space<vmem>>, vector<1x16xf32>,
        %swap3A_452 = vector.shape_cast %swap3A_451 : vector<1x16xf32> to vector<16xf32>
        %swap3A_453 = vector.shape_cast %add3A_448 : vector<16xf32> to vector<1x16xf32>
        tpu.vector_store %arg5[%swap3A_449, %swap3A_450], %swap3A_453 {strides = array<i32>} : memref<32x768xf32, #tpu.memory_space<vmem>>, vector<1x16xf32>,
        %get3A_454 = arith.index_cast %scan3A_231 : i32 to index
        %get3A_455 = arith.constant 256 : index
        %get3A_456 = tpu.vector_load %arg5[%get3A_454, %get3A_455] {strides = array<i32>} : memref<32x768xf32, #tpu.memory_space<vmem>>, vector<1x16xf32>,
        %get3A_457 = vector.shape_cast %get3A_456 : vector<1x16xf32> to vector<16xf32>
        %get3A_458 = arith.index_cast %scan3A_231 : i32 to index
        %get3A_459 = arith.constant 256 : index
        %get3A_460 = tpu.vector_load %arg8[%get3A_458, %get3A_459] {strides = array<i32>} : memref<32x768xf32, #tpu.memory_space<vmem>>, vector<1x16xf32>,
        %get3A_461 = vector.shape_cast %get3A_460 : vector<1x16xf32> to vector<16xf32>
        %add3A_462 = arith.addf %get3A_457, %get3A_461 : vector<16xf32>
        %swap3A_463 = arith.index_cast %scan3A_231 : i32 to index
        %swap3A_464 = arith.constant 256 : index
        %swap3A_465 = tpu.vector_load %arg5[%swap3A_463, %swap3A_464] {strides = array<i32>} : memref<32x768xf32, #tpu.memory_space<vmem>>, vector<1x16xf32>,
        %swap3A_466 = vector.shape_cast %swap3A_465 : vector<1x16xf32> to vector<16xf32>
        %swap3A_467 = vector.shape_cast %add3A_462 : vector<16xf32> to vector<1x16xf32>
        tpu.vector_store %arg5[%swap3A_463, %swap3A_464], %swap3A_467 {strides = array<i32>} : memref<32x768xf32, #tpu.memory_space<vmem>>, vector<1x16xf32>,
        %get3A_468 = arith.index_cast %scan3A_231 : i32 to index
        %get3A_469 = arith.constant 272 : index
        %get3A_470 = tpu.vector_load %arg5[%get3A_468, %get3A_469] {strides = array<i32>} : memref<32x768xf32, #tpu.memory_space<vmem>>, vector<1x16xf32>,
        %get3A_471 = vector.shape_cast %get3A_470 : vector<1x16xf32> to vector<16xf32>
        %get3A_472 = arith.index_cast %scan3A_231 : i32 to index
        %get3A_473 = arith.constant 272 : index
        %get3A_474 = tpu.vector_load %arg8[%get3A_472, %get3A_473] {strides = array<i32>} : memref<32x768xf32, #tpu.memory_space<vmem>>, vector<1x16xf32>,
        %get3A_475 = vector.shape_cast %get3A_474 : vector<1x16xf32> to vector<16xf32>
        %add3A_476 = arith.addf %get3A_471, %get3A_475 : vector<16xf32>
        %swap3A_477 = arith.index_cast %scan3A_231 : i32 to index
        %swap3A_478 = arith.constant 272 : index
        %swap3A_479 = tpu.vector_load %arg5[%swap3A_477, %swap3A_478] {strides = array<i32>} : memref<32x768xf32, #tpu.memory_space<vmem>>, vector<1x16xf32>,
        %swap3A_480 = vector.shape_cast %swap3A_479 : vector<1x16xf32> to vector<16xf32>
        %swap3A_481 = vector.shape_cast %add3A_476 : vector<16xf32> to vector<1x16xf32>
        tpu.vector_store %arg5[%swap3A_477, %swap3A_478], %swap3A_481 {strides = array<i32>} : memref<32x768xf32, #tpu.memory_space<vmem>>, vector<1x16xf32>,
        %get3A_482 = arith.index_cast %scan3A_231 : i32 to index
        %get3A_483 = arith.constant 288 : index
        %get3A_484 = tpu.vector_load %arg5[%get3A_482, %get3A_483] {strides = array<i32>} : memref<32x768xf32, #tpu.memory_space<vmem>>, vector<1x16xf32>,
        %get3A_485 = vector.shape_cast %get3A_484 : vector<1x16xf32> to vector<16xf32>
        %get3A_486 = arith.index_cast %scan3A_231 : i32 to index
        %get3A_487 = arith.constant 288 : index
        %get3A_488 = tpu.vector_load %arg8[%get3A_486, %get3A_487] {strides = array<i32>} : memref<32x768xf32, #tpu.memory_space<vmem>>, vector<1x16xf32>,
        %get3A_489 = vector.shape_cast %get3A_488 : vector<1x16xf32> to vector<16xf32>
        %add3A_490 = arith.addf %get3A_485, %get3A_489 : vector<16xf32>
        %swap3A_491 = arith.index_cast %scan3A_231 : i32 to index
        %swap3A_492 = arith.constant 288 : index
        %swap3A_493 = tpu.vector_load %arg5[%swap3A_491, %swap3A_492] {strides = array<i32>} : memref<32x768xf32, #tpu.memory_space<vmem>>, vector<1x16xf32>,
        %swap3A_494 = vector.shape_cast %swap3A_493 : vector<1x16xf32> to vector<16xf32>
        %swap3A_495 = vector.shape_cast %add3A_490 : vector<16xf32> to vector<1x16xf32>
        tpu.vector_store %arg5[%swap3A_491, %swap3A_492], %swap3A_495 {strides = array<i32>} : memref<32x768xf32, #tpu.memory_space<vmem>>, vector<1x16xf32>,
        %get3A_496 = arith.index_cast %scan3A_231 : i32 to index
        %get3A_497 = arith.constant 304 : index
        %get3A_498 = tpu.vector_load %arg5[%get3A_496, %get3A_497] {strides = array<i32>} : memref<32x768xf32, #tpu.memory_space<vmem>>, vector<1x16xf32>,
        %get3A_499 = vector.shape_cast %get3A_498 : vector<1x16xf32> to vector<16xf32>
        %get3A_500 = arith.index_cast %scan3A_231 : i32 to index
        %get3A_501 = arith.constant 304 : index
        %get3A_502 = tpu.vector_load %arg8[%get3A_500, %get3A_501] {strides = array<i32>} : memref<32x768xf32, #tpu.memory_space<vmem>>, vector<1x16xf32>,
        %get3A_503 = vector.shape_cast %get3A_502 : vector<1x16xf32> to vector<16xf32>
        %add3A_504 = arith.addf %get3A_499, %get3A_503 : vector<16xf32>
        %swap3A_505 = arith.index_cast %scan3A_231 : i32 to index
        %swap3A_506 = arith.constant 304 : index
        %swap3A_507 = tpu.vector_load %arg5[%swap3A_505, %swap3A_506] {strides = array<i32>} : memref<32x768xf32, #tpu.memory_space<vmem>>, vector<1x16xf32>,
        %swap3A_508 = vector.shape_cast %swap3A_507 : vector<1x16xf32> to vector<16xf32>
        %swap3A_509 = vector.shape_cast %add3A_504 : vector<16xf32> to vector<1x16xf32>
        tpu.vector_store %arg5[%swap3A_505, %swap3A_506], %swap3A_509 {strides = array<i32>} : memref<32x768xf32, #tpu.memory_space<vmem>>, vector<1x16xf32>,
        %get3A_510 = arith.index_cast %scan3A_231 : i32 to index
        %get3A_511 = arith.constant 320 : index
        %get3A_512 = tpu.vector_load %arg5[%get3A_510, %get3A_511] {strides = array<i32>} : memref<32x768xf32, #tpu.memory_space<vmem>>, vector<1x16xf32>,
        %get3A_513 = vector.shape_cast %get3A_512 : vector<1x16xf32> to vector<16xf32>
        %get3A_514 = arith.index_cast %scan3A_231 : i32 to index
        %get3A_515 = arith.constant 320 : index
        %get3A_516 = tpu.vector_load %arg8[%get3A_514, %get3A_515] {strides = array<i32>} : memref<32x768xf32, #tpu.memory_space<vmem>>, vector<1x16xf32>,
        %get3A_517 = vector.shape_cast %get3A_516 : vector<1x16xf32> to vector<16xf32>
        %add3A_518 = arith.addf %get3A_513, %get3A_517 : vector<16xf32>
        %swap3A_519 = arith.index_cast %scan3A_231 : i32 to index
        %swap3A_520 = arith.constant 320 : index
        %swap3A_521 = tpu.vector_load %arg5[%swap3A_519, %swap3A_520] {strides = array<i32>} : memref<32x768xf32, #tpu.memory_space<vmem>>, vector<1x16xf32>,
        %swap3A_522 = vector.shape_cast %swap3A_521 : vector<1x16xf32> to vector<16xf32>
        %swap3A_523 = vector.shape_cast %add3A_518 : vector<16xf32> to vector<1x16xf32>
        tpu.vector_store %arg5[%swap3A_519, %swap3A_520], %swap3A_523 {strides = array<i32>} : memref<32x768xf32, #tpu.memory_space<vmem>>, vector<1x16xf32>,
        %get3A_524 = arith.index_cast %scan3A_231 : i32 to index
        %get3A_525 = arith.constant 336 : index
        %get3A_526 = tpu.vector_load %arg5[%get3A_524, %get3A_525] {strides = array<i32>} : memref<32x768xf32, #tpu.memory_space<vmem>>, vector<1x16xf32>,
        %get3A_527 = vector.shape_cast %get3A_526 : vector<1x16xf32> to vector<16xf32>
        %get3A_528 = arith.index_cast %scan3A_231 : i32 to index
        %get3A_529 = arith.constant 336 : index
        %get3A_530 = tpu.vector_load %arg8[%get3A_528, %get3A_529] {strides = array<i32>} : memref<32x768xf32, #tpu.memory_space<vmem>>, vector<1x16xf32>,
        %get3A_531 = vector.shape_cast %get3A_530 : vector<1x16xf32> to vector<16xf32>
        %add3A_532 = arith.addf %get3A_527, %get3A_531 : vector<16xf32>
        %swap3A_533 = arith.index_cast %scan3A_231 : i32 to index
        %swap3A_534 = arith.constant 336 : index
        %swap3A_535 = tpu.vector_load %arg5[%swap3A_533, %swap3A_534] {strides = array<i32>} : memref<32x768xf32, #tpu.memory_space<vmem>>, vector<1x16xf32>,
        %swap3A_536 = vector.shape_cast %swap3A_535 : vector<1x16xf32> to vector<16xf32>
        %swap3A_537 = vector.shape_cast %add3A_532 : vector<16xf32> to vector<1x16xf32>
        tpu.vector_store %arg5[%swap3A_533, %swap3A_534], %swap3A_537 {strides = array<i32>} : memref<32x768xf32, #tpu.memory_space<vmem>>, vector<1x16xf32>,
        %get3A_538 = arith.index_cast %scan3A_231 : i32 to index
        %get3A_539 = arith.constant 352 : index
        %get3A_540 = tpu.vector_load %arg5[%get3A_538, %get3A_539] {strides = array<i32>} : memref<32x768xf32, #tpu.memory_space<vmem>>, vector<1x16xf32>,
        %get3A_541 = vector.shape_cast %get3A_540 : vector<1x16xf32> to vector<16xf32>
        %get3A_542 = arith.index_cast %scan3A_231 : i32 to index
        %get3A_543 = arith.constant 352 : index
        %get3A_544 = tpu.vector_load %arg8[%get3A_542, %get3A_543] {strides = array<i32>} : memref<32x768xf32, #tpu.memory_space<vmem>>, vector<1x16xf32>,
        %get3A_545 = vector.shape_cast %get3A_544 : vector<1x16xf32> to vector<16xf32>
        %add3A_546 = arith.addf %get3A_541, %get3A_545 : vector<16xf32>
        %swap3A_547 = arith.index_cast %scan3A_231 : i32 to index
        %swap3A_548 = arith.constant 352 : index
        %swap3A_549 = tpu.vector_load %arg5[%swap3A_547, %swap3A_548] {strides = array<i32>} : memref<32x768xf32, #tpu.memory_space<vmem>>, vector<1x16xf32>,
        %swap3A_550 = vector.shape_cast %swap3A_549 : vector<1x16xf32> to vector<16xf32>
        %swap3A_551 = vector.shape_cast %add3A_546 : vector<16xf32> to vector<1x16xf32>
        tpu.vector_store %arg5[%swap3A_547, %swap3A_548], %swap3A_551 {strides = array<i32>} : memref<32x768xf32, #tpu.memory_space<vmem>>, vector<1x16xf32>,
        %get3A_552 = arith.index_cast %scan3A_231 : i32 to index
        %get3A_553 = arith.constant 368 : index
        %get3A_554 = tpu.vector_load %arg5[%get3A_552, %get3A_553] {strides = array<i32>} : memref<32x768xf32, #tpu.memory_space<vmem>>, vector<1x16xf32>,
        %get3A_555 = vector.shape_cast %get3A_554 : vector<1x16xf32> to vector<16xf32>
        %get3A_556 = arith.index_cast %scan3A_231 : i32 to index
        %get3A_557 = arith.constant 368 : index
        %get3A_558 = tpu.vector_load %arg8[%get3A_556, %get3A_557] {strides = array<i32>} : memref<32x768xf32, #tpu.memory_space<vmem>>, vector<1x16xf32>,
        %get3A_559 = vector.shape_cast %get3A_558 : vector<1x16xf32> to vector<16xf32>
        %add3A_560 = arith.addf %get3A_555, %get3A_559 : vector<16xf32>
        %swap3A_561 = arith.index_cast %scan3A_231 : i32 to index
        %swap3A_562 = arith.constant 368 : index
        %swap3A_563 = tpu.vector_load %arg5[%swap3A_561, %swap3A_562] {strides = array<i32>} : memref<32x768xf32, #tpu.memory_space<vmem>>, vector<1x16xf32>,
        %swap3A_564 = vector.shape_cast %swap3A_563 : vector<1x16xf32> to vector<16xf32>
        %swap3A_565 = vector.shape_cast %add3A_560 : vector<16xf32> to vector<1x16xf32>
        tpu.vector_store %arg5[%swap3A_561, %swap3A_562], %swap3A_565 {strides = array<i32>} : memref<32x768xf32, #tpu.memory_space<vmem>>, vector<1x16xf32>,
        %get3A_566 = arith.index_cast %scan3A_231 : i32 to index
        %get3A_567 = arith.constant 384 : index
        %get3A_568 = tpu.vector_load %arg5[%get3A_566, %get3A_567] {strides = array<i32>} : memref<32x768xf32, #tpu.memory_space<vmem>>, vector<1x16xf32>,
        %get3A_569 = vector.shape_cast %get3A_568 : vector<1x16xf32> to vector<16xf32>
        %get3A_570 = arith.index_cast %scan3A_231 : i32 to index
        %get3A_571 = arith.constant 384 : index
        %get3A_572 = tpu.vector_load %arg8[%get3A_570, %get3A_571] {strides = array<i32>} : memref<32x768xf32, #tpu.memory_space<vmem>>, vector<1x16xf32>,
        %get3A_573 = vector.shape_cast %get3A_572 : vector<1x16xf32> to vector<16xf32>
        %add3A_574 = arith.addf %get3A_569, %get3A_573 : vector<16xf32>
        %swap3A_575 = arith.index_cast %scan3A_231 : i32 to index
        %swap3A_576 = arith.constant 384 : index
        %swap3A_577 = tpu.vector_load %arg5[%swap3A_575, %swap3A_576] {strides = array<i32>} : memref<32x768xf32, #tpu.memory_space<vmem>>, vector<1x16xf32>,
        %swap3A_578 = vector.shape_cast %swap3A_577 : vector<1x16xf32> to vector<16xf32>
        %swap3A_579 = vector.shape_cast %add3A_574 : vector<16xf32> to vector<1x16xf32>
        tpu.vector_store %arg5[%swap3A_575, %swap3A_576], %swap3A_579 {strides = array<i32>} : memref<32x768xf32, #tpu.memory_space<vmem>>, vector<1x16xf32>,
        %get3A_580 = arith.index_cast %scan3A_231 : i32 to index
        %get3A_581 = arith.constant 400 : index
        %get3A_582 = tpu.vector_load %arg5[%get3A_580, %get3A_581] {strides = array<i32>} : memref<32x768xf32, #tpu.memory_space<vmem>>, vector<1x16xf32>,
        %get3A_583 = vector.shape_cast %get3A_582 : vector<1x16xf32> to vector<16xf32>
        %get3A_584 = arith.index_cast %scan3A_231 : i32 to index
        %get3A_585 = arith.constant 400 : index
        %get3A_586 = tpu.vector_load %arg8[%get3A_584, %get3A_585] {strides = array<i32>} : memref<32x768xf32, #tpu.memory_space<vmem>>, vector<1x16xf32>,
        %get3A_587 = vector.shape_cast %get3A_586 : vector<1x16xf32> to vector<16xf32>
        %add3A_588 = arith.addf %get3A_583, %get3A_587 : vector<16xf32>
        %swap3A_589 = arith.index_cast %scan3A_231 : i32 to index
        %swap3A_590 = arith.constant 400 : index
        %swap3A_591 = tpu.vector_load %arg5[%swap3A_589, %swap3A_590] {strides = array<i32>} : memref<32x768xf32, #tpu.memory_space<vmem>>, vector<1x16xf32>,
        %swap3A_592 = vector.shape_cast %swap3A_591 : vector<1x16xf32> to vector<16xf32>
        %swap3A_593 = vector.shape_cast %add3A_588 : vector<16xf32> to vector<1x16xf32>
        tpu.vector_store %arg5[%swap3A_589, %swap3A_590], %swap3A_593 {strides = array<i32>} : memref<32x768xf32, #tpu.memory_space<vmem>>, vector<1x16xf32>,
        %get3A_594 = arith.index_cast %scan3A_231 : i32 to index
        %get3A_595 = arith.constant 416 : index
        %get3A_596 = tpu.vector_load %arg5[%get3A_594, %get3A_595] {strides = array<i32>} : memref<32x768xf32, #tpu.memory_space<vmem>>, vector<1x16xf32>,
        %get3A_597 = vector.shape_cast %get3A_596 : vector<1x16xf32> to vector<16xf32>
        %get3A_598 = arith.index_cast %scan3A_231 : i32 to index
        %get3A_599 = arith.constant 416 : index
        %get3A_600 = tpu.vector_load %arg8[%get3A_598, %get3A_599] {strides = array<i32>} : memref<32x768xf32, #tpu.memory_space<vmem>>, vector<1x16xf32>,
        %get3A_601 = vector.shape_cast %get3A_600 : vector<1x16xf32> to vector<16xf32>
        %add3A_602 = arith.addf %get3A_597, %get3A_601 : vector<16xf32>
        %swap3A_603 = arith.index_cast %scan3A_231 : i32 to index
        %swap3A_604 = arith.constant 416 : index
        %swap3A_605 = tpu.vector_load %arg5[%swap3A_603, %swap3A_604] {strides = array<i32>} : memref<32x768xf32, #tpu.memory_space<vmem>>, vector<1x16xf32>,
        %swap3A_606 = vector.shape_cast %swap3A_605 : vector<1x16xf32> to vector<16xf32>
        %swap3A_607 = vector.shape_cast %add3A_602 : vector<16xf32> to vector<1x16xf32>
        tpu.vector_store %arg5[%swap3A_603, %swap3A_604], %swap3A_607 {strides = array<i32>} : memref<32x768xf32, #tpu.memory_space<vmem>>, vector<1x16xf32>,
        %get3A_608 = arith.index_cast %scan3A_231 : i32 to index
        %get3A_609 = arith.constant 432 : index
        %get3A_610 = tpu.vector_load %arg5[%get3A_608, %get3A_609] {strides = array<i32>} : memref<32x768xf32, #tpu.memory_space<vmem>>, vector<1x16xf32>,
        %get3A_611 = vector.shape_cast %get3A_610 : vector<1x16xf32> to vector<16xf32>
        %get3A_612 = arith.index_cast %scan3A_231 : i32 to index
        %get3A_613 = arith.constant 432 : index
        %get3A_614 = tpu.vector_load %arg8[%get3A_612, %get3A_613] {strides = array<i32>} : memref<32x768xf32, #tpu.memory_space<vmem>>, vector<1x16xf32>,
        %get3A_615 = vector.shape_cast %get3A_614 : vector<1x16xf32> to vector<16xf32>
        %add3A_616 = arith.addf %get3A_611, %get3A_615 : vector<16xf32>
        %swap3A_617 = arith.index_cast %scan3A_231 : i32 to index
        %swap3A_618 = arith.constant 432 : index
        %swap3A_619 = tpu.vector_load %arg5[%swap3A_617, %swap3A_618] {strides = array<i32>} : memref<32x768xf32, #tpu.memory_space<vmem>>, vector<1x16xf32>,
        %swap3A_620 = vector.shape_cast %swap3A_619 : vector<1x16xf32> to vector<16xf32>
        %swap3A_621 = vector.shape_cast %add3A_616 : vector<16xf32> to vector<1x16xf32>
        tpu.vector_store %arg5[%swap3A_617, %swap3A_618], %swap3A_621 {strides = array<i32>} : memref<32x768xf32, #tpu.memory_space<vmem>>, vector<1x16xf32>,
        %get3A_622 = arith.index_cast %scan3A_231 : i32 to index
        %get3A_623 = arith.constant 448 : index
        %get3A_624 = tpu.vector_load %arg5[%get3A_622, %get3A_623] {strides = array<i32>} : memref<32x768xf32, #tpu.memory_space<vmem>>, vector<1x16xf32>,
        %get3A_625 = vector.shape_cast %get3A_624 : vector<1x16xf32> to vector<16xf32>
        %get3A_626 = arith.index_cast %scan3A_231 : i32 to index
        %get3A_627 = arith.constant 448 : index
        %get3A_628 = tpu.vector_load %arg8[%get3A_626, %get3A_627] {strides = array<i32>} : memref<32x768xf32, #tpu.memory_space<vmem>>, vector<1x16xf32>,
        %get3A_629 = vector.shape_cast %get3A_628 : vector<1x16xf32> to vector<16xf32>
        %add3A_630 = arith.addf %get3A_625, %get3A_629 : vector<16xf32>
        %swap3A_631 = arith.index_cast %scan3A_231 : i32 to index
        %swap3A_632 = arith.constant 448 : index
        %swap3A_633 = tpu.vector_load %arg5[%swap3A_631, %swap3A_632] {strides = array<i32>} : memref<32x768xf32, #tpu.memory_space<vmem>>, vector<1x16xf32>,
        %swap3A_634 = vector.shape_cast %swap3A_633 : vector<1x16xf32> to vector<16xf32>
        %swap3A_635 = vector.shape_cast %add3A_630 : vector<16xf32> to vector<1x16xf32>
        tpu.vector_store %arg5[%swap3A_631, %swap3A_632], %swap3A_635 {strides = array<i32>} : memref<32x768xf32, #tpu.memory_space<vmem>>, vector<1x16xf32>,
        %get3A_636 = arith.index_cast %scan3A_231 : i32 to index
        %get3A_637 = arith.constant 464 : index
        %get3A_638 = tpu.vector_load %arg5[%get3A_636, %get3A_637] {strides = array<i32>} : memref<32x768xf32, #tpu.memory_space<vmem>>, vector<1x16xf32>,
        %get3A_639 = vector.shape_cast %get3A_638 : vector<1x16xf32> to vector<16xf32>
        %get3A_640 = arith.index_cast %scan3A_231 : i32 to index
        %get3A_641 = arith.constant 464 : index
        %get3A_642 = tpu.vector_load %arg8[%get3A_640, %get3A_641] {strides = array<i32>} : memref<32x768xf32, #tpu.memory_space<vmem>>, vector<1x16xf32>,
        %get3A_643 = vector.shape_cast %get3A_642 : vector<1x16xf32> to vector<16xf32>
        %add3A_644 = arith.addf %get3A_639, %get3A_643 : vector<16xf32>
        %swap3A_645 = arith.index_cast %scan3A_231 : i32 to index
        %swap3A_646 = arith.constant 464 : index
        %swap3A_647 = tpu.vector_load %arg5[%swap3A_645, %swap3A_646] {strides = array<i32>} : memref<32x768xf32, #tpu.memory_space<vmem>>, vector<1x16xf32>,
        %swap3A_648 = vector.shape_cast %swap3A_647 : vector<1x16xf32> to vector<16xf32>
        %swap3A_649 = vector.shape_cast %add3A_644 : vector<16xf32> to vector<1x16xf32>
        tpu.vector_store %arg5[%swap3A_645, %swap3A_646], %swap3A_649 {strides = array<i32>} : memref<32x768xf32, #tpu.memory_space<vmem>>, vector<1x16xf32>,
        %get3A_650 = arith.index_cast %scan3A_231 : i32 to index
        %get3A_651 = arith.constant 480 : index
        %get3A_652 = tpu.vector_load %arg5[%get3A_650, %get3A_651] {strides = array<i32>} : memref<32x768xf32, #tpu.memory_space<vmem>>, vector<1x16xf32>,
        %get3A_653 = vector.shape_cast %get3A_652 : vector<1x16xf32> to vector<16xf32>
        %get3A_654 = arith.index_cast %scan3A_231 : i32 to index
        %get3A_655 = arith.constant 480 : index
        %get3A_656 = tpu.vector_load %arg8[%get3A_654, %get3A_655] {strides = array<i32>} : memref<32x768xf32, #tpu.memory_space<vmem>>, vector<1x16xf32>,
        %get3A_657 = vector.shape_cast %get3A_656 : vector<1x16xf32> to vector<16xf32>
        %add3A_658 = arith.addf %get3A_653, %get3A_657 : vector<16xf32>
        %swap3A_659 = arith.index_cast %scan3A_231 : i32 to index
        %swap3A_660 = arith.constant 480 : index
        %swap3A_661 = tpu.vector_load %arg5[%swap3A_659, %swap3A_660] {strides = array<i32>} : memref<32x768xf32, #tpu.memory_space<vmem>>, vector<1x16xf32>,
        %swap3A_662 = vector.shape_cast %swap3A_661 : vector<1x16xf32> to vector<16xf32>
        %swap3A_663 = vector.shape_cast %add3A_658 : vector<16xf32> to vector<1x16xf32>
        tpu.vector_store %arg5[%swap3A_659, %swap3A_660], %swap3A_663 {strides = array<i32>} : memref<32x768xf32, #tpu.memory_space<vmem>>, vector<1x16xf32>,
        %get3A_664 = arith.index_cast %scan3A_231 : i32 to index
        %get3A_665 = arith.constant 496 : index
        %get3A_666 = tpu.vector_load %arg5[%get3A_664, %get3A_665] {strides = array<i32>} : memref<32x768xf32, #tpu.memory_space<vmem>>, vector<1x16xf32>,
        %get3A_667 = vector.shape_cast %get3A_666 : vector<1x16xf32> to vector<16xf32>
        %get3A_668 = arith.index_cast %scan3A_231 : i32 to index
        %get3A_669 = arith.constant 496 : index
        %get3A_670 = tpu.vector_load %arg8[%get3A_668, %get3A_669] {strides = array<i32>} : memref<32x768xf32, #tpu.memory_space<vmem>>, vector<1x16xf32>,
        %get3A_671 = vector.shape_cast %get3A_670 : vector<1x16xf32> to vector<16xf32>
        %add3A_672 = arith.addf %get3A_667, %get3A_671 : vector<16xf32>
        %swap3A_673 = arith.index_cast %scan3A_231 : i32 to index
        %swap3A_674 = arith.constant 496 : index
        %swap3A_675 = tpu.vector_load %arg5[%swap3A_673, %swap3A_674] {strides = array<i32>} : memref<32x768xf32, #tpu.memory_space<vmem>>, vector<1x16xf32>,
        %swap3A_676 = vector.shape_cast %swap3A_675 : vector<1x16xf32> to vector<16xf32>
        %swap3A_677 = vector.shape_cast %add3A_672 : vector<16xf32> to vector<1x16xf32>
        tpu.vector_store %arg5[%swap3A_673, %swap3A_674], %swap3A_677 {strides = array<i32>} : memref<32x768xf32, #tpu.memory_space<vmem>>, vector<1x16xf32>,
        %get3A_678 = arith.index_cast %scan3A_231 : i32 to index
        %get3A_679 = arith.constant 512 : index
        %get3A_680 = tpu.vector_load %arg5[%get3A_678, %get3A_679] {strides = array<i32>} : memref<32x768xf32, #tpu.memory_space<vmem>>, vector<1x16xf32>,
        %get3A_681 = vector.shape_cast %get3A_680 : vector<1x16xf32> to vector<16xf32>
        %get3A_682 = arith.index_cast %scan3A_231 : i32 to index
        %get3A_683 = arith.constant 512 : index
        %get3A_684 = tpu.vector_load %arg8[%get3A_682, %get3A_683] {strides = array<i32>} : memref<32x768xf32, #tpu.memory_space<vmem>>, vector<1x16xf32>,
        %get3A_685 = vector.shape_cast %get3A_684 : vector<1x16xf32> to vector<16xf32>
        %add3A_686 = arith.addf %get3A_681, %get3A_685 : vector<16xf32>
        %swap3A_687 = arith.index_cast %scan3A_231 : i32 to index
        %swap3A_688 = arith.constant 512 : index
        %swap3A_689 = tpu.vector_load %arg5[%swap3A_687, %swap3A_688] {strides = array<i32>} : memref<32x768xf32, #tpu.memory_space<vmem>>, vector<1x16xf32>,
        %swap3A_690 = vector.shape_cast %swap3A_689 : vector<1x16xf32> to vector<16xf32>
        %swap3A_691 = vector.shape_cast %add3A_686 : vector<16xf32> to vector<1x16xf32>
        tpu.vector_store %arg5[%swap3A_687, %swap3A_688], %swap3A_691 {strides = array<i32>} : memref<32x768xf32, #tpu.memory_space<vmem>>, vector<1x16xf32>,
        %get3A_692 = arith.index_cast %scan3A_231 : i32 to index
        %get3A_693 = arith.constant 528 : index
        %get3A_694 = tpu.vector_load %arg5[%get3A_692, %get3A_693] {strides = array<i32>} : memref<32x768xf32, #tpu.memory_space<vmem>>, vector<1x16xf32>,
        %get3A_695 = vector.shape_cast %get3A_694 : vector<1x16xf32> to vector<16xf32>
        %get3A_696 = arith.index_cast %scan3A_231 : i32 to index
        %get3A_697 = arith.constant 528 : index
        %get3A_698 = tpu.vector_load %arg8[%get3A_696, %get3A_697] {strides = array<i32>} : memref<32x768xf32, #tpu.memory_space<vmem>>, vector<1x16xf32>,
        %get3A_699 = vector.shape_cast %get3A_698 : vector<1x16xf32> to vector<16xf32>
        %add3A_700 = arith.addf %get3A_695, %get3A_699 : vector<16xf32>
        %swap3A_701 = arith.index_cast %scan3A_231 : i32 to index
        %swap3A_702 = arith.constant 528 : index
        %swap3A_703 = tpu.vector_load %arg5[%swap3A_701, %swap3A_702] {strides = array<i32>} : memref<32x768xf32, #tpu.memory_space<vmem>>, vector<1x16xf32>,
        %swap3A_704 = vector.shape_cast %swap3A_703 : vector<1x16xf32> to vector<16xf32>
        %swap3A_705 = vector.shape_cast %add3A_700 : vector<16xf32> to vector<1x16xf32>
        tpu.vector_store %arg5[%swap3A_701, %swap3A_702], %swap3A_705 {strides = array<i32>} : memref<32x768xf32, #tpu.memory_space<vmem>>, vector<1x16xf32>,
        %get3A_706 = arith.index_cast %scan3A_231 : i32 to index
        %get3A_707 = arith.constant 544 : index
        %get3A_708 = tpu.vector_load %arg5[%get3A_706, %get3A_707] {strides = array<i32>} : memref<32x768xf32, #tpu.memory_space<vmem>>, vector<1x16xf32>,
        %get3A_709 = vector.shape_cast %get3A_708 : vector<1x16xf32> to vector<16xf32>
        %get3A_710 = arith.index_cast %scan3A_231 : i32 to index
        %get3A_711 = arith.constant 544 : index
        %get3A_712 = tpu.vector_load %arg8[%get3A_710, %get3A_711] {strides = array<i32>} : memref<32x768xf32, #tpu.memory_space<vmem>>, vector<1x16xf32>,
        %get3A_713 = vector.shape_cast %get3A_712 : vector<1x16xf32> to vector<16xf32>
        %add3A_714 = arith.addf %get3A_709, %get3A_713 : vector<16xf32>
        %swap3A_715 = arith.index_cast %scan3A_231 : i32 to index
        %swap3A_716 = arith.constant 544 : index
        %swap3A_717 = tpu.vector_load %arg5[%swap3A_715, %swap3A_716] {strides = array<i32>} : memref<32x768xf32, #tpu.memory_space<vmem>>, vector<1x16xf32>,
        %swap3A_718 = vector.shape_cast %swap3A_717 : vector<1x16xf32> to vector<16xf32>
        %swap3A_719 = vector.shape_cast %add3A_714 : vector<16xf32> to vector<1x16xf32>
        tpu.vector_store %arg5[%swap3A_715, %swap3A_716], %swap3A_719 {strides = array<i32>} : memref<32x768xf32, #tpu.memory_space<vmem>>, vector<1x16xf32>,
        %get3A_720 = arith.index_cast %scan3A_231 : i32 to index
        %get3A_721 = arith.constant 560 : index
        %get3A_722 = tpu.vector_load %arg5[%get3A_720, %get3A_721] {strides = array<i32>} : memref<32x768xf32, #tpu.memory_space<vmem>>, vector<1x16xf32>,
        %get3A_723 = vector.shape_cast %get3A_722 : vector<1x16xf32> to vector<16xf32>
        %get3A_724 = arith.index_cast %scan3A_231 : i32 to index
        %get3A_725 = arith.constant 560 : index
        %get3A_726 = tpu.vector_load %arg8[%get3A_724, %get3A_725] {strides = array<i32>} : memref<32x768xf32, #tpu.memory_space<vmem>>, vector<1x16xf32>,
        %get3A_727 = vector.shape_cast %get3A_726 : vector<1x16xf32> to vector<16xf32>
        %add3A_728 = arith.addf %get3A_723, %get3A_727 : vector<16xf32>
        %swap3A_729 = arith.index_cast %scan3A_231 : i32 to index
        %swap3A_730 = arith.constant 560 : index
        %swap3A_731 = tpu.vector_load %arg5[%swap3A_729, %swap3A_730] {strides = array<i32>} : memref<32x768xf32, #tpu.memory_space<vmem>>, vector<1x16xf32>,
        %swap3A_732 = vector.shape_cast %swap3A_731 : vector<1x16xf32> to vector<16xf32>
        %swap3A_733 = vector.shape_cast %add3A_728 : vector<16xf32> to vector<1x16xf32>
        tpu.vector_store %arg5[%swap3A_729, %swap3A_730], %swap3A_733 {strides = array<i32>} : memref<32x768xf32, #tpu.memory_space<vmem>>, vector<1x16xf32>,
        %get3A_734 = arith.index_cast %scan3A_231 : i32 to index
        %get3A_735 = arith.constant 576 : index
        %get3A_736 = tpu.vector_load %arg5[%get3A_734, %get3A_735] {strides = array<i32>} : memref<32x768xf32, #tpu.memory_space<vmem>>, vector<1x16xf32>,
        %get3A_737 = vector.shape_cast %get3A_736 : vector<1x16xf32> to vector<16xf32>
        %get3A_738 = arith.index_cast %scan3A_231 : i32 to index
        %get3A_739 = arith.constant 576 : index
        %get3A_740 = tpu.vector_load %arg8[%get3A_738, %get3A_739] {strides = array<i32>} : memref<32x768xf32, #tpu.memory_space<vmem>>, vector<1x16xf32>,
        %get3A_741 = vector.shape_cast %get3A_740 : vector<1x16xf32> to vector<16xf32>
        %add3A_742 = arith.addf %get3A_737, %get3A_741 : vector<16xf32>
        %swap3A_743 = arith.index_cast %scan3A_231 : i32 to index
        %swap3A_744 = arith.constant 576 : index
        %swap3A_745 = tpu.vector_load %arg5[%swap3A_743, %swap3A_744] {strides = array<i32>} : memref<32x768xf32, #tpu.memory_space<vmem>>, vector<1x16xf32>,
        %swap3A_746 = vector.shape_cast %swap3A_745 : vector<1x16xf32> to vector<16xf32>
        %swap3A_747 = vector.shape_cast %add3A_742 : vector<16xf32> to vector<1x16xf32>
        tpu.vector_store %arg5[%swap3A_743, %swap3A_744], %swap3A_747 {strides = array<i32>} : memref<32x768xf32, #tpu.memory_space<vmem>>, vector<1x16xf32>,
        %get3A_748 = arith.index_cast %scan3A_231 : i32 to index
        %get3A_749 = arith.constant 592 : index
        %get3A_750 = tpu.vector_load %arg5[%get3A_748, %get3A_749] {strides = array<i32>} : memref<32x768xf32, #tpu.memory_space<vmem>>, vector<1x16xf32>,
        %get3A_751 = vector.shape_cast %get3A_750 : vector<1x16xf32> to vector<16xf32>
        %get3A_752 = arith.index_cast %scan3A_231 : i32 to index
        %get3A_753 = arith.constant 592 : index
        %get3A_754 = tpu.vector_load %arg8[%get3A_752, %get3A_753] {strides = array<i32>} : memref<32x768xf32, #tpu.memory_space<vmem>>, vector<1x16xf32>,
        %get3A_755 = vector.shape_cast %get3A_754 : vector<1x16xf32> to vector<16xf32>
        %add3A_756 = arith.addf %get3A_751, %get3A_755 : vector<16xf32>
        %swap3A_757 = arith.index_cast %scan3A_231 : i32 to index
        %swap3A_758 = arith.constant 592 : index
        %swap3A_759 = tpu.vector_load %arg5[%swap3A_757, %swap3A_758] {strides = array<i32>} : memref<32x768xf32, #tpu.memory_space<vmem>>, vector<1x16xf32>,
        %swap3A_760 = vector.shape_cast %swap3A_759 : vector<1x16xf32> to vector<16xf32>
        %swap3A_761 = vector.shape_cast %add3A_756 : vector<16xf32> to vector<1x16xf32>
        tpu.vector_store %arg5[%swap3A_757, %swap3A_758], %swap3A_761 {strides = array<i32>} : memref<32x768xf32, #tpu.memory_space<vmem>>, vector<1x16xf32>,
        %get3A_762 = arith.index_cast %scan3A_231 : i32 to index
        %get3A_763 = arith.constant 608 : index
        %get3A_764 = tpu.vector_load %arg5[%get3A_762, %get3A_763] {strides = array<i32>} : memref<32x768xf32, #tpu.memory_space<vmem>>, vector<1x16xf32>,
        %get3A_765 = vector.shape_cast %get3A_764 : vector<1x16xf32> to vector<16xf32>
        %get3A_766 = arith.index_cast %scan3A_231 : i32 to index
        %get3A_767 = arith.constant 608 : index
        %get3A_768 = tpu.vector_load %arg8[%get3A_766, %get3A_767] {strides = array<i32>} : memref<32x768xf32, #tpu.memory_space<vmem>>, vector<1x16xf32>,
        %get3A_769 = vector.shape_cast %get3A_768 : vector<1x16xf32> to vector<16xf32>
        %add3A_770 = arith.addf %get3A_765, %get3A_769 : vector<16xf32>
        %swap3A_771 = arith.index_cast %scan3A_231 : i32 to index
        %swap3A_772 = arith.constant 608 : index
        %swap3A_773 = tpu.vector_load %arg5[%swap3A_771, %swap3A_772] {strides = array<i32>} : memref<32x768xf32, #tpu.memory_space<vmem>>, vector<1x16xf32>,
        %swap3A_774 = vector.shape_cast %swap3A_773 : vector<1x16xf32> to vector<16xf32>
        %swap3A_775 = vector.shape_cast %add3A_770 : vector<16xf32> to vector<1x16xf32>
        tpu.vector_store %arg5[%swap3A_771, %swap3A_772], %swap3A_775 {strides = array<i32>} : memref<32x768xf32, #tpu.memory_space<vmem>>, vector<1x16xf32>,
        %get3A_776 = arith.index_cast %scan3A_231 : i32 to index
        %get3A_777 = arith.constant 624 : index
        %get3A_778 = tpu.vector_load %arg5[%get3A_776, %get3A_777] {strides = array<i32>} : memref<32x768xf32, #tpu.memory_space<vmem>>, vector<1x16xf32>,
        %get3A_779 = vector.shape_cast %get3A_778 : vector<1x16xf32> to vector<16xf32>
        %get3A_780 = arith.index_cast %scan3A_231 : i32 to index
        %get3A_781 = arith.constant 624 : index
        %get3A_782 = tpu.vector_load %arg8[%get3A_780, %get3A_781] {strides = array<i32>} : memref<32x768xf32, #tpu.memory_space<vmem>>, vector<1x16xf32>,
        %get3A_783 = vector.shape_cast %get3A_782 : vector<1x16xf32> to vector<16xf32>
        %add3A_784 = arith.addf %get3A_779, %get3A_783 : vector<16xf32>
        %swap3A_785 = arith.index_cast %scan3A_231 : i32 to index
        %swap3A_786 = arith.constant 624 : index
        %swap3A_787 = tpu.vector_load %arg5[%swap3A_785, %swap3A_786] {strides = array<i32>} : memref<32x768xf32, #tpu.memory_space<vmem>>, vector<1x16xf32>,
        %swap3A_788 = vector.shape_cast %swap3A_787 : vector<1x16xf32> to vector<16xf32>
        %swap3A_789 = vector.shape_cast %add3A_784 : vector<16xf32> to vector<1x16xf32>
        tpu.vector_store %arg5[%swap3A_785, %swap3A_786], %swap3A_789 {strides = array<i32>} : memref<32x768xf32, #tpu.memory_space<vmem>>, vector<1x16xf32>,
        %get3A_790 = arith.index_cast %scan3A_231 : i32 to index
        %get3A_791 = arith.constant 640 : index
        %get3A_792 = tpu.vector_load %arg5[%get3A_790, %get3A_791] {strides = array<i32>} : memref<32x768xf32, #tpu.memory_space<vmem>>, vector<1x16xf32>,
        %get3A_793 = vector.shape_cast %get3A_792 : vector<1x16xf32> to vector<16xf32>
        %get3A_794 = arith.index_cast %scan3A_231 : i32 to index
        %get3A_795 = arith.constant 640 : index
        %get3A_796 = tpu.vector_load %arg8[%get3A_794, %get3A_795] {strides = array<i32>} : memref<32x768xf32, #tpu.memory_space<vmem>>, vector<1x16xf32>,
        %get3A_797 = vector.shape_cast %get3A_796 : vector<1x16xf32> to vector<16xf32>
        %add3A_798 = arith.addf %get3A_793, %get3A_797 : vector<16xf32>
        %swap3A_799 = arith.index_cast %scan3A_231 : i32 to index
        %swap3A_800 = arith.constant 640 : index
        %swap3A_801 = tpu.vector_load %arg5[%swap3A_799, %swap3A_800] {strides = array<i32>} : memref<32x768xf32, #tpu.memory_space<vmem>>, vector<1x16xf32>,
        %swap3A_802 = vector.shape_cast %swap3A_801 : vector<1x16xf32> to vector<16xf32>
        %swap3A_803 = vector.shape_cast %add3A_798 : vector<16xf32> to vector<1x16xf32>
        tpu.vector_store %arg5[%swap3A_799, %swap3A_800], %swap3A_803 {strides = array<i32>} : memref<32x768xf32, #tpu.memory_space<vmem>>, vector<1x16xf32>,
        %get3A_804 = arith.index_cast %scan3A_231 : i32 to index
        %get3A_805 = arith.constant 656 : index
        %get3A_806 = tpu.vector_load %arg5[%get3A_804, %get3A_805] {strides = array<i32>} : memref<32x768xf32, #tpu.memory_space<vmem>>, vector<1x16xf32>,
        %get3A_807 = vector.shape_cast %get3A_806 : vector<1x16xf32> to vector<16xf32>
        %get3A_808 = arith.index_cast %scan3A_231 : i32 to index
        %get3A_809 = arith.constant 656 : index
        %get3A_810 = tpu.vector_load %arg8[%get3A_808, %get3A_809] {strides = array<i32>} : memref<32x768xf32, #tpu.memory_space<vmem>>, vector<1x16xf32>,
        %get3A_811 = vector.shape_cast %get3A_810 : vector<1x16xf32> to vector<16xf32>
        %add3A_812 = arith.addf %get3A_807, %get3A_811 : vector<16xf32>
        %swap3A_813 = arith.index_cast %scan3A_231 : i32 to index
        %swap3A_814 = arith.constant 656 : index
        %swap3A_815 = tpu.vector_load %arg5[%swap3A_813, %swap3A_814] {strides = array<i32>} : memref<32x768xf32, #tpu.memory_space<vmem>>, vector<1x16xf32>,
        %swap3A_816 = vector.shape_cast %swap3A_815 : vector<1x16xf32> to vector<16xf32>
        %swap3A_817 = vector.shape_cast %add3A_812 : vector<16xf32> to vector<1x16xf32>
        tpu.vector_store %arg5[%swap3A_813, %swap3A_814], %swap3A_817 {strides = array<i32>} : memref<32x768xf32, #tpu.memory_space<vmem>>, vector<1x16xf32>,
        %get3A_818 = arith.index_cast %scan3A_231 : i32 to index
        %get3A_819 = arith.constant 672 : index
        %get3A_820 = tpu.vector_load %arg5[%get3A_818, %get3A_819] {strides = array<i32>} : memref<32x768xf32, #tpu.memory_space<vmem>>, vector<1x16xf32>,
        %get3A_821 = vector.shape_cast %get3A_820 : vector<1x16xf32> to vector<16xf32>
        %get3A_822 = arith.index_cast %scan3A_231 : i32 to index
        %get3A_823 = arith.constant 672 : index
        %get3A_824 = tpu.vector_load %arg8[%get3A_822, %get3A_823] {strides = array<i32>} : memref<32x768xf32, #tpu.memory_space<vmem>>, vector<1x16xf32>,
        %get3A_825 = vector.shape_cast %get3A_824 : vector<1x16xf32> to vector<16xf32>
        %add3A_826 = arith.addf %get3A_821, %get3A_825 : vector<16xf32>
        %swap3A_827 = arith.index_cast %scan3A_231 : i32 to index
        %swap3A_828 = arith.constant 672 : index
        %swap3A_829 = tpu.vector_load %arg5[%swap3A_827, %swap3A_828] {strides = array<i32>} : memref<32x768xf32, #tpu.memory_space<vmem>>, vector<1x16xf32>,
        %swap3A_830 = vector.shape_cast %swap3A_829 : vector<1x16xf32> to vector<16xf32>
        %swap3A_831 = vector.shape_cast %add3A_826 : vector<16xf32> to vector<1x16xf32>
        tpu.vector_store %arg5[%swap3A_827, %swap3A_828], %swap3A_831 {strides = array<i32>} : memref<32x768xf32, #tpu.memory_space<vmem>>, vector<1x16xf32>,
        %get3A_832 = arith.index_cast %scan3A_231 : i32 to index
        %get3A_833 = arith.constant 688 : index
        %get3A_834 = tpu.vector_load %arg5[%get3A_832, %get3A_833] {strides = array<i32>} : memref<32x768xf32, #tpu.memory_space<vmem>>, vector<1x16xf32>,
        %get3A_835 = vector.shape_cast %get3A_834 : vector<1x16xf32> to vector<16xf32>
        %get3A_836 = arith.index_cast %scan3A_231 : i32 to index
        %get3A_837 = arith.constant 688 : index
        %get3A_838 = tpu.vector_load %arg8[%get3A_836, %get3A_837] {strides = array<i32>} : memref<32x768xf32, #tpu.memory_space<vmem>>, vector<1x16xf32>,
        %get3A_839 = vector.shape_cast %get3A_838 : vector<1x16xf32> to vector<16xf32>
        %add3A_840 = arith.addf %get3A_835, %get3A_839 : vector<16xf32>
        %swap3A_841 = arith.index_cast %scan3A_231 : i32 to index
        %swap3A_842 = arith.constant 688 : index
        %swap3A_843 = tpu.vector_load %arg5[%swap3A_841, %swap3A_842] {strides = array<i32>} : memref<32x768xf32, #tpu.memory_space<vmem>>, vector<1x16xf32>,
        %swap3A_844 = vector.shape_cast %swap3A_843 : vector<1x16xf32> to vector<16xf32>
        %swap3A_845 = vector.shape_cast %add3A_840 : vector<16xf32> to vector<1x16xf32>
        tpu.vector_store %arg5[%swap3A_841, %swap3A_842], %swap3A_845 {strides = array<i32>} : memref<32x768xf32, #tpu.memory_space<vmem>>, vector<1x16xf32>,
        %get3A_846 = arith.index_cast %scan3A_231 : i32 to index
        %get3A_847 = arith.constant 704 : index
        %get3A_848 = tpu.vector_load %arg5[%get3A_846, %get3A_847] {strides = array<i32>} : memref<32x768xf32, #tpu.memory_space<vmem>>, vector<1x16xf32>,
        %get3A_849 = vector.shape_cast %get3A_848 : vector<1x16xf32> to vector<16xf32>
        %get3A_850 = arith.index_cast %scan3A_231 : i32 to index
        %get3A_851 = arith.constant 704 : index
        %get3A_852 = tpu.vector_load %arg8[%get3A_850, %get3A_851] {strides = array<i32>} : memref<32x768xf32, #tpu.memory_space<vmem>>, vector<1x16xf32>,
        %get3A_853 = vector.shape_cast %get3A_852 : vector<1x16xf32> to vector<16xf32>
        %add3A_854 = arith.addf %get3A_849, %get3A_853 : vector<16xf32>
        %swap3A_855 = arith.index_cast %scan3A_231 : i32 to index
        %swap3A_856 = arith.constant 704 : index
        %swap3A_857 = tpu.vector_load %arg5[%swap3A_855, %swap3A_856] {strides = array<i32>} : memref<32x768xf32, #tpu.memory_space<vmem>>, vector<1x16xf32>,
        %swap3A_858 = vector.shape_cast %swap3A_857 : vector<1x16xf32> to vector<16xf32>
        %swap3A_859 = vector.shape_cast %add3A_854 : vector<16xf32> to vector<1x16xf32>
        tpu.vector_store %arg5[%swap3A_855, %swap3A_856], %swap3A_859 {strides = array<i32>} : memref<32x768xf32, #tpu.memory_space<vmem>>, vector<1x16xf32>,
        %get3A_860 = arith.index_cast %scan3A_231 : i32 to index
        %get3A_861 = arith.constant 720 : index
        %get3A_862 = tpu.vector_load %arg5[%get3A_860, %get3A_861] {strides = array<i32>} : memref<32x768xf32, #tpu.memory_space<vmem>>, vector<1x16xf32>,
        %get3A_863 = vector.shape_cast %get3A_862 : vector<1x16xf32> to vector<16xf32>
        %get3A_864 = arith.index_cast %scan3A_231 : i32 to index
        %get3A_865 = arith.constant 720 : index
        %get3A_866 = tpu.vector_load %arg8[%get3A_864, %get3A_865] {strides = array<i32>} : memref<32x768xf32, #tpu.memory_space<vmem>>, vector<1x16xf32>,
        %get3A_867 = vector.shape_cast %get3A_866 : vector<1x16xf32> to vector<16xf32>
        %add3A_868 = arith.addf %get3A_863, %get3A_867 : vector<16xf32>
        %swap3A_869 = arith.index_cast %scan3A_231 : i32 to index
        %swap3A_870 = arith.constant 720 : index
        %swap3A_871 = tpu.vector_load %arg5[%swap3A_869, %swap3A_870] {strides = array<i32>} : memref<32x768xf32, #tpu.memory_space<vmem>>, vector<1x16xf32>,
        %swap3A_872 = vector.shape_cast %swap3A_871 : vector<1x16xf32> to vector<16xf32>
        %swap3A_873 = vector.shape_cast %add3A_868 : vector<16xf32> to vector<1x16xf32>
        tpu.vector_store %arg5[%swap3A_869, %swap3A_870], %swap3A_873 {strides = array<i32>} : memref<32x768xf32, #tpu.memory_space<vmem>>, vector<1x16xf32>,
        %get3A_874 = arith.index_cast %scan3A_231 : i32 to index
        %get3A_875 = arith.constant 736 : index
        %get3A_876 = tpu.vector_load %arg5[%get3A_874, %get3A_875] {strides = array<i32>} : memref<32x768xf32, #tpu.memory_space<vmem>>, vector<1x16xf32>,
        %get3A_877 = vector.shape_cast %get3A_876 : vector<1x16xf32> to vector<16xf32>
        %get3A_878 = arith.index_cast %scan3A_231 : i32 to index
        %get3A_879 = arith.constant 736 : index
        %get3A_880 = tpu.vector_load %arg8[%get3A_878, %get3A_879] {strides = array<i32>} : memref<32x768xf32, #tpu.memory_space<vmem>>, vector<1x16xf32>,
        %get3A_881 = vector.shape_cast %get3A_880 : vector<1x16xf32> to vector<16xf32>
        %add3A_882 = arith.addf %get3A_877, %get3A_881 : vector<16xf32>
        %swap3A_883 = arith.index_cast %scan3A_231 : i32 to index
        %swap3A_884 = arith.constant 736 : index
        %swap3A_885 = tpu.vector_load %arg5[%swap3A_883, %swap3A_884] {strides = array<i32>} : memref<32x768xf32, #tpu.memory_space<vmem>>, vector<1x16xf32>,
        %swap3A_886 = vector.shape_cast %swap3A_885 : vector<1x16xf32> to vector<16xf32>
        %swap3A_887 = vector.shape_cast %add3A_882 : vector<16xf32> to vector<1x16xf32>
        tpu.vector_store %arg5[%swap3A_883, %swap3A_884], %swap3A_887 {strides = array<i32>} : memref<32x768xf32, #tpu.memory_space<vmem>>, vector<1x16xf32>,
        %get3A_888 = arith.index_cast %scan3A_231 : i32 to index
        %get3A_889 = arith.constant 752 : index
        %get3A_890 = tpu.vector_load %arg5[%get3A_888, %get3A_889] {strides = array<i32>} : memref<32x768xf32, #tpu.memory_space<vmem>>, vector<1x16xf32>,
        %get3A_891 = vector.shape_cast %get3A_890 : vector<1x16xf32> to vector<16xf32>
        %get3A_892 = arith.index_cast %scan3A_231 : i32 to index
        %get3A_893 = arith.constant 752 : index
        %get3A_894 = tpu.vector_load %arg8[%get3A_892, %get3A_893] {strides = array<i32>} : memref<32x768xf32, #tpu.memory_space<vmem>>, vector<1x16xf32>,
        %get3A_895 = vector.shape_cast %get3A_894 : vector<1x16xf32> to vector<16xf32>
        %add3A_896 = arith.addf %get3A_891, %get3A_895 : vector<16xf32>
        %swap3A_897 = arith.index_cast %scan3A_231 : i32 to index
        %swap3A_898 = arith.constant 752 : index
        %swap3A_899 = tpu.vector_load %arg5[%swap3A_897, %swap3A_898] {strides = array<i32>} : memref<32x768xf32, #tpu.memory_space<vmem>>, vector<1x16xf32>,
        %swap3A_900 = vector.shape_cast %swap3A_899 : vector<1x16xf32> to vector<16xf32>
        %swap3A_901 = vector.shape_cast %add3A_896 : vector<16xf32> to vector<1x16xf32>
        tpu.vector_store %arg5[%swap3A_897, %swap3A_898], %swap3A_901 {strides = array<i32>} : memref<32x768xf32, #tpu.memory_space<vmem>>, vector<1x16xf32>,
      }
      %scan3A_173 = arith.constant 32 : i32
      %mul3A_174 = arith.constant 32 : i32
      %mul3A_175 = arith.muli %add3A_143, %mul3A_174 : i32
      %dma_start3A_176 = arith.constant 0 : i32
      %dma_start3A_177 = tpu.memref_slice %arg4[%add3A_147, %mul3A_175, %dma_start3A_176] : memref<64x576x768xf32, #tpu.memory_space<hbm>> -> memref<1x32x768xf32, #tpu.memory_space<hbm>>
      %dma_start3A_178 = tpu.memref_squeeze %dma_start3A_177 : memref<1x32x768xf32, #tpu.memory_space<hbm>> -> memref<32x768xf32, #tpu.memory_space<hbm>>
      %dma_start3A_179 = arith.constant 0 : i32
      %dma_start3A_180 = tpu.memref_slice %arg4[%add3A_147, %mul3A_175, %dma_start3A_179] : memref<64x576x768xf32, #tpu.memory_space<hbm>> -> memref<1x32x768xf32, #tpu.memory_space<hbm>>
      %dma_start3A_181 = tpu.memref_squeeze %dma_start3A_180 : memref<1x32x768xf32, #tpu.memory_space<hbm>> -> memref<32x768xf32, #tpu.memory_space<hbm>>
      tpu.enqueue_dma source(%arg5 : memref<32x768xf32, #tpu.memory_space<vmem>>) target(%dma_start3A_181 : memref<32x768xf32, #tpu.memory_space<hbm>>) target_semaphore(%arg13 : memref<!tpu.dma_semaphore, #tpu.memory_space<semaphore_mem>>)
      %add3A_182 = arith.constant 1 : i32
      %add3A_183 = arith.addi %add3A_139, %add3A_182 : i32
      %lt3A_184 = arith.constant 36 : i32
      %lt3A_185 = arith.cmpi slt, %add3A_183, %lt3A_184 : i32
      %convert_element_type3A_186 = arith.extui %lt3A_185 : i1 to i32
      %cond3A_187 = arith.constant 0 : i32
      %cond3A_188 = arith.cmpi ne, %convert_element_type3A_186, %cond3A_187 : i32
      scf.if %cond3A_188 {
        %ge3A = arith.constant 1 : i32
        %ge3A_231 = arith.cmpi sge, %add3A_139, %ge3A : i32
        %convert_element_type3A_232 = arith.extui %ge3A_231 : i1 to i32
        %cond3A_233 = arith.constant 0 : i32
        %cond3A_234 = arith.cmpi ne, %convert_element_type3A_232, %cond3A_233 : i32
        scf.if %cond3A_234 {
          %dma_wait3A_279 = arith.constant 0 : i32
          %dma_wait3A_280 = arith.constant 0 : i32
          %dma_wait3A_281 = arith.constant 0 : i32
          %dma_wait3A_282 = tpu.memref_slice %arg4[%dma_wait3A_279, %dma_wait3A_280, %dma_wait3A_281] : memref<64x576x768xf32, #tpu.memory_space<hbm>> -> memref<1x32x768xf32, #tpu.memory_space<hbm>>
          %dma_wait3A_283 = tpu.memref_squeeze %dma_wait3A_282 : memref<1x32x768xf32, #tpu.memory_space<hbm>> -> memref<32x768xf32, #tpu.memory_space<hbm>>
          %dma_wait3A_284 = arith.constant 0 : i32
          %dma_wait3A_285 = arith.constant 0 : i32
          %dma_wait3A_286 = tpu.memref_slice %arg4[%dma_wait3A_279, %dma_wait3A_284, %dma_wait3A_285] : memref<64x576x768xf32, #tpu.memory_space<hbm>> -> memref<1x32x768xf32, #tpu.memory_space<hbm>>
          %dma_wait3A_287 = tpu.memref_squeeze %dma_wait3A_286 : memref<1x32x768xf32, #tpu.memory_space<hbm>> -> memref<32x768xf32, #tpu.memory_space<hbm>>
          tpu.wait_dma2 semaphore(%arg14 : memref<!tpu.dma_semaphore, #tpu.memory_space<semaphore_mem>>) src(%arg6 : memref<32x768xf32, #tpu.memory_space<vmem>>) dst(%dma_wait3A_287 : memref<32x768xf32, #tpu.memory_space<hbm>>)
        } else {
        }
        %add3A_235 = arith.constant 1 : i32
        %add3A_236 = arith.addi %add3A_139, %add3A_235 : i32
        %jit3A = arith.constant 2 : i32
        %div3A = arith.divsi %add3A_236, %jit3A : i32
        %sign3A = arith.constant 0 : i32
        %sign3A_237 = arith.cmpi sgt, %add3A_236, %sign3A : i32
        %sign3A_238 = arith.extui %sign3A_237 : i1 to i32
        %sign3A_239 = arith.constant 0 : i32
        %sign3A_240 = arith.cmpi slt, %add3A_236, %sign3A_239 : i32
        %sign3A_241 = arith.extui %sign3A_240 : i1 to i32
        %sign3A_242 = arith.subi %sign3A_238, %sign3A_241 : i32
        %sign3A_243 = arith.constant 0 : i32
        %sign3A_244 = arith.cmpi sgt, %jit3A, %sign3A_243 : i32
        %sign3A_245 = arith.extui %sign3A_244 : i1 to i32
        %sign3A_246 = arith.constant 0 : i32
        %sign3A_247 = arith.cmpi slt, %jit3A, %sign3A_246 : i32
        %sign3A_248 = arith.extui %sign3A_247 : i1 to i32
        %sign3A_249 = arith.subi %sign3A_245, %sign3A_248 : i32
        %ne3A = arith.cmpi ne, %sign3A_242, %sign3A_249 : i32
        %rem3A = arith.remsi %add3A_236, %jit3A : i32
        %ne3A_250 = arith.constant 0 : i32
        %ne3A_251 = arith.cmpi ne, %rem3A, %ne3A_250 : i32
        %and3A = arith.andi %ne3A, %ne3A_251 : i1
        %sub3A = arith.constant 1 : i32
        %sub3A_252 = arith.subi %div3A, %sub3A : i32
        %select_n3A = arith.select %and3A, %sub3A_252, %div3A : i32
        %mul3A_253 = arith.constant 2 : i32
        %mul3A_254 = arith.muli %add3A, %mul3A_253 : i32
        %jit3A_255 = arith.constant 2 : i32
        %eq3A = arith.constant 0 : i32
        %eq3A_256 = arith.cmpi eq, %jit3A_255, %eq3A : i32
        %jit3A_257 = arith.constant 1 : i32
        %select_n3A_258 = arith.select %eq3A_256, %jit3A_257, %jit3A_255 : i32
        %rem3A_259 = arith.remsi %add3A_236, %select_n3A_258 : i32
        %ne3A_260 = arith.constant 0 : i32
        %ne3A_261 = arith.cmpi ne, %rem3A_259, %ne3A_260 : i32
        %lt3A_262 = arith.constant 0 : i32
        %lt3A_263 = arith.cmpi slt, %rem3A_259, %lt3A_262 : i32
        %lt3A_264 = arith.constant 0 : i32
        %lt3A_265 = arith.cmpi slt, %select_n3A_258, %lt3A_264 : i32
        %ne3A_266 = arith.xori %lt3A_263, %lt3A_265 : i1
        %and3A_267 = arith.andi %ne3A_266, %ne3A_261 : i1
        %add3A_268 = arith.addi %rem3A_259, %select_n3A_258 : i32
        %select_n3A_269 = arith.select %and3A_267, %add3A_268, %rem3A_259 : i32
        %add3A_270 = arith.addi %mul3A_254, %select_n3A_269 : i32
        %mul3A_271 = arith.constant 32 : i32
        %mul3A_272 = arith.muli %select_n3A, %mul3A_271 : i32
        %dma_start3A_273 = arith.constant 0 : i32
        %dma_start3A_274 = tpu.memref_slice %arg2[%add3A_270, %mul3A_272, %dma_start3A_273] : memref<64x576x768xf32, #tpu.memory_space<hbm>> -> memref<1x32x768xf32, #tpu.memory_space<hbm>>
        %dma_start3A_275 = tpu.memref_squeeze %dma_start3A_274 : memref<1x32x768xf32, #tpu.memory_space<hbm>> -> memref<32x768xf32, #tpu.memory_space<hbm>>
        %dma_start3A_276 = arith.constant 0 : i32
        %dma_start3A_277 = tpu.memref_slice %arg2[%add3A_270, %mul3A_272, %dma_start3A_276] : memref<64x576x768xf32, #tpu.memory_space<hbm>> -> memref<1x32x768xf32, #tpu.memory_space<hbm>>
        %dma_start3A_278 = tpu.memref_squeeze %dma_start3A_277 : memref<1x32x768xf32, #tpu.memory_space<hbm>> -> memref<32x768xf32, #tpu.memory_space<hbm>>
        tpu.enqueue_dma source(%dma_start3A_278 : memref<32x768xf32, #tpu.memory_space<hbm>>) target(%arg6 : memref<32x768xf32, #tpu.memory_space<vmem>>) target_semaphore(%arg12 : memref<!tpu.dma_semaphore, #tpu.memory_space<semaphore_mem>>)
      } else {
      }
      %mul3A_189 = arith.constant 4 : i32
      %mul3A_190 = arith.muli %scan3A_38, %mul3A_189 : i32
      %add3A_191 = arith.constant 3 : i32
      %add3A_192 = arith.addi %mul3A_190, %add3A_191 : i32
      %mul3A_193 = arith.constant 2 : i32
      %mul3A_194 = arith.muli %mul3A_193, %scan3A_38 : i32
      %add3A_195 = arith.constant 1 : i32
      %add3A_196 = arith.addi %mul3A_194, %add3A_195 : i32
      %mul3A_197 = arith.constant 2 : i32
      %mul3A_198 = arith.muli %add3A, %mul3A_197 : i32
      %add3A_199 = arith.constant 1 : i32
      %add3A_200 = arith.addi %mul3A_198, %add3A_199 : i32
      %dma_wait3A_201 = arith.constant 0 : i32
      %dma_wait3A_202 = arith.constant 0 : i32
      %dma_wait3A_203 = arith.constant 0 : i32
      %dma_wait3A_204 = tpu.memref_slice %arg2[%dma_wait3A_201, %dma_wait3A_202, %dma_wait3A_203] : memref<64x576x768xf32, #tpu.memory_space<hbm>> -> memref<1x32x768xf32, #tpu.memory_space<hbm>>
      %dma_wait3A_205 = tpu.memref_squeeze %dma_wait3A_204 : memref<1x32x768xf32, #tpu.memory_space<hbm>> -> memref<32x768xf32, #tpu.memory_space<hbm>>
      %dma_wait3A_206 = arith.constant 0 : i32
      %dma_wait3A_207 = arith.constant 0 : i32
      %dma_wait3A_208 = tpu.memref_slice %arg2[%dma_wait3A_201, %dma_wait3A_206, %dma_wait3A_207] : memref<64x576x768xf32, #tpu.memory_space<hbm>> -> memref<1x32x768xf32, #tpu.memory_space<hbm>>
      %dma_wait3A_209 = tpu.memref_squeeze %dma_wait3A_208 : memref<1x32x768xf32, #tpu.memory_space<hbm>> -> memref<32x768xf32, #tpu.memory_space<hbm>>
      tpu.wait_dma2 semaphore(%arg12 : memref<!tpu.dma_semaphore, #tpu.memory_space<semaphore_mem>>) src(%dma_wait3A_209 : memref<32x768xf32, #tpu.memory_space<hbm>>) dst(%arg6 : memref<32x768xf32, #tpu.memory_space<vmem>>)
      %scan3A_210 = arith.constant 0 : i32
      %scan3A_211 = arith.constant 0 : i32
      %scan3A_212 = arith.constant 32 : i32
      %scan3A_213 = arith.addi %scan3A_211, %scan3A_212 : i32
      %scan3A_214 = arith.constant 1 : i32
      scf.for %scan3A_231 = %scan3A_211 to %scan3A_213 step %scan3A_214  : i32 {
        %get3A = arith.index_cast %scan3A_231 : i32 to index
        %get3A_232 = arith.constant 0 : index
        %get3A_233 = tpu.vector_load %arg6[%get3A, %get3A_232] {strides = array<i32>} : memref<32x768xf32, #tpu.memory_space<vmem>>, vector<1x16xf32>,
        %get3A_234 = vector.shape_cast %get3A_233 : vector<1x16xf32> to vector<16xf32>
        %get3A_235 = arith.index_cast %scan3A_231 : i32 to index
        %get3A_236 = arith.constant 0 : index
        %get3A_237 = tpu.vector_load %arg8[%get3A_235, %get3A_236] {strides = array<i32>} : memref<32x768xf32, #tpu.memory_space<vmem>>, vector<1x16xf32>,
        %get3A_238 = vector.shape_cast %get3A_237 : vector<1x16xf32> to vector<16xf32>
        %add3A_239 = arith.addf %get3A_234, %get3A_238 : vector<16xf32>
        %swap3A = arith.index_cast %scan3A_231 : i32 to index
        %swap3A_240 = arith.constant 0 : index
        %swap3A_241 = tpu.vector_load %arg6[%swap3A, %swap3A_240] {strides = array<i32>} : memref<32x768xf32, #tpu.memory_space<vmem>>, vector<1x16xf32>,
        %swap3A_242 = vector.shape_cast %swap3A_241 : vector<1x16xf32> to vector<16xf32>
        %swap3A_243 = vector.shape_cast %add3A_239 : vector<16xf32> to vector<1x16xf32>
        tpu.vector_store %arg6[%swap3A, %swap3A_240], %swap3A_243 {strides = array<i32>} : memref<32x768xf32, #tpu.memory_space<vmem>>, vector<1x16xf32>,
        %get3A_244 = arith.index_cast %scan3A_231 : i32 to index
        %get3A_245 = arith.constant 16 : index
        %get3A_246 = tpu.vector_load %arg6[%get3A_244, %get3A_245] {strides = array<i32>} : memref<32x768xf32, #tpu.memory_space<vmem>>, vector<1x16xf32>,
        %get3A_247 = vector.shape_cast %get3A_246 : vector<1x16xf32> to vector<16xf32>
        %get3A_248 = arith.index_cast %scan3A_231 : i32 to index
        %get3A_249 = arith.constant 16 : index
        %get3A_250 = tpu.vector_load %arg8[%get3A_248, %get3A_249] {strides = array<i32>} : memref<32x768xf32, #tpu.memory_space<vmem>>, vector<1x16xf32>,
        %get3A_251 = vector.shape_cast %get3A_250 : vector<1x16xf32> to vector<16xf32>
        %add3A_252 = arith.addf %get3A_247, %get3A_251 : vector<16xf32>
        %swap3A_253 = arith.index_cast %scan3A_231 : i32 to index
        %swap3A_254 = arith.constant 16 : index
        %swap3A_255 = tpu.vector_load %arg6[%swap3A_253, %swap3A_254] {strides = array<i32>} : memref<32x768xf32, #tpu.memory_space<vmem>>, vector<1x16xf32>,
        %swap3A_256 = vector.shape_cast %swap3A_255 : vector<1x16xf32> to vector<16xf32>
        %swap3A_257 = vector.shape_cast %add3A_252 : vector<16xf32> to vector<1x16xf32>
        tpu.vector_store %arg6[%swap3A_253, %swap3A_254], %swap3A_257 {strides = array<i32>} : memref<32x768xf32, #tpu.memory_space<vmem>>, vector<1x16xf32>,
        %get3A_258 = arith.index_cast %scan3A_231 : i32 to index
        %get3A_259 = arith.constant 32 : index
        %get3A_260 = tpu.vector_load %arg6[%get3A_258, %get3A_259] {strides = array<i32>} : memref<32x768xf32, #tpu.memory_space<vmem>>, vector<1x16xf32>,
        %get3A_261 = vector.shape_cast %get3A_260 : vector<1x16xf32> to vector<16xf32>
        %get3A_262 = arith.index_cast %scan3A_231 : i32 to index
        %get3A_263 = arith.constant 32 : index
        %get3A_264 = tpu.vector_load %arg8[%get3A_262, %get3A_263] {strides = array<i32>} : memref<32x768xf32, #tpu.memory_space<vmem>>, vector<1x16xf32>,
        %get3A_265 = vector.shape_cast %get3A_264 : vector<1x16xf32> to vector<16xf32>
        %add3A_266 = arith.addf %get3A_261, %get3A_265 : vector<16xf32>
        %swap3A_267 = arith.index_cast %scan3A_231 : i32 to index
        %swap3A_268 = arith.constant 32 : index
        %swap3A_269 = tpu.vector_load %arg6[%swap3A_267, %swap3A_268] {strides = array<i32>} : memref<32x768xf32, #tpu.memory_space<vmem>>, vector<1x16xf32>,
        %swap3A_270 = vector.shape_cast %swap3A_269 : vector<1x16xf32> to vector<16xf32>
        %swap3A_271 = vector.shape_cast %add3A_266 : vector<16xf32> to vector<1x16xf32>
        tpu.vector_store %arg6[%swap3A_267, %swap3A_268], %swap3A_271 {strides = array<i32>} : memref<32x768xf32, #tpu.memory_space<vmem>>, vector<1x16xf32>,
        %get3A_272 = arith.index_cast %scan3A_231 : i32 to index
        %get3A_273 = arith.constant 48 : index
        %get3A_274 = tpu.vector_load %arg6[%get3A_272, %get3A_273] {strides = array<i32>} : memref<32x768xf32, #tpu.memory_space<vmem>>, vector<1x16xf32>,
        %get3A_275 = vector.shape_cast %get3A_274 : vector<1x16xf32> to vector<16xf32>
        %get3A_276 = arith.index_cast %scan3A_231 : i32 to index
        %get3A_277 = arith.constant 48 : index
        %get3A_278 = tpu.vector_load %arg8[%get3A_276, %get3A_277] {strides = array<i32>} : memref<32x768xf32, #tpu.memory_space<vmem>>, vector<1x16xf32>,
        %get3A_279 = vector.shape_cast %get3A_278 : vector<1x16xf32> to vector<16xf32>
        %add3A_280 = arith.addf %get3A_275, %get3A_279 : vector<16xf32>
        %swap3A_281 = arith.index_cast %scan3A_231 : i32 to index
        %swap3A_282 = arith.constant 48 : index
        %swap3A_283 = tpu.vector_load %arg6[%swap3A_281, %swap3A_282] {strides = array<i32>} : memref<32x768xf32, #tpu.memory_space<vmem>>, vector<1x16xf32>,
        %swap3A_284 = vector.shape_cast %swap3A_283 : vector<1x16xf32> to vector<16xf32>
        %swap3A_285 = vector.shape_cast %add3A_280 : vector<16xf32> to vector<1x16xf32>
        tpu.vector_store %arg6[%swap3A_281, %swap3A_282], %swap3A_285 {strides = array<i32>} : memref<32x768xf32, #tpu.memory_space<vmem>>, vector<1x16xf32>,
        %get3A_286 = arith.index_cast %scan3A_231 : i32 to index
        %get3A_287 = arith.constant 64 : index
        %get3A_288 = tpu.vector_load %arg6[%get3A_286, %get3A_287] {strides = array<i32>} : memref<32x768xf32, #tpu.memory_space<vmem>>, vector<1x16xf32>,
        %get3A_289 = vector.shape_cast %get3A_288 : vector<1x16xf32> to vector<16xf32>
        %get3A_290 = arith.index_cast %scan3A_231 : i32 to index
        %get3A_291 = arith.constant 64 : index
        %get3A_292 = tpu.vector_load %arg8[%get3A_290, %get3A_291] {strides = array<i32>} : memref<32x768xf32, #tpu.memory_space<vmem>>, vector<1x16xf32>,
        %get3A_293 = vector.shape_cast %get3A_292 : vector<1x16xf32> to vector<16xf32>
        %add3A_294 = arith.addf %get3A_289, %get3A_293 : vector<16xf32>
        %swap3A_295 = arith.index_cast %scan3A_231 : i32 to index
        %swap3A_296 = arith.constant 64 : index
        %swap3A_297 = tpu.vector_load %arg6[%swap3A_295, %swap3A_296] {strides = array<i32>} : memref<32x768xf32, #tpu.memory_space<vmem>>, vector<1x16xf32>,
        %swap3A_298 = vector.shape_cast %swap3A_297 : vector<1x16xf32> to vector<16xf32>
        %swap3A_299 = vector.shape_cast %add3A_294 : vector<16xf32> to vector<1x16xf32>
        tpu.vector_store %arg6[%swap3A_295, %swap3A_296], %swap3A_299 {strides = array<i32>} : memref<32x768xf32, #tpu.memory_space<vmem>>, vector<1x16xf32>,
        %get3A_300 = arith.index_cast %scan3A_231 : i32 to index
        %get3A_301 = arith.constant 80 : index
        %get3A_302 = tpu.vector_load %arg6[%get3A_300, %get3A_301] {strides = array<i32>} : memref<32x768xf32, #tpu.memory_space<vmem>>, vector<1x16xf32>,
        %get3A_303 = vector.shape_cast %get3A_302 : vector<1x16xf32> to vector<16xf32>
        %get3A_304 = arith.index_cast %scan3A_231 : i32 to index
        %get3A_305 = arith.constant 80 : index
        %get3A_306 = tpu.vector_load %arg8[%get3A_304, %get3A_305] {strides = array<i32>} : memref<32x768xf32, #tpu.memory_space<vmem>>, vector<1x16xf32>,
        %get3A_307 = vector.shape_cast %get3A_306 : vector<1x16xf32> to vector<16xf32>
        %add3A_308 = arith.addf %get3A_303, %get3A_307 : vector<16xf32>
        %swap3A_309 = arith.index_cast %scan3A_231 : i32 to index
        %swap3A_310 = arith.constant 80 : index
        %swap3A_311 = tpu.vector_load %arg6[%swap3A_309, %swap3A_310] {strides = array<i32>} : memref<32x768xf32, #tpu.memory_space<vmem>>, vector<1x16xf32>,
        %swap3A_312 = vector.shape_cast %swap3A_311 : vector<1x16xf32> to vector<16xf32>
        %swap3A_313 = vector.shape_cast %add3A_308 : vector<16xf32> to vector<1x16xf32>
        tpu.vector_store %arg6[%swap3A_309, %swap3A_310], %swap3A_313 {strides = array<i32>} : memref<32x768xf32, #tpu.memory_space<vmem>>, vector<1x16xf32>,
        %get3A_314 = arith.index_cast %scan3A_231 : i32 to index
        %get3A_315 = arith.constant 96 : index
        %get3A_316 = tpu.vector_load %arg6[%get3A_314, %get3A_315] {strides = array<i32>} : memref<32x768xf32, #tpu.memory_space<vmem>>, vector<1x16xf32>,
        %get3A_317 = vector.shape_cast %get3A_316 : vector<1x16xf32> to vector<16xf32>
        %get3A_318 = arith.index_cast %scan3A_231 : i32 to index
        %get3A_319 = arith.constant 96 : index
        %get3A_320 = tpu.vector_load %arg8[%get3A_318, %get3A_319] {strides = array<i32>} : memref<32x768xf32, #tpu.memory_space<vmem>>, vector<1x16xf32>,
        %get3A_321 = vector.shape_cast %get3A_320 : vector<1x16xf32> to vector<16xf32>
        %add3A_322 = arith.addf %get3A_317, %get3A_321 : vector<16xf32>
        %swap3A_323 = arith.index_cast %scan3A_231 : i32 to index
        %swap3A_324 = arith.constant 96 : index
        %swap3A_325 = tpu.vector_load %arg6[%swap3A_323, %swap3A_324] {strides = array<i32>} : memref<32x768xf32, #tpu.memory_space<vmem>>, vector<1x16xf32>,
        %swap3A_326 = vector.shape_cast %swap3A_325 : vector<1x16xf32> to vector<16xf32>
        %swap3A_327 = vector.shape_cast %add3A_322 : vector<16xf32> to vector<1x16xf32>
        tpu.vector_store %arg6[%swap3A_323, %swap3A_324], %swap3A_327 {strides = array<i32>} : memref<32x768xf32, #tpu.memory_space<vmem>>, vector<1x16xf32>,
        %get3A_328 = arith.index_cast %scan3A_231 : i32 to index
        %get3A_329 = arith.constant 112 : index
        %get3A_330 = tpu.vector_load %arg6[%get3A_328, %get3A_329] {strides = array<i32>} : memref<32x768xf32, #tpu.memory_space<vmem>>, vector<1x16xf32>,
        %get3A_331 = vector.shape_cast %get3A_330 : vector<1x16xf32> to vector<16xf32>
        %get3A_332 = arith.index_cast %scan3A_231 : i32 to index
        %get3A_333 = arith.constant 112 : index
        %get3A_334 = tpu.vector_load %arg8[%get3A_332, %get3A_333] {strides = array<i32>} : memref<32x768xf32, #tpu.memory_space<vmem>>, vector<1x16xf32>,
        %get3A_335 = vector.shape_cast %get3A_334 : vector<1x16xf32> to vector<16xf32>
        %add3A_336 = arith.addf %get3A_331, %get3A_335 : vector<16xf32>
        %swap3A_337 = arith.index_cast %scan3A_231 : i32 to index
        %swap3A_338 = arith.constant 112 : index
        %swap3A_339 = tpu.vector_load %arg6[%swap3A_337, %swap3A_338] {strides = array<i32>} : memref<32x768xf32, #tpu.memory_space<vmem>>, vector<1x16xf32>,
        %swap3A_340 = vector.shape_cast %swap3A_339 : vector<1x16xf32> to vector<16xf32>
        %swap3A_341 = vector.shape_cast %add3A_336 : vector<16xf32> to vector<1x16xf32>
        tpu.vector_store %arg6[%swap3A_337, %swap3A_338], %swap3A_341 {strides = array<i32>} : memref<32x768xf32, #tpu.memory_space<vmem>>, vector<1x16xf32>,
        %get3A_342 = arith.index_cast %scan3A_231 : i32 to index
        %get3A_343 = arith.constant 128 : index
        %get3A_344 = tpu.vector_load %arg6[%get3A_342, %get3A_343] {strides = array<i32>} : memref<32x768xf32, #tpu.memory_space<vmem>>, vector<1x16xf32>,
        %get3A_345 = vector.shape_cast %get3A_344 : vector<1x16xf32> to vector<16xf32>
        %get3A_346 = arith.index_cast %scan3A_231 : i32 to index
        %get3A_347 = arith.constant 128 : index
        %get3A_348 = tpu.vector_load %arg8[%get3A_346, %get3A_347] {strides = array<i32>} : memref<32x768xf32, #tpu.memory_space<vmem>>, vector<1x16xf32>,
        %get3A_349 = vector.shape_cast %get3A_348 : vector<1x16xf32> to vector<16xf32>
        %add3A_350 = arith.addf %get3A_345, %get3A_349 : vector<16xf32>
        %swap3A_351 = arith.index_cast %scan3A_231 : i32 to index
        %swap3A_352 = arith.constant 128 : index
        %swap3A_353 = tpu.vector_load %arg6[%swap3A_351, %swap3A_352] {strides = array<i32>} : memref<32x768xf32, #tpu.memory_space<vmem>>, vector<1x16xf32>,
        %swap3A_354 = vector.shape_cast %swap3A_353 : vector<1x16xf32> to vector<16xf32>
        %swap3A_355 = vector.shape_cast %add3A_350 : vector<16xf32> to vector<1x16xf32>
        tpu.vector_store %arg6[%swap3A_351, %swap3A_352], %swap3A_355 {strides = array<i32>} : memref<32x768xf32, #tpu.memory_space<vmem>>, vector<1x16xf32>,
        %get3A_356 = arith.index_cast %scan3A_231 : i32 to index
        %get3A_357 = arith.constant 144 : index
        %get3A_358 = tpu.vector_load %arg6[%get3A_356, %get3A_357] {strides = array<i32>} : memref<32x768xf32, #tpu.memory_space<vmem>>, vector<1x16xf32>,
        %get3A_359 = vector.shape_cast %get3A_358 : vector<1x16xf32> to vector<16xf32>
        %get3A_360 = arith.index_cast %scan3A_231 : i32 to index
        %get3A_361 = arith.constant 144 : index
        %get3A_362 = tpu.vector_load %arg8[%get3A_360, %get3A_361] {strides = array<i32>} : memref<32x768xf32, #tpu.memory_space<vmem>>, vector<1x16xf32>,
        %get3A_363 = vector.shape_cast %get3A_362 : vector<1x16xf32> to vector<16xf32>
        %add3A_364 = arith.addf %get3A_359, %get3A_363 : vector<16xf32>
        %swap3A_365 = arith.index_cast %scan3A_231 : i32 to index
        %swap3A_366 = arith.constant 144 : index
        %swap3A_367 = tpu.vector_load %arg6[%swap3A_365, %swap3A_366] {strides = array<i32>} : memref<32x768xf32, #tpu.memory_space<vmem>>, vector<1x16xf32>,
        %swap3A_368 = vector.shape_cast %swap3A_367 : vector<1x16xf32> to vector<16xf32>
        %swap3A_369 = vector.shape_cast %add3A_364 : vector<16xf32> to vector<1x16xf32>
        tpu.vector_store %arg6[%swap3A_365, %swap3A_366], %swap3A_369 {strides = array<i32>} : memref<32x768xf32, #tpu.memory_space<vmem>>, vector<1x16xf32>,
        %get3A_370 = arith.index_cast %scan3A_231 : i32 to index
        %get3A_371 = arith.constant 160 : index
        %get3A_372 = tpu.vector_load %arg6[%get3A_370, %get3A_371] {strides = array<i32>} : memref<32x768xf32, #tpu.memory_space<vmem>>, vector<1x16xf32>,
        %get3A_373 = vector.shape_cast %get3A_372 : vector<1x16xf32> to vector<16xf32>
        %get3A_374 = arith.index_cast %scan3A_231 : i32 to index
        %get3A_375 = arith.constant 160 : index
        %get3A_376 = tpu.vector_load %arg8[%get3A_374, %get3A_375] {strides = array<i32>} : memref<32x768xf32, #tpu.memory_space<vmem>>, vector<1x16xf32>,
        %get3A_377 = vector.shape_cast %get3A_376 : vector<1x16xf32> to vector<16xf32>
        %add3A_378 = arith.addf %get3A_373, %get3A_377 : vector<16xf32>
        %swap3A_379 = arith.index_cast %scan3A_231 : i32 to index
        %swap3A_380 = arith.constant 160 : index
        %swap3A_381 = tpu.vector_load %arg6[%swap3A_379, %swap3A_380] {strides = array<i32>} : memref<32x768xf32, #tpu.memory_space<vmem>>, vector<1x16xf32>,
        %swap3A_382 = vector.shape_cast %swap3A_381 : vector<1x16xf32> to vector<16xf32>
        %swap3A_383 = vector.shape_cast %add3A_378 : vector<16xf32> to vector<1x16xf32>
        tpu.vector_store %arg6[%swap3A_379, %swap3A_380], %swap3A_383 {strides = array<i32>} : memref<32x768xf32, #tpu.memory_space<vmem>>, vector<1x16xf32>,
        %get3A_384 = arith.index_cast %scan3A_231 : i32 to index
        %get3A_385 = arith.constant 176 : index
        %get3A_386 = tpu.vector_load %arg6[%get3A_384, %get3A_385] {strides = array<i32>} : memref<32x768xf32, #tpu.memory_space<vmem>>, vector<1x16xf32>,
        %get3A_387 = vector.shape_cast %get3A_386 : vector<1x16xf32> to vector<16xf32>
        %get3A_388 = arith.index_cast %scan3A_231 : i32 to index
        %get3A_389 = arith.constant 176 : index
        %get3A_390 = tpu.vector_load %arg8[%get3A_388, %get3A_389] {strides = array<i32>} : memref<32x768xf32, #tpu.memory_space<vmem>>, vector<1x16xf32>,
        %get3A_391 = vector.shape_cast %get3A_390 : vector<1x16xf32> to vector<16xf32>
        %add3A_392 = arith.addf %get3A_387, %get3A_391 : vector<16xf32>
        %swap3A_393 = arith.index_cast %scan3A_231 : i32 to index
        %swap3A_394 = arith.constant 176 : index
        %swap3A_395 = tpu.vector_load %arg6[%swap3A_393, %swap3A_394] {strides = array<i32>} : memref<32x768xf32, #tpu.memory_space<vmem>>, vector<1x16xf32>,
        %swap3A_396 = vector.shape_cast %swap3A_395 : vector<1x16xf32> to vector<16xf32>
        %swap3A_397 = vector.shape_cast %add3A_392 : vector<16xf32> to vector<1x16xf32>
        tpu.vector_store %arg6[%swap3A_393, %swap3A_394], %swap3A_397 {strides = array<i32>} : memref<32x768xf32, #tpu.memory_space<vmem>>, vector<1x16xf32>,
        %get3A_398 = arith.index_cast %scan3A_231 : i32 to index
        %get3A_399 = arith.constant 192 : index
        %get3A_400 = tpu.vector_load %arg6[%get3A_398, %get3A_399] {strides = array<i32>} : memref<32x768xf32, #tpu.memory_space<vmem>>, vector<1x16xf32>,
        %get3A_401 = vector.shape_cast %get3A_400 : vector<1x16xf32> to vector<16xf32>
        %get3A_402 = arith.index_cast %scan3A_231 : i32 to index
        %get3A_403 = arith.constant 192 : index
        %get3A_404 = tpu.vector_load %arg8[%get3A_402, %get3A_403] {strides = array<i32>} : memref<32x768xf32, #tpu.memory_space<vmem>>, vector<1x16xf32>,
        %get3A_405 = vector.shape_cast %get3A_404 : vector<1x16xf32> to vector<16xf32>
        %add3A_406 = arith.addf %get3A_401, %get3A_405 : vector<16xf32>
        %swap3A_407 = arith.index_cast %scan3A_231 : i32 to index
        %swap3A_408 = arith.constant 192 : index
        %swap3A_409 = tpu.vector_load %arg6[%swap3A_407, %swap3A_408] {strides = array<i32>} : memref<32x768xf32, #tpu.memory_space<vmem>>, vector<1x16xf32>,
        %swap3A_410 = vector.shape_cast %swap3A_409 : vector<1x16xf32> to vector<16xf32>
        %swap3A_411 = vector.shape_cast %add3A_406 : vector<16xf32> to vector<1x16xf32>
        tpu.vector_store %arg6[%swap3A_407, %swap3A_408], %swap3A_411 {strides = array<i32>} : memref<32x768xf32, #tpu.memory_space<vmem>>, vector<1x16xf32>,
        %get3A_412 = arith.index_cast %scan3A_231 : i32 to index
        %get3A_413 = arith.constant 208 : index
        %get3A_414 = tpu.vector_load %arg6[%get3A_412, %get3A_413] {strides = array<i32>} : memref<32x768xf32, #tpu.memory_space<vmem>>, vector<1x16xf32>,
        %get3A_415 = vector.shape_cast %get3A_414 : vector<1x16xf32> to vector<16xf32>
        %get3A_416 = arith.index_cast %scan3A_231 : i32 to index
        %get3A_417 = arith.constant 208 : index
        %get3A_418 = tpu.vector_load %arg8[%get3A_416, %get3A_417] {strides = array<i32>} : memref<32x768xf32, #tpu.memory_space<vmem>>, vector<1x16xf32>,
        %get3A_419 = vector.shape_cast %get3A_418 : vector<1x16xf32> to vector<16xf32>
        %add3A_420 = arith.addf %get3A_415, %get3A_419 : vector<16xf32>
        %swap3A_421 = arith.index_cast %scan3A_231 : i32 to index
        %swap3A_422 = arith.constant 208 : index
        %swap3A_423 = tpu.vector_load %arg6[%swap3A_421, %swap3A_422] {strides = array<i32>} : memref<32x768xf32, #tpu.memory_space<vmem>>, vector<1x16xf32>,
        %swap3A_424 = vector.shape_cast %swap3A_423 : vector<1x16xf32> to vector<16xf32>
        %swap3A_425 = vector.shape_cast %add3A_420 : vector<16xf32> to vector<1x16xf32>
        tpu.vector_store %arg6[%swap3A_421, %swap3A_422], %swap3A_425 {strides = array<i32>} : memref<32x768xf32, #tpu.memory_space<vmem>>, vector<1x16xf32>,
        %get3A_426 = arith.index_cast %scan3A_231 : i32 to index
        %get3A_427 = arith.constant 224 : index
        %get3A_428 = tpu.vector_load %arg6[%get3A_426, %get3A_427] {strides = array<i32>} : memref<32x768xf32, #tpu.memory_space<vmem>>, vector<1x16xf32>,
        %get3A_429 = vector.shape_cast %get3A_428 : vector<1x16xf32> to vector<16xf32>
        %get3A_430 = arith.index_cast %scan3A_231 : i32 to index
        %get3A_431 = arith.constant 224 : index
        %get3A_432 = tpu.vector_load %arg8[%get3A_430, %get3A_431] {strides = array<i32>} : memref<32x768xf32, #tpu.memory_space<vmem>>, vector<1x16xf32>,
        %get3A_433 = vector.shape_cast %get3A_432 : vector<1x16xf32> to vector<16xf32>
        %add3A_434 = arith.addf %get3A_429, %get3A_433 : vector<16xf32>
        %swap3A_435 = arith.index_cast %scan3A_231 : i32 to index
        %swap3A_436 = arith.constant 224 : index
        %swap3A_437 = tpu.vector_load %arg6[%swap3A_435, %swap3A_436] {strides = array<i32>} : memref<32x768xf32, #tpu.memory_space<vmem>>, vector<1x16xf32>,
        %swap3A_438 = vector.shape_cast %swap3A_437 : vector<1x16xf32> to vector<16xf32>
        %swap3A_439 = vector.shape_cast %add3A_434 : vector<16xf32> to vector<1x16xf32>
        tpu.vector_store %arg6[%swap3A_435, %swap3A_436], %swap3A_439 {strides = array<i32>} : memref<32x768xf32, #tpu.memory_space<vmem>>, vector<1x16xf32>,
        %get3A_440 = arith.index_cast %scan3A_231 : i32 to index
        %get3A_441 = arith.constant 240 : index
        %get3A_442 = tpu.vector_load %arg6[%get3A_440, %get3A_441] {strides = array<i32>} : memref<32x768xf32, #tpu.memory_space<vmem>>, vector<1x16xf32>,
        %get3A_443 = vector.shape_cast %get3A_442 : vector<1x16xf32> to vector<16xf32>
        %get3A_444 = arith.index_cast %scan3A_231 : i32 to index
        %get3A_445 = arith.constant 240 : index
        %get3A_446 = tpu.vector_load %arg8[%get3A_444, %get3A_445] {strides = array<i32>} : memref<32x768xf32, #tpu.memory_space<vmem>>, vector<1x16xf32>,
        %get3A_447 = vector.shape_cast %get3A_446 : vector<1x16xf32> to vector<16xf32>
        %add3A_448 = arith.addf %get3A_443, %get3A_447 : vector<16xf32>
        %swap3A_449 = arith.index_cast %scan3A_231 : i32 to index
        %swap3A_450 = arith.constant 240 : index
        %swap3A_451 = tpu.vector_load %arg6[%swap3A_449, %swap3A_450] {strides = array<i32>} : memref<32x768xf32, #tpu.memory_space<vmem>>, vector<1x16xf32>,
        %swap3A_452 = vector.shape_cast %swap3A_451 : vector<1x16xf32> to vector<16xf32>
        %swap3A_453 = vector.shape_cast %add3A_448 : vector<16xf32> to vector<1x16xf32>
        tpu.vector_store %arg6[%swap3A_449, %swap3A_450], %swap3A_453 {strides = array<i32>} : memref<32x768xf32, #tpu.memory_space<vmem>>, vector<1x16xf32>,
        %get3A_454 = arith.index_cast %scan3A_231 : i32 to index
        %get3A_455 = arith.constant 256 : index
        %get3A_456 = tpu.vector_load %arg6[%get3A_454, %get3A_455] {strides = array<i32>} : memref<32x768xf32, #tpu.memory_space<vmem>>, vector<1x16xf32>,
        %get3A_457 = vector.shape_cast %get3A_456 : vector<1x16xf32> to vector<16xf32>
        %get3A_458 = arith.index_cast %scan3A_231 : i32 to index
        %get3A_459 = arith.constant 256 : index
        %get3A_460 = tpu.vector_load %arg8[%get3A_458, %get3A_459] {strides = array<i32>} : memref<32x768xf32, #tpu.memory_space<vmem>>, vector<1x16xf32>,
        %get3A_461 = vector.shape_cast %get3A_460 : vector<1x16xf32> to vector<16xf32>
        %add3A_462 = arith.addf %get3A_457, %get3A_461 : vector<16xf32>
        %swap3A_463 = arith.index_cast %scan3A_231 : i32 to index
        %swap3A_464 = arith.constant 256 : index
        %swap3A_465 = tpu.vector_load %arg6[%swap3A_463, %swap3A_464] {strides = array<i32>} : memref<32x768xf32, #tpu.memory_space<vmem>>, vector<1x16xf32>,
        %swap3A_466 = vector.shape_cast %swap3A_465 : vector<1x16xf32> to vector<16xf32>
        %swap3A_467 = vector.shape_cast %add3A_462 : vector<16xf32> to vector<1x16xf32>
        tpu.vector_store %arg6[%swap3A_463, %swap3A_464], %swap3A_467 {strides = array<i32>} : memref<32x768xf32, #tpu.memory_space<vmem>>, vector<1x16xf32>,
        %get3A_468 = arith.index_cast %scan3A_231 : i32 to index
        %get3A_469 = arith.constant 272 : index
        %get3A_470 = tpu.vector_load %arg6[%get3A_468, %get3A_469] {strides = array<i32>} : memref<32x768xf32, #tpu.memory_space<vmem>>, vector<1x16xf32>,
        %get3A_471 = vector.shape_cast %get3A_470 : vector<1x16xf32> to vector<16xf32>
        %get3A_472 = arith.index_cast %scan3A_231 : i32 to index
        %get3A_473 = arith.constant 272 : index
        %get3A_474 = tpu.vector_load %arg8[%get3A_472, %get3A_473] {strides = array<i32>} : memref<32x768xf32, #tpu.memory_space<vmem>>, vector<1x16xf32>,
        %get3A_475 = vector.shape_cast %get3A_474 : vector<1x16xf32> to vector<16xf32>
        %add3A_476 = arith.addf %get3A_471, %get3A_475 : vector<16xf32>
        %swap3A_477 = arith.index_cast %scan3A_231 : i32 to index
        %swap3A_478 = arith.constant 272 : index
        %swap3A_479 = tpu.vector_load %arg6[%swap3A_477, %swap3A_478] {strides = array<i32>} : memref<32x768xf32, #tpu.memory_space<vmem>>, vector<1x16xf32>,
        %swap3A_480 = vector.shape_cast %swap3A_479 : vector<1x16xf32> to vector<16xf32>
        %swap3A_481 = vector.shape_cast %add3A_476 : vector<16xf32> to vector<1x16xf32>
        tpu.vector_store %arg6[%swap3A_477, %swap3A_478], %swap3A_481 {strides = array<i32>} : memref<32x768xf32, #tpu.memory_space<vmem>>, vector<1x16xf32>,
        %get3A_482 = arith.index_cast %scan3A_231 : i32 to index
        %get3A_483 = arith.constant 288 : index
        %get3A_484 = tpu.vector_load %arg6[%get3A_482, %get3A_483] {strides = array<i32>} : memref<32x768xf32, #tpu.memory_space<vmem>>, vector<1x16xf32>,
        %get3A_485 = vector.shape_cast %get3A_484 : vector<1x16xf32> to vector<16xf32>
        %get3A_486 = arith.index_cast %scan3A_231 : i32 to index
        %get3A_487 = arith.constant 288 : index
        %get3A_488 = tpu.vector_load %arg8[%get3A_486, %get3A_487] {strides = array<i32>} : memref<32x768xf32, #tpu.memory_space<vmem>>, vector<1x16xf32>,
        %get3A_489 = vector.shape_cast %get3A_488 : vector<1x16xf32> to vector<16xf32>
        %add3A_490 = arith.addf %get3A_485, %get3A_489 : vector<16xf32>
        %swap3A_491 = arith.index_cast %scan3A_231 : i32 to index
        %swap3A_492 = arith.constant 288 : index
        %swap3A_493 = tpu.vector_load %arg6[%swap3A_491, %swap3A_492] {strides = array<i32>} : memref<32x768xf32, #tpu.memory_space<vmem>>, vector<1x16xf32>,
        %swap3A_494 = vector.shape_cast %swap3A_493 : vector<1x16xf32> to vector<16xf32>
        %swap3A_495 = vector.shape_cast %add3A_490 : vector<16xf32> to vector<1x16xf32>
        tpu.vector_store %arg6[%swap3A_491, %swap3A_492], %swap3A_495 {strides = array<i32>} : memref<32x768xf32, #tpu.memory_space<vmem>>, vector<1x16xf32>,
        %get3A_496 = arith.index_cast %scan3A_231 : i32 to index
        %get3A_497 = arith.constant 304 : index
        %get3A_498 = tpu.vector_load %arg6[%get3A_496, %get3A_497] {strides = array<i32>} : memref<32x768xf32, #tpu.memory_space<vmem>>, vector<1x16xf32>,
        %get3A_499 = vector.shape_cast %get3A_498 : vector<1x16xf32> to vector<16xf32>
        %get3A_500 = arith.index_cast %scan3A_231 : i32 to index
        %get3A_501 = arith.constant 304 : index
        %get3A_502 = tpu.vector_load %arg8[%get3A_500, %get3A_501] {strides = array<i32>} : memref<32x768xf32, #tpu.memory_space<vmem>>, vector<1x16xf32>,
        %get3A_503 = vector.shape_cast %get3A_502 : vector<1x16xf32> to vector<16xf32>
        %add3A_504 = arith.addf %get3A_499, %get3A_503 : vector<16xf32>
        %swap3A_505 = arith.index_cast %scan3A_231 : i32 to index
        %swap3A_506 = arith.constant 304 : index
        %swap3A_507 = tpu.vector_load %arg6[%swap3A_505, %swap3A_506] {strides = array<i32>} : memref<32x768xf32, #tpu.memory_space<vmem>>, vector<1x16xf32>,
        %swap3A_508 = vector.shape_cast %swap3A_507 : vector<1x16xf32> to vector<16xf32>
        %swap3A_509 = vector.shape_cast %add3A_504 : vector<16xf32> to vector<1x16xf32>
        tpu.vector_store %arg6[%swap3A_505, %swap3A_506], %swap3A_509 {strides = array<i32>} : memref<32x768xf32, #tpu.memory_space<vmem>>, vector<1x16xf32>,
        %get3A_510 = arith.index_cast %scan3A_231 : i32 to index
        %get3A_511 = arith.constant 320 : index
        %get3A_512 = tpu.vector_load %arg6[%get3A_510, %get3A_511] {strides = array<i32>} : memref<32x768xf32, #tpu.memory_space<vmem>>, vector<1x16xf32>,
        %get3A_513 = vector.shape_cast %get3A_512 : vector<1x16xf32> to vector<16xf32>
        %get3A_514 = arith.index_cast %scan3A_231 : i32 to index
        %get3A_515 = arith.constant 320 : index
        %get3A_516 = tpu.vector_load %arg8[%get3A_514, %get3A_515] {strides = array<i32>} : memref<32x768xf32, #tpu.memory_space<vmem>>, vector<1x16xf32>,
        %get3A_517 = vector.shape_cast %get3A_516 : vector<1x16xf32> to vector<16xf32>
        %add3A_518 = arith.addf %get3A_513, %get3A_517 : vector<16xf32>
        %swap3A_519 = arith.index_cast %scan3A_231 : i32 to index
        %swap3A_520 = arith.constant 320 : index
        %swap3A_521 = tpu.vector_load %arg6[%swap3A_519, %swap3A_520] {strides = array<i32>} : memref<32x768xf32, #tpu.memory_space<vmem>>, vector<1x16xf32>,
        %swap3A_522 = vector.shape_cast %swap3A_521 : vector<1x16xf32> to vector<16xf32>
        %swap3A_523 = vector.shape_cast %add3A_518 : vector<16xf32> to vector<1x16xf32>
        tpu.vector_store %arg6[%swap3A_519, %swap3A_520], %swap3A_523 {strides = array<i32>} : memref<32x768xf32, #tpu.memory_space<vmem>>, vector<1x16xf32>,
        %get3A_524 = arith.index_cast %scan3A_231 : i32 to index
        %get3A_525 = arith.constant 336 : index
        %get3A_526 = tpu.vector_load %arg6[%get3A_524, %get3A_525] {strides = array<i32>} : memref<32x768xf32, #tpu.memory_space<vmem>>, vector<1x16xf32>,
        %get3A_527 = vector.shape_cast %get3A_526 : vector<1x16xf32> to vector<16xf32>
        %get3A_528 = arith.index_cast %scan3A_231 : i32 to index
        %get3A_529 = arith.constant 336 : index
        %get3A_530 = tpu.vector_load %arg8[%get3A_528, %get3A_529] {strides = array<i32>} : memref<32x768xf32, #tpu.memory_space<vmem>>, vector<1x16xf32>,
        %get3A_531 = vector.shape_cast %get3A_530 : vector<1x16xf32> to vector<16xf32>
        %add3A_532 = arith.addf %get3A_527, %get3A_531 : vector<16xf32>
        %swap3A_533 = arith.index_cast %scan3A_231 : i32 to index
        %swap3A_534 = arith.constant 336 : index
        %swap3A_535 = tpu.vector_load %arg6[%swap3A_533, %swap3A_534] {strides = array<i32>} : memref<32x768xf32, #tpu.memory_space<vmem>>, vector<1x16xf32>,
        %swap3A_536 = vector.shape_cast %swap3A_535 : vector<1x16xf32> to vector<16xf32>
        %swap3A_537 = vector.shape_cast %add3A_532 : vector<16xf32> to vector<1x16xf32>
        tpu.vector_store %arg6[%swap3A_533, %swap3A_534], %swap3A_537 {strides = array<i32>} : memref<32x768xf32, #tpu.memory_space<vmem>>, vector<1x16xf32>,
        %get3A_538 = arith.index_cast %scan3A_231 : i32 to index
        %get3A_539 = arith.constant 352 : index
        %get3A_540 = tpu.vector_load %arg6[%get3A_538, %get3A_539] {strides = array<i32>} : memref<32x768xf32, #tpu.memory_space<vmem>>, vector<1x16xf32>,
        %get3A_541 = vector.shape_cast %get3A_540 : vector<1x16xf32> to vector<16xf32>
        %get3A_542 = arith.index_cast %scan3A_231 : i32 to index
        %get3A_543 = arith.constant 352 : index
        %get3A_544 = tpu.vector_load %arg8[%get3A_542, %get3A_543] {strides = array<i32>} : memref<32x768xf32, #tpu.memory_space<vmem>>, vector<1x16xf32>,
        %get3A_545 = vector.shape_cast %get3A_544 : vector<1x16xf32> to vector<16xf32>
        %add3A_546 = arith.addf %get3A_541, %get3A_545 : vector<16xf32>
        %swap3A_547 = arith.index_cast %scan3A_231 : i32 to index
        %swap3A_548 = arith.constant 352 : index
        %swap3A_549 = tpu.vector_load %arg6[%swap3A_547, %swap3A_548] {strides = array<i32>} : memref<32x768xf32, #tpu.memory_space<vmem>>, vector<1x16xf32>,
        %swap3A_550 = vector.shape_cast %swap3A_549 : vector<1x16xf32> to vector<16xf32>
        %swap3A_551 = vector.shape_cast %add3A_546 : vector<16xf32> to vector<1x16xf32>
        tpu.vector_store %arg6[%swap3A_547, %swap3A_548], %swap3A_551 {strides = array<i32>} : memref<32x768xf32, #tpu.memory_space<vmem>>, vector<1x16xf32>,
        %get3A_552 = arith.index_cast %scan3A_231 : i32 to index
        %get3A_553 = arith.constant 368 : index
        %get3A_554 = tpu.vector_load %arg6[%get3A_552, %get3A_553] {strides = array<i32>} : memref<32x768xf32, #tpu.memory_space<vmem>>, vector<1x16xf32>,
        %get3A_555 = vector.shape_cast %get3A_554 : vector<1x16xf32> to vector<16xf32>
        %get3A_556 = arith.index_cast %scan3A_231 : i32 to index
        %get3A_557 = arith.constant 368 : index
        %get3A_558 = tpu.vector_load %arg8[%get3A_556, %get3A_557] {strides = array<i32>} : memref<32x768xf32, #tpu.memory_space<vmem>>, vector<1x16xf32>,
        %get3A_559 = vector.shape_cast %get3A_558 : vector<1x16xf32> to vector<16xf32>
        %add3A_560 = arith.addf %get3A_555, %get3A_559 : vector<16xf32>
        %swap3A_561 = arith.index_cast %scan3A_231 : i32 to index
        %swap3A_562 = arith.constant 368 : index
        %swap3A_563 = tpu.vector_load %arg6[%swap3A_561, %swap3A_562] {strides = array<i32>} : memref<32x768xf32, #tpu.memory_space<vmem>>, vector<1x16xf32>,
        %swap3A_564 = vector.shape_cast %swap3A_563 : vector<1x16xf32> to vector<16xf32>
        %swap3A_565 = vector.shape_cast %add3A_560 : vector<16xf32> to vector<1x16xf32>
        tpu.vector_store %arg6[%swap3A_561, %swap3A_562], %swap3A_565 {strides = array<i32>} : memref<32x768xf32, #tpu.memory_space<vmem>>, vector<1x16xf32>,
        %get3A_566 = arith.index_cast %scan3A_231 : i32 to index
        %get3A_567 = arith.constant 384 : index
        %get3A_568 = tpu.vector_load %arg6[%get3A_566, %get3A_567] {strides = array<i32>} : memref<32x768xf32, #tpu.memory_space<vmem>>, vector<1x16xf32>,
        %get3A_569 = vector.shape_cast %get3A_568 : vector<1x16xf32> to vector<16xf32>
        %get3A_570 = arith.index_cast %scan3A_231 : i32 to index
        %get3A_571 = arith.constant 384 : index
        %get3A_572 = tpu.vector_load %arg8[%get3A_570, %get3A_571] {strides = array<i32>} : memref<32x768xf32, #tpu.memory_space<vmem>>, vector<1x16xf32>,
        %get3A_573 = vector.shape_cast %get3A_572 : vector<1x16xf32> to vector<16xf32>
        %add3A_574 = arith.addf %get3A_569, %get3A_573 : vector<16xf32>
        %swap3A_575 = arith.index_cast %scan3A_231 : i32 to index
        %swap3A_576 = arith.constant 384 : index
        %swap3A_577 = tpu.vector_load %arg6[%swap3A_575, %swap3A_576] {strides = array<i32>} : memref<32x768xf32, #tpu.memory_space<vmem>>, vector<1x16xf32>,
        %swap3A_578 = vector.shape_cast %swap3A_577 : vector<1x16xf32> to vector<16xf32>
        %swap3A_579 = vector.shape_cast %add3A_574 : vector<16xf32> to vector<1x16xf32>
        tpu.vector_store %arg6[%swap3A_575, %swap3A_576], %swap3A_579 {strides = array<i32>} : memref<32x768xf32, #tpu.memory_space<vmem>>, vector<1x16xf32>,
        %get3A_580 = arith.index_cast %scan3A_231 : i32 to index
        %get3A_581 = arith.constant 400 : index
        %get3A_582 = tpu.vector_load %arg6[%get3A_580, %get3A_581] {strides = array<i32>} : memref<32x768xf32, #tpu.memory_space<vmem>>, vector<1x16xf32>,
        %get3A_583 = vector.shape_cast %get3A_582 : vector<1x16xf32> to vector<16xf32>
        %get3A_584 = arith.index_cast %scan3A_231 : i32 to index
        %get3A_585 = arith.constant 400 : index
        %get3A_586 = tpu.vector_load %arg8[%get3A_584, %get3A_585] {strides = array<i32>} : memref<32x768xf32, #tpu.memory_space<vmem>>, vector<1x16xf32>,
        %get3A_587 = vector.shape_cast %get3A_586 : vector<1x16xf32> to vector<16xf32>
        %add3A_588 = arith.addf %get3A_583, %get3A_587 : vector<16xf32>
        %swap3A_589 = arith.index_cast %scan3A_231 : i32 to index
        %swap3A_590 = arith.constant 400 : index
        %swap3A_591 = tpu.vector_load %arg6[%swap3A_589, %swap3A_590] {strides = array<i32>} : memref<32x768xf32, #tpu.memory_space<vmem>>, vector<1x16xf32>,
        %swap3A_592 = vector.shape_cast %swap3A_591 : vector<1x16xf32> to vector<16xf32>
        %swap3A_593 = vector.shape_cast %add3A_588 : vector<16xf32> to vector<1x16xf32>
        tpu.vector_store %arg6[%swap3A_589, %swap3A_590], %swap3A_593 {strides = array<i32>} : memref<32x768xf32, #tpu.memory_space<vmem>>, vector<1x16xf32>,
        %get3A_594 = arith.index_cast %scan3A_231 : i32 to index
        %get3A_595 = arith.constant 416 : index
        %get3A_596 = tpu.vector_load %arg6[%get3A_594, %get3A_595] {strides = array<i32>} : memref<32x768xf32, #tpu.memory_space<vmem>>, vector<1x16xf32>,
        %get3A_597 = vector.shape_cast %get3A_596 : vector<1x16xf32> to vector<16xf32>
        %get3A_598 = arith.index_cast %scan3A_231 : i32 to index
        %get3A_599 = arith.constant 416 : index
        %get3A_600 = tpu.vector_load %arg8[%get3A_598, %get3A_599] {strides = array<i32>} : memref<32x768xf32, #tpu.memory_space<vmem>>, vector<1x16xf32>,
        %get3A_601 = vector.shape_cast %get3A_600 : vector<1x16xf32> to vector<16xf32>
        %add3A_602 = arith.addf %get3A_597, %get3A_601 : vector<16xf32>
        %swap3A_603 = arith.index_cast %scan3A_231 : i32 to index
        %swap3A_604 = arith.constant 416 : index
        %swap3A_605 = tpu.vector_load %arg6[%swap3A_603, %swap3A_604] {strides = array<i32>} : memref<32x768xf32, #tpu.memory_space<vmem>>, vector<1x16xf32>,
        %swap3A_606 = vector.shape_cast %swap3A_605 : vector<1x16xf32> to vector<16xf32>
        %swap3A_607 = vector.shape_cast %add3A_602 : vector<16xf32> to vector<1x16xf32>
        tpu.vector_store %arg6[%swap3A_603, %swap3A_604], %swap3A_607 {strides = array<i32>} : memref<32x768xf32, #tpu.memory_space<vmem>>, vector<1x16xf32>,
        %get3A_608 = arith.index_cast %scan3A_231 : i32 to index
        %get3A_609 = arith.constant 432 : index
        %get3A_610 = tpu.vector_load %arg6[%get3A_608, %get3A_609] {strides = array<i32>} : memref<32x768xf32, #tpu.memory_space<vmem>>, vector<1x16xf32>,
        %get3A_611 = vector.shape_cast %get3A_610 : vector<1x16xf32> to vector<16xf32>
        %get3A_612 = arith.index_cast %scan3A_231 : i32 to index
        %get3A_613 = arith.constant 432 : index
        %get3A_614 = tpu.vector_load %arg8[%get3A_612, %get3A_613] {strides = array<i32>} : memref<32x768xf32, #tpu.memory_space<vmem>>, vector<1x16xf32>,
        %get3A_615 = vector.shape_cast %get3A_614 : vector<1x16xf32> to vector<16xf32>
        %add3A_616 = arith.addf %get3A_611, %get3A_615 : vector<16xf32>
        %swap3A_617 = arith.index_cast %scan3A_231 : i32 to index
        %swap3A_618 = arith.constant 432 : index
        %swap3A_619 = tpu.vector_load %arg6[%swap3A_617, %swap3A_618] {strides = array<i32>} : memref<32x768xf32, #tpu.memory_space<vmem>>, vector<1x16xf32>,
        %swap3A_620 = vector.shape_cast %swap3A_619 : vector<1x16xf32> to vector<16xf32>
        %swap3A_621 = vector.shape_cast %add3A_616 : vector<16xf32> to vector<1x16xf32>
        tpu.vector_store %arg6[%swap3A_617, %swap3A_618], %swap3A_621 {strides = array<i32>} : memref<32x768xf32, #tpu.memory_space<vmem>>, vector<1x16xf32>,
        %get3A_622 = arith.index_cast %scan3A_231 : i32 to index
        %get3A_623 = arith.constant 448 : index
        %get3A_624 = tpu.vector_load %arg6[%get3A_622, %get3A_623] {strides = array<i32>} : memref<32x768xf32, #tpu.memory_space<vmem>>, vector<1x16xf32>,
        %get3A_625 = vector.shape_cast %get3A_624 : vector<1x16xf32> to vector<16xf32>
        %get3A_626 = arith.index_cast %scan3A_231 : i32 to index
        %get3A_627 = arith.constant 448 : index
        %get3A_628 = tpu.vector_load %arg8[%get3A_626, %get3A_627] {strides = array<i32>} : memref<32x768xf32, #tpu.memory_space<vmem>>, vector<1x16xf32>,
        %get3A_629 = vector.shape_cast %get3A_628 : vector<1x16xf32> to vector<16xf32>
        %add3A_630 = arith.addf %get3A_625, %get3A_629 : vector<16xf32>
        %swap3A_631 = arith.index_cast %scan3A_231 : i32 to index
        %swap3A_632 = arith.constant 448 : index
        %swap3A_633 = tpu.vector_load %arg6[%swap3A_631, %swap3A_632] {strides = array<i32>} : memref<32x768xf32, #tpu.memory_space<vmem>>, vector<1x16xf32>,
        %swap3A_634 = vector.shape_cast %swap3A_633 : vector<1x16xf32> to vector<16xf32>
        %swap3A_635 = vector.shape_cast %add3A_630 : vector<16xf32> to vector<1x16xf32>
        tpu.vector_store %arg6[%swap3A_631, %swap3A_632], %swap3A_635 {strides = array<i32>} : memref<32x768xf32, #tpu.memory_space<vmem>>, vector<1x16xf32>,
        %get3A_636 = arith.index_cast %scan3A_231 : i32 to index
        %get3A_637 = arith.constant 464 : index
        %get3A_638 = tpu.vector_load %arg6[%get3A_636, %get3A_637] {strides = array<i32>} : memref<32x768xf32, #tpu.memory_space<vmem>>, vector<1x16xf32>,
        %get3A_639 = vector.shape_cast %get3A_638 : vector<1x16xf32> to vector<16xf32>
        %get3A_640 = arith.index_cast %scan3A_231 : i32 to index
        %get3A_641 = arith.constant 464 : index
        %get3A_642 = tpu.vector_load %arg8[%get3A_640, %get3A_641] {strides = array<i32>} : memref<32x768xf32, #tpu.memory_space<vmem>>, vector<1x16xf32>,
        %get3A_643 = vector.shape_cast %get3A_642 : vector<1x16xf32> to vector<16xf32>
        %add3A_644 = arith.addf %get3A_639, %get3A_643 : vector<16xf32>
        %swap3A_645 = arith.index_cast %scan3A_231 : i32 to index
        %swap3A_646 = arith.constant 464 : index
        %swap3A_647 = tpu.vector_load %arg6[%swap3A_645, %swap3A_646] {strides = array<i32>} : memref<32x768xf32, #tpu.memory_space<vmem>>, vector<1x16xf32>,
        %swap3A_648 = vector.shape_cast %swap3A_647 : vector<1x16xf32> to vector<16xf32>
        %swap3A_649 = vector.shape_cast %add3A_644 : vector<16xf32> to vector<1x16xf32>
        tpu.vector_store %arg6[%swap3A_645, %swap3A_646], %swap3A_649 {strides = array<i32>} : memref<32x768xf32, #tpu.memory_space<vmem>>, vector<1x16xf32>,
        %get3A_650 = arith.index_cast %scan3A_231 : i32 to index
        %get3A_651 = arith.constant 480 : index
        %get3A_652 = tpu.vector_load %arg6[%get3A_650, %get3A_651] {strides = array<i32>} : memref<32x768xf32, #tpu.memory_space<vmem>>, vector<1x16xf32>,
        %get3A_653 = vector.shape_cast %get3A_652 : vector<1x16xf32> to vector<16xf32>
        %get3A_654 = arith.index_cast %scan3A_231 : i32 to index
        %get3A_655 = arith.constant 480 : index
        %get3A_656 = tpu.vector_load %arg8[%get3A_654, %get3A_655] {strides = array<i32>} : memref<32x768xf32, #tpu.memory_space<vmem>>, vector<1x16xf32>,
        %get3A_657 = vector.shape_cast %get3A_656 : vector<1x16xf32> to vector<16xf32>
        %add3A_658 = arith.addf %get3A_653, %get3A_657 : vector<16xf32>
        %swap3A_659 = arith.index_cast %scan3A_231 : i32 to index
        %swap3A_660 = arith.constant 480 : index
        %swap3A_661 = tpu.vector_load %arg6[%swap3A_659, %swap3A_660] {strides = array<i32>} : memref<32x768xf32, #tpu.memory_space<vmem>>, vector<1x16xf32>,
        %swap3A_662 = vector.shape_cast %swap3A_661 : vector<1x16xf32> to vector<16xf32>
        %swap3A_663 = vector.shape_cast %add3A_658 : vector<16xf32> to vector<1x16xf32>
        tpu.vector_store %arg6[%swap3A_659, %swap3A_660], %swap3A_663 {strides = array<i32>} : memref<32x768xf32, #tpu.memory_space<vmem>>, vector<1x16xf32>,
        %get3A_664 = arith.index_cast %scan3A_231 : i32 to index
        %get3A_665 = arith.constant 496 : index
        %get3A_666 = tpu.vector_load %arg6[%get3A_664, %get3A_665] {strides = array<i32>} : memref<32x768xf32, #tpu.memory_space<vmem>>, vector<1x16xf32>,
        %get3A_667 = vector.shape_cast %get3A_666 : vector<1x16xf32> to vector<16xf32>
        %get3A_668 = arith.index_cast %scan3A_231 : i32 to index
        %get3A_669 = arith.constant 496 : index
        %get3A_670 = tpu.vector_load %arg8[%get3A_668, %get3A_669] {strides = array<i32>} : memref<32x768xf32, #tpu.memory_space<vmem>>, vector<1x16xf32>,
        %get3A_671 = vector.shape_cast %get3A_670 : vector<1x16xf32> to vector<16xf32>
        %add3A_672 = arith.addf %get3A_667, %get3A_671 : vector<16xf32>
        %swap3A_673 = arith.index_cast %scan3A_231 : i32 to index
        %swap3A_674 = arith.constant 496 : index
        %swap3A_675 = tpu.vector_load %arg6[%swap3A_673, %swap3A_674] {strides = array<i32>} : memref<32x768xf32, #tpu.memory_space<vmem>>, vector<1x16xf32>,
        %swap3A_676 = vector.shape_cast %swap3A_675 : vector<1x16xf32> to vector<16xf32>
        %swap3A_677 = vector.shape_cast %add3A_672 : vector<16xf32> to vector<1x16xf32>
        tpu.vector_store %arg6[%swap3A_673, %swap3A_674], %swap3A_677 {strides = array<i32>} : memref<32x768xf32, #tpu.memory_space<vmem>>, vector<1x16xf32>,
        %get3A_678 = arith.index_cast %scan3A_231 : i32 to index
        %get3A_679 = arith.constant 512 : index
        %get3A_680 = tpu.vector_load %arg6[%get3A_678, %get3A_679] {strides = array<i32>} : memref<32x768xf32, #tpu.memory_space<vmem>>, vector<1x16xf32>,
        %get3A_681 = vector.shape_cast %get3A_680 : vector<1x16xf32> to vector<16xf32>
        %get3A_682 = arith.index_cast %scan3A_231 : i32 to index
        %get3A_683 = arith.constant 512 : index
        %get3A_684 = tpu.vector_load %arg8[%get3A_682, %get3A_683] {strides = array<i32>} : memref<32x768xf32, #tpu.memory_space<vmem>>, vector<1x16xf32>,
        %get3A_685 = vector.shape_cast %get3A_684 : vector<1x16xf32> to vector<16xf32>
        %add3A_686 = arith.addf %get3A_681, %get3A_685 : vector<16xf32>
        %swap3A_687 = arith.index_cast %scan3A_231 : i32 to index
        %swap3A_688 = arith.constant 512 : index
        %swap3A_689 = tpu.vector_load %arg6[%swap3A_687, %swap3A_688] {strides = array<i32>} : memref<32x768xf32, #tpu.memory_space<vmem>>, vector<1x16xf32>,
        %swap3A_690 = vector.shape_cast %swap3A_689 : vector<1x16xf32> to vector<16xf32>
        %swap3A_691 = vector.shape_cast %add3A_686 : vector<16xf32> to vector<1x16xf32>
        tpu.vector_store %arg6[%swap3A_687, %swap3A_688], %swap3A_691 {strides = array<i32>} : memref<32x768xf32, #tpu.memory_space<vmem>>, vector<1x16xf32>,
        %get3A_692 = arith.index_cast %scan3A_231 : i32 to index
        %get3A_693 = arith.constant 528 : index
        %get3A_694 = tpu.vector_load %arg6[%get3A_692, %get3A_693] {strides = array<i32>} : memref<32x768xf32, #tpu.memory_space<vmem>>, vector<1x16xf32>,
        %get3A_695 = vector.shape_cast %get3A_694 : vector<1x16xf32> to vector<16xf32>
        %get3A_696 = arith.index_cast %scan3A_231 : i32 to index
        %get3A_697 = arith.constant 528 : index
        %get3A_698 = tpu.vector_load %arg8[%get3A_696, %get3A_697] {strides = array<i32>} : memref<32x768xf32, #tpu.memory_space<vmem>>, vector<1x16xf32>,
        %get3A_699 = vector.shape_cast %get3A_698 : vector<1x16xf32> to vector<16xf32>
        %add3A_700 = arith.addf %get3A_695, %get3A_699 : vector<16xf32>
        %swap3A_701 = arith.index_cast %scan3A_231 : i32 to index
        %swap3A_702 = arith.constant 528 : index
        %swap3A_703 = tpu.vector_load %arg6[%swap3A_701, %swap3A_702] {strides = array<i32>} : memref<32x768xf32, #tpu.memory_space<vmem>>, vector<1x16xf32>,
        %swap3A_704 = vector.shape_cast %swap3A_703 : vector<1x16xf32> to vector<16xf32>
        %swap3A_705 = vector.shape_cast %add3A_700 : vector<16xf32> to vector<1x16xf32>
        tpu.vector_store %arg6[%swap3A_701, %swap3A_702], %swap3A_705 {strides = array<i32>} : memref<32x768xf32, #tpu.memory_space<vmem>>, vector<1x16xf32>,
        %get3A_706 = arith.index_cast %scan3A_231 : i32 to index
        %get3A_707 = arith.constant 544 : index
        %get3A_708 = tpu.vector_load %arg6[%get3A_706, %get3A_707] {strides = array<i32>} : memref<32x768xf32, #tpu.memory_space<vmem>>, vector<1x16xf32>,
        %get3A_709 = vector.shape_cast %get3A_708 : vector<1x16xf32> to vector<16xf32>
        %get3A_710 = arith.index_cast %scan3A_231 : i32 to index
        %get3A_711 = arith.constant 544 : index
        %get3A_712 = tpu.vector_load %arg8[%get3A_710, %get3A_711] {strides = array<i32>} : memref<32x768xf32, #tpu.memory_space<vmem>>, vector<1x16xf32>,
        %get3A_713 = vector.shape_cast %get3A_712 : vector<1x16xf32> to vector<16xf32>
        %add3A_714 = arith.addf %get3A_709, %get3A_713 : vector<16xf32>
        %swap3A_715 = arith.index_cast %scan3A_231 : i32 to index
        %swap3A_716 = arith.constant 544 : index
        %swap3A_717 = tpu.vector_load %arg6[%swap3A_715, %swap3A_716] {strides = array<i32>} : memref<32x768xf32, #tpu.memory_space<vmem>>, vector<1x16xf32>,
        %swap3A_718 = vector.shape_cast %swap3A_717 : vector<1x16xf32> to vector<16xf32>
        %swap3A_719 = vector.shape_cast %add3A_714 : vector<16xf32> to vector<1x16xf32>
        tpu.vector_store %arg6[%swap3A_715, %swap3A_716], %swap3A_719 {strides = array<i32>} : memref<32x768xf32, #tpu.memory_space<vmem>>, vector<1x16xf32>,
        %get3A_720 = arith.index_cast %scan3A_231 : i32 to index
        %get3A_721 = arith.constant 560 : index
        %get3A_722 = tpu.vector_load %arg6[%get3A_720, %get3A_721] {strides = array<i32>} : memref<32x768xf32, #tpu.memory_space<vmem>>, vector<1x16xf32>,
        %get3A_723 = vector.shape_cast %get3A_722 : vector<1x16xf32> to vector<16xf32>
        %get3A_724 = arith.index_cast %scan3A_231 : i32 to index
        %get3A_725 = arith.constant 560 : index
        %get3A_726 = tpu.vector_load %arg8[%get3A_724, %get3A_725] {strides = array<i32>} : memref<32x768xf32, #tpu.memory_space<vmem>>, vector<1x16xf32>,
        %get3A_727 = vector.shape_cast %get3A_726 : vector<1x16xf32> to vector<16xf32>
        %add3A_728 = arith.addf %get3A_723, %get3A_727 : vector<16xf32>
        %swap3A_729 = arith.index_cast %scan3A_231 : i32 to index
        %swap3A_730 = arith.constant 560 : index
        %swap3A_731 = tpu.vector_load %arg6[%swap3A_729, %swap3A_730] {strides = array<i32>} : memref<32x768xf32, #tpu.memory_space<vmem>>, vector<1x16xf32>,
        %swap3A_732 = vector.shape_cast %swap3A_731 : vector<1x16xf32> to vector<16xf32>
        %swap3A_733 = vector.shape_cast %add3A_728 : vector<16xf32> to vector<1x16xf32>
        tpu.vector_store %arg6[%swap3A_729, %swap3A_730], %swap3A_733 {strides = array<i32>} : memref<32x768xf32, #tpu.memory_space<vmem>>, vector<1x16xf32>,
        %get3A_734 = arith.index_cast %scan3A_231 : i32 to index
        %get3A_735 = arith.constant 576 : index
        %get3A_736 = tpu.vector_load %arg6[%get3A_734, %get3A_735] {strides = array<i32>} : memref<32x768xf32, #tpu.memory_space<vmem>>, vector<1x16xf32>,
        %get3A_737 = vector.shape_cast %get3A_736 : vector<1x16xf32> to vector<16xf32>
        %get3A_738 = arith.index_cast %scan3A_231 : i32 to index
        %get3A_739 = arith.constant 576 : index
        %get3A_740 = tpu.vector_load %arg8[%get3A_738, %get3A_739] {strides = array<i32>} : memref<32x768xf32, #tpu.memory_space<vmem>>, vector<1x16xf32>,
        %get3A_741 = vector.shape_cast %get3A_740 : vector<1x16xf32> to vector<16xf32>
        %add3A_742 = arith.addf %get3A_737, %get3A_741 : vector<16xf32>
        %swap3A_743 = arith.index_cast %scan3A_231 : i32 to index
        %swap3A_744 = arith.constant 576 : index
        %swap3A_745 = tpu.vector_load %arg6[%swap3A_743, %swap3A_744] {strides = array<i32>} : memref<32x768xf32, #tpu.memory_space<vmem>>, vector<1x16xf32>,
        %swap3A_746 = vector.shape_cast %swap3A_745 : vector<1x16xf32> to vector<16xf32>
        %swap3A_747 = vector.shape_cast %add3A_742 : vector<16xf32> to vector<1x16xf32>
        tpu.vector_store %arg6[%swap3A_743, %swap3A_744], %swap3A_747 {strides = array<i32>} : memref<32x768xf32, #tpu.memory_space<vmem>>, vector<1x16xf32>,
        %get3A_748 = arith.index_cast %scan3A_231 : i32 to index
        %get3A_749 = arith.constant 592 : index
        %get3A_750 = tpu.vector_load %arg6[%get3A_748, %get3A_749] {strides = array<i32>} : memref<32x768xf32, #tpu.memory_space<vmem>>, vector<1x16xf32>,
        %get3A_751 = vector.shape_cast %get3A_750 : vector<1x16xf32> to vector<16xf32>
        %get3A_752 = arith.index_cast %scan3A_231 : i32 to index
        %get3A_753 = arith.constant 592 : index
        %get3A_754 = tpu.vector_load %arg8[%get3A_752, %get3A_753] {strides = array<i32>} : memref<32x768xf32, #tpu.memory_space<vmem>>, vector<1x16xf32>,
        %get3A_755 = vector.shape_cast %get3A_754 : vector<1x16xf32> to vector<16xf32>
        %add3A_756 = arith.addf %get3A_751, %get3A_755 : vector<16xf32>
        %swap3A_757 = arith.index_cast %scan3A_231 : i32 to index
        %swap3A_758 = arith.constant 592 : index
        %swap3A_759 = tpu.vector_load %arg6[%swap3A_757, %swap3A_758] {strides = array<i32>} : memref<32x768xf32, #tpu.memory_space<vmem>>, vector<1x16xf32>,
        %swap3A_760 = vector.shape_cast %swap3A_759 : vector<1x16xf32> to vector<16xf32>
        %swap3A_761 = vector.shape_cast %add3A_756 : vector<16xf32> to vector<1x16xf32>
        tpu.vector_store %arg6[%swap3A_757, %swap3A_758], %swap3A_761 {strides = array<i32>} : memref<32x768xf32, #tpu.memory_space<vmem>>, vector<1x16xf32>,
        %get3A_762 = arith.index_cast %scan3A_231 : i32 to index
        %get3A_763 = arith.constant 608 : index
        %get3A_764 = tpu.vector_load %arg6[%get3A_762, %get3A_763] {strides = array<i32>} : memref<32x768xf32, #tpu.memory_space<vmem>>, vector<1x16xf32>,
        %get3A_765 = vector.shape_cast %get3A_764 : vector<1x16xf32> to vector<16xf32>
        %get3A_766 = arith.index_cast %scan3A_231 : i32 to index
        %get3A_767 = arith.constant 608 : index
        %get3A_768 = tpu.vector_load %arg8[%get3A_766, %get3A_767] {strides = array<i32>} : memref<32x768xf32, #tpu.memory_space<vmem>>, vector<1x16xf32>,
        %get3A_769 = vector.shape_cast %get3A_768 : vector<1x16xf32> to vector<16xf32>
        %add3A_770 = arith.addf %get3A_765, %get3A_769 : vector<16xf32>
        %swap3A_771 = arith.index_cast %scan3A_231 : i32 to index
        %swap3A_772 = arith.constant 608 : index
        %swap3A_773 = tpu.vector_load %arg6[%swap3A_771, %swap3A_772] {strides = array<i32>} : memref<32x768xf32, #tpu.memory_space<vmem>>, vector<1x16xf32>,
        %swap3A_774 = vector.shape_cast %swap3A_773 : vector<1x16xf32> to vector<16xf32>
        %swap3A_775 = vector.shape_cast %add3A_770 : vector<16xf32> to vector<1x16xf32>
        tpu.vector_store %arg6[%swap3A_771, %swap3A_772], %swap3A_775 {strides = array<i32>} : memref<32x768xf32, #tpu.memory_space<vmem>>, vector<1x16xf32>,
        %get3A_776 = arith.index_cast %scan3A_231 : i32 to index
        %get3A_777 = arith.constant 624 : index
        %get3A_778 = tpu.vector_load %arg6[%get3A_776, %get3A_777] {strides = array<i32>} : memref<32x768xf32, #tpu.memory_space<vmem>>, vector<1x16xf32>,
        %get3A_779 = vector.shape_cast %get3A_778 : vector<1x16xf32> to vector<16xf32>
        %get3A_780 = arith.index_cast %scan3A_231 : i32 to index
        %get3A_781 = arith.constant 624 : index
        %get3A_782 = tpu.vector_load %arg8[%get3A_780, %get3A_781] {strides = array<i32>} : memref<32x768xf32, #tpu.memory_space<vmem>>, vector<1x16xf32>,
        %get3A_783 = vector.shape_cast %get3A_782 : vector<1x16xf32> to vector<16xf32>
        %add3A_784 = arith.addf %get3A_779, %get3A_783 : vector<16xf32>
        %swap3A_785 = arith.index_cast %scan3A_231 : i32 to index
        %swap3A_786 = arith.constant 624 : index
        %swap3A_787 = tpu.vector_load %arg6[%swap3A_785, %swap3A_786] {strides = array<i32>} : memref<32x768xf32, #tpu.memory_space<vmem>>, vector<1x16xf32>,
        %swap3A_788 = vector.shape_cast %swap3A_787 : vector<1x16xf32> to vector<16xf32>
        %swap3A_789 = vector.shape_cast %add3A_784 : vector<16xf32> to vector<1x16xf32>
        tpu.vector_store %arg6[%swap3A_785, %swap3A_786], %swap3A_789 {strides = array<i32>} : memref<32x768xf32, #tpu.memory_space<vmem>>, vector<1x16xf32>,
        %get3A_790 = arith.index_cast %scan3A_231 : i32 to index
        %get3A_791 = arith.constant 640 : index
        %get3A_792 = tpu.vector_load %arg6[%get3A_790, %get3A_791] {strides = array<i32>} : memref<32x768xf32, #tpu.memory_space<vmem>>, vector<1x16xf32>,
        %get3A_793 = vector.shape_cast %get3A_792 : vector<1x16xf32> to vector<16xf32>
        %get3A_794 = arith.index_cast %scan3A_231 : i32 to index
        %get3A_795 = arith.constant 640 : index
        %get3A_796 = tpu.vector_load %arg8[%get3A_794, %get3A_795] {strides = array<i32>} : memref<32x768xf32, #tpu.memory_space<vmem>>, vector<1x16xf32>,
        %get3A_797 = vector.shape_cast %get3A_796 : vector<1x16xf32> to vector<16xf32>
        %add3A_798 = arith.addf %get3A_793, %get3A_797 : vector<16xf32>
        %swap3A_799 = arith.index_cast %scan3A_231 : i32 to index
        %swap3A_800 = arith.constant 640 : index
        %swap3A_801 = tpu.vector_load %arg6[%swap3A_799, %swap3A_800] {strides = array<i32>} : memref<32x768xf32, #tpu.memory_space<vmem>>, vector<1x16xf32>,
        %swap3A_802 = vector.shape_cast %swap3A_801 : vector<1x16xf32> to vector<16xf32>
        %swap3A_803 = vector.shape_cast %add3A_798 : vector<16xf32> to vector<1x16xf32>
        tpu.vector_store %arg6[%swap3A_799, %swap3A_800], %swap3A_803 {strides = array<i32>} : memref<32x768xf32, #tpu.memory_space<vmem>>, vector<1x16xf32>,
        %get3A_804 = arith.index_cast %scan3A_231 : i32 to index
        %get3A_805 = arith.constant 656 : index
        %get3A_806 = tpu.vector_load %arg6[%get3A_804, %get3A_805] {strides = array<i32>} : memref<32x768xf32, #tpu.memory_space<vmem>>, vector<1x16xf32>,
        %get3A_807 = vector.shape_cast %get3A_806 : vector<1x16xf32> to vector<16xf32>
        %get3A_808 = arith.index_cast %scan3A_231 : i32 to index
        %get3A_809 = arith.constant 656 : index
        %get3A_810 = tpu.vector_load %arg8[%get3A_808, %get3A_809] {strides = array<i32>} : memref<32x768xf32, #tpu.memory_space<vmem>>, vector<1x16xf32>,
        %get3A_811 = vector.shape_cast %get3A_810 : vector<1x16xf32> to vector<16xf32>
        %add3A_812 = arith.addf %get3A_807, %get3A_811 : vector<16xf32>
        %swap3A_813 = arith.index_cast %scan3A_231 : i32 to index
        %swap3A_814 = arith.constant 656 : index
        %swap3A_815 = tpu.vector_load %arg6[%swap3A_813, %swap3A_814] {strides = array<i32>} : memref<32x768xf32, #tpu.memory_space<vmem>>, vector<1x16xf32>,
        %swap3A_816 = vector.shape_cast %swap3A_815 : vector<1x16xf32> to vector<16xf32>
        %swap3A_817 = vector.shape_cast %add3A_812 : vector<16xf32> to vector<1x16xf32>
        tpu.vector_store %arg6[%swap3A_813, %swap3A_814], %swap3A_817 {strides = array<i32>} : memref<32x768xf32, #tpu.memory_space<vmem>>, vector<1x16xf32>,
        %get3A_818 = arith.index_cast %scan3A_231 : i32 to index
        %get3A_819 = arith.constant 672 : index
        %get3A_820 = tpu.vector_load %arg6[%get3A_818, %get3A_819] {strides = array<i32>} : memref<32x768xf32, #tpu.memory_space<vmem>>, vector<1x16xf32>,
        %get3A_821 = vector.shape_cast %get3A_820 : vector<1x16xf32> to vector<16xf32>
        %get3A_822 = arith.index_cast %scan3A_231 : i32 to index
        %get3A_823 = arith.constant 672 : index
        %get3A_824 = tpu.vector_load %arg8[%get3A_822, %get3A_823] {strides = array<i32>} : memref<32x768xf32, #tpu.memory_space<vmem>>, vector<1x16xf32>,
        %get3A_825 = vector.shape_cast %get3A_824 : vector<1x16xf32> to vector<16xf32>
        %add3A_826 = arith.addf %get3A_821, %get3A_825 : vector<16xf32>
        %swap3A_827 = arith.index_cast %scan3A_231 : i32 to index
        %swap3A_828 = arith.constant 672 : index
        %swap3A_829 = tpu.vector_load %arg6[%swap3A_827, %swap3A_828] {strides = array<i32>} : memref<32x768xf32, #tpu.memory_space<vmem>>, vector<1x16xf32>,
        %swap3A_830 = vector.shape_cast %swap3A_829 : vector<1x16xf32> to vector<16xf32>
        %swap3A_831 = vector.shape_cast %add3A_826 : vector<16xf32> to vector<1x16xf32>
        tpu.vector_store %arg6[%swap3A_827, %swap3A_828], %swap3A_831 {strides = array<i32>} : memref<32x768xf32, #tpu.memory_space<vmem>>, vector<1x16xf32>,
        %get3A_832 = arith.index_cast %scan3A_231 : i32 to index
        %get3A_833 = arith.constant 688 : index
        %get3A_834 = tpu.vector_load %arg6[%get3A_832, %get3A_833] {strides = array<i32>} : memref<32x768xf32, #tpu.memory_space<vmem>>, vector<1x16xf32>,
        %get3A_835 = vector.shape_cast %get3A_834 : vector<1x16xf32> to vector<16xf32>
        %get3A_836 = arith.index_cast %scan3A_231 : i32 to index
        %get3A_837 = arith.constant 688 : index
        %get3A_838 = tpu.vector_load %arg8[%get3A_836, %get3A_837] {strides = array<i32>} : memref<32x768xf32, #tpu.memory_space<vmem>>, vector<1x16xf32>,
        %get3A_839 = vector.shape_cast %get3A_838 : vector<1x16xf32> to vector<16xf32>
        %add3A_840 = arith.addf %get3A_835, %get3A_839 : vector<16xf32>
        %swap3A_841 = arith.index_cast %scan3A_231 : i32 to index
        %swap3A_842 = arith.constant 688 : index
        %swap3A_843 = tpu.vector_load %arg6[%swap3A_841, %swap3A_842] {strides = array<i32>} : memref<32x768xf32, #tpu.memory_space<vmem>>, vector<1x16xf32>,
        %swap3A_844 = vector.shape_cast %swap3A_843 : vector<1x16xf32> to vector<16xf32>
        %swap3A_845 = vector.shape_cast %add3A_840 : vector<16xf32> to vector<1x16xf32>
        tpu.vector_store %arg6[%swap3A_841, %swap3A_842], %swap3A_845 {strides = array<i32>} : memref<32x768xf32, #tpu.memory_space<vmem>>, vector<1x16xf32>,
        %get3A_846 = arith.index_cast %scan3A_231 : i32 to index
        %get3A_847 = arith.constant 704 : index
        %get3A_848 = tpu.vector_load %arg6[%get3A_846, %get3A_847] {strides = array<i32>} : memref<32x768xf32, #tpu.memory_space<vmem>>, vector<1x16xf32>,
        %get3A_849 = vector.shape_cast %get3A_848 : vector<1x16xf32> to vector<16xf32>
        %get3A_850 = arith.index_cast %scan3A_231 : i32 to index
        %get3A_851 = arith.constant 704 : index
        %get3A_852 = tpu.vector_load %arg8[%get3A_850, %get3A_851] {strides = array<i32>} : memref<32x768xf32, #tpu.memory_space<vmem>>, vector<1x16xf32>,
        %get3A_853 = vector.shape_cast %get3A_852 : vector<1x16xf32> to vector<16xf32>
        %add3A_854 = arith.addf %get3A_849, %get3A_853 : vector<16xf32>
        %swap3A_855 = arith.index_cast %scan3A_231 : i32 to index
        %swap3A_856 = arith.constant 704 : index
        %swap3A_857 = tpu.vector_load %arg6[%swap3A_855, %swap3A_856] {strides = array<i32>} : memref<32x768xf32, #tpu.memory_space<vmem>>, vector<1x16xf32>,
        %swap3A_858 = vector.shape_cast %swap3A_857 : vector<1x16xf32> to vector<16xf32>
        %swap3A_859 = vector.shape_cast %add3A_854 : vector<16xf32> to vector<1x16xf32>
        tpu.vector_store %arg6[%swap3A_855, %swap3A_856], %swap3A_859 {strides = array<i32>} : memref<32x768xf32, #tpu.memory_space<vmem>>, vector<1x16xf32>,
        %get3A_860 = arith.index_cast %scan3A_231 : i32 to index
        %get3A_861 = arith.constant 720 : index
        %get3A_862 = tpu.vector_load %arg6[%get3A_860, %get3A_861] {strides = array<i32>} : memref<32x768xf32, #tpu.memory_space<vmem>>, vector<1x16xf32>,
        %get3A_863 = vector.shape_cast %get3A_862 : vector<1x16xf32> to vector<16xf32>
        %get3A_864 = arith.index_cast %scan3A_231 : i32 to index
        %get3A_865 = arith.constant 720 : index
        %get3A_866 = tpu.vector_load %arg8[%get3A_864, %get3A_865] {strides = array<i32>} : memref<32x768xf32, #tpu.memory_space<vmem>>, vector<1x16xf32>,
        %get3A_867 = vector.shape_cast %get3A_866 : vector<1x16xf32> to vector<16xf32>
        %add3A_868 = arith.addf %get3A_863, %get3A_867 : vector<16xf32>
        %swap3A_869 = arith.index_cast %scan3A_231 : i32 to index
        %swap3A_870 = arith.constant 720 : index
        %swap3A_871 = tpu.vector_load %arg6[%swap3A_869, %swap3A_870] {strides = array<i32>} : memref<32x768xf32, #tpu.memory_space<vmem>>, vector<1x16xf32>,
        %swap3A_872 = vector.shape_cast %swap3A_871 : vector<1x16xf32> to vector<16xf32>
        %swap3A_873 = vector.shape_cast %add3A_868 : vector<16xf32> to vector<1x16xf32>
        tpu.vector_store %arg6[%swap3A_869, %swap3A_870], %swap3A_873 {strides = array<i32>} : memref<32x768xf32, #tpu.memory_space<vmem>>, vector<1x16xf32>,
        %get3A_874 = arith.index_cast %scan3A_231 : i32 to index
        %get3A_875 = arith.constant 736 : index
        %get3A_876 = tpu.vector_load %arg6[%get3A_874, %get3A_875] {strides = array<i32>} : memref<32x768xf32, #tpu.memory_space<vmem>>, vector<1x16xf32>,
        %get3A_877 = vector.shape_cast %get3A_876 : vector<1x16xf32> to vector<16xf32>
        %get3A_878 = arith.index_cast %scan3A_231 : i32 to index
        %get3A_879 = arith.constant 736 : index
        %get3A_880 = tpu.vector_load %arg8[%get3A_878, %get3A_879] {strides = array<i32>} : memref<32x768xf32, #tpu.memory_space<vmem>>, vector<1x16xf32>,
        %get3A_881 = vector.shape_cast %get3A_880 : vector<1x16xf32> to vector<16xf32>
        %add3A_882 = arith.addf %get3A_877, %get3A_881 : vector<16xf32>
        %swap3A_883 = arith.index_cast %scan3A_231 : i32 to index
        %swap3A_884 = arith.constant 736 : index
        %swap3A_885 = tpu.vector_load %arg6[%swap3A_883, %swap3A_884] {strides = array<i32>} : memref<32x768xf32, #tpu.memory_space<vmem>>, vector<1x16xf32>,
        %swap3A_886 = vector.shape_cast %swap3A_885 : vector<1x16xf32> to vector<16xf32>
        %swap3A_887 = vector.shape_cast %add3A_882 : vector<16xf32> to vector<1x16xf32>
        tpu.vector_store %arg6[%swap3A_883, %swap3A_884], %swap3A_887 {strides = array<i32>} : memref<32x768xf32, #tpu.memory_space<vmem>>, vector<1x16xf32>,
        %get3A_888 = arith.index_cast %scan3A_231 : i32 to index
        %get3A_889 = arith.constant 752 : index
        %get3A_890 = tpu.vector_load %arg6[%get3A_888, %get3A_889] {strides = array<i32>} : memref<32x768xf32, #tpu.memory_space<vmem>>, vector<1x16xf32>,
        %get3A_891 = vector.shape_cast %get3A_890 : vector<1x16xf32> to vector<16xf32>
        %get3A_892 = arith.index_cast %scan3A_231 : i32 to index
        %get3A_893 = arith.constant 752 : index
        %get3A_894 = tpu.vector_load %arg8[%get3A_892, %get3A_893] {strides = array<i32>} : memref<32x768xf32, #tpu.memory_space<vmem>>, vector<1x16xf32>,
        %get3A_895 = vector.shape_cast %get3A_894 : vector<1x16xf32> to vector<16xf32>
        %add3A_896 = arith.addf %get3A_891, %get3A_895 : vector<16xf32>
        %swap3A_897 = arith.index_cast %scan3A_231 : i32 to index
        %swap3A_898 = arith.constant 752 : index
        %swap3A_899 = tpu.vector_load %arg6[%swap3A_897, %swap3A_898] {strides = array<i32>} : memref<32x768xf32, #tpu.memory_space<vmem>>, vector<1x16xf32>,
        %swap3A_900 = vector.shape_cast %swap3A_899 : vector<1x16xf32> to vector<16xf32>
        %swap3A_901 = vector.shape_cast %add3A_896 : vector<16xf32> to vector<1x16xf32>
        tpu.vector_store %arg6[%swap3A_897, %swap3A_898], %swap3A_901 {strides = array<i32>} : memref<32x768xf32, #tpu.memory_space<vmem>>, vector<1x16xf32>,
      }
      %scan3A_215 = arith.constant 32 : i32
      %mul3A_216 = arith.constant 32 : i32
      %mul3A_217 = arith.muli %add3A_196, %mul3A_216 : i32
      %dma_start3A_218 = arith.constant 0 : i32
      %dma_start3A_219 = tpu.memref_slice %arg4[%add3A_200, %mul3A_217, %dma_start3A_218] : memref<64x576x768xf32, #tpu.memory_space<hbm>> -> memref<1x32x768xf32, #tpu.memory_space<hbm>>
      %dma_start3A_220 = tpu.memref_squeeze %dma_start3A_219 : memref<1x32x768xf32, #tpu.memory_space<hbm>> -> memref<32x768xf32, #tpu.memory_space<hbm>>
      %dma_start3A_221 = arith.constant 0 : i32
      %dma_start3A_222 = tpu.memref_slice %arg4[%add3A_200, %mul3A_217, %dma_start3A_221] : memref<64x576x768xf32, #tpu.memory_space<hbm>> -> memref<1x32x768xf32, #tpu.memory_space<hbm>>
      %dma_start3A_223 = tpu.memref_squeeze %dma_start3A_222 : memref<1x32x768xf32, #tpu.memory_space<hbm>> -> memref<32x768xf32, #tpu.memory_space<hbm>>
      tpu.enqueue_dma source(%arg6 : memref<32x768xf32, #tpu.memory_space<vmem>>) target(%dma_start3A_223 : memref<32x768xf32, #tpu.memory_space<hbm>>) target_semaphore(%arg14 : memref<!tpu.dma_semaphore, #tpu.memory_space<semaphore_mem>>)
      %add3A_224 = arith.constant 1 : i32
      %add3A_225 = arith.addi %add3A_192, %add3A_224 : i32
      %lt3A_226 = arith.constant 36 : i32
      %lt3A_227 = arith.cmpi slt, %add3A_225, %lt3A_226 : i32
      %convert_element_type3A_228 = arith.extui %lt3A_227 : i1 to i32
      %cond3A_229 = arith.constant 0 : i32
      %cond3A_230 = arith.cmpi ne, %convert_element_type3A_228, %cond3A_229 : i32
      scf.if %cond3A_230 {
        %ge3A = arith.constant 1 : i32
        %ge3A_231 = arith.cmpi sge, %add3A_192, %ge3A : i32
        %convert_element_type3A_232 = arith.extui %ge3A_231 : i1 to i32
        %cond3A_233 = arith.constant 0 : i32
        %cond3A_234 = arith.cmpi ne, %convert_element_type3A_232, %cond3A_233 : i32
        scf.if %cond3A_234 {
          %dma_wait3A_279 = arith.constant 0 : i32
          %dma_wait3A_280 = arith.constant 0 : i32
          %dma_wait3A_281 = arith.constant 0 : i32
          %dma_wait3A_282 = tpu.memref_slice %arg4[%dma_wait3A_279, %dma_wait3A_280, %dma_wait3A_281] : memref<64x576x768xf32, #tpu.memory_space<hbm>> -> memref<1x32x768xf32, #tpu.memory_space<hbm>>
          %dma_wait3A_283 = tpu.memref_squeeze %dma_wait3A_282 : memref<1x32x768xf32, #tpu.memory_space<hbm>> -> memref<32x768xf32, #tpu.memory_space<hbm>>
          %dma_wait3A_284 = arith.constant 0 : i32
          %dma_wait3A_285 = arith.constant 0 : i32
          %dma_wait3A_286 = tpu.memref_slice %arg4[%dma_wait3A_279, %dma_wait3A_284, %dma_wait3A_285] : memref<64x576x768xf32, #tpu.memory_space<hbm>> -> memref<1x32x768xf32, #tpu.memory_space<hbm>>
          %dma_wait3A_287 = tpu.memref_squeeze %dma_wait3A_286 : memref<1x32x768xf32, #tpu.memory_space<hbm>> -> memref<32x768xf32, #tpu.memory_space<hbm>>
          tpu.wait_dma2 semaphore(%arg13 : memref<!tpu.dma_semaphore, #tpu.memory_space<semaphore_mem>>) src(%arg5 : memref<32x768xf32, #tpu.memory_space<vmem>>) dst(%dma_wait3A_287 : memref<32x768xf32, #tpu.memory_space<hbm>>)
        } else {
        }
        %add3A_235 = arith.constant 1 : i32
        %add3A_236 = arith.addi %add3A_192, %add3A_235 : i32
        %jit3A = arith.constant 2 : i32
        %div3A = arith.divsi %add3A_236, %jit3A : i32
        %sign3A = arith.constant 0 : i32
        %sign3A_237 = arith.cmpi sgt, %add3A_236, %sign3A : i32
        %sign3A_238 = arith.extui %sign3A_237 : i1 to i32
        %sign3A_239 = arith.constant 0 : i32
        %sign3A_240 = arith.cmpi slt, %add3A_236, %sign3A_239 : i32
        %sign3A_241 = arith.extui %sign3A_240 : i1 to i32
        %sign3A_242 = arith.subi %sign3A_238, %sign3A_241 : i32
        %sign3A_243 = arith.constant 0 : i32
        %sign3A_244 = arith.cmpi sgt, %jit3A, %sign3A_243 : i32
        %sign3A_245 = arith.extui %sign3A_244 : i1 to i32
        %sign3A_246 = arith.constant 0 : i32
        %sign3A_247 = arith.cmpi slt, %jit3A, %sign3A_246 : i32
        %sign3A_248 = arith.extui %sign3A_247 : i1 to i32
        %sign3A_249 = arith.subi %sign3A_245, %sign3A_248 : i32
        %ne3A = arith.cmpi ne, %sign3A_242, %sign3A_249 : i32
        %rem3A = arith.remsi %add3A_236, %jit3A : i32
        %ne3A_250 = arith.constant 0 : i32
        %ne3A_251 = arith.cmpi ne, %rem3A, %ne3A_250 : i32
        %and3A = arith.andi %ne3A, %ne3A_251 : i1
        %sub3A = arith.constant 1 : i32
        %sub3A_252 = arith.subi %div3A, %sub3A : i32
        %select_n3A = arith.select %and3A, %sub3A_252, %div3A : i32
        %mul3A_253 = arith.constant 2 : i32
        %mul3A_254 = arith.muli %add3A, %mul3A_253 : i32
        %jit3A_255 = arith.constant 2 : i32
        %eq3A = arith.constant 0 : i32
        %eq3A_256 = arith.cmpi eq, %jit3A_255, %eq3A : i32
        %jit3A_257 = arith.constant 1 : i32
        %select_n3A_258 = arith.select %eq3A_256, %jit3A_257, %jit3A_255 : i32
        %rem3A_259 = arith.remsi %add3A_236, %select_n3A_258 : i32
        %ne3A_260 = arith.constant 0 : i32
        %ne3A_261 = arith.cmpi ne, %rem3A_259, %ne3A_260 : i32
        %lt3A_262 = arith.constant 0 : i32
        %lt3A_263 = arith.cmpi slt, %rem3A_259, %lt3A_262 : i32
        %lt3A_264 = arith.constant 0 : i32
        %lt3A_265 = arith.cmpi slt, %select_n3A_258, %lt3A_264 : i32
        %ne3A_266 = arith.xori %lt3A_263, %lt3A_265 : i1
        %and3A_267 = arith.andi %ne3A_266, %ne3A_261 : i1
        %add3A_268 = arith.addi %rem3A_259, %select_n3A_258 : i32
        %select_n3A_269 = arith.select %and3A_267, %add3A_268, %rem3A_259 : i32
        %add3A_270 = arith.addi %mul3A_254, %select_n3A_269 : i32
        %mul3A_271 = arith.constant 32 : i32
        %mul3A_272 = arith.muli %select_n3A, %mul3A_271 : i32
        %dma_start3A_273 = arith.constant 0 : i32
        %dma_start3A_274 = tpu.memref_slice %arg2[%add3A_270, %mul3A_272, %dma_start3A_273] : memref<64x576x768xf32, #tpu.memory_space<hbm>> -> memref<1x32x768xf32, #tpu.memory_space<hbm>>
        %dma_start3A_275 = tpu.memref_squeeze %dma_start3A_274 : memref<1x32x768xf32, #tpu.memory_space<hbm>> -> memref<32x768xf32, #tpu.memory_space<hbm>>
        %dma_start3A_276 = arith.constant 0 : i32
        %dma_start3A_277 = tpu.memref_slice %arg2[%add3A_270, %mul3A_272, %dma_start3A_276] : memref<64x576x768xf32, #tpu.memory_space<hbm>> -> memref<1x32x768xf32, #tpu.memory_space<hbm>>
        %dma_start3A_278 = tpu.memref_squeeze %dma_start3A_277 : memref<1x32x768xf32, #tpu.memory_space<hbm>> -> memref<32x768xf32, #tpu.memory_space<hbm>>
        tpu.enqueue_dma source(%dma_start3A_278 : memref<32x768xf32, #tpu.memory_space<hbm>>) target(%arg5 : memref<32x768xf32, #tpu.memory_space<vmem>>) target_semaphore(%arg11 : memref<!tpu.dma_semaphore, #tpu.memory_space<semaphore_mem>>)
      } else {
      }
    }
    %scan3A_20 = arith.constant 9 : i32
    %dma_wait3A = arith.constant 0 : i32
    %dma_wait3A_21 = arith.constant 0 : i32
    %dma_wait3A_22 = arith.constant 0 : i32
    %dma_wait3A_23 = tpu.memref_slice %arg4[%dma_wait3A, %dma_wait3A_21, %dma_wait3A_22] : memref<64x576x768xf32, #tpu.memory_space<hbm>> -> memref<1x32x768xf32, #tpu.memory_space<hbm>>
    %dma_wait3A_24 = tpu.memref_squeeze %dma_wait3A_23 : memref<1x32x768xf32, #tpu.memory_space<hbm>> -> memref<32x768xf32, #tpu.memory_space<hbm>>
    %dma_wait3A_25 = arith.constant 0 : i32
    %dma_wait3A_26 = arith.constant 0 : i32
    %dma_wait3A_27 = tpu.memref_slice %arg4[%dma_wait3A, %dma_wait3A_25, %dma_wait3A_26] : memref<64x576x768xf32, #tpu.memory_space<hbm>> -> memref<1x32x768xf32, #tpu.memory_space<hbm>>
    %dma_wait3A_28 = tpu.memref_squeeze %dma_wait3A_27 : memref<1x32x768xf32, #tpu.memory_space<hbm>> -> memref<32x768xf32, #tpu.memory_space<hbm>>
    tpu.wait_dma2 semaphore(%arg13 : memref<!tpu.dma_semaphore, #tpu.memory_space<semaphore_mem>>) src(%arg5 : memref<32x768xf32, #tpu.memory_space<vmem>>) dst(%dma_wait3A_28 : memref<32x768xf32, #tpu.memory_space<hbm>>)
    %dma_wait3A_29 = arith.constant 0 : i32
    %dma_wait3A_30 = arith.constant 0 : i32
    %dma_wait3A_31 = arith.constant 0 : i32
    %dma_wait3A_32 = tpu.memref_slice %arg4[%dma_wait3A_29, %dma_wait3A_30, %dma_wait3A_31] : memref<64x576x768xf32, #tpu.memory_space<hbm>> -> memref<1x32x768xf32, #tpu.memory_space<hbm>>
    %dma_wait3A_33 = tpu.memref_squeeze %dma_wait3A_32 : memref<1x32x768xf32, #tpu.memory_space<hbm>> -> memref<32x768xf32, #tpu.memory_space<hbm>>
    %dma_wait3A_34 = arith.constant 0 : i32
    %dma_wait3A_35 = arith.constant 0 : i32
    %dma_wait3A_36 = tpu.memref_slice %arg4[%dma_wait3A_29, %dma_wait3A_34, %dma_wait3A_35] : memref<64x576x768xf32, #tpu.memory_space<hbm>> -> memref<1x32x768xf32, #tpu.memory_space<hbm>>
    %dma_wait3A_37 = tpu.memref_squeeze %dma_wait3A_36 : memref<1x32x768xf32, #tpu.memory_space<hbm>> -> memref<32x768xf32, #tpu.memory_space<hbm>>
    tpu.wait_dma2 semaphore(%arg14 : memref<!tpu.dma_semaphore, #tpu.memory_space<semaphore_mem>>) src(%arg6 : memref<32x768xf32, #tpu.memory_space<vmem>>) dst(%dma_wait3A_37 : memref<32x768xf32, #tpu.memory_space<hbm>>)
    return
  }
}

</mosaic_0001>

<sc_bundles>
// kernel: kernel.3.cloned.1.call-start
scs
__scs_entry_jumppad:
0x0: {  	(pc) =	sbr.rel $0x88, $3  }
0x1: {  	(tag) =	ssettag $0x0;
	lr =	simm.s32 $0x1  }
0x2: {  	[smem:$0x3F9F] =	sst lr;
	_ =	strace $0xD0000000  }
0x3: {  	_ = 	snop  }
0x4: {  	_ = 	snop  }
0x5: {  	_ = 	snop  }
0x6: {  	_ = 	snop  }
0x7: {  	_ = 	snop  }
__scs_overlays_trampoline_lowered:
0x8: {  	[smem:$0x3FAE] =	sst s0  }
0x9: {  	[smem:$0x3FAF] =	sst s1  }
0xa: {  	[smem:$0x3FB0] =	sst s2  }
0xb: {  	[smem:$0x3FB1] =	sst s3  }
0xc: {  	[smem:$0x3FB2] =	sst s4  }
0xd: {  	[smem:$0x3FB3] =	sst s5  }
0xe: {  	[smem:$0x3FB4] =	sst s6  }
0xf: {  	[smem:$0x3FB5] =	sst s7  }
0x10: {  	[smem:$0x3FB6] =	sst s8  }
0x11: {  	[smem:$0x3FB7] =	sst s9;
	s0 =	simm.s32 @!p0 $0x0  }
0x12: {  	s1 =	sld [smem:$0x3F9D];
	s0 =	simm.s32 @p0 $0x1  }
0x13: {  	[smem:$0x3FB8] =	sst s0;
	s0 =	simm.s32 @!p1 $0x0  }
0x14: {  	s2 =	sld [smem:$0x3F9C];
	s0 =	simm.s32 @p1 $0x1  }
0x15: {  	[smem:$0x3FB9] =	sst s0;
	s0 =	simm.s32 @!p2 $0x0  }
0x16: {  	s3 =	sld [smem:$0x3FDB];
	s0 =	simm.s32 @p2 $0x1  }
0x17: {  	s4 =	simm.s32 $0x1BF5;
	[smem:$0x3FBB] =	sst s0  }
0x18: {  	s0 =	sld [smem:$0x3F9E];
	_ =	swait.ge [sflag:s4], $0x0  }
0x19: {  	s7 =	sld [smem:$0x3F9F]  }
0x1a: {  	s8 =	sadd.s32 $0xFFFFE003, lr  }
0x1b: {  	s9 =	sadd.s32 $0xFFFFFEF7, lr;
	s5 =	simm.s32 $0xFFFFFFFF;
	p2 =	slt.u32 s8, $0xFFFFF086  }
0x1c: {  	p1 =	slt.u32 s9, $0xF7A;
	s5 =	simm.s32 @!p2 $0x0  }
0x1d: {  	s5 =	simm.s32 @p1 $0x1;
	p0 =	seq.s32 s7, s2  }
0x1e: {  	s7 =	smul.u32 @!p0 $0xF7A, s2;
	p2 =	seq.s32 @!p0 s5, $0x0  }
0x1f: {  	s9 =	smul.u32 $0xF7A, s1;
	s8 =	simm.s32 @!p0 $0x1BF5;
	p2 =	por !p2, p0  }
0x20: {  	[sflag:s8] =	ssyncset.s32 @!p0 $0xFFFFF086;
	s6 =	sadd.s32 @!p0 s3, s7;
	s7 =	simm.s32 @!p0 $0x108  }
0x21: {  	s3 =	sadd.s32 s3, s9;
	s6 =	sadd.s32 @!p0 $0x88, s6;
	s7 =	simm.s32 @p2 $0x1082  }
0x22: {  	[simem:s7], [sflag:s8] =	dma.local @!p0 [hbm:s6], $0xF7A  }
0x23: {  	s9 =	sor.u32 $0xD0000000, s2;
	s6 =	simm.s32 $0x108;
	_ =	swait.ge @!p0 [sflag:s8], $0x0  }
0x24: {  	s3 =	sadd.s32 $0x88, s3;
	s6 =	simm.s32 @!p1 $0x1082;
	[sflag:s4] =	ssyncset.s32 $0xFFFFF086  }
0x25: {  	[simem:s6], [sflag:s4] =	dma.local [hbm:s3], $0xF7A  }
0x26: {  	[smem:$0x3F9F] =	sst s1;
	(tag) =	ssettag s2;
	_ =	strace s9  }
0x27: {  	s1 =	sld [smem:$0x3FAF]  }
0x28: {  	s2 =	sld [smem:$0x3FB0]  }
0x29: {  	s4 =	sld [smem:$0x3FB2]  }
0x2a: {  	p0 =	seq.s32 s5, $0x0;
	s5 =	sld [smem:$0x3FB3]  }
0x2b: {  	s6 =	sld [smem:$0x3FB4]  }
0x2c: {  	s7 =	sld [smem:$0x3FB5]  }
0x2d: {  	s3 =	simm.s32 $0x108;
	s8 =	sld [smem:$0x3FB6]  }
0x2e: {  	s3 =	simm.s32 @!p0 $0x1082;
	s9 =	sld [smem:$0x3FB7]  }
0x2f: {  	lr =	sadd.s32 s0, s3;
	s0 =	sld [smem:$0x3FAE]  }
0x30: {  	s3 =	sld [smem:$0x3FB1]  }
0x31: {  	[smem:$0x3FBA] =	sst s10  }
0x32: {  	s10 =	sld [smem:$0x3FB8];
	_ =	sdelay $0x3  }
0x33: {  	p0 =	seq.s32 s10, $0x1;
	s10 =	sld [smem:$0x3FBA];
	_ =	sdelay $0x3  }
0x34: {  	[smem:$0x3FBA] =	sst s10  }
0x35: {  	s10 =	sld [smem:$0x3FB9];
	_ =	sdelay $0x3  }
0x36: {  	p1 =	seq.s32 s10, $0x1;
	s10 =	sld [smem:$0x3FBA];
	_ =	sdelay $0x3  }
0x37: {  	[smem:$0x3FBA] =	sst s10  }
0x38: {  	s10 =	sld [smem:$0x3FBB]  }
0x39: {  	_ = 	snop;
	(pc) =	sbr.ind lr, $3  }
0x3a: {  	_ = 	snop  }
0x3b: {  	_ = 	snop  }
0x3c: {  	p2 =	seq.s32 s10, $0x1;
	s10 =	sld [smem:$0x3FBA]  }
0x3d: {  	_ =	shalt  }
0x3e: {  	_ =	shalt  }
0x3f: {  	_ =	shalt  }
0x40: {  	_ =	shalt  }
0x41: {  	_ =	shalt  }
0x42: {  	_ =	shalt  }
0x43: {  	_ =	shalt  }
0x44: {  	_ =	shalt  }
0x45: {  	_ =	shalt  }
0x46: {  	_ =	shalt  }
0x47: {  	_ =	shalt  }
0x48: {  	_ =	shalt  }
0x49: {  	_ =	shalt  }
0x4a: {  	_ =	shalt  }
0x4b: {  	_ =	shalt  }
0x4c: {  	_ =	shalt  }
0x4d: {  	_ =	shalt  }
0x4e: {  	_ =	shalt  }
0x4f: {  	_ =	shalt  }
0x50: {  	_ =	shalt  }
0x51: {  	_ =	shalt  }
0x52: {  	_ =	shalt  }
0x53: {  	_ =	shalt  }
0x54: {  	_ =	shalt  }
0x55: {  	_ =	shalt  }
0x56: {  	_ =	shalt  }
0x57: {  	_ =	shalt  }
0x58: {  	_ =	shalt  }
0x59: {  	_ =	shalt  }
0x5a: {  	_ =	shalt  }
0x5b: {  	_ =	shalt  }
0x5c: {  	_ =	shalt  }
0x5d: {  	_ =	shalt  }
0x5e: {  	_ =	shalt  }
0x5f: {  	_ =	shalt  }
0x60: {  	_ =	shalt  }
0x61: {  	_ =	shalt  }
0x62: {  	_ =	shalt  }
0x63: {  	_ =	shalt  }
0x64: {  	_ =	shalt  }
0x65: {  	_ =	shalt  }
0x66: {  	_ =	shalt  }
0x67: {  	_ =	shalt  }
0x68: {  	_ =	shalt  }
0x69: {  	_ =	shalt  }
0x6a: {  	_ =	shalt  }
0x6b: {  	_ =	shalt  }
0x6c: {  	_ =	shalt  }
0x6d: {  	_ =	shalt  }
0x6e: {  	_ =	shalt  }
0x6f: {  	_ =	shalt  }
0x70: {  	_ =	shalt  }
0x71: {  	_ =	shalt  }
0x72: {  	_ =	shalt  }
0x73: {  	_ =	shalt  }
0x74: {  	_ =	shalt  }
0x75: {  	_ =	shalt  }
0x76: {  	_ =	shalt  }
0x77: {  	_ =	shalt  }
0x78: {  	_ =	shalt  }
0x79: {  	_ =	shalt  }
0x7a: {  	_ =	shalt  }
0x7b: {  	_ =	shalt  }
0x7c: {  	_ =	shalt  }
0x7d: {  	_ =	shalt  }
0x7e: {  	_ =	shalt  }
0x7f: {  	_ =	shalt  }
0x80: {  	_ =	shalt  }
0x81: {  	_ =	shalt  }
0x82: {  	_ =	shalt  }
0x83: {  	_ =	shalt  }
0x84: {  	_ =	shalt  }
0x85: {  	_ =	shalt  }
0x86: {  	_ =	shalt  }
0x87: {  	_ =	shalt  }
.Lfunc_end0:
.L_simem_size_0:
called_computation_lowered:
.L_overlay_start_0:
0x88: {  	s2 =	sld [smem:$0x3FD9]  }
0x89: {  	s3 =	sld [smem:$0x3FFE];
	_ =	sdelay $0x1  }
0x8a: {  	s1 =	srdreg.scid  }
0x8b: {  	s0 =	sand.u32 $0x1, s1  }
0x8c: {  	s18 =	sshll.u32 s0, $0xA;
	s2 =	sadd.s32 s3, s2  }
0x8d: {  	s2 =	sadd.s32 s2, s18  }
0x8e: {  	[smem:$0x3FC6] =	sst s2  }
0x8f: {  	_ = 	snop  }
0x90: {  	s2 =	sld [smem:$0x3FC9]  }
0x91: {  	s19 =	sld [smem:$0x3FC8]  }
0x92: {  	s4 =	sld [smem:$0x3FD0];
	(tm) =	ssettm $0x1  }
0x93: {  	s5 =	sld [smem:$0x3FFB];
	_ =	sdelay $0x3  }
0x94: {  	_ =	strace s5  }
0x95: {  	s5 =	sld [smem:$0x3FFC];
	_ =	sdelay $0x3  }
0x96: {  	_ =	strace s5  }
0x97: {  	s5 =	sld [smem:$0x3FFD];
	_ =	sdelay $0x3  }
0x98: {  	_ =	strace s5  }
0x99: {  	_ =	strace $0x8FFFFFFF  }
0x9a: {  	s20 =	sld [smem:$0x3FDB];
	_ =	sdelay $0x1  }
0x9b: {  	s6 =	simm.s32 $_scs_section_size  }
0x9c: {  	s7 =	simm.s32 $_size__tile_overlayer_lowered;
	s8 =	simm.s32 $_tile_overlayer_lowered  }
0x9d: {  	s23 =	simm.s32 $0x1BFF;
	s22 =	sshll.u32 s8, $0x1;
	s5 =	sadd.s32 s6, s20  }
0x9e: {  	s9 =	simm.s32 $0x0;
	s21 =	sshll.u32 s7, $0x1;
	s7 =	sadd.s32 s22, s5  }
0x9f: {  	[timem:s9], [sflag:s23] =	dma.local [hbm:s7], s21  }
0xa0: {  	_ =	swait.ge [sflag:s23], s21  }
0xa1: {  	s6 =	ssub.s32 $0x0, s21;
	[sflag:s23] =	ssyncset.done $0x0  }
0xa2: {  	[sflag:s23] =	ssyncadd.s32 s6;
	_ =	sdelay $0x1  }
0xa3: {  	s24 =	simm.s32 $0x1B8B  }
0xa4: {  	_ =	swait.ge [sflag:s24], $0x1  }
0xa5: {  	[sflag:s24] =	ssyncset.done $0x0  }
0xa6: {  	s25 =	simm.s32 $0x1B8E;
	[sflag:s24] =	ssyncadd.s32 $0xFFFFFFFF  }
0xa7: {  	s26 =	simm.s32 $execute0_lowered;
	[smem:$0x3FD2] =	sst s25  }
0xa8: {  	s6 =	sshll.u32 s26, $0x1;
	_ =	strace $0x80000046;
	[dreg:$0x1] =	wrdreg $0xFFFFFFFF  }
0xa9: {  	s28 =	simm.s32 $_size_execute0_lowered;
	s5 =	sadd.s32 s5, s6;
	[dreg:$0x0] =	wrdreg $0x0  }
0xaa: {  	s6 =	sshll.u32 s28, $0x1;
	[dreg:$0x2] =	wrdreg s5  }
0xab: {  	[dreg:$0x3] =	wrdreg s6  }
0xac: {  	[dreg:$0x4] =	wrdreg $0xC0  }
0xad: {  	_ =	task [dreg:s9], $0x5FFFF  }
0xae: {  	[dreg:$0x1] =	wrdreg $0xFFFFFFFF  }
0xaf: {  	[dreg:$0x0] =	wrdreg $0x60  }
0xb0: {  	[dreg:$0x2] =	wrdreg s2  }
0xb1: {  	[dreg:$0x3] =	wrdreg s19  }
0xb2: {  	[dreg:$0x4] =	wrdreg s4  }
0xb3: {  	[dreg:$0x5] =	wrdreg $0x9  }
0xb4: {  	_ =	task.clear_ibuf [dreg:s9], $0x6FFFF;
	_ =	strace $0x90000046  }
0xb5: {  	s29 =	simm.s32 $0x9;
	_ =	strace $0x80000048  }
0xb6: {  	_ =	swait.ge [sflag:s29], $0x1  }
0xb7: {  	[sflag:s29] =	ssyncadd.s32 $0xFFFFFFFF  }
0xb8: {  	_ =	strace $0x90000048  }
0xb9: {  	_ =	sfence  }
0xba: {  	s30 =	sld [smem:$0x0];
	_ =	sdelay $0x2  }
0xbb: {  	s31 =	sshll.u32 s1, $0xD;
	s1 =	sshrl.u32 s1, $0x2  }
0xbc: {  	s3 =	sand.u32 $0x4000, s31;
	s1 =	sadd.s32 s1, s30  }
0xbd: {  	s0 =	sor.u32 s3, s0;
	s1 =	sshll.u32 s1, $0x11  }
0xbe: {  	s0 =	sor.u32 s1, s0  }
0xbf: {  	s0 =	sadd.s32 $0x8F2B, s0  }
0xc0: {  	[sflag:s0] =	ssyncadd.remote.s32 $0x1  }
0xc1: {  	_ =	sfence.sel $0xFFFF  }
0xc2: {  	[dreg:$0x0] =	wrdreg $0xFFFFFFFF;
	(pc) =	sbr.abs _section_cstart, $3  }
0xc3: {  	[dreg:$0x1] =	wrdreg $0xFFFFFFFF  }
0xc4: {  	_ =	task.clear_ibuf [dreg:s9], $0x2FFFF;
	_ =	strace $0x9FFFFFFF  }
0xc5: {  	(tm) =	ssettm $0x7FFFFFFF  }
tec
execute0_lowered:
.L_overlay_start_1:
0x0: {  	(tag) =	ssettag $0x1  }
0x1: {  	s1 =	rddreg [dreg:$0x0]  }
0x2: {  	s2 =	srdreg.scid;
	s3 =	rddreg [dreg:$0x1]  }
0x3: {  	s0 =	stileid.u32;
	s4 =	rddreg [dreg:$0x2];
	s12 =	simm.s32 $0xC000  }
0x4: {  	s13 =	simm.s32 $0x12000;
	s14 =	simm.s32 $0x1;
	s15 =	simm.s32 $0x3  }
0x5: {  	s16 =	simm.s32 $0x6000;
	s17 =	simm.s32 $0x4;
	s18 =	simm.s32 $0x5  }
0x6: {  	s19 =	simm.s32 $0x2;
	s20 =	simm.s32 $0x6;
	s6 =	sand.u32 $0x1, s2  }
0x7: {  	s21 =	simm.s32 $0x0;
	s5 =	sshll.u32 s0, $0x2;
	s7 =	sshll.u32 s6, $0x1  }
.Ltmp0:
0x8: {  	s8 =	ssub.s32 $0x2, s6;
	s7 =	sor.u32 s7, s5;
	(pc) =	sbr.rel .LBB2_1-.Ltmp0, $4  }
0x9: {  	s5 =	simm.s32 $0x0;
	s30 =	sshrl.u32 s8, $0x1;
	s6 =	smul.u32 $0x6C000, s7  }
0xa: {  	s9 =	sadd.s32 $0x1800, s3;
	[smem:$0x7FF] =	sst s5;
	s11 =	ssub.s32 s8, s30  }
0xb: {  	_ =	strace $0x80000047;
	s11 =	smax.u32 s11, $0x1;
	s31 =	sshrl.u32 s6, $0x3  }
0xc: {  	s8 =	sadd.s32 $0x6C000, s6;
	s10 =	sadd.s32 $0xC000, s6;
	s7 =	sadd.s32 s1, s31  }
.LBB2_12:
0xd: {  	s21 =	sadd.s32 $0x1, s21  }
0xe: {  	p0 =	sne.s32 s21, s11  }
.Ltmp1:
0xf: {  	_ = 	snop;
	(pc) =	sbr.rel @!p0 .LBB2_13-.Ltmp1, $4  }
0x10: {  	_ = 	snop  }
0x11: {  	_ =	swait.ge [sflag:s20], $0x6000  }
0x12: {  	[sflag:s20] =	ssyncset.done $0x0  }
0x13: {  	[sflag:s20] =	ssyncadd.s32 $0xFFFFA000  }
.LBB2_1:
0x14: {  	[tilespmem:s12], [sflag:$0x1] =	stream.linear.gather [hbm4b:s3+s5], $0x6000, $0x38;
	[tilespmem:$0x18000] =	vst v63  }
0x15: {  	s22 =	simm.s32 $0x0  }
0x16: {  	[tilespmem:s5], [sflag:$0x3] =	stream.linear.gather [hbm4b:s7+s5], $0x6000, $0x38;
	[tilespmem:$0x18000] =	vst v63  }
.LBB2_2:
0x17: {  	s23 =	smul.u32 $0xC000, s22;
	_ =	sdelay $0x1  }
0x18: {  	s24 =	sadd.s32 $0x6000, s23  }
0x19: {  	s25 =	sshrl.u32 s24, $0x3  }
0x1a: {  	s26 =	sadd.s32 s3, s25;
	s25 =	simm.s32 $0x0  }
0x1b: {  	[tilespmem:s13], [sflag:$0x2] =	stream.linear.gather [hbm4b:s26+s25], $0x6000, $0x38;
	[tilespmem:$0x18000] =	vst v63  }
0x1c: {  	_ =	swait.ge [sflag:s14], $0x6000  }
0x1d: {  	[sflag:s14] =	ssyncset.done $0x0  }
0x1e: {  	s31 =	simm.s32 $0x0;
	[sflag:s14] =	ssyncadd.s32 $0xFFFFA000  }
0x1f: {  	s26 =	smul.u32 $0x1800, s31;
	_ =	swait.ge [sflag:s15], $0x6000  }
0x20: {  	s28 =	sand.u32 $0x380, s25;
	[sflag:s15] =	ssyncset.done $0x0  }
0x21: {  	s26 =	sor.u32 s28, s26;
	[sflag:s15] =	ssyncadd.s32 $0xFFFFA000  }
0x22: {  	v9 =	vld [tilespmem:s26+$0xC000]  }
0x23: {  	v10 =	vld [tilespmem:s26+$0xC010]  }
0x24: {  	v11 =	vld [tilespmem:s26+$0xC020]  }
0x25: {  	v12 =	vld [tilespmem:s26+$0xC030]  }
0x26: {  	v13 =	vld [tilespmem:s26+$0xC040]  }
0x27: {  	v14 =	vld [tilespmem:s26+$0xC050]  }
0x28: {  	v15 =	vld [tilespmem:s26+$0xC060]  }
0x29: {  	v16 =	vld [tilespmem:s26+$0xC070]  }
0x2a: {  	v17 =	vld [tilespmem:s26+$0xC400]  }
0x2b: {  	v18 =	vld [tilespmem:s26+$0xC410]  }
0x2c: {  	v19 =	vld [tilespmem:s26+$0xC420]  }
0x2d: {  	v20 =	vld [tilespmem:s26+$0xC430]  }
0x2e: {  	v21 =	vld [tilespmem:s26+$0xC440]  }
0x2f: {  	v22 =	vld [tilespmem:s26+$0xC450]  }
0x30: {  	v23 =	vld [tilespmem:s26+$0xC460]  }
0x31: {  	v24 =	vld [tilespmem:s26+$0xC470]  }
0x32: {  	v25 =	vld [tilespmem:s26+$0xC800]  }
0x33: {  	v26 =	vld [tilespmem:s26+$0xC810]  }
0x34: {  	v27 =	vld [tilespmem:s26+$0xC820]  }
0x35: {  	v28 =	vld [tilespmem:s26+$0xC830]  }
0x36: {  	v29 =	vld [tilespmem:s26+$0xC840]  }
0x37: {  	v30 =	vld [tilespmem:s26+$0xC850]  }
0x38: {  	v31 =	vld [tilespmem:s26+$0xC860]  }
0x39: {  	v32 =	vld [tilespmem:s26+$0xC870]  }
0x3a: {  	v33 =	vld [tilespmem:s26+$0xCC00]  }
0x3b: {  	v34 =	vld [tilespmem:s26+$0xCC10]  }
0x3c: {  	v35 =	vld [tilespmem:s26+$0xCC20]  }
0x3d: {  	v36 =	vld [tilespmem:s26+$0xCC30]  }
0x3e: {  	v37 =	vld [tilespmem:s26+$0xCC40]  }
0x3f: {  	v38 =	vld [tilespmem:s26+$0xCC50]  }
0x40: {  	v39 =	vld [tilespmem:s26+$0xCC60]  }
0x41: {  	v40 =	vld [tilespmem:s26+$0xCC70]  }
0x42: {  	v41 =	vld [tilespmem:s26+$0xD000]  }
0x43: {  	v42 =	vld [tilespmem:s26+$0xD010]  }
0x44: {  	v43 =	vld [tilespmem:s26+$0xD020]  }
0x45: {  	v44 =	vld [tilespmem:s26+$0xD030]  }
0x46: {  	v45 =	vld [tilespmem:s26+$0xD040]  }
0x47: {  	v46 =	vld [tilespmem:s26+$0xD050]  }
0x48: {  	v47 =	vld [tilespmem:s26+$0xD060]  }
0x49: {  	v8 =	vld [tilespmem:s26+$0xD070]  }
0x4a: {  	v7 =	vld [tilespmem:s26+$0xD400]  }
0x4b: {  	v6 =	vld [tilespmem:s26+$0xD410]  }
0x4c: {  	v5 =	vld [tilespmem:s26+$0xD420]  }
0x4d: {  	v4 =	vld [tilespmem:s26+$0xD430]  }
0x4e: {  	v3 =	vld [tilespmem:s26+$0xD440]  }
0x4f: {  	v48 =	vld [tilespmem:s26+$0x0]  }
0x50: {  	v49 =	vld [tilespmem:s26+$0x10]  }
0x51: {  	v50 =	vld [tilespmem:s26+$0x20]  }
0x52: {  	v51 =	vld [tilespmem:s26+$0x30]  }
0x53: {  	v52 =	vld [tilespmem:s26+$0x40]  }
0x54: {  	v62 =	vld [tilespmem:s26+$0x50];
	v9 =	vadd.f32 v9, v48  }
0x55: {  	v63 =	vld [tilespmem:s26+$0x60];
	v10 =	vadd.f32 v10, v49  }
0x56: {  	[tilespmem:s26+$0x0] =	vst v9;
	v9 =	vadd.f32 v11, v50;
	v11 =	vld [tilespmem:s26+$0x70]  }
0x57: {  	[tilespmem:s26+$0x10] =	vst v10;
	v10 =	vadd.f32 v12, v51;
	v12 =	vld [tilespmem:s26+$0x400]  }
0x58: {  	[tilespmem:s26+$0x20] =	vst v9;
	v9 =	vadd.f32 v13, v52;
	v13 =	vld [tilespmem:s26+$0x410]  }
0x59: {  	[tilespmem:s26+$0x30] =	vst v10;
	v10 =	vadd.f32 v14, v62;
	v14 =	vld [tilespmem:s26+$0x420]  }
0x5a: {  	v2 =	vld [tilespmem:s26+$0xD450]  }
0x5b: {  	[tilespmem:s26+$0x40] =	vst v9;
	v9 =	vadd.f32 v15, v63;
	v15 =	vld [tilespmem:s26+$0x470]  }
0x5c: {  	[tilespmem:s26+$0x50] =	vst v10;
	v10 =	vadd.f32 v16, v11;
	v11 =	vld [tilespmem:s26+$0x430]  }
0x5d: {  	[tilespmem:s26+$0x60] =	vst v9;
	v9 =	vadd.f32 v17, v12;
	v12 =	vld [tilespmem:s26+$0x440]  }
0x5e: {  	[tilespmem:s26+$0x70] =	vst v10;
	v10 =	vadd.f32 v18, v13;
	v13 =	vadd.f32 v19, v14;
	v14 =	vld [tilespmem:s26+$0x460]  }
0x5f: {  	[tilespmem:s26+$0x400] =	vst v9;
	v9 =	vld [tilespmem:s26+$0x450]  }
0x60: {  	[tilespmem:s26+$0x410] =	vst v10;
	v10 =	vld [tilespmem:s26+$0x800];
	v15 =	vadd.f32 v24, v15  }
0x61: {  	[tilespmem:s26+$0x420] =	vst v13;
	v13 =	vld [tilespmem:s26+$0x810];
	v11 =	vadd.f32 v20, v11  }
0x62: {  	v1 =	vld [tilespmem:s26+$0xD460];
	v12 =	vadd.f32 v21, v12;
	[tilespmem:s26+$0x470] =	vst v15  }
0x63: {  	[tilespmem:s26+$0x430] =	vst v11;
	v11 =	vld [tilespmem:s26+$0x820];
	v14 =	vadd.f32 v23, v14  }
0x64: {  	v9 =	vadd.f32 v22, v9;
	[tilespmem:s26+$0x440] =	vst v12;
	v12 =	vld [tilespmem:s26+$0x830]  }
0x65: {  	v15 =	vld [tilespmem:s26+$0x870];
	[tilespmem:s26+$0x460] =	vst v14;
	v10 =	vadd.f32 v25, v10  }
0x66: {  	v13 =	vadd.f32 v26, v13;
	[tilespmem:s26+$0x450] =	vst v9;
	v9 =	vld [tilespmem:s26+$0x840]  }
0x67: {  	v14 =	vld [tilespmem:s26+$0x850];
	[tilespmem:s26+$0x800] =	vst v10  }
0x68: {  	[tilespmem:s26+$0x810] =	vst v13;
	v13 =	vld [tilespmem:s26+$0x860];
	v10 =	vadd.f32 v27, v11  }
0x69: {  	v11 =	vld [tilespmem:s26+$0xC00];
	v12 =	vadd.f32 v28, v12  }
0x6a: {  	[tilespmem:s26+$0x820] =	vst v10;
	v10 =	vld [tilespmem:s26+$0xC10]  }
0x6b: {  	v9 =	vadd.f32 v29, v9;
	[tilespmem:s26+$0x830] =	vst v12;
	v12 =	vld [tilespmem:s26+$0xC20]  }
0x6c: {  	v0 =	vld [tilespmem:s26+$0xD470];
	v14 =	vadd.f32 v30, v14  }
0x6d: {  	v13 =	vadd.f32 v31, v13;
	[tilespmem:s26+$0x840] =	vst v9;
	v9 =	vld [tilespmem:s26+$0xC30]  }
0x6e: {  	[tilespmem:s26+$0x850] =	vst v14;
	v14 =	vld [tilespmem:s26+$0xC40];
	v11 =	vadd.f32 v33, v11  }
0x6f: {  	v15 =	vadd.f32 v32, v15;
	[tilespmem:s26+$0x860] =	vst v13;
	v13 =	vld [tilespmem:s26+$0xC50]  }
0x70: {  	v10 =	vadd.f32 v34, v10;
	[tilespmem:s26+$0xC00] =	vst v11;
	v11 =	vadd.f32 v35, v12;
	v12 =	vld [tilespmem:s26+$0xC60]  }
0x71: {  	[tilespmem:s26+$0x870] =	vst v15;
	v15 =	vld [tilespmem:s26+$0xC70]  }
0x72: {  	[tilespmem:s26+$0xC10] =	vst v10;
	v10 =	vld [tilespmem:s26+$0x1000];
	v9 =	vadd.f32 v36, v9  }
0x73: {  	v14 =	vadd.f32 v37, v14;
	[tilespmem:s26+$0xC20] =	vst v11;
	v11 =	vld [tilespmem:s26+$0x1010]  }
0x74: {  	v13 =	vadd.f32 v38, v13;
	[tilespmem:s26+$0xC30] =	vst v9;
	v9 =	vld [tilespmem:s26+$0x1020]  }
0x75: {  	[tilespmem:s26+$0xC40] =	vst v14;
	v14 =	vld [tilespmem:s26+$0x1030];
	v12 =	vadd.f32 v39, v12  }
0x76: {  	v16 =	vld [tilespmem:s26+$0x1040];
	[tilespmem:s26+$0xC50] =	vst v13;
	v13 =	vadd.f32 v40, v15  }
0x77: {  	v15 =	vld [tilespmem:s26+$0x1050];
	v10 =	vadd.f32 v41, v10;
	[tilespmem:s26+$0xC60] =	vst v12  }
0x78: {  	v17 =	vld [tilespmem:s26+$0x1060];
	[tilespmem:s26+$0xC70] =	vst v13;
	v11 =	vadd.f32 v42, v11  }
0x79: {  	v13 =	vld [tilespmem:s26+$0x1070];
	[tilespmem:s26+$0x1000] =	vst v10;
	v9 =	vadd.f32 v43, v9  }
0x7a: {  	v12 =	vld [tilespmem:s26+$0x1400];
	v10 =	vadd.f32 v44, v14;
	[tilespmem:s26+$0x1010] =	vst v11  }
0x7b: {  	v11 =	vld [tilespmem:s26+$0x1410];
	[tilespmem:s26+$0x1020] =	vst v9;
	v9 =	vadd.f32 v45, v16  }
0x7c: {  	[tilespmem:s26+$0x1030] =	vst v10;
	v10 =	vld [tilespmem:s26+$0x1420];
	v15 =	vadd.f32 v46, v15  }
0x7d: {  	s28 =	simm.s32 $0x1;
	v14 =	vadd.f32 v47, v17;
	[tilespmem:s26+$0x1040] =	vst v9;
	v9 =	vld [tilespmem:s26+$0x1430]  }
.LBB2_3:
0x7e: {  	s29 =	sshrl.u32 s28, $0x3;
	p0 =	sne.s32 s28, $0x1F;
	[tilespmem:s26+$0x1050] =	vst v15;
	v8 =	vadd.f32 v8, v13;
	v13 =	vld [tilespmem:s26+$0x1440]  }
0x7f: {  	s25 =	sadd.s32 $0x80, s25;
	s29 =	smul.u32 $0x1800, s29;
	[tilespmem:s26+$0x1060] =	vst v14;
	v7 =	vadd.f32 v7, v12;
	v12 =	vld [tilespmem:s26+$0x1450]  }
0x80: {  	s30 =	sand.u32 $0x380, s25;
	[tilespmem:s26+$0x1070] =	vst v8;
	v6 =	vadd.f32 v6, v11;
	v8 =	vld [tilespmem:s26+$0x1460]  }
0x81: {  	s29 =	sor.u32 s30, s29;
	[tilespmem:s26+$0x1400] =	vst v7;
	v5 =	vadd.f32 v5, v10;
	v7 =	vld [tilespmem:s26+$0x1470]  }
0x82: {  	v36 =	vld [tilespmem:s29+$0xC000];
	[tilespmem:s26+$0x1410] =	vst v6;
	v4 =	vadd.f32 v4, v9  }
0x83: {  	v37 =	vld [tilespmem:s29+$0xC010];
	[tilespmem:s26+$0x1420] =	vst v5;
	v3 =	vadd.f32 v3, v13  }
0x84: {  	v38 =	vld [tilespmem:s29+$0xC020];
	[tilespmem:s26+$0x1430] =	vst v4;
	v2 =	vadd.f32 v2, v12  }
0x85: {  	v39 =	vld [tilespmem:s29+$0xC030];
	[tilespmem:s26+$0x1440] =	vst v3;
	v1 =	vadd.f32 v1, v8  }
0x86: {  	v40 =	vld [tilespmem:s29+$0xC040];
	[tilespmem:s26+$0x1450] =	vst v2;
	v0 =	vadd.f32 v0, v7  }
0x87: {  	v41 =	vld [tilespmem:s29+$0xC050];
	[tilespmem:s26+$0x1460] =	vst v1  }
0x88: {  	v42 =	vld [tilespmem:s29+$0xC060];
	[tilespmem:s26+$0x1470] =	vst v0;
	s26 =	smov.u32 s29  }
0x89: {  	v43 =	vld [tilespmem:s26+$0xC070]  }
0x8a: {  	v44 =	vld [tilespmem:s26+$0xC400]  }
0x8b: {  	v45 =	vld [tilespmem:s26+$0xC410]  }
0x8c: {  	v46 =	vld [tilespmem:s26+$0xC420]  }
0x8d: {  	v47 =	vld [tilespmem:s26+$0xC430]  }
0x8e: {  	v35 =	vld [tilespmem:s26+$0xC440]  }
0x8f: {  	v34 =	vld [tilespmem:s26+$0xC450]  }
0x90: {  	v33 =	vld [tilespmem:s26+$0xC460]  }
0x91: {  	v32 =	vld [tilespmem:s26+$0xC470]  }
0x92: {  	v31 =	vld [tilespmem:s26+$0xC800]  }
0x93: {  	v30 =	vld [tilespmem:s26+$0xC810]  }
0x94: {  	v29 =	vld [tilespmem:s26+$0xC820]  }
0x95: {  	v28 =	vld [tilespmem:s26+$0xC830]  }
0x96: {  	v27 =	vld [tilespmem:s26+$0xC840]  }
0x97: {  	v26 =	vld [tilespmem:s26+$0xC850]  }
0x98: {  	v25 =	vld [tilespmem:s26+$0xC860]  }
0x99: {  	v24 =	vld [tilespmem:s26+$0xC870]  }
0x9a: {  	v23 =	vld [tilespmem:s26+$0xCC00]  }
0x9b: {  	v22 =	vld [tilespmem:s26+$0xCC10]  }
0x9c: {  	v21 =	vld [tilespmem:s26+$0xCC20]  }
0x9d: {  	v20 =	vld [tilespmem:s26+$0xCC30]  }
0x9e: {  	v19 =	vld [tilespmem:s26+$0xCC40]  }
0x9f: {  	v18 =	vld [tilespmem:s26+$0xCC50]  }
0xa0: {  	v17 =	vld [tilespmem:s26+$0xCC60]  }
0xa1: {  	v16 =	vld [tilespmem:s26+$0xCC70]  }
0xa2: {  	v15 =	vld [tilespmem:s26+$0xD000]  }
0xa3: {  	v14 =	vld [tilespmem:s26+$0xD010]  }
0xa4: {  	v13 =	vld [tilespmem:s26+$0xD020]  }
0xa5: {  	v12 =	vld [tilespmem:s26+$0xD030]  }
0xa6: {  	v11 =	vld [tilespmem:s26+$0xD040]  }
0xa7: {  	v10 =	vld [tilespmem:s26+$0xD050]  }
0xa8: {  	v9 =	vld [tilespmem:s26+$0xD060]  }
0xa9: {  	v8 =	vld [tilespmem:s26+$0xD070]  }
0xaa: {  	v7 =	vld [tilespmem:s26+$0xD400]  }
0xab: {  	v6 =	vld [tilespmem:s26+$0xD410]  }
0xac: {  	v5 =	vld [tilespmem:s26+$0xD420]  }
0xad: {  	v4 =	vld [tilespmem:s26+$0xD430]  }
0xae: {  	v3 =	vld [tilespmem:s26+$0xD440]  }
0xaf: {  	v2 =	vld [tilespmem:s26+$0xD450]  }
0xb0: {  	v1 =	vld [tilespmem:s26+$0xD460]  }
0xb1: {  	v0 =	vld [tilespmem:s26+$0xD470]  }
0xb2: {  	v48 =	vld [tilespmem:s26+$0x0]  }
0xb3: {  	v49 =	vld [tilespmem:s26+$0x10]  }
0xb4: {  	v50 =	vld [tilespmem:s26+$0x20]  }
0xb5: {  	v51 =	vld [tilespmem:s26+$0x30]  }
0xb6: {  	v52 =	vld [tilespmem:s26+$0x40]  }
0xb7: {  	v36 =	vadd.f32 v36, v48;
	v48 =	vld [tilespmem:s26+$0x50]  }
0xb8: {  	v37 =	vadd.f32 v37, v49;
	v49 =	vld [tilespmem:s26+$0x60]  }
0xb9: {  	[tilespmem:s26+$0x0] =	vst v36;
	v36 =	vadd.f32 v38, v50;
	v38 =	vld [tilespmem:s26+$0x70]  }
0xba: {  	[tilespmem:s26+$0x10] =	vst v37;
	v37 =	vadd.f32 v39, v51;
	v39 =	vld [tilespmem:s26+$0x400]  }
0xbb: {  	[tilespmem:s26+$0x20] =	vst v36;
	v36 =	vadd.f32 v40, v52;
	v40 =	vld [tilespmem:s26+$0x410]  }
0xbc: {  	[tilespmem:s26+$0x30] =	vst v37;
	v37 =	vadd.f32 v41, v48;
	v41 =	vld [tilespmem:s26+$0x420]  }
0xbd: {  	[tilespmem:s26+$0x40] =	vst v36;
	v36 =	vadd.f32 v42, v49;
	v42 =	vld [tilespmem:s26+$0x430]  }
0xbe: {  	[tilespmem:s26+$0x50] =	vst v37;
	v37 =	vadd.f32 v43, v38;
	v38 =	vld [tilespmem:s26+$0x440]  }
0xbf: {  	[tilespmem:s26+$0x60] =	vst v36;
	v36 =	vadd.f32 v44, v39;
	v39 =	vld [tilespmem:s26+$0x450]  }
0xc0: {  	[tilespmem:s26+$0x70] =	vst v37;
	v37 =	vadd.f32 v45, v40;
	v40 =	vld [tilespmem:s26+$0x460]  }
0xc1: {  	[tilespmem:s26+$0x400] =	vst v36;
	v36 =	vadd.f32 v46, v41;
	v41 =	vld [tilespmem:s26+$0x470]  }
0xc2: {  	[tilespmem:s26+$0x410] =	vst v37;
	v37 =	vadd.f32 v47, v42;
	v42 =	vld [tilespmem:s26+$0x800]  }
0xc3: {  	[tilespmem:s26+$0x420] =	vst v36;
	v35 =	vadd.f32 v35, v38;
	v36 =	vld [tilespmem:s26+$0x810]  }
0xc4: {  	[tilespmem:s26+$0x430] =	vst v37;
	v34 =	vadd.f32 v34, v39;
	v37 =	vld [tilespmem:s26+$0x820]  }
0xc5: {  	[tilespmem:s26+$0x440] =	vst v35;
	v33 =	vadd.f32 v33, v40;
	v35 =	vld [tilespmem:s26+$0x830]  }
0xc6: {  	[tilespmem:s26+$0x450] =	vst v34;
	v32 =	vadd.f32 v32, v41;
	v34 =	vld [tilespmem:s26+$0x840]  }
0xc7: {  	[tilespmem:s26+$0x460] =	vst v33;
	v31 =	vadd.f32 v31, v42;
	v33 =	vld [tilespmem:s26+$0x850]  }
0xc8: {  	[tilespmem:s26+$0x470] =	vst v32;
	v30 =	vadd.f32 v30, v36;
	v32 =	vld [tilespmem:s26+$0x860]  }
0xc9: {  	[tilespmem:s26+$0x800] =	vst v31;
	v29 =	vadd.f32 v29, v37;
	v31 =	vld [tilespmem:s26+$0x870]  }
0xca: {  	[tilespmem:s26+$0x810] =	vst v30;
	v28 =	vadd.f32 v28, v35;
	v30 =	vld [tilespmem:s26+$0xC00]  }
0xcb: {  	[tilespmem:s26+$0x820] =	vst v29;
	v27 =	vadd.f32 v27, v34;
	v29 =	vld [tilespmem:s26+$0xC10]  }
0xcc: {  	[tilespmem:s26+$0x830] =	vst v28;
	v26 =	vadd.f32 v26, v33;
	v28 =	vld [tilespmem:s26+$0xC20]  }
0xcd: {  	[tilespmem:s26+$0x840] =	vst v27;
	v25 =	vadd.f32 v25, v32;
	v27 =	vld [tilespmem:s26+$0xC30]  }
0xce: {  	[tilespmem:s26+$0x850] =	vst v26;
	v24 =	vadd.f32 v24, v31;
	v26 =	vld [tilespmem:s26+$0xC40]  }
0xcf: {  	[tilespmem:s26+$0x860] =	vst v25;
	v23 =	vadd.f32 v23, v30;
	v25 =	vld [tilespmem:s26+$0xC50]  }
0xd0: {  	[tilespmem:s26+$0x870] =	vst v24;
	v22 =	vadd.f32 v22, v29;
	v24 =	vld [tilespmem:s26+$0xC60]  }
0xd1: {  	[tilespmem:s26+$0xC00] =	vst v23;
	v21 =	vadd.f32 v21, v28;
	v23 =	vld [tilespmem:s26+$0xC70]  }
0xd2: {  	[tilespmem:s26+$0xC10] =	vst v22;
	v20 =	vadd.f32 v20, v27;
	v22 =	vld [tilespmem:s26+$0x1000]  }
0xd3: {  	[tilespmem:s26+$0xC20] =	vst v21;
	v19 =	vadd.f32 v19, v26;
	v21 =	vld [tilespmem:s26+$0x1010]  }
0xd4: {  	[tilespmem:s26+$0xC30] =	vst v20;
	v18 =	vadd.f32 v18, v25;
	v20 =	vld [tilespmem:s26+$0x1020]  }
0xd5: {  	[tilespmem:s26+$0xC40] =	vst v19;
	v17 =	vadd.f32 v17, v24;
	v19 =	vld [tilespmem:s26+$0x1030]  }
0xd6: {  	[tilespmem:s26+$0xC50] =	vst v18;
	v16 =	vadd.f32 v16, v23;
	v18 =	vld [tilespmem:s26+$0x1040]  }
0xd7: {  	[tilespmem:s26+$0xC60] =	vst v17;
	v15 =	vadd.f32 v15, v22;
	v17 =	vld [tilespmem:s26+$0x1050]  }
0xd8: {  	[tilespmem:s26+$0xC70] =	vst v16;
	v14 =	vadd.f32 v14, v21;
	v16 =	vld [tilespmem:s26+$0x1060]  }
.Ltmp2:
0xd9: {  	[tilespmem:s26+$0x1000] =	vst v15;
	v15 =	vadd.f32 v13, v20;
	v13 =	vld [tilespmem:s26+$0x1070];
	(pc) =	sbr.rel @p0 .LBB2_3-.Ltmp2, $4  }
0xda: {  	[tilespmem:s26+$0x1010] =	vst v14;
	v14 =	vadd.f32 v12, v19;
	v12 =	vld [tilespmem:s26+$0x1400]  }
0xdb: {  	[tilespmem:s26+$0x1020] =	vst v15;
	v18 =	vadd.f32 v11, v18;
	v11 =	vld [tilespmem:s26+$0x1410]  }
0xdc: {  	[tilespmem:s26+$0x1030] =	vst v14;
	v15 =	vadd.f32 v10, v17;
	v10 =	vld [tilespmem:s26+$0x1420]  }
0xdd: {  	s28 =	sadd.s32 $0x1, s28;
	[tilespmem:s26+$0x1040] =	vst v18;
	v14 =	vadd.f32 v9, v16;
	v9 =	vld [tilespmem:s26+$0x1430]  }
0xde: {  	[tilespmem:s26+$0x1050] =	vst v15;
	v15 =	vld [tilespmem:s26+$0x1440];
	v8 =	vadd.f32 v8, v13  }
0xdf: {  	v13 =	vld [tilespmem:s26+$0x1450];
	[tilespmem:s26+$0x1060] =	vst v14;
	v7 =	vadd.f32 v7, v12  }
0xe0: {  	[tilespmem:s26+$0x1070] =	vst v8;
	v6 =	vadd.f32 v6, v11;
	v8 =	vld [tilespmem:s26+$0x1460]  }
0xe1: {  	[tilespmem:s26+$0x1400] =	vst v7;
	v5 =	vadd.f32 v5, v10;
	v7 =	vld [tilespmem:s26+$0x1470]  }
0xe2: {  	[tilespmem:s26+$0x1410] =	vst v6;
	v4 =	vadd.f32 v4, v9  }
0xe3: {  	[tilespmem:s26+$0x1420] =	vst v5;
	v3 =	vadd.f32 v3, v15  }
0xe4: {  	v2 =	vadd.f32 v2, v13;
	[tilespmem:s26+$0x1430] =	vst v4  }
0xe5: {  	[tilespmem:s26+$0x1440] =	vst v3;
	v1 =	vadd.f32 v1, v8  }
0xe6: {  	s25 =	sadd.s32 s6, s23;
	[tilespmem:s26+$0x1450] =	vst v2;
	v0 =	vadd.f32 v0, v7  }
0xe7: {  	p0 =	seq.s32 s22, $0x0;
	s25 =	sshrl.u32 s25, $0x3;
	[tilespmem:s26+$0x1460] =	vst v1  }
0xe8: {  	s28 =	simm.s32 @!p0 $0x6;
	s2 =	sadd.s32 s4, s25;
	[tilespmem:s26+$0x1470] =	vst v0  }
0xe9: {  	[hbm4b:s2+s5] =	stream.linear.scatter [tilespmem:s5], [sflag:$0x5], $0x6000, $0x38;
	[tilespmem:$0x18000] =	vst v63  }
0xea: {  	s31 =	sadd.s32 s8, s23;
	_ =	swait.ge @!p0 [sflag:s28], $0x6000  }
0xeb: {  	s26 =	sshrl.u32 s31, $0x3;
	[sflag:s28] =	ssyncset.done @!p0 $0x0  }
0xec: {  	s29 =	simm.s32 $0x0;
	[sflag:s28] =	ssyncadd.s32 @!p0 $0xFFFFA000;
	s28 =	sadd.s32 s1, s26  }
0xed: {  	[tilespmem:s16], [sflag:$0x4] =	stream.linear.gather [hbm4b:s28+s29], $0x6000, $0x38;
	[tilespmem:$0x18000] =	vst v63  }
0xee: {  	s28 =	simm.s32 $0x0  }
0xef: {  	_ =	swait.ge [sflag:s17], $0x6000;
	s28 =	smul.u32 $0x1800, s28  }
0xf0: {  	s30 =	sand.u32 $0x380, s29;
	[sflag:s17] =	ssyncset.done $0x0  }
0xf1: {  	[sflag:s17] =	ssyncadd.s32 $0xFFFFA000;
	s28 =	sor.u32 s30, s28  }
0xf2: {  	v9 =	vld [tilespmem:s28+$0xC000]  }
0xf3: {  	v10 =	vld [tilespmem:s28+$0xC010]  }
0xf4: {  	v11 =	vld [tilespmem:s28+$0xC020]  }
0xf5: {  	v12 =	vld [tilespmem:s28+$0xC030]  }
0xf6: {  	v13 =	vld [tilespmem:s28+$0xC040]  }
0xf7: {  	v14 =	vld [tilespmem:s28+$0xC050]  }
0xf8: {  	v15 =	vld [tilespmem:s28+$0xC060]  }
0xf9: {  	v16 =	vld [tilespmem:s28+$0xC070]  }
0xfa: {  	v17 =	vld [tilespmem:s28+$0xC400]  }
0xfb: {  	v18 =	vld [tilespmem:s28+$0xC410]  }
0xfc: {  	v19 =	vld [tilespmem:s28+$0xC420]  }
0xfd: {  	v20 =	vld [tilespmem:s28+$0xC430]  }
0xfe: {  	v21 =	vld [tilespmem:s28+$0xC440]  }
0xff: {  	v22 =	vld [tilespmem:s28+$0xC450]  }
0x100: {  	v23 =	vld [tilespmem:s28+$0xC460]  }
0x101: {  	v24 =	vld [tilespmem:s28+$0xC470]  }
0x102: {  	v25 =	vld [tilespmem:s28+$0xC800]  }
0x103: {  	v26 =	vld [tilespmem:s28+$0xC810]  }
0x104: {  	v27 =	vld [tilespmem:s28+$0xC820]  }
0x105: {  	v28 =	vld [tilespmem:s28+$0xC830]  }
0x106: {  	v29 =	vld [tilespmem:s28+$0xC840]  }
0x107: {  	v30 =	vld [tilespmem:s28+$0xC850]  }
0x108: {  	v31 =	vld [tilespmem:s28+$0xC860]  }
0x109: {  	v32 =	vld [tilespmem:s28+$0xC870]  }
0x10a: {  	v33 =	vld [tilespmem:s28+$0xCC00]  }
0x10b: {  	v34 =	vld [tilespmem:s28+$0xCC10]  }
0x10c: {  	v35 =	vld [tilespmem:s28+$0xCC20]  }
0x10d: {  	v36 =	vld [tilespmem:s28+$0xCC30]  }
0x10e: {  	v37 =	vld [tilespmem:s28+$0xCC40]  }
0x10f: {  	v38 =	vld [tilespmem:s28+$0xCC50]  }
0x110: {  	v39 =	vld [tilespmem:s28+$0xCC60]  }
0x111: {  	v40 =	vld [tilespmem:s28+$0xCC70]  }
0x112: {  	v41 =	vld [tilespmem:s28+$0xD000]  }
0x113: {  	v42 =	vld [tilespmem:s28+$0xD010]  }
0x114: {  	v43 =	vld [tilespmem:s28+$0xD020]  }
0x115: {  	v44 =	vld [tilespmem:s28+$0xD030]  }
0x116: {  	v45 =	vld [tilespmem:s28+$0xD040]  }
0x117: {  	v46 =	vld [tilespmem:s28+$0xD050]  }
0x118: {  	v47 =	vld [tilespmem:s28+$0xD060]  }
0x119: {  	v8 =	vld [tilespmem:s28+$0xD070]  }
0x11a: {  	v7 =	vld [tilespmem:s28+$0xD400]  }
0x11b: {  	v6 =	vld [tilespmem:s28+$0xD410]  }
0x11c: {  	v5 =	vld [tilespmem:s28+$0xD420]  }
0x11d: {  	v4 =	vld [tilespmem:s28+$0xD430]  }
0x11e: {  	v3 =	vld [tilespmem:s28+$0xD440]  }
0x11f: {  	v48 =	vld [tilespmem:s28+$0x6000]  }
0x120: {  	v49 =	vld [tilespmem:s28+$0x6010]  }
0x121: {  	v50 =	vld [tilespmem:s28+$0x6020]  }
0x122: {  	v51 =	vld [tilespmem:s28+$0x6030]  }
0x123: {  	v52 =	vld [tilespmem:s28+$0x6040]  }
0x124: {  	v62 =	vld [tilespmem:s28+$0x6050];
	v9 =	vadd.f32 v9, v48  }
0x125: {  	v63 =	vld [tilespmem:s28+$0x6060];
	v10 =	vadd.f32 v10, v49  }
0x126: {  	[tilespmem:s28+$0x6000] =	vst v9;
	v9 =	vadd.f32 v11, v50;
	v11 =	vld [tilespmem:s28+$0x6070]  }
0x127: {  	[tilespmem:s28+$0x6010] =	vst v10;
	v10 =	vadd.f32 v12, v51;
	v12 =	vld [tilespmem:s28+$0x6400]  }
0x128: {  	[tilespmem:s28+$0x6020] =	vst v9;
	v9 =	vadd.f32 v13, v52;
	v13 =	vld [tilespmem:s28+$0x6410]  }
0x129: {  	[tilespmem:s28+$0x6030] =	vst v10;
	v10 =	vadd.f32 v14, v62;
	v14 =	vld [tilespmem:s28+$0x6420]  }
0x12a: {  	v2 =	vld [tilespmem:s28+$0xD450]  }
0x12b: {  	[tilespmem:s28+$0x6040] =	vst v9;
	v9 =	vadd.f32 v15, v63;
	v15 =	vld [tilespmem:s28+$0x6470]  }
0x12c: {  	[tilespmem:s28+$0x6050] =	vst v10;
	v10 =	vadd.f32 v16, v11;
	v11 =	vld [tilespmem:s28+$0x6430]  }
0x12d: {  	[tilespmem:s28+$0x6060] =	vst v9;
	v9 =	vadd.f32 v17, v12;
	v12 =	vld [tilespmem:s28+$0x6440]  }
0x12e: {  	[tilespmem:s28+$0x6070] =	vst v10;
	v10 =	vadd.f32 v18, v13;
	v13 =	vadd.f32 v19, v14;
	v14 =	vld [tilespmem:s28+$0x6460]  }
0x12f: {  	[tilespmem:s28+$0x6400] =	vst v9;
	v9 =	vld [tilespmem:s28+$0x6450]  }
0x130: {  	[tilespmem:s28+$0x6410] =	vst v10;
	v10 =	vld [tilespmem:s28+$0x6800];
	v15 =	vadd.f32 v24, v15  }
0x131: {  	[tilespmem:s28+$0x6420] =	vst v13;
	v13 =	vld [tilespmem:s28+$0x6810];
	v11 =	vadd.f32 v20, v11  }
0x132: {  	v1 =	vld [tilespmem:s28+$0xD460];
	v12 =	vadd.f32 v21, v12;
	[tilespmem:s28+$0x6470] =	vst v15  }
0x133: {  	[tilespmem:s28+$0x6430] =	vst v11;
	v11 =	vld [tilespmem:s28+$0x6820];
	v14 =	vadd.f32 v23, v14  }
0x134: {  	v9 =	vadd.f32 v22, v9;
	[tilespmem:s28+$0x6440] =	vst v12;
	v12 =	vld [tilespmem:s28+$0x6830]  }
0x135: {  	v15 =	vld [tilespmem:s28+$0x6870];
	[tilespmem:s28+$0x6460] =	vst v14;
	v10 =	vadd.f32 v25, v10  }
0x136: {  	v13 =	vadd.f32 v26, v13;
	[tilespmem:s28+$0x6450] =	vst v9;
	v9 =	vld [tilespmem:s28+$0x6840]  }
0x137: {  	v14 =	vld [tilespmem:s28+$0x6850];
	[tilespmem:s28+$0x6800] =	vst v10  }
0x138: {  	[tilespmem:s28+$0x6810] =	vst v13;
	v13 =	vld [tilespmem:s28+$0x6860];
	v10 =	vadd.f32 v27, v11  }
0x139: {  	v11 =	vld [tilespmem:s28+$0x6C00];
	v12 =	vadd.f32 v28, v12  }
0x13a: {  	[tilespmem:s28+$0x6820] =	vst v10;
	v10 =	vld [tilespmem:s28+$0x6C10]  }
0x13b: {  	v9 =	vadd.f32 v29, v9;
	[tilespmem:s28+$0x6830] =	vst v12;
	v12 =	vld [tilespmem:s28+$0x6C20]  }
0x13c: {  	v0 =	vld [tilespmem:s28+$0xD470];
	v14 =	vadd.f32 v30, v14  }
0x13d: {  	v13 =	vadd.f32 v31, v13;
	[tilespmem:s28+$0x6840] =	vst v9;
	v9 =	vld [tilespmem:s28+$0x6C30]  }
0x13e: {  	[tilespmem:s28+$0x6850] =	vst v14;
	v14 =	vld [tilespmem:s28+$0x6C40];
	v11 =	vadd.f32 v33, v11  }
0x13f: {  	v15 =	vadd.f32 v32, v15;
	[tilespmem:s28+$0x6860] =	vst v13;
	v13 =	vld [tilespmem:s28+$0x6C50]  }
0x140: {  	v10 =	vadd.f32 v34, v10;
	[tilespmem:s28+$0x6C00] =	vst v11;
	v11 =	vadd.f32 v35, v12;
	v12 =	vld [tilespmem:s28+$0x6C60]  }
0x141: {  	[tilespmem:s28+$0x6870] =	vst v15;
	v15 =	vld [tilespmem:s28+$0x6C70]  }
0x142: {  	[tilespmem:s28+$0x6C10] =	vst v10;
	v10 =	vld [tilespmem:s28+$0x7000];
	v9 =	vadd.f32 v36, v9  }
0x143: {  	v14 =	vadd.f32 v37, v14;
	[tilespmem:s28+$0x6C20] =	vst v11;
	v11 =	vld [tilespmem:s28+$0x7010]  }
0x144: {  	v13 =	vadd.f32 v38, v13;
	[tilespmem:s28+$0x6C30] =	vst v9;
	v9 =	vld [tilespmem:s28+$0x7020]  }
0x145: {  	[tilespmem:s28+$0x6C40] =	vst v14;
	v14 =	vld [tilespmem:s28+$0x7030];
	v12 =	vadd.f32 v39, v12  }
0x146: {  	v16 =	vld [tilespmem:s28+$0x7040];
	[tilespmem:s28+$0x6C50] =	vst v13;
	v13 =	vadd.f32 v40, v15  }
0x147: {  	v15 =	vld [tilespmem:s28+$0x7050];
	v10 =	vadd.f32 v41, v10;
	[tilespmem:s28+$0x6C60] =	vst v12  }
0x148: {  	v17 =	vld [tilespmem:s28+$0x7060];
	[tilespmem:s28+$0x6C70] =	vst v13;
	v11 =	vadd.f32 v42, v11  }
0x149: {  	v13 =	vld [tilespmem:s28+$0x7070];
	[tilespmem:s28+$0x7000] =	vst v10;
	v9 =	vadd.f32 v43, v9  }
0x14a: {  	v12 =	vld [tilespmem:s28+$0x7400];
	v10 =	vadd.f32 v44, v14;
	[tilespmem:s28+$0x7010] =	vst v11  }
0x14b: {  	v11 =	vld [tilespmem:s28+$0x7410];
	[tilespmem:s28+$0x7020] =	vst v9;
	v9 =	vadd.f32 v45, v16  }
0x14c: {  	[tilespmem:s28+$0x7030] =	vst v10;
	v10 =	vld [tilespmem:s28+$0x7420];
	v15 =	vadd.f32 v46, v15  }
0x14d: {  	s30 =	simm.s32 $0x1;
	v14 =	vadd.f32 v47, v17;
	[tilespmem:s28+$0x7040] =	vst v9;
	v9 =	vld [tilespmem:s28+$0x7430]  }
.LBB2_5:
0x14e: {  	s31 =	sshrl.u32 s30, $0x3;
	p0 =	sne.s32 s30, $0x1F;
	[tilespmem:s28+$0x7050] =	vst v15;
	v8 =	vadd.f32 v8, v13;
	v13 =	vld [tilespmem:s28+$0x7440]  }
0x14f: {  	s29 =	sadd.s32 $0x80, s29;
	s31 =	smul.u32 $0x1800, s31;
	[tilespmem:s28+$0x7060] =	vst v14;
	v7 =	vadd.f32 v7, v12;
	v12 =	vld [tilespmem:s28+$0x7450]  }
0x150: {  	s2 =	sand.u32 $0x380, s29;
	[tilespmem:s28+$0x7070] =	vst v8;
	v6 =	vadd.f32 v6, v11;
	v8 =	vld [tilespmem:s28+$0x7460]  }
0x151: {  	s2 =	sor.u32 s2, s31;
	[tilespmem:s28+$0x7400] =	vst v7;
	v5 =	vadd.f32 v5, v10;
	v7 =	vld [tilespmem:s28+$0x7470]  }
0x152: {  	v36 =	vld [tilespmem:s2+$0xC000];
	[tilespmem:s28+$0x7410] =	vst v6;
	v4 =	vadd.f32 v4, v9  }
0x153: {  	v37 =	vld [tilespmem:s2+$0xC010];
	[tilespmem:s28+$0x7420] =	vst v5;
	v3 =	vadd.f32 v3, v13  }
0x154: {  	v38 =	vld [tilespmem:s2+$0xC020];
	[tilespmem:s28+$0x7430] =	vst v4;
	v2 =	vadd.f32 v2, v12  }
0x155: {  	v39 =	vld [tilespmem:s2+$0xC030];
	[tilespmem:s28+$0x7440] =	vst v3;
	v1 =	vadd.f32 v1, v8  }
0x156: {  	v40 =	vld [tilespmem:s2+$0xC040];
	[tilespmem:s28+$0x7450] =	vst v2;
	v0 =	vadd.f32 v0, v7  }
0x157: {  	v41 =	vld [tilespmem:s2+$0xC050];
	[tilespmem:s28+$0x7460] =	vst v1  }
0x158: {  	v42 =	vld [tilespmem:s2+$0xC060];
	[tilespmem:s28+$0x7470] =	vst v0;
	s28 =	smov.u32 s2  }
0x159: {  	v43 =	vld [tilespmem:s28+$0xC070]  }
0x15a: {  	v44 =	vld [tilespmem:s28+$0xC400]  }
0x15b: {  	v45 =	vld [tilespmem:s28+$0xC410]  }
0x15c: {  	v46 =	vld [tilespmem:s28+$0xC420]  }
0x15d: {  	v47 =	vld [tilespmem:s28+$0xC430]  }
0x15e: {  	v35 =	vld [tilespmem:s28+$0xC440]  }
0x15f: {  	v34 =	vld [tilespmem:s28+$0xC450]  }
0x160: {  	v33 =	vld [tilespmem:s28+$0xC460]  }
0x161: {  	v32 =	vld [tilespmem:s28+$0xC470]  }
0x162: {  	v31 =	vld [tilespmem:s28+$0xC800]  }
0x163: {  	v30 =	vld [tilespmem:s28+$0xC810]  }
0x164: {  	v29 =	vld [tilespmem:s28+$0xC820]  }
0x165: {  	v28 =	vld [tilespmem:s28+$0xC830]  }
0x166: {  	v27 =	vld [tilespmem:s28+$0xC840]  }
0x167: {  	v26 =	vld [tilespmem:s28+$0xC850]  }
0x168: {  	v25 =	vld [tilespmem:s28+$0xC860]  }
0x169: {  	v24 =	vld [tilespmem:s28+$0xC870]  }
0x16a: {  	v23 =	vld [tilespmem:s28+$0xCC00]  }
0x16b: {  	v22 =	vld [tilespmem:s28+$0xCC10]  }
0x16c: {  	v21 =	vld [tilespmem:s28+$0xCC20]  }
0x16d: {  	v20 =	vld [tilespmem:s28+$0xCC30]  }
0x16e: {  	v19 =	vld [tilespmem:s28+$0xCC40]  }
0x16f: {  	v18 =	vld [tilespmem:s28+$0xCC50]  }
0x170: {  	v17 =	vld [tilespmem:s28+$0xCC60]  }
0x171: {  	v16 =	vld [tilespmem:s28+$0xCC70]  }
0x172: {  	v15 =	vld [tilespmem:s28+$0xD000]  }
0x173: {  	v14 =	vld [tilespmem:s28+$0xD010]  }
0x174: {  	v13 =	vld [tilespmem:s28+$0xD020]  }
0x175: {  	v12 =	vld [tilespmem:s28+$0xD030]  }
0x176: {  	v11 =	vld [tilespmem:s28+$0xD040]  }
0x177: {  	v10 =	vld [tilespmem:s28+$0xD050]  }
0x178: {  	v9 =	vld [tilespmem:s28+$0xD060]  }
0x179: {  	v8 =	vld [tilespmem:s28+$0xD070]  }
0x17a: {  	v7 =	vld [tilespmem:s28+$0xD400]  }
0x17b: {  	v6 =	vld [tilespmem:s28+$0xD410]  }
0x17c: {  	v5 =	vld [tilespmem:s28+$0xD420]  }
0x17d: {  	v4 =	vld [tilespmem:s28+$0xD430]  }
0x17e: {  	v3 =	vld [tilespmem:s28+$0xD440]  }
0x17f: {  	v2 =	vld [tilespmem:s28+$0xD450]  }
0x180: {  	v1 =	vld [tilespmem:s28+$0xD460]  }
0x181: {  	v0 =	vld [tilespmem:s28+$0xD470]  }
0x182: {  	v48 =	vld [tilespmem:s28+$0x6000]  }
0x183: {  	v49 =	vld [tilespmem:s28+$0x6010]  }
0x184: {  	v50 =	vld [tilespmem:s28+$0x6020]  }
0x185: {  	v51 =	vld [tilespmem:s28+$0x6030]  }
0x186: {  	v52 =	vld [tilespmem:s28+$0x6040]  }
0x187: {  	v36 =	vadd.f32 v36, v48;
	v48 =	vld [tilespmem:s28+$0x6050]  }
0x188: {  	v37 =	vadd.f32 v37, v49;
	v49 =	vld [tilespmem:s28+$0x6060]  }
0x189: {  	[tilespmem:s28+$0x6000] =	vst v36;
	v36 =	vadd.f32 v38, v50;
	v38 =	vld [tilespmem:s28+$0x6070]  }
0x18a: {  	[tilespmem:s28+$0x6010] =	vst v37;
	v37 =	vadd.f32 v39, v51;
	v39 =	vld [tilespmem:s28+$0x6400]  }
0x18b: {  	[tilespmem:s28+$0x6020] =	vst v36;
	v36 =	vadd.f32 v40, v52;
	v40 =	vld [tilespmem:s28+$0x6410]  }
0x18c: {  	[tilespmem:s28+$0x6030] =	vst v37;
	v37 =	vadd.f32 v41, v48;
	v41 =	vld [tilespmem:s28+$0x6420]  }
0x18d: {  	[tilespmem:s28+$0x6040] =	vst v36;
	v36 =	vadd.f32 v42, v49;
	v42 =	vld [tilespmem:s28+$0x6430]  }
0x18e: {  	[tilespmem:s28+$0x6050] =	vst v37;
	v37 =	vadd.f32 v43, v38;
	v38 =	vld [tilespmem:s28+$0x6440]  }
0x18f: {  	[tilespmem:s28+$0x6060] =	vst v36;
	v36 =	vadd.f32 v44, v39;
	v39 =	vld [tilespmem:s28+$0x6450]  }
0x190: {  	[tilespmem:s28+$0x6070] =	vst v37;
	v37 =	vadd.f32 v45, v40;
	v40 =	vld [tilespmem:s28+$0x6460]  }
0x191: {  	[tilespmem:s28+$0x6400] =	vst v36;
	v36 =	vadd.f32 v46, v41;
	v41 =	vld [tilespmem:s28+$0x6470]  }
0x192: {  	[tilespmem:s28+$0x6410] =	vst v37;
	v37 =	vadd.f32 v47, v42;
	v42 =	vld [tilespmem:s28+$0x6800]  }
0x193: {  	[tilespmem:s28+$0x6420] =	vst v36;
	v35 =	vadd.f32 v35, v38;
	v36 =	vld [tilespmem:s28+$0x6810]  }
0x194: {  	[tilespmem:s28+$0x6430] =	vst v37;
	v34 =	vadd.f32 v34, v39;
	v37 =	vld [tilespmem:s28+$0x6820]  }
0x195: {  	[tilespmem:s28+$0x6440] =	vst v35;
	v33 =	vadd.f32 v33, v40;
	v35 =	vld [tilespmem:s28+$0x6830]  }
0x196: {  	[tilespmem:s28+$0x6450] =	vst v34;
	v32 =	vadd.f32 v32, v41;
	v34 =	vld [tilespmem:s28+$0x6840]  }
0x197: {  	[tilespmem:s28+$0x6460] =	vst v33;
	v31 =	vadd.f32 v31, v42;
	v33 =	vld [tilespmem:s28+$0x6850]  }
0x198: {  	[tilespmem:s28+$0x6470] =	vst v32;
	v30 =	vadd.f32 v30, v36;
	v32 =	vld [tilespmem:s28+$0x6860]  }
0x199: {  	[tilespmem:s28+$0x6800] =	vst v31;
	v29 =	vadd.f32 v29, v37;
	v31 =	vld [tilespmem:s28+$0x6870]  }
0x19a: {  	[tilespmem:s28+$0x6810] =	vst v30;
	v28 =	vadd.f32 v28, v35;
	v30 =	vld [tilespmem:s28+$0x6C00]  }
0x19b: {  	[tilespmem:s28+$0x6820] =	vst v29;
	v27 =	vadd.f32 v27, v34;
	v29 =	vld [tilespmem:s28+$0x6C10]  }
0x19c: {  	[tilespmem:s28+$0x6830] =	vst v28;
	v26 =	vadd.f32 v26, v33;
	v28 =	vld [tilespmem:s28+$0x6C20]  }
0x19d: {  	[tilespmem:s28+$0x6840] =	vst v27;
	v25 =	vadd.f32 v25, v32;
	v27 =	vld [tilespmem:s28+$0x6C30]  }
0x19e: {  	[tilespmem:s28+$0x6850] =	vst v26;
	v24 =	vadd.f32 v24, v31;
	v26 =	vld [tilespmem:s28+$0x6C40]  }
0x19f: {  	[tilespmem:s28+$0x6860] =	vst v25;
	v23 =	vadd.f32 v23, v30;
	v25 =	vld [tilespmem:s28+$0x6C50]  }
0x1a0: {  	[tilespmem:s28+$0x6870] =	vst v24;
	v22 =	vadd.f32 v22, v29;
	v24 =	vld [tilespmem:s28+$0x6C60]  }
0x1a1: {  	[tilespmem:s28+$0x6C00] =	vst v23;
	v21 =	vadd.f32 v21, v28;
	v23 =	vld [tilespmem:s28+$0x6C70]  }
0x1a2: {  	[tilespmem:s28+$0x6C10] =	vst v22;
	v20 =	vadd.f32 v20, v27;
	v22 =	vld [tilespmem:s28+$0x7000]  }
0x1a3: {  	[tilespmem:s28+$0x6C20] =	vst v21;
	v19 =	vadd.f32 v19, v26;
	v21 =	vld [tilespmem:s28+$0x7010]  }
0x1a4: {  	[tilespmem:s28+$0x6C30] =	vst v20;
	v18 =	vadd.f32 v18, v25;
	v20 =	vld [tilespmem:s28+$0x7020]  }
0x1a5: {  	[tilespmem:s28+$0x6C40] =	vst v19;
	v17 =	vadd.f32 v17, v24;
	v19 =	vld [tilespmem:s28+$0x7030]  }
0x1a6: {  	[tilespmem:s28+$0x6C50] =	vst v18;
	v16 =	vadd.f32 v16, v23;
	v18 =	vld [tilespmem:s28+$0x7040]  }
0x1a7: {  	[tilespmem:s28+$0x6C60] =	vst v17;
	v15 =	vadd.f32 v15, v22;
	v17 =	vld [tilespmem:s28+$0x7050]  }
0x1a8: {  	[tilespmem:s28+$0x6C70] =	vst v16;
	v14 =	vadd.f32 v14, v21;
	v16 =	vld [tilespmem:s28+$0x7060]  }
.Ltmp3:
0x1a9: {  	[tilespmem:s28+$0x7000] =	vst v15;
	v15 =	vadd.f32 v13, v20;
	v13 =	vld [tilespmem:s28+$0x7070];
	(pc) =	sbr.rel @p0 .LBB2_5-.Ltmp3, $4  }
0x1aa: {  	[tilespmem:s28+$0x7010] =	vst v14;
	v14 =	vadd.f32 v12, v19;
	v12 =	vld [tilespmem:s28+$0x7400]  }
0x1ab: {  	[tilespmem:s28+$0x7020] =	vst v15;
	v18 =	vadd.f32 v11, v18;
	v11 =	vld [tilespmem:s28+$0x7410]  }
0x1ac: {  	[tilespmem:s28+$0x7030] =	vst v14;
	v15 =	vadd.f32 v10, v17;
	v10 =	vld [tilespmem:s28+$0x7420]  }
0x1ad: {  	s30 =	sadd.s32 $0x1, s30;
	[tilespmem:s28+$0x7040] =	vst v18;
	v14 =	vadd.f32 v9, v16;
	v9 =	vld [tilespmem:s28+$0x7430]  }
0x1ae: {  	[tilespmem:s28+$0x7050] =	vst v15;
	v15 =	vld [tilespmem:s28+$0x7440];
	v8 =	vadd.f32 v8, v13  }
0x1af: {  	v13 =	vld [tilespmem:s28+$0x7450];
	[tilespmem:s28+$0x7060] =	vst v14;
	v7 =	vadd.f32 v7, v12  }
0x1b0: {  	[tilespmem:s28+$0x7070] =	vst v8;
	v6 =	vadd.f32 v6, v11;
	v8 =	vld [tilespmem:s28+$0x7460]  }
0x1b1: {  	[tilespmem:s28+$0x7400] =	vst v7;
	v5 =	vadd.f32 v5, v10;
	v7 =	vld [tilespmem:s28+$0x7470]  }
0x1b2: {  	[tilespmem:s28+$0x7410] =	vst v6;
	v4 =	vadd.f32 v4, v9  }
0x1b3: {  	[tilespmem:s28+$0x7420] =	vst v5;
	v3 =	vadd.f32 v3, v15  }
0x1b4: {  	v2 =	vadd.f32 v2, v13;
	[tilespmem:s28+$0x7430] =	vst v4  }
0x1b5: {  	[tilespmem:s28+$0x7440] =	vst v3;
	v1 =	vadd.f32 v1, v8  }
0x1b6: {  	[tilespmem:s28+$0x7450] =	vst v2;
	v0 =	vadd.f32 v0, v7  }
0x1b7: {  	[tilespmem:s28+$0x7460] =	vst v1  }
0x1b8: {  	s2 =	sadd.s32 s4, s26;
	[tilespmem:s28+$0x7470] =	vst v0  }
0x1b9: {  	[hbm4b:s2+s5] =	stream.linear.scatter [tilespmem:s16], [sflag:$0x6], $0x6000, $0x38;
	[tilespmem:$0x18000] =	vst v63  }
0x1ba: {  	s26 =	sadd.s32 s6, s24;
	_ =	swait.ge [sflag:s18], $0x6000  }
0x1bb: {  	p0 =	seq.s32 s22, $0x8;
	s26 =	sshrl.u32 s26, $0x3;
	[sflag:s18] =	ssyncset.done $0x0  }
0x1bc: {  	s28 =	smul.u32 @!p0 $0x1800, s22;
	s2 =	sadd.s32 s1, s26;
	[sflag:s18] =	ssyncadd.s32 $0xFFFFA000  }
0x1bd: {  	[tilespmem:s5], [sflag:$0x3] =	stream.linear.gather [hbm4b:s2+s5], $0x6000, $0x38;
	[tilespmem:$0x18000] =	vst v63  }
0x1be: {  	s29 =	simm.s32 @!p0 $0xC000;
	s2 =	sadd.s32 @!p0 s28, s9;
	s28 =	simm.s32 @!p0 $0x0  }
0x1bf: {  	[tilespmem:s29], [sflag:$0x1] =	stream.linear.gather @!p0 [hbm4b:s2+s28], $0x6000, $0x38;
	[tilespmem:$0x18000] =	vst v63  }
0x1c0: {  	_ =	swait.ge [sflag:s19], $0x6000  }
0x1c1: {  	[sflag:s19] =	ssyncset.done $0x0  }
0x1c2: {  	s31 =	simm.s32 $0x0;
	[sflag:s19] =	ssyncadd.s32 $0xFFFFA000  }
0x1c3: {  	s29 =	simm.s32 $0x0;
	s2 =	smul.u32 $0x1800, s31;
	_ =	swait.ge [sflag:s15], $0x6000  }
0x1c4: {  	s28 =	sand.u32 $0x380, s29;
	[sflag:s15] =	ssyncset.done $0x0  }
0x1c5: {  	s28 =	sor.u32 s28, s2;
	[sflag:s15] =	ssyncadd.s32 $0xFFFFA000  }
0x1c6: {  	v9 =	vld [tilespmem:s28+$0x12000]  }
0x1c7: {  	v10 =	vld [tilespmem:s28+$0x12010]  }
0x1c8: {  	v11 =	vld [tilespmem:s28+$0x12020]  }
0x1c9: {  	v12 =	vld [tilespmem:s28+$0x12030]  }
0x1ca: {  	v13 =	vld [tilespmem:s28+$0x12040]  }
0x1cb: {  	v14 =	vld [tilespmem:s28+$0x12050]  }
0x1cc: {  	v15 =	vld [tilespmem:s28+$0x12060]  }
0x1cd: {  	v16 =	vld [tilespmem:s28+$0x12070]  }
0x1ce: {  	v17 =	vld [tilespmem:s28+$0x12400]  }
0x1cf: {  	v18 =	vld [tilespmem:s28+$0x12410]  }
0x1d0: {  	v19 =	vld [tilespmem:s28+$0x12420]  }
0x1d1: {  	v20 =	vld [tilespmem:s28+$0x12430]  }
0x1d2: {  	v21 =	vld [tilespmem:s28+$0x12440]  }
0x1d3: {  	v22 =	vld [tilespmem:s28+$0x12450]  }
0x1d4: {  	v23 =	vld [tilespmem:s28+$0x12460]  }
0x1d5: {  	v24 =	vld [tilespmem:s28+$0x12470]  }
0x1d6: {  	v25 =	vld [tilespmem:s28+$0x12800]  }
0x1d7: {  	v26 =	vld [tilespmem:s28+$0x12810]  }
0x1d8: {  	v27 =	vld [tilespmem:s28+$0x12820]  }
0x1d9: {  	v28 =	vld [tilespmem:s28+$0x12830]  }
0x1da: {  	v29 =	vld [tilespmem:s28+$0x12840]  }
0x1db: {  	v30 =	vld [tilespmem:s28+$0x12850]  }
0x1dc: {  	v31 =	vld [tilespmem:s28+$0x12860]  }
0x1dd: {  	v32 =	vld [tilespmem:s28+$0x12870]  }
0x1de: {  	v33 =	vld [tilespmem:s28+$0x12C00]  }
0x1df: {  	v34 =	vld [tilespmem:s28+$0x12C10]  }
0x1e0: {  	v35 =	vld [tilespmem:s28+$0x12C20]  }
0x1e1: {  	v36 =	vld [tilespmem:s28+$0x12C30]  }
0x1e2: {  	v37 =	vld [tilespmem:s28+$0x12C40]  }
0x1e3: {  	v38 =	vld [tilespmem:s28+$0x12C50]  }
0x1e4: {  	v39 =	vld [tilespmem:s28+$0x12C60]  }
0x1e5: {  	v40 =	vld [tilespmem:s28+$0x12C70]  }
0x1e6: {  	v41 =	vld [tilespmem:s28+$0x13000]  }
0x1e7: {  	v42 =	vld [tilespmem:s28+$0x13010]  }
0x1e8: {  	v43 =	vld [tilespmem:s28+$0x13020]  }
0x1e9: {  	v44 =	vld [tilespmem:s28+$0x13030]  }
0x1ea: {  	v45 =	vld [tilespmem:s28+$0x13040]  }
0x1eb: {  	v46 =	vld [tilespmem:s28+$0x13050]  }
0x1ec: {  	v47 =	vld [tilespmem:s28+$0x13060]  }
0x1ed: {  	v8 =	vld [tilespmem:s28+$0x13070]  }
0x1ee: {  	v7 =	vld [tilespmem:s28+$0x13400]  }
0x1ef: {  	v6 =	vld [tilespmem:s28+$0x13410]  }
0x1f0: {  	v5 =	vld [tilespmem:s28+$0x13420]  }
0x1f1: {  	v4 =	vld [tilespmem:s28+$0x13430]  }
0x1f2: {  	v3 =	vld [tilespmem:s28+$0x13440]  }
0x1f3: {  	v48 =	vld [tilespmem:s28+$0x0]  }
0x1f4: {  	v49 =	vld [tilespmem:s28+$0x10]  }
0x1f5: {  	v50 =	vld [tilespmem:s28+$0x20]  }
0x1f6: {  	v51 =	vld [tilespmem:s28+$0x30]  }
0x1f7: {  	v52 =	vld [tilespmem:s28+$0x40]  }
0x1f8: {  	v62 =	vld [tilespmem:s28+$0x50];
	v9 =	vadd.f32 v9, v48  }
0x1f9: {  	v63 =	vld [tilespmem:s28+$0x60];
	v10 =	vadd.f32 v10, v49  }
0x1fa: {  	[tilespmem:s28+$0x0] =	vst v9;
	v9 =	vadd.f32 v11, v50;
	v11 =	vld [tilespmem:s28+$0x70]  }
0x1fb: {  	[tilespmem:s28+$0x10] =	vst v10;
	v10 =	vadd.f32 v12, v51;
	v12 =	vld [tilespmem:s28+$0x400]  }
0x1fc: {  	[tilespmem:s28+$0x20] =	vst v9;
	v9 =	vadd.f32 v13, v52;
	v13 =	vld [tilespmem:s28+$0x410]  }
0x1fd: {  	[tilespmem:s28+$0x30] =	vst v10;
	v10 =	vadd.f32 v14, v62;
	v14 =	vld [tilespmem:s28+$0x420]  }
0x1fe: {  	v2 =	vld [tilespmem:s28+$0x13450]  }
0x1ff: {  	[tilespmem:s28+$0x40] =	vst v9;
	v9 =	vadd.f32 v15, v63;
	v15 =	vld [tilespmem:s28+$0x470]  }
0x200: {  	[tilespmem:s28+$0x50] =	vst v10;
	v10 =	vadd.f32 v16, v11;
	v11 =	vld [tilespmem:s28+$0x430]  }
0x201: {  	[tilespmem:s28+$0x60] =	vst v9;
	v9 =	vadd.f32 v17, v12;
	v12 =	vld [tilespmem:s28+$0x440]  }
0x202: {  	[tilespmem:s28+$0x70] =	vst v10;
	v10 =	vadd.f32 v18, v13;
	v13 =	vadd.f32 v19, v14;
	v14 =	vld [tilespmem:s28+$0x460]  }
0x203: {  	[tilespmem:s28+$0x400] =	vst v9;
	v9 =	vld [tilespmem:s28+$0x450]  }
0x204: {  	[tilespmem:s28+$0x410] =	vst v10;
	v10 =	vld [tilespmem:s28+$0x800];
	v15 =	vadd.f32 v24, v15  }
0x205: {  	[tilespmem:s28+$0x420] =	vst v13;
	v13 =	vld [tilespmem:s28+$0x810];
	v11 =	vadd.f32 v20, v11  }
0x206: {  	v1 =	vld [tilespmem:s28+$0x13460];
	v12 =	vadd.f32 v21, v12;
	[tilespmem:s28+$0x470] =	vst v15  }
0x207: {  	[tilespmem:s28+$0x430] =	vst v11;
	v11 =	vld [tilespmem:s28+$0x820];
	v14 =	vadd.f32 v23, v14  }
0x208: {  	v9 =	vadd.f32 v22, v9;
	[tilespmem:s28+$0x440] =	vst v12;
	v12 =	vld [tilespmem:s28+$0x830]  }
0x209: {  	v15 =	vld [tilespmem:s28+$0x870];
	[tilespmem:s28+$0x460] =	vst v14;
	v10 =	vadd.f32 v25, v10  }
0x20a: {  	v13 =	vadd.f32 v26, v13;
	[tilespmem:s28+$0x450] =	vst v9;
	v9 =	vld [tilespmem:s28+$0x840]  }
0x20b: {  	v14 =	vld [tilespmem:s28+$0x850];
	[tilespmem:s28+$0x800] =	vst v10  }
0x20c: {  	[tilespmem:s28+$0x810] =	vst v13;
	v13 =	vld [tilespmem:s28+$0x860];
	v10 =	vadd.f32 v27, v11  }
0x20d: {  	v11 =	vld [tilespmem:s28+$0xC00];
	v12 =	vadd.f32 v28, v12  }
0x20e: {  	[tilespmem:s28+$0x820] =	vst v10;
	v10 =	vld [tilespmem:s28+$0xC10]  }
0x20f: {  	v9 =	vadd.f32 v29, v9;
	[tilespmem:s28+$0x830] =	vst v12;
	v12 =	vld [tilespmem:s28+$0xC20]  }
0x210: {  	v0 =	vld [tilespmem:s28+$0x13470];
	v14 =	vadd.f32 v30, v14  }
0x211: {  	v13 =	vadd.f32 v31, v13;
	[tilespmem:s28+$0x840] =	vst v9;
	v9 =	vld [tilespmem:s28+$0xC30]  }
0x212: {  	[tilespmem:s28+$0x850] =	vst v14;
	v14 =	vld [tilespmem:s28+$0xC40];
	v11 =	vadd.f32 v33, v11  }
0x213: {  	v15 =	vadd.f32 v32, v15;
	[tilespmem:s28+$0x860] =	vst v13;
	v13 =	vld [tilespmem:s28+$0xC50]  }
0x214: {  	v10 =	vadd.f32 v34, v10;
	[tilespmem:s28+$0xC00] =	vst v11;
	v11 =	vadd.f32 v35, v12;
	v12 =	vld [tilespmem:s28+$0xC60]  }
0x215: {  	[tilespmem:s28+$0x870] =	vst v15;
	v15 =	vld [tilespmem:s28+$0xC70]  }
0x216: {  	[tilespmem:s28+$0xC10] =	vst v10;
	v10 =	vld [tilespmem:s28+$0x1000];
	v9 =	vadd.f32 v36, v9  }
0x217: {  	v14 =	vadd.f32 v37, v14;
	[tilespmem:s28+$0xC20] =	vst v11;
	v11 =	vld [tilespmem:s28+$0x1010]  }
0x218: {  	v13 =	vadd.f32 v38, v13;
	[tilespmem:s28+$0xC30] =	vst v9;
	v9 =	vld [tilespmem:s28+$0x1020]  }
0x219: {  	[tilespmem:s28+$0xC40] =	vst v14;
	v14 =	vld [tilespmem:s28+$0x1030];
	v12 =	vadd.f32 v39, v12  }
0x21a: {  	v16 =	vld [tilespmem:s28+$0x1040];
	[tilespmem:s28+$0xC50] =	vst v13;
	v13 =	vadd.f32 v40, v15  }
0x21b: {  	v15 =	vld [tilespmem:s28+$0x1050];
	v10 =	vadd.f32 v41, v10;
	[tilespmem:s28+$0xC60] =	vst v12  }
0x21c: {  	v17 =	vld [tilespmem:s28+$0x1060];
	[tilespmem:s28+$0xC70] =	vst v13;
	v11 =	vadd.f32 v42, v11  }
0x21d: {  	v13 =	vld [tilespmem:s28+$0x1070];
	[tilespmem:s28+$0x1000] =	vst v10;
	v9 =	vadd.f32 v43, v9  }
0x21e: {  	v12 =	vld [tilespmem:s28+$0x1400];
	v10 =	vadd.f32 v44, v14;
	[tilespmem:s28+$0x1010] =	vst v11  }
0x21f: {  	v11 =	vld [tilespmem:s28+$0x1410];
	[tilespmem:s28+$0x1020] =	vst v9;
	v9 =	vadd.f32 v45, v16  }
0x220: {  	[tilespmem:s28+$0x1030] =	vst v10;
	v10 =	vld [tilespmem:s28+$0x1420];
	v15 =	vadd.f32 v46, v15  }
0x221: {  	s30 =	simm.s32 $0x1;
	v14 =	vadd.f32 v47, v17;
	[tilespmem:s28+$0x1040] =	vst v9;
	v9 =	vld [tilespmem:s28+$0x1430]  }
.LBB2_7:
0x222: {  	s2 =	sshrl.u32 s30, $0x3;
	p1 =	sne.s32 s30, $0x1F;
	[tilespmem:s28+$0x1050] =	vst v15;
	v8 =	vadd.f32 v8, v13;
	v13 =	vld [tilespmem:s28+$0x1440]  }
0x223: {  	s29 =	sadd.s32 $0x80, s29;
	s2 =	smul.u32 $0x1800, s2;
	[tilespmem:s28+$0x1060] =	vst v14;
	v7 =	vadd.f32 v7, v12;
	v12 =	vld [tilespmem:s28+$0x1450]  }
0x224: {  	s31 =	sand.u32 $0x380, s29;
	[tilespmem:s28+$0x1070] =	vst v8;
	v6 =	vadd.f32 v6, v11;
	v8 =	vld [tilespmem:s28+$0x1460]  }
0x225: {  	s2 =	sor.u32 s31, s2;
	[tilespmem:s28+$0x1400] =	vst v7;
	v5 =	vadd.f32 v5, v10;
	v7 =	vld [tilespmem:s28+$0x1470]  }
0x226: {  	v36 =	vld [tilespmem:s2+$0x12000];
	[tilespmem:s28+$0x1410] =	vst v6;
	v4 =	vadd.f32 v4, v9  }
0x227: {  	v37 =	vld [tilespmem:s2+$0x12010];
	[tilespmem:s28+$0x1420] =	vst v5;
	v3 =	vadd.f32 v3, v13  }
0x228: {  	v38 =	vld [tilespmem:s2+$0x12020];
	[tilespmem:s28+$0x1430] =	vst v4;
	v2 =	vadd.f32 v2, v12  }
0x229: {  	v39 =	vld [tilespmem:s2+$0x12030];
	[tilespmem:s28+$0x1440] =	vst v3;
	v1 =	vadd.f32 v1, v8  }
0x22a: {  	v40 =	vld [tilespmem:s2+$0x12040];
	[tilespmem:s28+$0x1450] =	vst v2;
	v0 =	vadd.f32 v0, v7  }
0x22b: {  	v41 =	vld [tilespmem:s2+$0x12050];
	[tilespmem:s28+$0x1460] =	vst v1  }
0x22c: {  	v42 =	vld [tilespmem:s2+$0x12060];
	[tilespmem:s28+$0x1470] =	vst v0;
	s28 =	smov.u32 s2  }
0x22d: {  	v43 =	vld [tilespmem:s28+$0x12070]  }
0x22e: {  	v44 =	vld [tilespmem:s28+$0x12400]  }
0x22f: {  	v45 =	vld [tilespmem:s28+$0x12410]  }
0x230: {  	v46 =	vld [tilespmem:s28+$0x12420]  }
0x231: {  	v47 =	vld [tilespmem:s28+$0x12430]  }
0x232: {  	v35 =	vld [tilespmem:s28+$0x12440]  }
0x233: {  	v34 =	vld [tilespmem:s28+$0x12450]  }
0x234: {  	v33 =	vld [tilespmem:s28+$0x12460]  }
0x235: {  	v32 =	vld [tilespmem:s28+$0x12470]  }
0x236: {  	v31 =	vld [tilespmem:s28+$0x12800]  }
0x237: {  	v30 =	vld [tilespmem:s28+$0x12810]  }
0x238: {  	v29 =	vld [tilespmem:s28+$0x12820]  }
0x239: {  	v28 =	vld [tilespmem:s28+$0x12830]  }
0x23a: {  	v27 =	vld [tilespmem:s28+$0x12840]  }
0x23b: {  	v26 =	vld [tilespmem:s28+$0x12850]  }
0x23c: {  	v25 =	vld [tilespmem:s28+$0x12860]  }
0x23d: {  	v24 =	vld [tilespmem:s28+$0x12870]  }
0x23e: {  	v23 =	vld [tilespmem:s28+$0x12C00]  }
0x23f: {  	v22 =	vld [tilespmem:s28+$0x12C10]  }
0x240: {  	v21 =	vld [tilespmem:s28+$0x12C20]  }
0x241: {  	v20 =	vld [tilespmem:s28+$0x12C30]  }
0x242: {  	v19 =	vld [tilespmem:s28+$0x12C40]  }
0x243: {  	v18 =	vld [tilespmem:s28+$0x12C50]  }
0x244: {  	v17 =	vld [tilespmem:s28+$0x12C60]  }
0x245: {  	v16 =	vld [tilespmem:s28+$0x12C70]  }
0x246: {  	v15 =	vld [tilespmem:s28+$0x13000]  }
0x247: {  	v14 =	vld [tilespmem:s28+$0x13010]  }
0x248: {  	v13 =	vld [tilespmem:s28+$0x13020]  }
0x249: {  	v12 =	vld [tilespmem:s28+$0x13030]  }
0x24a: {  	v11 =	vld [tilespmem:s28+$0x13040]  }
0x24b: {  	v10 =	vld [tilespmem:s28+$0x13050]  }
0x24c: {  	v9 =	vld [tilespmem:s28+$0x13060]  }
0x24d: {  	v8 =	vld [tilespmem:s28+$0x13070]  }
0x24e: {  	v7 =	vld [tilespmem:s28+$0x13400]  }
0x24f: {  	v6 =	vld [tilespmem:s28+$0x13410]  }
0x250: {  	v5 =	vld [tilespmem:s28+$0x13420]  }
0x251: {  	v4 =	vld [tilespmem:s28+$0x13430]  }
0x252: {  	v3 =	vld [tilespmem:s28+$0x13440]  }
0x253: {  	v2 =	vld [tilespmem:s28+$0x13450]  }
0x254: {  	v1 =	vld [tilespmem:s28+$0x13460]  }
0x255: {  	v0 =	vld [tilespmem:s28+$0x13470]  }
0x256: {  	v48 =	vld [tilespmem:s28+$0x0]  }
0x257: {  	v49 =	vld [tilespmem:s28+$0x10]  }
0x258: {  	v50 =	vld [tilespmem:s28+$0x20]  }
0x259: {  	v51 =	vld [tilespmem:s28+$0x30]  }
0x25a: {  	v52 =	vld [tilespmem:s28+$0x40]  }
0x25b: {  	v36 =	vadd.f32 v36, v48;
	v48 =	vld [tilespmem:s28+$0x50]  }
0x25c: {  	v37 =	vadd.f32 v37, v49;
	v49 =	vld [tilespmem:s28+$0x60]  }
0x25d: {  	[tilespmem:s28+$0x0] =	vst v36;
	v36 =	vadd.f32 v38, v50;
	v38 =	vld [tilespmem:s28+$0x70]  }
0x25e: {  	[tilespmem:s28+$0x10] =	vst v37;
	v37 =	vadd.f32 v39, v51;
	v39 =	vld [tilespmem:s28+$0x400]  }
0x25f: {  	[tilespmem:s28+$0x20] =	vst v36;
	v36 =	vadd.f32 v40, v52;
	v40 =	vld [tilespmem:s28+$0x410]  }
0x260: {  	[tilespmem:s28+$0x30] =	vst v37;
	v37 =	vadd.f32 v41, v48;
	v41 =	vld [tilespmem:s28+$0x420]  }
0x261: {  	[tilespmem:s28+$0x40] =	vst v36;
	v36 =	vadd.f32 v42, v49;
	v42 =	vld [tilespmem:s28+$0x430]  }
0x262: {  	[tilespmem:s28+$0x50] =	vst v37;
	v37 =	vadd.f32 v43, v38;
	v38 =	vld [tilespmem:s28+$0x440]  }
0x263: {  	[tilespmem:s28+$0x60] =	vst v36;
	v36 =	vadd.f32 v44, v39;
	v39 =	vld [tilespmem:s28+$0x450]  }
0x264: {  	[tilespmem:s28+$0x70] =	vst v37;
	v37 =	vadd.f32 v45, v40;
	v40 =	vld [tilespmem:s28+$0x460]  }
0x265: {  	[tilespmem:s28+$0x400] =	vst v36;
	v36 =	vadd.f32 v46, v41;
	v41 =	vld [tilespmem:s28+$0x470]  }
0x266: {  	[tilespmem:s28+$0x410] =	vst v37;
	v37 =	vadd.f32 v47, v42;
	v42 =	vld [tilespmem:s28+$0x800]  }
0x267: {  	[tilespmem:s28+$0x420] =	vst v36;
	v35 =	vadd.f32 v35, v38;
	v36 =	vld [tilespmem:s28+$0x810]  }
0x268: {  	[tilespmem:s28+$0x430] =	vst v37;
	v34 =	vadd.f32 v34, v39;
	v37 =	vld [tilespmem:s28+$0x820]  }
0x269: {  	[tilespmem:s28+$0x440] =	vst v35;
	v33 =	vadd.f32 v33, v40;
	v35 =	vld [tilespmem:s28+$0x830]  }
0x26a: {  	[tilespmem:s28+$0x450] =	vst v34;
	v32 =	vadd.f32 v32, v41;
	v34 =	vld [tilespmem:s28+$0x840]  }
0x26b: {  	[tilespmem:s28+$0x460] =	vst v33;
	v31 =	vadd.f32 v31, v42;
	v33 =	vld [tilespmem:s28+$0x850]  }
0x26c: {  	[tilespmem:s28+$0x470] =	vst v32;
	v30 =	vadd.f32 v30, v36;
	v32 =	vld [tilespmem:s28+$0x860]  }
0x26d: {  	[tilespmem:s28+$0x800] =	vst v31;
	v29 =	vadd.f32 v29, v37;
	v31 =	vld [tilespmem:s28+$0x870]  }
0x26e: {  	[tilespmem:s28+$0x810] =	vst v30;
	v28 =	vadd.f32 v28, v35;
	v30 =	vld [tilespmem:s28+$0xC00]  }
0x26f: {  	[tilespmem:s28+$0x820] =	vst v29;
	v27 =	vadd.f32 v27, v34;
	v29 =	vld [tilespmem:s28+$0xC10]  }
0x270: {  	[tilespmem:s28+$0x830] =	vst v28;
	v26 =	vadd.f32 v26, v33;
	v28 =	vld [tilespmem:s28+$0xC20]  }
0x271: {  	[tilespmem:s28+$0x840] =	vst v27;
	v25 =	vadd.f32 v25, v32;
	v27 =	vld [tilespmem:s28+$0xC30]  }
0x272: {  	[tilespmem:s28+$0x850] =	vst v26;
	v24 =	vadd.f32 v24, v31;
	v26 =	vld [tilespmem:s28+$0xC40]  }
0x273: {  	[tilespmem:s28+$0x860] =	vst v25;
	v23 =	vadd.f32 v23, v30;
	v25 =	vld [tilespmem:s28+$0xC50]  }
0x274: {  	[tilespmem:s28+$0x870] =	vst v24;
	v22 =	vadd.f32 v22, v29;
	v24 =	vld [tilespmem:s28+$0xC60]  }
0x275: {  	[tilespmem:s28+$0xC00] =	vst v23;
	v21 =	vadd.f32 v21, v28;
	v23 =	vld [tilespmem:s28+$0xC70]  }
0x276: {  	[tilespmem:s28+$0xC10] =	vst v22;
	v20 =	vadd.f32 v20, v27;
	v22 =	vld [tilespmem:s28+$0x1000]  }
0x277: {  	[tilespmem:s28+$0xC20] =	vst v21;
	v19 =	vadd.f32 v19, v26;
	v21 =	vld [tilespmem:s28+$0x1010]  }
0x278: {  	[tilespmem:s28+$0xC30] =	vst v20;
	v18 =	vadd.f32 v18, v25;
	v20 =	vld [tilespmem:s28+$0x1020]  }
0x279: {  	[tilespmem:s28+$0xC40] =	vst v19;
	v17 =	vadd.f32 v17, v24;
	v19 =	vld [tilespmem:s28+$0x1030]  }
0x27a: {  	[tilespmem:s28+$0xC50] =	vst v18;
	v16 =	vadd.f32 v16, v23;
	v18 =	vld [tilespmem:s28+$0x1040]  }
0x27b: {  	[tilespmem:s28+$0xC60] =	vst v17;
	v15 =	vadd.f32 v15, v22;
	v17 =	vld [tilespmem:s28+$0x1050]  }
0x27c: {  	[tilespmem:s28+$0xC70] =	vst v16;
	v14 =	vadd.f32 v14, v21;
	v16 =	vld [tilespmem:s28+$0x1060]  }
.Ltmp4:
0x27d: {  	[tilespmem:s28+$0x1000] =	vst v15;
	v15 =	vadd.f32 v13, v20;
	v13 =	vld [tilespmem:s28+$0x1070];
	(pc) =	sbr.rel @p1 .LBB2_7-.Ltmp4, $4  }
0x27e: {  	[tilespmem:s28+$0x1010] =	vst v14;
	v14 =	vadd.f32 v12, v19;
	v12 =	vld [tilespmem:s28+$0x1400]  }
0x27f: {  	[tilespmem:s28+$0x1020] =	vst v15;
	v18 =	vadd.f32 v11, v18;
	v11 =	vld [tilespmem:s28+$0x1410]  }
0x280: {  	[tilespmem:s28+$0x1030] =	vst v14;
	v15 =	vadd.f32 v10, v17;
	v10 =	vld [tilespmem:s28+$0x1420]  }
0x281: {  	s30 =	sadd.s32 $0x1, s30;
	[tilespmem:s28+$0x1040] =	vst v18;
	v14 =	vadd.f32 v9, v16;
	v9 =	vld [tilespmem:s28+$0x1430]  }
0x282: {  	[tilespmem:s28+$0x1050] =	vst v15;
	v15 =	vld [tilespmem:s28+$0x1440];
	v8 =	vadd.f32 v8, v13  }
0x283: {  	v13 =	vld [tilespmem:s28+$0x1450];
	[tilespmem:s28+$0x1060] =	vst v14;
	v7 =	vadd.f32 v7, v12  }
0x284: {  	[tilespmem:s28+$0x1070] =	vst v8;
	v6 =	vadd.f32 v6, v11;
	v8 =	vld [tilespmem:s28+$0x1460]  }
0x285: {  	[tilespmem:s28+$0x1400] =	vst v7;
	v5 =	vadd.f32 v5, v10;
	v7 =	vld [tilespmem:s28+$0x1470]  }
0x286: {  	[tilespmem:s28+$0x1410] =	vst v6;
	v4 =	vadd.f32 v4, v9  }
0x287: {  	[tilespmem:s28+$0x1420] =	vst v5;
	v3 =	vadd.f32 v3, v15  }
0x288: {  	v2 =	vadd.f32 v2, v13;
	[tilespmem:s28+$0x1430] =	vst v4  }
0x289: {  	[tilespmem:s28+$0x1440] =	vst v3;
	v1 =	vadd.f32 v1, v8  }
0x28a: {  	[tilespmem:s28+$0x1450] =	vst v2;
	v0 =	vadd.f32 v0, v7  }
0x28b: {  	[tilespmem:s28+$0x1460] =	vst v1  }
0x28c: {  	s2 =	sadd.s32 s4, s26;
	s26 =	simm.s32 $0x0;
	[tilespmem:s28+$0x1470] =	vst v0  }
0x28d: {  	[hbm4b:s2+s26] =	stream.linear.scatter [tilespmem:s26], [sflag:$0x5], $0x6000, $0x38;
	[tilespmem:$0x18000] =	vst v63  }
0x28e: {  	_ =	swait.ge [sflag:s20], $0x6000  }
0x28f: {  	s29 =	sadd.s32 s1, s25;
	[sflag:s20] =	ssyncset.done $0x0  }
0x290: {  	s30 =	simm.s32 $0x0;
	s2 =	sadd.s32 $0xE400, s29;
	[sflag:s20] =	ssyncadd.s32 $0xFFFFA000  }
0x291: {  	[tilespmem:s16], [sflag:$0x4] =	stream.linear.gather [hbm4b:s2+s26], $0x6000, $0x38;
	[tilespmem:$0x18000] =	vst v63  }
0x292: {  	s2 =	smul.u32 $0x1800, s30;
	_ =	swait.ge [sflag:s17], $0x6000  }
0x293: {  	s31 =	sand.u32 $0x380, s26;
	[sflag:s17] =	ssyncset.done $0x0  }
0x294: {  	s25 =	sor.u32 s31, s2;
	[sflag:s17] =	ssyncadd.s32 $0xFFFFA000  }
0x295: {  	v9 =	vld [tilespmem:s25+$0x12000]  }
0x296: {  	v10 =	vld [tilespmem:s25+$0x12010]  }
0x297: {  	v11 =	vld [tilespmem:s25+$0x12020]  }
0x298: {  	v12 =	vld [tilespmem:s25+$0x12030]  }
0x299: {  	v13 =	vld [tilespmem:s25+$0x12040]  }
0x29a: {  	v14 =	vld [tilespmem:s25+$0x12050]  }
0x29b: {  	v15 =	vld [tilespmem:s25+$0x12060]  }
0x29c: {  	v16 =	vld [tilespmem:s25+$0x12070]  }
0x29d: {  	v17 =	vld [tilespmem:s25+$0x12400]  }
0x29e: {  	v18 =	vld [tilespmem:s25+$0x12410]  }
0x29f: {  	v19 =	vld [tilespmem:s25+$0x12420]  }
0x2a0: {  	v20 =	vld [tilespmem:s25+$0x12430]  }
0x2a1: {  	v21 =	vld [tilespmem:s25+$0x12440]  }
0x2a2: {  	v22 =	vld [tilespmem:s25+$0x12450]  }
0x2a3: {  	v23 =	vld [tilespmem:s25+$0x12460]  }
0x2a4: {  	v24 =	vld [tilespmem:s25+$0x12470]  }
0x2a5: {  	v25 =	vld [tilespmem:s25+$0x12800]  }
0x2a6: {  	v26 =	vld [tilespmem:s25+$0x12810]  }
0x2a7: {  	v27 =	vld [tilespmem:s25+$0x12820]  }
0x2a8: {  	v28 =	vld [tilespmem:s25+$0x12830]  }
0x2a9: {  	v29 =	vld [tilespmem:s25+$0x12840]  }
0x2aa: {  	v30 =	vld [tilespmem:s25+$0x12850]  }
0x2ab: {  	v31 =	vld [tilespmem:s25+$0x12860]  }
0x2ac: {  	v32 =	vld [tilespmem:s25+$0x12870]  }
0x2ad: {  	v33 =	vld [tilespmem:s25+$0x12C00]  }
0x2ae: {  	v34 =	vld [tilespmem:s25+$0x12C10]  }
0x2af: {  	v35 =	vld [tilespmem:s25+$0x12C20]  }
0x2b0: {  	v36 =	vld [tilespmem:s25+$0x12C30]  }
0x2b1: {  	v37 =	vld [tilespmem:s25+$0x12C40]  }
0x2b2: {  	v38 =	vld [tilespmem:s25+$0x12C50]  }
0x2b3: {  	v39 =	vld [tilespmem:s25+$0x12C60]  }
0x2b4: {  	v40 =	vld [tilespmem:s25+$0x12C70]  }
0x2b5: {  	v41 =	vld [tilespmem:s25+$0x13000]  }
0x2b6: {  	v42 =	vld [tilespmem:s25+$0x13010]  }
0x2b7: {  	v43 =	vld [tilespmem:s25+$0x13020]  }
0x2b8: {  	v44 =	vld [tilespmem:s25+$0x13030]  }
0x2b9: {  	v45 =	vld [tilespmem:s25+$0x13040]  }
0x2ba: {  	v46 =	vld [tilespmem:s25+$0x13050]  }
0x2bb: {  	v47 =	vld [tilespmem:s25+$0x13060]  }
0x2bc: {  	v8 =	vld [tilespmem:s25+$0x13070]  }
0x2bd: {  	v7 =	vld [tilespmem:s25+$0x13400]  }
0x2be: {  	v6 =	vld [tilespmem:s25+$0x13410]  }
0x2bf: {  	v5 =	vld [tilespmem:s25+$0x13420]  }
0x2c0: {  	v4 =	vld [tilespmem:s25+$0x13430]  }
0x2c1: {  	v3 =	vld [tilespmem:s25+$0x13440]  }
0x2c2: {  	v48 =	vld [tilespmem:s25+$0x6000]  }
0x2c3: {  	v49 =	vld [tilespmem:s25+$0x6010]  }
0x2c4: {  	v50 =	vld [tilespmem:s25+$0x6020]  }
0x2c5: {  	v51 =	vld [tilespmem:s25+$0x6030]  }
0x2c6: {  	v52 =	vld [tilespmem:s25+$0x6040]  }
0x2c7: {  	v62 =	vld [tilespmem:s25+$0x6050];
	v9 =	vadd.f32 v9, v48  }
0x2c8: {  	v63 =	vld [tilespmem:s25+$0x6060];
	v10 =	vadd.f32 v10, v49  }
0x2c9: {  	[tilespmem:s25+$0x6000] =	vst v9;
	v9 =	vadd.f32 v11, v50;
	v11 =	vld [tilespmem:s25+$0x6070]  }
0x2ca: {  	[tilespmem:s25+$0x6010] =	vst v10;
	v10 =	vadd.f32 v12, v51;
	v12 =	vld [tilespmem:s25+$0x6400]  }
0x2cb: {  	[tilespmem:s25+$0x6020] =	vst v9;
	v9 =	vadd.f32 v13, v52;
	v13 =	vld [tilespmem:s25+$0x6410]  }
0x2cc: {  	[tilespmem:s25+$0x6030] =	vst v10;
	v10 =	vadd.f32 v14, v62;
	v14 =	vld [tilespmem:s25+$0x6420]  }
0x2cd: {  	v2 =	vld [tilespmem:s25+$0x13450]  }
0x2ce: {  	[tilespmem:s25+$0x6040] =	vst v9;
	v9 =	vadd.f32 v15, v63;
	v15 =	vld [tilespmem:s25+$0x6470]  }
0x2cf: {  	[tilespmem:s25+$0x6050] =	vst v10;
	v10 =	vadd.f32 v16, v11;
	v11 =	vld [tilespmem:s25+$0x6430]  }
0x2d0: {  	[tilespmem:s25+$0x6060] =	vst v9;
	v9 =	vadd.f32 v17, v12;
	v12 =	vld [tilespmem:s25+$0x6440]  }
0x2d1: {  	[tilespmem:s25+$0x6070] =	vst v10;
	v10 =	vadd.f32 v18, v13;
	v13 =	vadd.f32 v19, v14;
	v14 =	vld [tilespmem:s25+$0x6460]  }
0x2d2: {  	[tilespmem:s25+$0x6400] =	vst v9;
	v9 =	vld [tilespmem:s25+$0x6450]  }
0x2d3: {  	[tilespmem:s25+$0x6410] =	vst v10;
	v10 =	vld [tilespmem:s25+$0x6800];
	v15 =	vadd.f32 v24, v15  }
0x2d4: {  	[tilespmem:s25+$0x6420] =	vst v13;
	v13 =	vld [tilespmem:s25+$0x6810];
	v11 =	vadd.f32 v20, v11  }
0x2d5: {  	v1 =	vld [tilespmem:s25+$0x13460];
	v12 =	vadd.f32 v21, v12;
	[tilespmem:s25+$0x6470] =	vst v15  }
0x2d6: {  	[tilespmem:s25+$0x6430] =	vst v11;
	v11 =	vld [tilespmem:s25+$0x6820];
	v14 =	vadd.f32 v23, v14  }
0x2d7: {  	v9 =	vadd.f32 v22, v9;
	[tilespmem:s25+$0x6440] =	vst v12;
	v12 =	vld [tilespmem:s25+$0x6830]  }
0x2d8: {  	v15 =	vld [tilespmem:s25+$0x6870];
	[tilespmem:s25+$0x6460] =	vst v14;
	v10 =	vadd.f32 v25, v10  }
0x2d9: {  	v13 =	vadd.f32 v26, v13;
	[tilespmem:s25+$0x6450] =	vst v9;
	v9 =	vld [tilespmem:s25+$0x6840]  }
0x2da: {  	v14 =	vld [tilespmem:s25+$0x6850];
	[tilespmem:s25+$0x6800] =	vst v10  }
0x2db: {  	[tilespmem:s25+$0x6810] =	vst v13;
	v13 =	vld [tilespmem:s25+$0x6860];
	v10 =	vadd.f32 v27, v11  }
0x2dc: {  	v11 =	vld [tilespmem:s25+$0x6C00];
	v12 =	vadd.f32 v28, v12  }
0x2dd: {  	[tilespmem:s25+$0x6820] =	vst v10;
	v10 =	vld [tilespmem:s25+$0x6C10]  }
0x2de: {  	v9 =	vadd.f32 v29, v9;
	[tilespmem:s25+$0x6830] =	vst v12;
	v12 =	vld [tilespmem:s25+$0x6C20]  }
0x2df: {  	v0 =	vld [tilespmem:s25+$0x13470];
	v14 =	vadd.f32 v30, v14  }
0x2e0: {  	v13 =	vadd.f32 v31, v13;
	[tilespmem:s25+$0x6840] =	vst v9;
	v9 =	vld [tilespmem:s25+$0x6C30]  }
0x2e1: {  	[tilespmem:s25+$0x6850] =	vst v14;
	v14 =	vld [tilespmem:s25+$0x6C40];
	v11 =	vadd.f32 v33, v11  }
0x2e2: {  	v15 =	vadd.f32 v32, v15;
	[tilespmem:s25+$0x6860] =	vst v13;
	v13 =	vld [tilespmem:s25+$0x6C50]  }
0x2e3: {  	v10 =	vadd.f32 v34, v10;
	[tilespmem:s25+$0x6C00] =	vst v11;
	v11 =	vadd.f32 v35, v12;
	v12 =	vld [tilespmem:s25+$0x6C60]  }
0x2e4: {  	[tilespmem:s25+$0x6870] =	vst v15;
	v15 =	vld [tilespmem:s25+$0x6C70]  }
0x2e5: {  	[tilespmem:s25+$0x6C10] =	vst v10;
	v10 =	vld [tilespmem:s25+$0x7000];
	v9 =	vadd.f32 v36, v9  }
0x2e6: {  	v14 =	vadd.f32 v37, v14;
	[tilespmem:s25+$0x6C20] =	vst v11;
	v11 =	vld [tilespmem:s25+$0x7010]  }
0x2e7: {  	v13 =	vadd.f32 v38, v13;
	[tilespmem:s25+$0x6C30] =	vst v9;
	v9 =	vld [tilespmem:s25+$0x7020]  }
0x2e8: {  	[tilespmem:s25+$0x6C40] =	vst v14;
	v14 =	vld [tilespmem:s25+$0x7030];
	v12 =	vadd.f32 v39, v12  }
0x2e9: {  	v16 =	vld [tilespmem:s25+$0x7040];
	[tilespmem:s25+$0x6C50] =	vst v13;
	v13 =	vadd.f32 v40, v15  }
0x2ea: {  	v15 =	vld [tilespmem:s25+$0x7050];
	v10 =	vadd.f32 v41, v10;
	[tilespmem:s25+$0x6C60] =	vst v12  }
0x2eb: {  	v17 =	vld [tilespmem:s25+$0x7060];
	[tilespmem:s25+$0x6C70] =	vst v13;
	v11 =	vadd.f32 v42, v11  }
0x2ec: {  	v13 =	vld [tilespmem:s25+$0x7070];
	[tilespmem:s25+$0x7000] =	vst v10;
	v9 =	vadd.f32 v43, v9  }
0x2ed: {  	v12 =	vld [tilespmem:s25+$0x7400];
	v10 =	vadd.f32 v44, v14;
	[tilespmem:s25+$0x7010] =	vst v11  }
0x2ee: {  	v11 =	vld [tilespmem:s25+$0x7410];
	[tilespmem:s25+$0x7020] =	vst v9;
	v9 =	vadd.f32 v45, v16  }
0x2ef: {  	[tilespmem:s25+$0x7030] =	vst v10;
	v10 =	vld [tilespmem:s25+$0x7420];
	v15 =	vadd.f32 v46, v15  }
0x2f0: {  	s28 =	simm.s32 $0x1;
	v14 =	vadd.f32 v47, v17;
	[tilespmem:s25+$0x7040] =	vst v9;
	v9 =	vld [tilespmem:s25+$0x7430]  }
.LBB2_9:
0x2f1: {  	s2 =	sshrl.u32 s28, $0x3;
	p1 =	sne.s32 s28, $0x1F;
	[tilespmem:s25+$0x7050] =	vst v15;
	v8 =	vadd.f32 v8, v13;
	v13 =	vld [tilespmem:s25+$0x7440]  }
0x2f2: {  	s26 =	sadd.s32 $0x80, s26;
	s2 =	smul.u32 $0x1800, s2;
	[tilespmem:s25+$0x7060] =	vst v14;
	v7 =	vadd.f32 v7, v12;
	v12 =	vld [tilespmem:s25+$0x7450]  }
0x2f3: {  	s29 =	sand.u32 $0x380, s26;
	[tilespmem:s25+$0x7070] =	vst v8;
	v6 =	vadd.f32 v6, v11;
	v8 =	vld [tilespmem:s25+$0x7460]  }
0x2f4: {  	s2 =	sor.u32 s29, s2;
	[tilespmem:s25+$0x7400] =	vst v7;
	v5 =	vadd.f32 v5, v10;
	v7 =	vld [tilespmem:s25+$0x7470]  }
0x2f5: {  	v36 =	vld [tilespmem:s2+$0x12000];
	[tilespmem:s25+$0x7410] =	vst v6;
	v4 =	vadd.f32 v4, v9  }
0x2f6: {  	v37 =	vld [tilespmem:s2+$0x12010];
	[tilespmem:s25+$0x7420] =	vst v5;
	v3 =	vadd.f32 v3, v13  }
0x2f7: {  	v38 =	vld [tilespmem:s2+$0x12020];
	[tilespmem:s25+$0x7430] =	vst v4;
	v2 =	vadd.f32 v2, v12  }
0x2f8: {  	v39 =	vld [tilespmem:s2+$0x12030];
	[tilespmem:s25+$0x7440] =	vst v3;
	v1 =	vadd.f32 v1, v8  }
0x2f9: {  	v40 =	vld [tilespmem:s2+$0x12040];
	[tilespmem:s25+$0x7450] =	vst v2;
	v0 =	vadd.f32 v0, v7  }
0x2fa: {  	v41 =	vld [tilespmem:s2+$0x12050];
	[tilespmem:s25+$0x7460] =	vst v1  }
0x2fb: {  	v42 =	vld [tilespmem:s2+$0x12060];
	[tilespmem:s25+$0x7470] =	vst v0;
	s25 =	smov.u32 s2  }
0x2fc: {  	v43 =	vld [tilespmem:s25+$0x12070]  }
0x2fd: {  	v44 =	vld [tilespmem:s25+$0x12400]  }
0x2fe: {  	v45 =	vld [tilespmem:s25+$0x12410]  }
0x2ff: {  	v46 =	vld [tilespmem:s25+$0x12420]  }
0x300: {  	v47 =	vld [tilespmem:s25+$0x12430]  }
0x301: {  	v35 =	vld [tilespmem:s25+$0x12440]  }
0x302: {  	v34 =	vld [tilespmem:s25+$0x12450]  }
0x303: {  	v33 =	vld [tilespmem:s25+$0x12460]  }
0x304: {  	v32 =	vld [tilespmem:s25+$0x12470]  }
0x305: {  	v31 =	vld [tilespmem:s25+$0x12800]  }
0x306: {  	v30 =	vld [tilespmem:s25+$0x12810]  }
0x307: {  	v29 =	vld [tilespmem:s25+$0x12820]  }
0x308: {  	v28 =	vld [tilespmem:s25+$0x12830]  }
0x309: {  	v27 =	vld [tilespmem:s25+$0x12840]  }
0x30a: {  	v26 =	vld [tilespmem:s25+$0x12850]  }
0x30b: {  	v25 =	vld [tilespmem:s25+$0x12860]  }
0x30c: {  	v24 =	vld [tilespmem:s25+$0x12870]  }
0x30d: {  	v23 =	vld [tilespmem:s25+$0x12C00]  }
0x30e: {  	v22 =	vld [tilespmem:s25+$0x12C10]  }
0x30f: {  	v21 =	vld [tilespmem:s25+$0x12C20]  }
0x310: {  	v20 =	vld [tilespmem:s25+$0x12C30]  }
0x311: {  	v19 =	vld [tilespmem:s25+$0x12C40]  }
0x312: {  	v18 =	vld [tilespmem:s25+$0x12C50]  }
0x313: {  	v17 =	vld [tilespmem:s25+$0x12C60]  }
0x314: {  	v16 =	vld [tilespmem:s25+$0x12C70]  }
0x315: {  	v15 =	vld [tilespmem:s25+$0x13000]  }
0x316: {  	v14 =	vld [tilespmem:s25+$0x13010]  }
0x317: {  	v13 =	vld [tilespmem:s25+$0x13020]  }
0x318: {  	v12 =	vld [tilespmem:s25+$0x13030]  }
0x319: {  	v11 =	vld [tilespmem:s25+$0x13040]  }
0x31a: {  	v10 =	vld [tilespmem:s25+$0x13050]  }
0x31b: {  	v9 =	vld [tilespmem:s25+$0x13060]  }
0x31c: {  	v8 =	vld [tilespmem:s25+$0x13070]  }
0x31d: {  	v7 =	vld [tilespmem:s25+$0x13400]  }
0x31e: {  	v6 =	vld [tilespmem:s25+$0x13410]  }
0x31f: {  	v5 =	vld [tilespmem:s25+$0x13420]  }
0x320: {  	v4 =	vld [tilespmem:s25+$0x13430]  }
0x321: {  	v3 =	vld [tilespmem:s25+$0x13440]  }
0x322: {  	v2 =	vld [tilespmem:s25+$0x13450]  }
0x323: {  	v1 =	vld [tilespmem:s25+$0x13460]  }
0x324: {  	v0 =	vld [tilespmem:s25+$0x13470]  }
0x325: {  	v48 =	vld [tilespmem:s25+$0x6000]  }
0x326: {  	v49 =	vld [tilespmem:s25+$0x6010]  }
0x327: {  	v50 =	vld [tilespmem:s25+$0x6020]  }
0x328: {  	v51 =	vld [tilespmem:s25+$0x6030]  }
0x329: {  	v52 =	vld [tilespmem:s25+$0x6040]  }
0x32a: {  	v36 =	vadd.f32 v36, v48;
	v48 =	vld [tilespmem:s25+$0x6050]  }
0x32b: {  	v37 =	vadd.f32 v37, v49;
	v49 =	vld [tilespmem:s25+$0x6060]  }
0x32c: {  	[tilespmem:s25+$0x6000] =	vst v36;
	v36 =	vadd.f32 v38, v50;
	v38 =	vld [tilespmem:s25+$0x6070]  }
0x32d: {  	[tilespmem:s25+$0x6010] =	vst v37;
	v37 =	vadd.f32 v39, v51;
	v39 =	vld [tilespmem:s25+$0x6400]  }
0x32e: {  	[tilespmem:s25+$0x6020] =	vst v36;
	v36 =	vadd.f32 v40, v52;
	v40 =	vld [tilespmem:s25+$0x6410]  }
0x32f: {  	[tilespmem:s25+$0x6030] =	vst v37;
	v37 =	vadd.f32 v41, v48;
	v41 =	vld [tilespmem:s25+$0x6420]  }
0x330: {  	[tilespmem:s25+$0x6040] =	vst v36;
	v36 =	vadd.f32 v42, v49;
	v42 =	vld [tilespmem:s25+$0x6430]  }
0x331: {  	[tilespmem:s25+$0x6050] =	vst v37;
	v37 =	vadd.f32 v43, v38;
	v38 =	vld [tilespmem:s25+$0x6440]  }
0x332: {  	[tilespmem:s25+$0x6060] =	vst v36;
	v36 =	vadd.f32 v44, v39;
	v39 =	vld [tilespmem:s25+$0x6450]  }
0x333: {  	[tilespmem:s25+$0x6070] =	vst v37;
	v37 =	vadd.f32 v45, v40;
	v40 =	vld [tilespmem:s25+$0x6460]  }
0x334: {  	[tilespmem:s25+$0x6400] =	vst v36;
	v36 =	vadd.f32 v46, v41;
	v41 =	vld [tilespmem:s25+$0x6470]  }
0x335: {  	[tilespmem:s25+$0x6410] =	vst v37;
	v37 =	vadd.f32 v47, v42;
	v42 =	vld [tilespmem:s25+$0x6800]  }
0x336: {  	[tilespmem:s25+$0x6420] =	vst v36;
	v35 =	vadd.f32 v35, v38;
	v36 =	vld [tilespmem:s25+$0x6810]  }
0x337: {  	[tilespmem:s25+$0x6430] =	vst v37;
	v34 =	vadd.f32 v34, v39;
	v37 =	vld [tilespmem:s25+$0x6820]  }
0x338: {  	[tilespmem:s25+$0x6440] =	vst v35;
	v33 =	vadd.f32 v33, v40;
	v35 =	vld [tilespmem:s25+$0x6830]  }
0x339: {  	[tilespmem:s25+$0x6450] =	vst v34;
	v32 =	vadd.f32 v32, v41;
	v34 =	vld [tilespmem:s25+$0x6840]  }
0x33a: {  	[tilespmem:s25+$0x6460] =	vst v33;
	v31 =	vadd.f32 v31, v42;
	v33 =	vld [tilespmem:s25+$0x6850]  }
0x33b: {  	[tilespmem:s25+$0x6470] =	vst v32;
	v30 =	vadd.f32 v30, v36;
	v32 =	vld [tilespmem:s25+$0x6860]  }
0x33c: {  	[tilespmem:s25+$0x6800] =	vst v31;
	v29 =	vadd.f32 v29, v37;
	v31 =	vld [tilespmem:s25+$0x6870]  }
0x33d: {  	[tilespmem:s25+$0x6810] =	vst v30;
	v28 =	vadd.f32 v28, v35;
	v30 =	vld [tilespmem:s25+$0x6C00]  }
0x33e: {  	[tilespmem:s25+$0x6820] =	vst v29;
	v27 =	vadd.f32 v27, v34;
	v29 =	vld [tilespmem:s25+$0x6C10]  }
0x33f: {  	[tilespmem:s25+$0x6830] =	vst v28;
	v26 =	vadd.f32 v26, v33;
	v28 =	vld [tilespmem:s25+$0x6C20]  }
0x340: {  	[tilespmem:s25+$0x6840] =	vst v27;
	v25 =	vadd.f32 v25, v32;
	v27 =	vld [tilespmem:s25+$0x6C30]  }
0x341: {  	[tilespmem:s25+$0x6850] =	vst v26;
	v24 =	vadd.f32 v24, v31;
	v26 =	vld [tilespmem:s25+$0x6C40]  }
0x342: {  	[tilespmem:s25+$0x6860] =	vst v25;
	v23 =	vadd.f32 v23, v30;
	v25 =	vld [tilespmem:s25+$0x6C50]  }
0x343: {  	[tilespmem:s25+$0x6870] =	vst v24;
	v22 =	vadd.f32 v22, v29;
	v24 =	vld [tilespmem:s25+$0x6C60]  }
0x344: {  	[tilespmem:s25+$0x6C00] =	vst v23;
	v21 =	vadd.f32 v21, v28;
	v23 =	vld [tilespmem:s25+$0x6C70]  }
0x345: {  	[tilespmem:s25+$0x6C10] =	vst v22;
	v20 =	vadd.f32 v20, v27;
	v22 =	vld [tilespmem:s25+$0x7000]  }
0x346: {  	[tilespmem:s25+$0x6C20] =	vst v21;
	v19 =	vadd.f32 v19, v26;
	v21 =	vld [tilespmem:s25+$0x7010]  }
0x347: {  	[tilespmem:s25+$0x6C30] =	vst v20;
	v18 =	vadd.f32 v18, v25;
	v20 =	vld [tilespmem:s25+$0x7020]  }
0x348: {  	[tilespmem:s25+$0x6C40] =	vst v19;
	v17 =	vadd.f32 v17, v24;
	v19 =	vld [tilespmem:s25+$0x7030]  }
0x349: {  	[tilespmem:s25+$0x6C50] =	vst v18;
	v16 =	vadd.f32 v16, v23;
	v18 =	vld [tilespmem:s25+$0x7040]  }
0x34a: {  	[tilespmem:s25+$0x6C60] =	vst v17;
	v15 =	vadd.f32 v15, v22;
	v17 =	vld [tilespmem:s25+$0x7050]  }
0x34b: {  	[tilespmem:s25+$0x6C70] =	vst v16;
	v14 =	vadd.f32 v14, v21;
	v16 =	vld [tilespmem:s25+$0x7060]  }
.Ltmp5:
0x34c: {  	[tilespmem:s25+$0x7000] =	vst v15;
	v15 =	vadd.f32 v13, v20;
	v13 =	vld [tilespmem:s25+$0x7070];
	(pc) =	sbr.rel @p1 .LBB2_9-.Ltmp5, $4  }
0x34d: {  	[tilespmem:s25+$0x7010] =	vst v14;
	v14 =	vadd.f32 v12, v19;
	v12 =	vld [tilespmem:s25+$0x7400]  }
0x34e: {  	[tilespmem:s25+$0x7020] =	vst v15;
	v18 =	vadd.f32 v11, v18;
	v11 =	vld [tilespmem:s25+$0x7410]  }
0x34f: {  	[tilespmem:s25+$0x7030] =	vst v14;
	v15 =	vadd.f32 v10, v17;
	v10 =	vld [tilespmem:s25+$0x7420]  }
0x350: {  	s28 =	sadd.s32 $0x1, s28;
	[tilespmem:s25+$0x7040] =	vst v18;
	v14 =	vadd.f32 v9, v16;
	v9 =	vld [tilespmem:s25+$0x7430]  }
0x351: {  	[tilespmem:s25+$0x7050] =	vst v15;
	v60 =	vld [tilespmem:s25+$0x7440];
	v8 =	vadd.f32 v8, v13  }
0x352: {  	v61 =	vld [tilespmem:s25+$0x7450];
	[tilespmem:s25+$0x7060] =	vst v14;
	v7 =	vadd.f32 v7, v12  }
0x353: {  	v62 =	vld [tilespmem:s25+$0x7460];
	[tilespmem:s25+$0x7070] =	vst v8;
	v6 =	vadd.f32 v6, v11  }
0x354: {  	v63 =	vld [tilespmem:s25+$0x7470];
	[tilespmem:s25+$0x7400] =	vst v7;
	v5 =	vadd.f32 v5, v10  }
0x355: {  	[tilespmem:s25+$0x7410] =	vst v6;
	v4 =	vadd.f32 v4, v9  }
0x356: {  	[tilespmem:s25+$0x7420] =	vst v5;
	v3 =	vadd.f32 v3, v60  }
0x357: {  	v2 =	vadd.f32 v2, v61;
	[tilespmem:s25+$0x7430] =	vst v4  }
0x358: {  	v1 =	vadd.f32 v1, v62;
	[tilespmem:s25+$0x7440] =	vst v3  }
0x359: {  	s2 =	sadd.s32 s8, s24;
	v0 =	vadd.f32 v0, v63;
	[tilespmem:s25+$0x7450] =	vst v2  }
0x35a: {  	s2 =	sshrl.u32 s2, $0x3;
	[tilespmem:s25+$0x7460] =	vst v1  }
.Ltmp6:
0x35b: {  	s2 =	sadd.s32 s4, s2;
	[tilespmem:s25+$0x7470] =	vst v0;
	(pc) =	sbr.rel @p0 .LBB2_12-.Ltmp6, $4  }
0x35c: {  	[hbm4b:s2+s5] =	stream.linear.scatter [tilespmem:s16], [sflag:$0x6], $0x6000, $0x38;
	[tilespmem:$0x18000] =	vst v63  }
0x35d: {  	_ =	swait.ge [sflag:s18], $0x6000  }
0x35e: {  	[sflag:s18] =	ssyncset.done $0x0  }
0x35f: {  	[sflag:s18] =	ssyncadd.s32 $0xFFFFA000  }
.Ltmp7:
0x360: {  	(pc) =	sbr.rel .LBB2_2-.Ltmp7, $4  }
0x361: {  	s2 =	sadd.s32 s23, s10  }
0x362: {  	s2 =	sshrl.u32 s2, $0x3  }
0x363: {  	s22 =	sadd.s32 $0x1, s22;
	s2 =	sadd.s32 s1, s2  }
0x364: {  	[tilespmem:s5], [sflag:$0x3] =	stream.linear.gather [hbm4b:s2+s5], $0x6000, $0x38;
	[tilespmem:$0x18000] =	vst v63  }
.LBB2_13:
0x365: {  	_ =	sfence.sel $0x180000  }
0x366: {  	[bflag:$0x0] =	sbarrier.arrive $0xFFFF  }
0x367: {  	_ =	strace $0x90000047  }
0x368: {  	[bflag:$0x2] =	sbarrier.arrive $0xFFFF  }
0x369: {  	p0 =	sne.s32 s0, $0x0;
	s0 =	rddreg [dreg:$0x3]  }
0x36a: {  	s0 =	sadd.s32 @!p0 $0x100000, s0  }
0x36b: {  	[sflag:s0] =	ssyncadd.tile.s32 @!p0 $0x1;
	_ =	shalt  }
.Lfunc_end2:
_tile_overlayer_lowered:
.L_overlay_start_2:
0x36c: {  	(tag) =	ssettag $0x2  }
0x36d: {  	s0 =	rddreg [dreg:$0x0];
	s2 =	stileid.u32  }
0x36e: {  	s1 =	rddreg [dreg:$0x1];
	p0 =	sne.s32 s2, $0x0  }
0x36f: {  	s3 =	rddreg [dreg:$0x2];
	[bflag:$0x3] =	sbarrier.arrive $0xFFFF;
	s2 =	simm.s32 @!p0 $0x1C07  }
0x370: {  	[timem:s3], [sflag:s2] =	dma.local @!p0 [hbm:s0], s1  }
0x371: {  	s0 =	simm.s32 @!p0 $0x7  }
0x372: {  	_ =	swait.ge @!p0 [sflag:s0], s1  }
0x373: {  	s1 =	ssub.s32 @!p0 $0x0, s1;
	[sflag:s0] =	ssyncset.done @!p0 $0x0  }
0x374: {  	[sflag:s0] =	ssyncadd.s32 @!p0 s1  }
0x375: {  	[bflag:$0x3] =	sbarrier.arrive $0xFFFF  }
0x376: {  	_ =	shalt  }

</sc_bundles>
